<compile_context>
chip_gen: v7x
topology: tpu7x:2x2x1
jax: 0.10.2.dev20260603
libtpu: 0.0.44.dev20260713+nightly
codegen_flags: <defaults>
</compile_context>

<pallas_src>
import functools

import jax
import jax.numpy as jnp
from jax import lax
from jax.experimental import pallas as pl
from jax.experimental.pallas import tpu as pltpu
from jax.experimental.pallas import tpu_sc as plsc

D_MODEL = 64
LANES = 16
NUM_WORKERS = 32
CHUNK_TROWS = 8
TOK_UNROLL = 10

_MAGIC = 2.0 ** 112


def _f16_bits_to_f32(h):
    o = ((h & 0x8000) << 16) | ((h & 0x7FFF) << 13)
    return lax.bitcast_convert_type(o, jnp.float32) * _MAGIC


def _make_kernel(n_tokens, seq):
    trows_per_worker = n_tokens // NUM_WORKERS
    n_chunks = trows_per_worker // CHUNK_TROWS
    assert n_chunks % 2 == 0
    chunk_rows = CHUNK_TROWS * seq
    mesh = plsc.VectorSubcoreMesh(core_axis_name="c", subcore_axis_name="s")

    @functools.partial(
        pl.kernel,
        out_type=jax.ShapeDtypeStruct((n_tokens, seq, D_MODEL), jnp.float32),
        mesh=mesh,
        compiler_params=pltpu.CompilerParams(
            needs_layout_passes=False, use_tc_tiling_on_sc=False
        ),
        scratch_types=[
            pltpu.VMEM((trows_per_worker * seq,), jnp.int32),
            pltpu.VMEM((2, chunk_rows, D_MODEL), jnp.float16),
            pltpu.VMEM((2, CHUNK_TROWS, seq, D_MODEL), jnp.float32),
            pltpu.SemaphoreType.DMA,
            pltpu.SemaphoreType.DMA,
            pltpu.SemaphoreType.DMA,
            pltpu.SemaphoreType.DMA,
        ],
    )
    def emb_kernel(idx_hbm, table_hbm, out_hbm, idx_v, in_v, out_v,
                   gsem0, gsem1, osem0, osem1):
        wid = lax.axis_index("s") * 2 + lax.axis_index("c")
        w_row_base = wid * trows_per_worker
        lane = lax.iota(jnp.int32, LANES)
        zeros = jnp.zeros((LANES,), jnp.int32)
        cols = []
        for k in range(2):
            cols.append((2 * lane + 2 * LANES * k, 2 * lane + 2 * LANES * k + 1))
        gsems = (gsem0, gsem1)
        osems = (osem0, osem1)

        def start_gather(c, b):
            idx_slice = idx_v.at[pl.ds(c * chunk_rows, chunk_rows)]
            pltpu.async_copy(table_hbm.at[idx_slice], in_v.at[b], gsems[b])

        def wait_gather(c, b):
            idx_slice = idx_v.at[pl.ds(c * chunk_rows, chunk_rows)]
            pltpu.make_async_copy(
                table_hbm.at[idx_slice], in_v.at[b], gsems[b]
            ).wait()

        def convert(b):
            def trow_body(tr, carry):
                trs = zeros + tr

                def tok_body(t2, tcarry):
                    for dt in range(TOK_UNROLL):
                        t = t2 * TOK_UNROLL + dt
                        ts = zeros + t
                        e = tr * seq + t
                        for k, (ce, co) in enumerate(cols):
                            w16 = in_v[b, e, pl.ds(k * 2 * LANES, 2 * LANES)]
                            w = plsc.bitcast(w16, jnp.int32)
                            o_lo = ((w & 0x8000) << 16) | ((w & 0x7FFF) << 13)
                            o_hi = (w & -0x80000000) | (
                                lax.shift_right_logical(w, 3) & 0x0FFFE000
                            )
                            f_lo = lax.bitcast_convert_type(o_lo, jnp.float32) * _MAGIC
                            f_hi = lax.bitcast_convert_type(o_hi, jnp.float32) * _MAGIC
                            plsc.store_scatter(out_v.at[b], [trs, ts, ce], f_lo)
                            plsc.store_scatter(out_v.at[b], [trs, ts, co], f_hi)
                    return tcarry

                lax.fori_loop(0, seq // TOK_UNROLL, tok_body, 0)
                return carry

            lax.fori_loop(0, CHUNK_TROWS, trow_body, 0)

        pltpu.sync_copy(
            idx_hbm.at[pl.ds(w_row_base * seq, trows_per_worker * seq)], idx_v
        )
        start_gather(0, 0)

        def outer(c2, carry):
            for b in range(2):
                c = 2 * c2 + b
                @pl.when(c + 1 < n_chunks)
                def _():
                    start_gather(c + 1, 1 - b)

                wait_gather(c, b)
                @pl.when(c >= 2)
                def _():
                    pltpu.make_async_copy(
                        out_v.at[b],
                        out_hbm.at[pl.ds(w_row_base, CHUNK_TROWS)],
                        osems[b],
                    ).wait()

                convert(b)
                row_base = w_row_base + c * CHUNK_TROWS
                pltpu.async_copy(
                    out_v.at[b], out_hbm.at[pl.ds(row_base, CHUNK_TROWS)], osems[b]
                )
            return carry

        lax.fori_loop(0, n_chunks // 2, outer, 0)

        for b in range(2):
            pltpu.make_async_copy(
                out_v.at[b], out_hbm.at[pl.ds(w_row_base, CHUNK_TROWS)], osems[b]
            ).wait()

    return emb_kernel


def kernel(token_ids, weight):
    n_tokens, seq = token_ids.shape
    idx = token_ids.reshape(-1).astype(jnp.int32)
    out = _make_kernel(n_tokens, seq)(idx, weight)
    return out

# --- scband reference (transcript-rebuilt; emitter-appended) ---
"""Pipeline reference for scband-mixed-precision-embedding-20572893348601 (READ-ONLY COPY).

The authoritative reference and input builder live on the scoring server;
editing this copy changes nothing except your own understanding.
"""

import jax, jax.numpy as jnp
import numpy as np

VOCAB = 1000000
D_MODEL = 64

def setup_inputs(seed: int = 0) -> dict:
    key = jax.random.key(seed)
    k1, k2 = jax.random.split(key)
    token_ids = jax.random.randint(k1, (16384, 50), 0, VOCAB, dtype=jnp.int64) if jax.config.jax_enable_x64 else jax.random.randint(k1, (16384, 50), 0, VOCAB, dtype=jnp.int32)
    # Embedding table stored in reduced precision (float16), matching torch storage_dtype
    weight = jax.random.normal(k2, (VOCAB, D_MODEL), dtype=jnp.float32).astype(jnp.float16)
    return {"token_ids": token_ids, "weight": weight}

def reference(token_ids, weight):
    # Upcast stored fp16 weight to float32, then gather rows (F.embedding)
    w = weight.astype(jnp.float32)
    return jnp.take(w, token_ids, axis=0)

if __name__ == "__main__":
    import jax
    _d = setup_inputs()
    print(jax.jit(kernel)(*tuple(_d.values())))

</pallas_src>

<mosaic_0001>
#map = affine_map<(d0, d1) -> (0)>
#map1 = affine_map<(d0, d1) -> (0, 0)>
#map2 = affine_map<(d0, d1) -> (0, 0, 0)>
module attributes {stable_mosaic.version = 14 : i64} {
  func.func @emb_kernel(%arg0: i32, %arg1: i32, %arg2: memref<819200xi32, #tpu.memory_space<hbm>>, %arg3: memref<1000000x64xf16, #tpu.memory_space<hbm>>, %arg4: memref<16384x50x64xf32, #tpu.memory_space<hbm>>, %arg5: memref<25600xi32, #tpu.memory_space<vmem>>, %arg6: memref<2x400x64xf16, #tpu.memory_space<vmem>>, %arg7: memref<2x8x50x64xf32, #tpu.memory_space<vmem>>, %arg8: memref<!tpu.dma_semaphore, #tpu.memory_space<semaphore_mem>>, %arg9: memref<!tpu.dma_semaphore, #tpu.memory_space<semaphore_mem>>, %arg10: memref<!tpu.dma_semaphore, #tpu.memory_space<semaphore_mem>>, %arg11: memref<!tpu.dma_semaphore, #tpu.memory_space<semaphore_mem>>) attributes {dimension_semantics = [#tpu.dimension_semantics<core_parallel>, #tpu.dimension_semantics<subcore_parallel>], iteration_bounds = array<i64: 2, 16>, scalar_prefetch = 0 : i64, scratch_operands = 7 : i64, tpu.core_type = #tpu.core_type<sc_vector_subcore>, window_params = [{transform_indices = #map}, {transform_indices = #map1}, {transform_indices = #map2}]} {
    %mul3A = arith.constant 2 : i32
    %mul3A_0 = arith.muli %arg1, %mul3A : i32
    %add3A = arith.addi %mul3A_0, %arg0 : i32
    %mul3A_1 = arith.constant 512 : i32
    %mul3A_2 = arith.muli %add3A, %mul3A_1 : i32
    %iota3A = tpu.iota {dimensions = array<i32: 0>} : vector<16xi32>
    %broadcast_in_dim3A = arith.constant 0 : i32
    %broadcast_in_dim3A_3 = vector.broadcast %broadcast_in_dim3A : i32 to vector<16xi32>
    %mul3A_4 = arith.constant 2 : i32
    %mul3A_5 = vector.broadcast %mul3A_4 : i32 to vector<16xi32>
    %mul3A_6 = arith.muli %mul3A_5, %iota3A : vector<16xi32>
    %add3A_7 = arith.constant 0 : i32
    %add3A_8 = vector.broadcast %add3A_7 : i32 to vector<16xi32>
    %add3A_9 = arith.addi %mul3A_6, %add3A_8 : vector<16xi32>
    %mul3A_10 = arith.constant 2 : i32
    %mul3A_11 = vector.broadcast %mul3A_10 : i32 to vector<16xi32>
    %mul3A_12 = arith.muli %mul3A_11, %iota3A : vector<16xi32>
    %add3A_13 = arith.constant 0 : i32
    %add3A_14 = vector.broadcast %add3A_13 : i32 to vector<16xi32>
    %add3A_15 = arith.addi %mul3A_12, %add3A_14 : vector<16xi32>
    %add3A_16 = arith.constant 1 : i32
    %add3A_17 = vector.broadcast %add3A_16 : i32 to vector<16xi32>
    %add3A_18 = arith.addi %add3A_15, %add3A_17 : vector<16xi32>
    %mul3A_19 = arith.constant 2 : i32
    %mul3A_20 = vector.broadcast %mul3A_19 : i32 to vector<16xi32>
    %mul3A_21 = arith.muli %mul3A_20, %iota3A : vector<16xi32>
    %add3A_22 = arith.constant 32 : i32
    %add3A_23 = vector.broadcast %add3A_22 : i32 to vector<16xi32>
    %add3A_24 = arith.addi %mul3A_21, %add3A_23 : vector<16xi32>
    %mul3A_25 = arith.constant 2 : i32
    %mul3A_26 = vector.broadcast %mul3A_25 : i32 to vector<16xi32>
    %mul3A_27 = arith.muli %mul3A_26, %iota3A : vector<16xi32>
    %add3A_28 = arith.constant 32 : i32
    %add3A_29 = vector.broadcast %add3A_28 : i32 to vector<16xi32>
    %add3A_30 = arith.addi %mul3A_27, %add3A_29 : vector<16xi32>
    %add3A_31 = arith.constant 1 : i32
    %add3A_32 = vector.broadcast %add3A_31 : i32 to vector<16xi32>
    %add3A_33 = arith.addi %add3A_30, %add3A_32 : vector<16xi32>
    %mul3A_34 = arith.constant 50 : i32
    %mul3A_35 = arith.muli %mul3A_2, %mul3A_34 : i32
    "tpu.region"() ({
      %run_scoped3A = tpu.sem_alloc : memref<!tpu.dma_semaphore, #tpu.memory_space<semaphore_mem>>
      %dma_start3A_83 = tpu.memref_slice %arg2[%mul3A_35] : memref<819200xi32, #tpu.memory_space<hbm>> -> memref<25600xi32, #tpu.memory_space<hbm>>
      %dma_start3A_84 = tpu.memref_slice %arg2[%mul3A_35] : memref<819200xi32, #tpu.memory_space<hbm>> -> memref<25600xi32, #tpu.memory_space<hbm>>
      tpu.enqueue_dma source(%dma_start3A_84 : memref<25600xi32, #tpu.memory_space<hbm>>) target(%arg5 : memref<25600xi32, #tpu.memory_space<vmem>>) target_semaphore(%run_scoped3A : memref<!tpu.dma_semaphore, #tpu.memory_space<semaphore_mem>>)
      %dma_wait3A_85 = tpu.memref_slice %arg2[%mul3A_35] : memref<819200xi32, #tpu.memory_space<hbm>> -> memref<25600xi32, #tpu.memory_space<hbm>>
      %dma_wait3A_86 = tpu.memref_slice %arg2[%mul3A_35] : memref<819200xi32, #tpu.memory_space<hbm>> -> memref<25600xi32, #tpu.memory_space<hbm>>
      tpu.wait_dma2 semaphore(%run_scoped3A : memref<!tpu.dma_semaphore, #tpu.memory_space<semaphore_mem>>) src(%dma_wait3A_86 : memref<25600xi32, #tpu.memory_space<hbm>>) dst(%arg5 : memref<25600xi32, #tpu.memory_space<vmem>>)
      tpu.yield
    }) : () -> ()
    %dma_start3A = arith.constant 0 : i32
    %dma_start3A_36 = arith.constant 0 : i32
    %dma_start3A_37 = arith.constant 0 : i32
    %dma_start3A_38 = tpu.memref_slice %arg6[%dma_start3A, %dma_start3A_36, %dma_start3A_37] : memref<2x400x64xf16, #tpu.memory_space<vmem>> -> memref<1x400x64xf16, #tpu.memory_space<vmem>>
    %dma_start3A_39 = tpu.memref_squeeze %dma_start3A_38 : memref<1x400x64xf16, #tpu.memory_space<vmem>> -> memref<400x64xf16, #tpu.memory_space<vmem>>
    %dma_start3A_40 = arith.constant 0 : i32
    %dma_start3A_41 = tpu.memref_slice %arg5[%dma_start3A_40] : memref<25600xi32, #tpu.memory_space<vmem>> -> memref<400xi32, #tpu.memory_space<vmem>>
    %dma_start3A_42 = arith.constant 0 : i32
    %dma_start3A_43 = arith.constant 0 : i32
    %dma_start3A_44 = tpu.memref_slice %arg3[%dma_start3A_42, %dma_start3A_43] : memref<1000000x64xf16, #tpu.memory_space<hbm>> -> memref<1000000x64xf16, #tpu.memory_space<hbm>>
    tpu.enqueue_indirect_dma source(%dma_start3A_44 : memref<1000000x64xf16, #tpu.memory_space<hbm>>) target(%dma_start3A_39 : memref<400x64xf16, #tpu.memory_space<vmem>>) offsets(%dma_start3A_41 : memref<400xi32, #tpu.memory_space<vmem>>) semaphore(%arg8 : memref<!tpu.dma_semaphore, #tpu.memory_space<semaphore_mem>>)
    %scan3A = arith.constant 0 : i32
    %scan3A_45 = arith.constant 0 : i32
    %scan3A_46 = arith.constant 32 : i32
    %scan3A_47 = arith.addi %scan3A_45, %scan3A_46 : i32
    %scan3A_48 = arith.constant 1 : i32
    scf.for %scan3A_83 = %scan3A_45 to %scan3A_47 step %scan3A_48  : i32 {
      %mul3A_84 = arith.constant 2 : i32
      %mul3A_85 = arith.muli %mul3A_84, %scan3A_83 : i32
      %add3A_86 = arith.constant 0 : i32
      %add3A_87 = arith.addi %mul3A_85, %add3A_86 : i32
      %add3A_88 = arith.constant 1 : i32
      %add3A_89 = arith.addi %add3A_87, %add3A_88 : i32
      %lt3A = arith.constant 64 : i32
      %lt3A_90 = arith.cmpi slt, %add3A_89, %lt3A : i32
      %convert_element_type3A = arith.extui %lt3A_90 : i1 to i32
      %cond3A = arith.constant 0 : i32
      %cond3A_91 = arith.cmpi ne, %convert_element_type3A, %cond3A : i32
      scf.if %cond3A_91 {
        %add3A_186 = arith.constant 1 : i32
        %add3A_187 = arith.addi %add3A_87, %add3A_186 : i32
        %mul3A_188 = arith.constant 400 : i32
        %mul3A_189 = arith.muli %add3A_187, %mul3A_188 : i32
        %dma_start3A_190 = arith.constant 1 : i32
        %dma_start3A_191 = arith.constant 0 : i32
        %dma_start3A_192 = arith.constant 0 : i32
        %dma_start3A_193 = tpu.memref_slice %arg6[%dma_start3A_190, %dma_start3A_191, %dma_start3A_192] : memref<2x400x64xf16, #tpu.memory_space<vmem>> -> memref<1x400x64xf16, #tpu.memory_space<vmem>>
        %dma_start3A_194 = tpu.memref_squeeze %dma_start3A_193 : memref<1x400x64xf16, #tpu.memory_space<vmem>> -> memref<400x64xf16, #tpu.memory_space<vmem>>
        %dma_start3A_195 = tpu.memref_slice %arg5[%mul3A_189] : memref<25600xi32, #tpu.memory_space<vmem>> -> memref<400xi32, #tpu.memory_space<vmem>>
        %dma_start3A_196 = arith.constant 0 : i32
        %dma_start3A_197 = arith.constant 0 : i32
        %dma_start3A_198 = tpu.memref_slice %arg3[%dma_start3A_196, %dma_start3A_197] : memref<1000000x64xf16, #tpu.memory_space<hbm>> -> memref<1000000x64xf16, #tpu.memory_space<hbm>>
        tpu.enqueue_indirect_dma source(%dma_start3A_198 : memref<1000000x64xf16, #tpu.memory_space<hbm>>) target(%dma_start3A_194 : memref<400x64xf16, #tpu.memory_space<vmem>>) offsets(%dma_start3A_195 : memref<400xi32, #tpu.memory_space<vmem>>) semaphore(%arg9 : memref<!tpu.dma_semaphore, #tpu.memory_space<semaphore_mem>>)
      } else {
      }
      %mul3A_92 = arith.constant 400 : i32
      %mul3A_93 = arith.muli %add3A_87, %mul3A_92 : i32
      %dma_wait3A_94 = arith.constant 0 : i32
      %dma_wait3A_95 = arith.constant 0 : i32
      %dma_wait3A_96 = arith.constant 0 : i32
      %dma_wait3A_97 = tpu.memref_slice %arg6[%dma_wait3A_94, %dma_wait3A_95, %dma_wait3A_96] : memref<2x400x64xf16, #tpu.memory_space<vmem>> -> memref<1x400x64xf16, #tpu.memory_space<vmem>>
      %dma_wait3A_98 = tpu.memref_squeeze %dma_wait3A_97 : memref<1x400x64xf16, #tpu.memory_space<vmem>> -> memref<400x64xf16, #tpu.memory_space<vmem>>
      %dma_wait3A_99 = tpu.memref_slice %arg5[%mul3A_93] : memref<25600xi32, #tpu.memory_space<vmem>> -> memref<400xi32, #tpu.memory_space<vmem>>
      %dma_wait3A_100 = arith.constant 0 : i32
      %dma_wait3A_101 = arith.constant 0 : i32
      %dma_wait3A_102 = tpu.memref_slice %arg3[%dma_wait3A_100, %dma_wait3A_101] : memref<1000000x64xf16, #tpu.memory_space<hbm>> -> memref<1000000x64xf16, #tpu.memory_space<hbm>>
      tpu.wait_indirect_dma semaphore(%arg8 : memref<!tpu.dma_semaphore, #tpu.memory_space<semaphore_mem>>) src(%dma_wait3A_102 : memref<1000000x64xf16, #tpu.memory_space<hbm>>) dst(%dma_wait3A_98 : memref<400x64xf16, #tpu.memory_space<vmem>>)
      %ge3A = arith.constant 2 : i32
      %ge3A_103 = arith.cmpi sge, %add3A_87, %ge3A : i32
      %convert_element_type3A_104 = arith.extui %ge3A_103 : i1 to i32
      %cond3A_105 = arith.constant 0 : i32
      %cond3A_106 = arith.cmpi ne, %convert_element_type3A_104, %cond3A_105 : i32
      scf.if %cond3A_106 {
        %dma_wait3A_186 = arith.constant 0 : i32
        %dma_wait3A_187 = arith.constant 0 : i32
        %dma_wait3A_188 = arith.constant 0 : i32
        %dma_wait3A_189 = arith.constant 0 : i32
        %dma_wait3A_190 = tpu.memref_slice %arg7[%dma_wait3A_186, %dma_wait3A_187, %dma_wait3A_188, %dma_wait3A_189] : memref<2x8x50x64xf32, #tpu.memory_space<vmem>> -> memref<1x8x50x64xf32, #tpu.memory_space<vmem>>
        %dma_wait3A_191 = tpu.memref_squeeze %dma_wait3A_190 : memref<1x8x50x64xf32, #tpu.memory_space<vmem>> -> memref<8x50x64xf32, #tpu.memory_space<vmem>>
        %dma_wait3A_192 = arith.constant 0 : i32
        %dma_wait3A_193 = arith.constant 0 : i32
        %dma_wait3A_194 = tpu.memref_slice %arg4[%mul3A_2, %dma_wait3A_192, %dma_wait3A_193] : memref<16384x50x64xf32, #tpu.memory_space<hbm>> -> memref<8x50x64xf32, #tpu.memory_space<hbm>>
        %dma_wait3A_195 = arith.constant 0 : i32
        %dma_wait3A_196 = arith.constant 0 : i32
        %dma_wait3A_197 = tpu.memref_slice %arg4[%mul3A_2, %dma_wait3A_195, %dma_wait3A_196] : memref<16384x50x64xf32, #tpu.memory_space<hbm>> -> memref<8x50x64xf32, #tpu.memory_space<hbm>>
        %dma_wait3A_198 = arith.constant 0 : i32
        %dma_wait3A_199 = arith.constant 0 : i32
        %dma_wait3A_200 = arith.constant 0 : i32
        %dma_wait3A_201 = tpu.memref_slice %arg7[%dma_wait3A_186, %dma_wait3A_198, %dma_wait3A_199, %dma_wait3A_200] : memref<2x8x50x64xf32, #tpu.memory_space<vmem>> -> memref<1x8x50x64xf32, #tpu.memory_space<vmem>>
        %dma_wait3A_202 = tpu.memref_squeeze %dma_wait3A_201 : memref<1x8x50x64xf32, #tpu.memory_space<vmem>> -> memref<8x50x64xf32, #tpu.memory_space<vmem>>
        tpu.wait_dma2 semaphore(%arg10 : memref<!tpu.dma_semaphore, #tpu.memory_space<semaphore_mem>>) src(%dma_wait3A_202 : memref<8x50x64xf32, #tpu.memory_space<vmem>>) dst(%dma_wait3A_197 : memref<8x50x64xf32, #tpu.memory_space<hbm>>)
      } else {
      }
      %scan3A_107 = arith.constant 0 : i32
      %scan3A_108 = arith.constant 0 : i32
      %scan3A_109 = arith.constant 8 : i32
      %scan3A_110 = arith.addi %scan3A_108, %scan3A_109 : i32
      %scan3A_111 = arith.constant 1 : i32
      scf.for %scan3A_186 = %scan3A_108 to %scan3A_110 step %scan3A_111  : i32 {
        %add3A_187 = vector.broadcast %scan3A_186 : i32 to vector<16xi32>
        %add3A_188 = arith.addi %broadcast_in_dim3A_3, %add3A_187 : vector<16xi32>
        %scan3A_189 = arith.constant 0 : i32
        %scan3A_190 = arith.constant 0 : i32
        %scan3A_191 = arith.constant 5 : i32
        %scan3A_192 = arith.addi %scan3A_190, %scan3A_191 : i32
        %scan3A_193 = arith.constant 1 : i32
        scf.for %scan3A_195 = %scan3A_190 to %scan3A_192 step %scan3A_193  : i32 {
          %mul3A_196 = arith.constant 10 : i32
          %mul3A_197 = arith.muli %scan3A_195, %mul3A_196 : i32
          %add3A_198 = arith.constant 0 : i32
          %add3A_199 = arith.addi %mul3A_197, %add3A_198 : i32
          %add3A_200 = vector.broadcast %add3A_199 : i32 to vector<16xi32>
          %add3A_201 = arith.addi %broadcast_in_dim3A_3, %add3A_200 : vector<16xi32>
          %mul3A_202 = arith.constant 50 : i32
          %mul3A_203 = arith.muli %scan3A_186, %mul3A_202 : i32
          %add3A_204 = arith.addi %mul3A_203, %add3A_199 : i32
          %get3A = arith.constant 0 : i32
          %get3A_205 = arith.index_cast %get3A : i32 to index
          %get3A_206 = arith.index_cast %add3A_204 : i32 to index
          %get3A_207 = arith.constant 0 : index
          %get3A_208 = tpu.vector_load %arg6[%get3A_205, %get3A_206, %get3A_207] {strides = array<i32>} : memref<2x400x64xf16, #tpu.memory_space<vmem>>, vector<32xf16>,
          %bitcast3A = vector.bitcast %get3A_208 : vector<32xf16> to vector<16xi32>
          %and3A = arith.constant 32768 : i32
          %and3A_209 = vector.broadcast %and3A : i32 to vector<16xi32>
          %and3A_210 = arith.andi %bitcast3A, %and3A_209 : vector<16xi32>
          %shift_left3A = arith.constant 16 : i32
          %shift_left3A_211 = vector.broadcast %shift_left3A : i32 to vector<16xi32>
          %shift_left3A_212 = arith.shli %and3A_210, %shift_left3A_211 : vector<16xi32>
          %and3A_213 = arith.constant 32767 : i32
          %and3A_214 = vector.broadcast %and3A_213 : i32 to vector<16xi32>
          %and3A_215 = arith.andi %bitcast3A, %and3A_214 : vector<16xi32>
          %shift_left3A_216 = arith.constant 13 : i32
          %shift_left3A_217 = vector.broadcast %shift_left3A_216 : i32 to vector<16xi32>
          %shift_left3A_218 = arith.shli %and3A_215, %shift_left3A_217 : vector<16xi32>
          %or3A = arith.ori %shift_left3A_212, %shift_left3A_218 : vector<16xi32>
          %and3A_219 = arith.constant -2147483648 : i32
          %and3A_220 = vector.broadcast %and3A_219 : i32 to vector<16xi32>
          %and3A_221 = arith.andi %bitcast3A, %and3A_220 : vector<16xi32>
          %shift_right_logical3A = arith.constant 3 : i32
          %shift_right_logical3A_222 = vector.broadcast %shift_right_logical3A : i32 to vector<16xi32>
          %shift_right_logical3A_223 = arith.shrui %bitcast3A, %shift_right_logical3A_222 : vector<16xi32>
          %and3A_224 = arith.constant 268427264 : i32
          %and3A_225 = vector.broadcast %and3A_224 : i32 to vector<16xi32>
          %and3A_226 = arith.andi %shift_right_logical3A_223, %and3A_225 : vector<16xi32>
          %or3A_227 = arith.ori %and3A_221, %and3A_226 : vector<16xi32>
          %bitcast_convert_type3A = tpu.bitcast %or3A : vector<16xi32> -> vector<16xf32>
          %mul3A_228 = arith.constant 5.19229686E+33 : f32
          %mul3A_229 = vector.broadcast %mul3A_228 : f32 to vector<16xf32>
          %mul3A_230 = arith.mulf %bitcast_convert_type3A, %mul3A_229 : vector<16xf32>
          %bitcast_convert_type3A_231 = tpu.bitcast %or3A_227 : vector<16xi32> -> vector<16xf32>
          %mul3A_232 = arith.constant 5.19229686E+33 : f32
          %mul3A_233 = vector.broadcast %mul3A_232 : f32 to vector<16xf32>
          %mul3A_234 = arith.mulf %bitcast_convert_type3A_231, %mul3A_233 : vector<16xf32>
          %scatter3A = arith.constant 0 : i32
          %scatter3A_235 = arith.constant 0 : i32
          %scatter3A_236 = arith.constant 0 : i32
          %scatter3A_237 = arith.constant 0 : i32
          %scatter3A_238 = tpu.memref_slice %arg7[%scatter3A, %scatter3A_235, %scatter3A_236, %scatter3A_237] : memref<2x8x50x64xf32, #tpu.memory_space<vmem>> -> memref<1x8x50x64xf32, #tpu.memory_space<vmem>>
          %scatter3A_239 = tpu.memref_squeeze %scatter3A_238 : memref<1x8x50x64xf32, #tpu.memory_space<vmem>> -> memref<8x50x64xf32, #tpu.memory_space<vmem>>
          tpu.vector_store_idx %scatter3A_239[%add3A_188, %add3A_201, %add3A_9], %mul3A_230 : memref<8x50x64xf32, #tpu.memory_space<vmem>>[vector<16xi32>, vector<16xi32>, vector<16xi32>], vector<16xf32>,
          %scatter3A_240 = arith.constant 0 : i32
          %scatter3A_241 = arith.constant 0 : i32
          %scatter3A_242 = arith.constant 0 : i32
          %scatter3A_243 = arith.constant 0 : i32
          %scatter3A_244 = tpu.memref_slice %arg7[%scatter3A_240, %scatter3A_241, %scatter3A_242, %scatter3A_243] : memref<2x8x50x64xf32, #tpu.memory_space<vmem>> -> memref<1x8x50x64xf32, #tpu.memory_space<vmem>>
          %scatter3A_245 = tpu.memref_squeeze %scatter3A_244 : memref<1x8x50x64xf32, #tpu.memory_space<vmem>> -> memref<8x50x64xf32, #tpu.memory_space<vmem>>
          tpu.vector_store_idx %scatter3A_245[%add3A_188, %add3A_201, %add3A_18], %mul3A_234 : memref<8x50x64xf32, #tpu.memory_space<vmem>>[vector<16xi32>, vector<16xi32>, vector<16xi32>], vector<16xf32>,
          %get3A_246 = arith.constant 0 : i32
          %get3A_247 = arith.index_cast %get3A_246 : i32 to index
          %get3A_248 = arith.index_cast %add3A_204 : i32 to index
          %get3A_249 = arith.constant 32 : index
          %get3A_250 = tpu.vector_load %arg6[%get3A_247, %get3A_248, %get3A_249] {strides = array<i32>} : memref<2x400x64xf16, #tpu.memory_space<vmem>>, vector<32xf16>,
          %bitcast3A_251 = vector.bitcast %get3A_250 : vector<32xf16> to vector<16xi32>
          %and3A_252 = arith.constant 32768 : i32
          %and3A_253 = vector.broadcast %and3A_252 : i32 to vector<16xi32>
          %and3A_254 = arith.andi %bitcast3A_251, %and3A_253 : vector<16xi32>
          %shift_left3A_255 = arith.constant 16 : i32
          %shift_left3A_256 = vector.broadcast %shift_left3A_255 : i32 to vector<16xi32>
          %shift_left3A_257 = arith.shli %and3A_254, %shift_left3A_256 : vector<16xi32>
          %and3A_258 = arith.constant 32767 : i32
          %and3A_259 = vector.broadcast %and3A_258 : i32 to vector<16xi32>
          %and3A_260 = arith.andi %bitcast3A_251, %and3A_259 : vector<16xi32>
          %shift_left3A_261 = arith.constant 13 : i32
          %shift_left3A_262 = vector.broadcast %shift_left3A_261 : i32 to vector<16xi32>
          %shift_left3A_263 = arith.shli %and3A_260, %shift_left3A_262 : vector<16xi32>
          %or3A_264 = arith.ori %shift_left3A_257, %shift_left3A_263 : vector<16xi32>
          %and3A_265 = arith.constant -2147483648 : i32
          %and3A_266 = vector.broadcast %and3A_265 : i32 to vector<16xi32>
          %and3A_267 = arith.andi %bitcast3A_251, %and3A_266 : vector<16xi32>
          %shift_right_logical3A_268 = arith.constant 3 : i32
          %shift_right_logical3A_269 = vector.broadcast %shift_right_logical3A_268 : i32 to vector<16xi32>
          %shift_right_logical3A_270 = arith.shrui %bitcast3A_251, %shift_right_logical3A_269 : vector<16xi32>
          %and3A_271 = arith.constant 268427264 : i32
          %and3A_272 = vector.broadcast %and3A_271 : i32 to vector<16xi32>
          %and3A_273 = arith.andi %shift_right_logical3A_270, %and3A_272 : vector<16xi32>
          %or3A_274 = arith.ori %and3A_267, %and3A_273 : vector<16xi32>
          %bitcast_convert_type3A_275 = tpu.bitcast %or3A_264 : vector<16xi32> -> vector<16xf32>
          %mul3A_276 = arith.constant 5.19229686E+33 : f32
          %mul3A_277 = vector.broadcast %mul3A_276 : f32 to vector<16xf32>
          %mul3A_278 = arith.mulf %bitcast_convert_type3A_275, %mul3A_277 : vector<16xf32>
          %bitcast_convert_type3A_279 = tpu.bitcast %or3A_274 : vector<16xi32> -> vector<16xf32>
          %mul3A_280 = arith.constant 5.19229686E+33 : f32
          %mul3A_281 = vector.broadcast %mul3A_280 : f32 to vector<16xf32>
          %mul3A_282 = arith.mulf %bitcast_convert_type3A_279, %mul3A_281 : vector<16xf32>
          %scatter3A_283 = arith.constant 0 : i32
          %scatter3A_284 = arith.constant 0 : i32
          %scatter3A_285 = arith.constant 0 : i32
          %scatter3A_286 = arith.constant 0 : i32
          %scatter3A_287 = tpu.memref_slice %arg7[%scatter3A_283, %scatter3A_284, %scatter3A_285, %scatter3A_286] : memref<2x8x50x64xf32, #tpu.memory_space<vmem>> -> memref<1x8x50x64xf32, #tpu.memory_space<vmem>>
          %scatter3A_288 = tpu.memref_squeeze %scatter3A_287 : memref<1x8x50x64xf32, #tpu.memory_space<vmem>> -> memref<8x50x64xf32, #tpu.memory_space<vmem>>
          tpu.vector_store_idx %scatter3A_288[%add3A_188, %add3A_201, %add3A_24], %mul3A_278 : memref<8x50x64xf32, #tpu.memory_space<vmem>>[vector<16xi32>, vector<16xi32>, vector<16xi32>], vector<16xf32>,
          %scatter3A_289 = arith.constant 0 : i32
          %scatter3A_290 = arith.constant 0 : i32
          %scatter3A_291 = arith.constant 0 : i32
          %scatter3A_292 = arith.constant 0 : i32
          %scatter3A_293 = tpu.memref_slice %arg7[%scatter3A_289, %scatter3A_290, %scatter3A_291, %scatter3A_292] : memref<2x8x50x64xf32, #tpu.memory_space<vmem>> -> memref<1x8x50x64xf32, #tpu.memory_space<vmem>>
          %scatter3A_294 = tpu.memref_squeeze %scatter3A_293 : memref<1x8x50x64xf32, #tpu.memory_space<vmem>> -> memref<8x50x64xf32, #tpu.memory_space<vmem>>
          tpu.vector_store_idx %scatter3A_294[%add3A_188, %add3A_201, %add3A_33], %mul3A_282 : memref<8x50x64xf32, #tpu.memory_space<vmem>>[vector<16xi32>, vector<16xi32>, vector<16xi32>], vector<16xf32>,
          %mul3A_295 = arith.constant 10 : i32
          %mul3A_296 = arith.muli %scan3A_195, %mul3A_295 : i32
          %add3A_297 = arith.constant 1 : i32
          %add3A_298 = arith.addi %mul3A_296, %add3A_297 : i32
          %add3A_299 = vector.broadcast %add3A_298 : i32 to vector<16xi32>
          %add3A_300 = arith.addi %broadcast_in_dim3A_3, %add3A_299 : vector<16xi32>
          %mul3A_301 = arith.constant 50 : i32
          %mul3A_302 = arith.muli %scan3A_186, %mul3A_301 : i32
          %add3A_303 = arith.addi %mul3A_302, %add3A_298 : i32
          %get3A_304 = arith.constant 0 : i32
          %get3A_305 = arith.index_cast %get3A_304 : i32 to index
          %get3A_306 = arith.index_cast %add3A_303 : i32 to index
          %get3A_307 = arith.constant 0 : index
          %get3A_308 = tpu.vector_load %arg6[%get3A_305, %get3A_306, %get3A_307] {strides = array<i32>} : memref<2x400x64xf16, #tpu.memory_space<vmem>>, vector<32xf16>,
          %bitcast3A_309 = vector.bitcast %get3A_308 : vector<32xf16> to vector<16xi32>
          %and3A_310 = arith.constant 32768 : i32
          %and3A_311 = vector.broadcast %and3A_310 : i32 to vector<16xi32>
          %and3A_312 = arith.andi %bitcast3A_309, %and3A_311 : vector<16xi32>
          %shift_left3A_313 = arith.constant 16 : i32
          %shift_left3A_314 = vector.broadcast %shift_left3A_313 : i32 to vector<16xi32>
          %shift_left3A_315 = arith.shli %and3A_312, %shift_left3A_314 : vector<16xi32>
          %and3A_316 = arith.constant 32767 : i32
          %and3A_317 = vector.broadcast %and3A_316 : i32 to vector<16xi32>
          %and3A_318 = arith.andi %bitcast3A_309, %and3A_317 : vector<16xi32>
          %shift_left3A_319 = arith.constant 13 : i32
          %shift_left3A_320 = vector.broadcast %shift_left3A_319 : i32 to vector<16xi32>
          %shift_left3A_321 = arith.shli %and3A_318, %shift_left3A_320 : vector<16xi32>
          %or3A_322 = arith.ori %shift_left3A_315, %shift_left3A_321 : vector<16xi32>
          %and3A_323 = arith.constant -2147483648 : i32
          %and3A_324 = vector.broadcast %and3A_323 : i32 to vector<16xi32>
          %and3A_325 = arith.andi %bitcast3A_309, %and3A_324 : vector<16xi32>
          %shift_right_logical3A_326 = arith.constant 3 : i32
          %shift_right_logical3A_327 = vector.broadcast %shift_right_logical3A_326 : i32 to vector<16xi32>
          %shift_right_logical3A_328 = arith.shrui %bitcast3A_309, %shift_right_logical3A_327 : vector<16xi32>
          %and3A_329 = arith.constant 268427264 : i32
          %and3A_330 = vector.broadcast %and3A_329 : i32 to vector<16xi32>
          %and3A_331 = arith.andi %shift_right_logical3A_328, %and3A_330 : vector<16xi32>
          %or3A_332 = arith.ori %and3A_325, %and3A_331 : vector<16xi32>
          %bitcast_convert_type3A_333 = tpu.bitcast %or3A_322 : vector<16xi32> -> vector<16xf32>
          %mul3A_334 = arith.constant 5.19229686E+33 : f32
          %mul3A_335 = vector.broadcast %mul3A_334 : f32 to vector<16xf32>
          %mul3A_336 = arith.mulf %bitcast_convert_type3A_333, %mul3A_335 : vector<16xf32>
          %bitcast_convert_type3A_337 = tpu.bitcast %or3A_332 : vector<16xi32> -> vector<16xf32>
          %mul3A_338 = arith.constant 5.19229686E+33 : f32
          %mul3A_339 = vector.broadcast %mul3A_338 : f32 to vector<16xf32>
          %mul3A_340 = arith.mulf %bitcast_convert_type3A_337, %mul3A_339 : vector<16xf32>
          %scatter3A_341 = arith.constant 0 : i32
          %scatter3A_342 = arith.constant 0 : i32
          %scatter3A_343 = arith.constant 0 : i32
          %scatter3A_344 = arith.constant 0 : i32
          %scatter3A_345 = tpu.memref_slice %arg7[%scatter3A_341, %scatter3A_342, %scatter3A_343, %scatter3A_344] : memref<2x8x50x64xf32, #tpu.memory_space<vmem>> -> memref<1x8x50x64xf32, #tpu.memory_space<vmem>>
          %scatter3A_346 = tpu.memref_squeeze %scatter3A_345 : memref<1x8x50x64xf32, #tpu.memory_space<vmem>> -> memref<8x50x64xf32, #tpu.memory_space<vmem>>
          tpu.vector_store_idx %scatter3A_346[%add3A_188, %add3A_300, %add3A_9], %mul3A_336 : memref<8x50x64xf32, #tpu.memory_space<vmem>>[vector<16xi32>, vector<16xi32>, vector<16xi32>], vector<16xf32>,
          %scatter3A_347 = arith.constant 0 : i32
          %scatter3A_348 = arith.constant 0 : i32
          %scatter3A_349 = arith.constant 0 : i32
          %scatter3A_350 = arith.constant 0 : i32
          %scatter3A_351 = tpu.memref_slice %arg7[%scatter3A_347, %scatter3A_348, %scatter3A_349, %scatter3A_350] : memref<2x8x50x64xf32, #tpu.memory_space<vmem>> -> memref<1x8x50x64xf32, #tpu.memory_space<vmem>>
          %scatter3A_352 = tpu.memref_squeeze %scatter3A_351 : memref<1x8x50x64xf32, #tpu.memory_space<vmem>> -> memref<8x50x64xf32, #tpu.memory_space<vmem>>
          tpu.vector_store_idx %scatter3A_352[%add3A_188, %add3A_300, %add3A_18], %mul3A_340 : memref<8x50x64xf32, #tpu.memory_space<vmem>>[vector<16xi32>, vector<16xi32>, vector<16xi32>], vector<16xf32>,
          %get3A_353 = arith.constant 0 : i32
          %get3A_354 = arith.index_cast %get3A_353 : i32 to index
          %get3A_355 = arith.index_cast %add3A_303 : i32 to index
          %get3A_356 = arith.constant 32 : index
          %get3A_357 = tpu.vector_load %arg6[%get3A_354, %get3A_355, %get3A_356] {strides = array<i32>} : memref<2x400x64xf16, #tpu.memory_space<vmem>>, vector<32xf16>,
          %bitcast3A_358 = vector.bitcast %get3A_357 : vector<32xf16> to vector<16xi32>
          %and3A_359 = arith.constant 32768 : i32
          %and3A_360 = vector.broadcast %and3A_359 : i32 to vector<16xi32>
          %and3A_361 = arith.andi %bitcast3A_358, %and3A_360 : vector<16xi32>
          %shift_left3A_362 = arith.constant 16 : i32
          %shift_left3A_363 = vector.broadcast %shift_left3A_362 : i32 to vector<16xi32>
          %shift_left3A_364 = arith.shli %and3A_361, %shift_left3A_363 : vector<16xi32>
          %and3A_365 = arith.constant 32767 : i32
          %and3A_366 = vector.broadcast %and3A_365 : i32 to vector<16xi32>
          %and3A_367 = arith.andi %bitcast3A_358, %and3A_366 : vector<16xi32>
          %shift_left3A_368 = arith.constant 13 : i32
          %shift_left3A_369 = vector.broadcast %shift_left3A_368 : i32 to vector<16xi32>
          %shift_left3A_370 = arith.shli %and3A_367, %shift_left3A_369 : vector<16xi32>
          %or3A_371 = arith.ori %shift_left3A_364, %shift_left3A_370 : vector<16xi32>
          %and3A_372 = arith.constant -2147483648 : i32
          %and3A_373 = vector.broadcast %and3A_372 : i32 to vector<16xi32>
          %and3A_374 = arith.andi %bitcast3A_358, %and3A_373 : vector<16xi32>
          %shift_right_logical3A_375 = arith.constant 3 : i32
          %shift_right_logical3A_376 = vector.broadcast %shift_right_logical3A_375 : i32 to vector<16xi32>
          %shift_right_logical3A_377 = arith.shrui %bitcast3A_358, %shift_right_logical3A_376 : vector<16xi32>
          %and3A_378 = arith.constant 268427264 : i32
          %and3A_379 = vector.broadcast %and3A_378 : i32 to vector<16xi32>
          %and3A_380 = arith.andi %shift_right_logical3A_377, %and3A_379 : vector<16xi32>
          %or3A_381 = arith.ori %and3A_374, %and3A_380 : vector<16xi32>
          %bitcast_convert_type3A_382 = tpu.bitcast %or3A_371 : vector<16xi32> -> vector<16xf32>
          %mul3A_383 = arith.constant 5.19229686E+33 : f32
          %mul3A_384 = vector.broadcast %mul3A_383 : f32 to vector<16xf32>
          %mul3A_385 = arith.mulf %bitcast_convert_type3A_382, %mul3A_384 : vector<16xf32>
          %bitcast_convert_type3A_386 = tpu.bitcast %or3A_381 : vector<16xi32> -> vector<16xf32>
          %mul3A_387 = arith.constant 5.19229686E+33 : f32
          %mul3A_388 = vector.broadcast %mul3A_387 : f32 to vector<16xf32>
          %mul3A_389 = arith.mulf %bitcast_convert_type3A_386, %mul3A_388 : vector<16xf32>
          %scatter3A_390 = arith.constant 0 : i32
          %scatter3A_391 = arith.constant 0 : i32
          %scatter3A_392 = arith.constant 0 : i32
          %scatter3A_393 = arith.constant 0 : i32
          %scatter3A_394 = tpu.memref_slice %arg7[%scatter3A_390, %scatter3A_391, %scatter3A_392, %scatter3A_393] : memref<2x8x50x64xf32, #tpu.memory_space<vmem>> -> memref<1x8x50x64xf32, #tpu.memory_space<vmem>>
          %scatter3A_395 = tpu.memref_squeeze %scatter3A_394 : memref<1x8x50x64xf32, #tpu.memory_space<vmem>> -> memref<8x50x64xf32, #tpu.memory_space<vmem>>
          tpu.vector_store_idx %scatter3A_395[%add3A_188, %add3A_300, %add3A_24], %mul3A_385 : memref<8x50x64xf32, #tpu.memory_space<vmem>>[vector<16xi32>, vector<16xi32>, vector<16xi32>], vector<16xf32>,
          %scatter3A_396 = arith.constant 0 : i32
          %scatter3A_397 = arith.constant 0 : i32
          %scatter3A_398 = arith.constant 0 : i32
          %scatter3A_399 = arith.constant 0 : i32
          %scatter3A_400 = tpu.memref_slice %arg7[%scatter3A_396, %scatter3A_397, %scatter3A_398, %scatter3A_399] : memref<2x8x50x64xf32, #tpu.memory_space<vmem>> -> memref<1x8x50x64xf32, #tpu.memory_space<vmem>>
          %scatter3A_401 = tpu.memref_squeeze %scatter3A_400 : memref<1x8x50x64xf32, #tpu.memory_space<vmem>> -> memref<8x50x64xf32, #tpu.memory_space<vmem>>
          tpu.vector_store_idx %scatter3A_401[%add3A_188, %add3A_300, %add3A_33], %mul3A_389 : memref<8x50x64xf32, #tpu.memory_space<vmem>>[vector<16xi32>, vector<16xi32>, vector<16xi32>], vector<16xf32>,
          %mul3A_402 = arith.constant 10 : i32
          %mul3A_403 = arith.muli %scan3A_195, %mul3A_402 : i32
          %add3A_404 = arith.constant 2 : i32
          %add3A_405 = arith.addi %mul3A_403, %add3A_404 : i32
          %add3A_406 = vector.broadcast %add3A_405 : i32 to vector<16xi32>
          %add3A_407 = arith.addi %broadcast_in_dim3A_3, %add3A_406 : vector<16xi32>
          %mul3A_408 = arith.constant 50 : i32
          %mul3A_409 = arith.muli %scan3A_186, %mul3A_408 : i32
          %add3A_410 = arith.addi %mul3A_409, %add3A_405 : i32
          %get3A_411 = arith.constant 0 : i32
          %get3A_412 = arith.index_cast %get3A_411 : i32 to index
          %get3A_413 = arith.index_cast %add3A_410 : i32 to index
          %get3A_414 = arith.constant 0 : index
          %get3A_415 = tpu.vector_load %arg6[%get3A_412, %get3A_413, %get3A_414] {strides = array<i32>} : memref<2x400x64xf16, #tpu.memory_space<vmem>>, vector<32xf16>,
          %bitcast3A_416 = vector.bitcast %get3A_415 : vector<32xf16> to vector<16xi32>
          %and3A_417 = arith.constant 32768 : i32
          %and3A_418 = vector.broadcast %and3A_417 : i32 to vector<16xi32>
          %and3A_419 = arith.andi %bitcast3A_416, %and3A_418 : vector<16xi32>
          %shift_left3A_420 = arith.constant 16 : i32
          %shift_left3A_421 = vector.broadcast %shift_left3A_420 : i32 to vector<16xi32>
          %shift_left3A_422 = arith.shli %and3A_419, %shift_left3A_421 : vector<16xi32>
          %and3A_423 = arith.constant 32767 : i32
          %and3A_424 = vector.broadcast %and3A_423 : i32 to vector<16xi32>
          %and3A_425 = arith.andi %bitcast3A_416, %and3A_424 : vector<16xi32>
          %shift_left3A_426 = arith.constant 13 : i32
          %shift_left3A_427 = vector.broadcast %shift_left3A_426 : i32 to vector<16xi32>
          %shift_left3A_428 = arith.shli %and3A_425, %shift_left3A_427 : vector<16xi32>
          %or3A_429 = arith.ori %shift_left3A_422, %shift_left3A_428 : vector<16xi32>
          %and3A_430 = arith.constant -2147483648 : i32
          %and3A_431 = vector.broadcast %and3A_430 : i32 to vector<16xi32>
          %and3A_432 = arith.andi %bitcast3A_416, %and3A_431 : vector<16xi32>
          %shift_right_logical3A_433 = arith.constant 3 : i32
          %shift_right_logical3A_434 = vector.broadcast %shift_right_logical3A_433 : i32 to vector<16xi32>
          %shift_right_logical3A_435 = arith.shrui %bitcast3A_416, %shift_right_logical3A_434 : vector<16xi32>
          %and3A_436 = arith.constant 268427264 : i32
          %and3A_437 = vector.broadcast %and3A_436 : i32 to vector<16xi32>
          %and3A_438 = arith.andi %shift_right_logical3A_435, %and3A_437 : vector<16xi32>
          %or3A_439 = arith.ori %and3A_432, %and3A_438 : vector<16xi32>
          %bitcast_convert_type3A_440 = tpu.bitcast %or3A_429 : vector<16xi32> -> vector<16xf32>
          %mul3A_441 = arith.constant 5.19229686E+33 : f32
          %mul3A_442 = vector.broadcast %mul3A_441 : f32 to vector<16xf32>
          %mul3A_443 = arith.mulf %bitcast_convert_type3A_440, %mul3A_442 : vector<16xf32>
          %bitcast_convert_type3A_444 = tpu.bitcast %or3A_439 : vector<16xi32> -> vector<16xf32>
          %mul3A_445 = arith.constant 5.19229686E+33 : f32
          %mul3A_446 = vector.broadcast %mul3A_445 : f32 to vector<16xf32>
          %mul3A_447 = arith.mulf %bitcast_convert_type3A_444, %mul3A_446 : vector<16xf32>
          %scatter3A_448 = arith.constant 0 : i32
          %scatter3A_449 = arith.constant 0 : i32
          %scatter3A_450 = arith.constant 0 : i32
          %scatter3A_451 = arith.constant 0 : i32
          %scatter3A_452 = tpu.memref_slice %arg7[%scatter3A_448, %scatter3A_449, %scatter3A_450, %scatter3A_451] : memref<2x8x50x64xf32, #tpu.memory_space<vmem>> -> memref<1x8x50x64xf32, #tpu.memory_space<vmem>>
          %scatter3A_453 = tpu.memref_squeeze %scatter3A_452 : memref<1x8x50x64xf32, #tpu.memory_space<vmem>> -> memref<8x50x64xf32, #tpu.memory_space<vmem>>
          tpu.vector_store_idx %scatter3A_453[%add3A_188, %add3A_407, %add3A_9], %mul3A_443 : memref<8x50x64xf32, #tpu.memory_space<vmem>>[vector<16xi32>, vector<16xi32>, vector<16xi32>], vector<16xf32>,
          %scatter3A_454 = arith.constant 0 : i32
          %scatter3A_455 = arith.constant 0 : i32
          %scatter3A_456 = arith.constant 0 : i32
          %scatter3A_457 = arith.constant 0 : i32
          %scatter3A_458 = tpu.memref_slice %arg7[%scatter3A_454, %scatter3A_455, %scatter3A_456, %scatter3A_457] : memref<2x8x50x64xf32, #tpu.memory_space<vmem>> -> memref<1x8x50x64xf32, #tpu.memory_space<vmem>>
          %scatter3A_459 = tpu.memref_squeeze %scatter3A_458 : memref<1x8x50x64xf32, #tpu.memory_space<vmem>> -> memref<8x50x64xf32, #tpu.memory_space<vmem>>
          tpu.vector_store_idx %scatter3A_459[%add3A_188, %add3A_407, %add3A_18], %mul3A_447 : memref<8x50x64xf32, #tpu.memory_space<vmem>>[vector<16xi32>, vector<16xi32>, vector<16xi32>], vector<16xf32>,
          %get3A_460 = arith.constant 0 : i32
          %get3A_461 = arith.index_cast %get3A_460 : i32 to index
          %get3A_462 = arith.index_cast %add3A_410 : i32 to index
          %get3A_463 = arith.constant 32 : index
          %get3A_464 = tpu.vector_load %arg6[%get3A_461, %get3A_462, %get3A_463] {strides = array<i32>} : memref<2x400x64xf16, #tpu.memory_space<vmem>>, vector<32xf16>,
          %bitcast3A_465 = vector.bitcast %get3A_464 : vector<32xf16> to vector<16xi32>
          %and3A_466 = arith.constant 32768 : i32
          %and3A_467 = vector.broadcast %and3A_466 : i32 to vector<16xi32>
          %and3A_468 = arith.andi %bitcast3A_465, %and3A_467 : vector<16xi32>
          %shift_left3A_469 = arith.constant 16 : i32
          %shift_left3A_470 = vector.broadcast %shift_left3A_469 : i32 to vector<16xi32>
          %shift_left3A_471 = arith.shli %and3A_468, %shift_left3A_470 : vector<16xi32>
          %and3A_472 = arith.constant 32767 : i32
          %and3A_473 = vector.broadcast %and3A_472 : i32 to vector<16xi32>
          %and3A_474 = arith.andi %bitcast3A_465, %and3A_473 : vector<16xi32>
          %shift_left3A_475 = arith.constant 13 : i32
          %shift_left3A_476 = vector.broadcast %shift_left3A_475 : i32 to vector<16xi32>
          %shift_left3A_477 = arith.shli %and3A_474, %shift_left3A_476 : vector<16xi32>
          %or3A_478 = arith.ori %shift_left3A_471, %shift_left3A_477 : vector<16xi32>
          %and3A_479 = arith.constant -2147483648 : i32
          %and3A_480 = vector.broadcast %and3A_479 : i32 to vector<16xi32>
          %and3A_481 = arith.andi %bitcast3A_465, %and3A_480 : vector<16xi32>
          %shift_right_logical3A_482 = arith.constant 3 : i32
          %shift_right_logical3A_483 = vector.broadcast %shift_right_logical3A_482 : i32 to vector<16xi32>
          %shift_right_logical3A_484 = arith.shrui %bitcast3A_465, %shift_right_logical3A_483 : vector<16xi32>
          %and3A_485 = arith.constant 268427264 : i32
          %and3A_486 = vector.broadcast %and3A_485 : i32 to vector<16xi32>
          %and3A_487 = arith.andi %shift_right_logical3A_484, %and3A_486 : vector<16xi32>
          %or3A_488 = arith.ori %and3A_481, %and3A_487 : vector<16xi32>
          %bitcast_convert_type3A_489 = tpu.bitcast %or3A_478 : vector<16xi32> -> vector<16xf32>
          %mul3A_490 = arith.constant 5.19229686E+33 : f32
          %mul3A_491 = vector.broadcast %mul3A_490 : f32 to vector<16xf32>
          %mul3A_492 = arith.mulf %bitcast_convert_type3A_489, %mul3A_491 : vector<16xf32>
          %bitcast_convert_type3A_493 = tpu.bitcast %or3A_488 : vector<16xi32> -> vector<16xf32>
          %mul3A_494 = arith.constant 5.19229686E+33 : f32
          %mul3A_495 = vector.broadcast %mul3A_494 : f32 to vector<16xf32>
          %mul3A_496 = arith.mulf %bitcast_convert_type3A_493, %mul3A_495 : vector<16xf32>
          %scatter3A_497 = arith.constant 0 : i32
          %scatter3A_498 = arith.constant 0 : i32
          %scatter3A_499 = arith.constant 0 : i32
          %scatter3A_500 = arith.constant 0 : i32
          %scatter3A_501 = tpu.memref_slice %arg7[%scatter3A_497, %scatter3A_498, %scatter3A_499, %scatter3A_500] : memref<2x8x50x64xf32, #tpu.memory_space<vmem>> -> memref<1x8x50x64xf32, #tpu.memory_space<vmem>>
          %scatter3A_502 = tpu.memref_squeeze %scatter3A_501 : memref<1x8x50x64xf32, #tpu.memory_space<vmem>> -> memref<8x50x64xf32, #tpu.memory_space<vmem>>
          tpu.vector_store_idx %scatter3A_502[%add3A_188, %add3A_407, %add3A_24], %mul3A_492 : memref<8x50x64xf32, #tpu.memory_space<vmem>>[vector<16xi32>, vector<16xi32>, vector<16xi32>], vector<16xf32>,
          %scatter3A_503 = arith.constant 0 : i32
          %scatter3A_504 = arith.constant 0 : i32
          %scatter3A_505 = arith.constant 0 : i32
          %scatter3A_506 = arith.constant 0 : i32
          %scatter3A_507 = tpu.memref_slice %arg7[%scatter3A_503, %scatter3A_504, %scatter3A_505, %scatter3A_506] : memref<2x8x50x64xf32, #tpu.memory_space<vmem>> -> memref<1x8x50x64xf32, #tpu.memory_space<vmem>>
          %scatter3A_508 = tpu.memref_squeeze %scatter3A_507 : memref<1x8x50x64xf32, #tpu.memory_space<vmem>> -> memref<8x50x64xf32, #tpu.memory_space<vmem>>
          tpu.vector_store_idx %scatter3A_508[%add3A_188, %add3A_407, %add3A_33], %mul3A_496 : memref<8x50x64xf32, #tpu.memory_space<vmem>>[vector<16xi32>, vector<16xi32>, vector<16xi32>], vector<16xf32>,
          %mul3A_509 = arith.constant 10 : i32
          %mul3A_510 = arith.muli %scan3A_195, %mul3A_509 : i32
          %add3A_511 = arith.constant 3 : i32
          %add3A_512 = arith.addi %mul3A_510, %add3A_511 : i32
          %add3A_513 = vector.broadcast %add3A_512 : i32 to vector<16xi32>
          %add3A_514 = arith.addi %broadcast_in_dim3A_3, %add3A_513 : vector<16xi32>
          %mul3A_515 = arith.constant 50 : i32
          %mul3A_516 = arith.muli %scan3A_186, %mul3A_515 : i32
          %add3A_517 = arith.addi %mul3A_516, %add3A_512 : i32
          %get3A_518 = arith.constant 0 : i32
          %get3A_519 = arith.index_cast %get3A_518 : i32 to index
          %get3A_520 = arith.index_cast %add3A_517 : i32 to index
          %get3A_521 = arith.constant 0 : index
          %get3A_522 = tpu.vector_load %arg6[%get3A_519, %get3A_520, %get3A_521] {strides = array<i32>} : memref<2x400x64xf16, #tpu.memory_space<vmem>>, vector<32xf16>,
          %bitcast3A_523 = vector.bitcast %get3A_522 : vector<32xf16> to vector<16xi32>
          %and3A_524 = arith.constant 32768 : i32
          %and3A_525 = vector.broadcast %and3A_524 : i32 to vector<16xi32>
          %and3A_526 = arith.andi %bitcast3A_523, %and3A_525 : vector<16xi32>
          %shift_left3A_527 = arith.constant 16 : i32
          %shift_left3A_528 = vector.broadcast %shift_left3A_527 : i32 to vector<16xi32>
          %shift_left3A_529 = arith.shli %and3A_526, %shift_left3A_528 : vector<16xi32>
          %and3A_530 = arith.constant 32767 : i32
          %and3A_531 = vector.broadcast %and3A_530 : i32 to vector<16xi32>
          %and3A_532 = arith.andi %bitcast3A_523, %and3A_531 : vector<16xi32>
          %shift_left3A_533 = arith.constant 13 : i32
          %shift_left3A_534 = vector.broadcast %shift_left3A_533 : i32 to vector<16xi32>
          %shift_left3A_535 = arith.shli %and3A_532, %shift_left3A_534 : vector<16xi32>
          %or3A_536 = arith.ori %shift_left3A_529, %shift_left3A_535 : vector<16xi32>
          %and3A_537 = arith.constant -2147483648 : i32
          %and3A_538 = vector.broadcast %and3A_537 : i32 to vector<16xi32>
          %and3A_539 = arith.andi %bitcast3A_523, %and3A_538 : vector<16xi32>
          %shift_right_logical3A_540 = arith.constant 3 : i32
          %shift_right_logical3A_541 = vector.broadcast %shift_right_logical3A_540 : i32 to vector<16xi32>
          %shift_right_logical3A_542 = arith.shrui %bitcast3A_523, %shift_right_logical3A_541 : vector<16xi32>
          %and3A_543 = arith.constant 268427264 : i32
          %and3A_544 = vector.broadcast %and3A_543 : i32 to vector<16xi32>
          %and3A_545 = arith.andi %shift_right_logical3A_542, %and3A_544 : vector<16xi32>
          %or3A_546 = arith.ori %and3A_539, %and3A_545 : vector<16xi32>
          %bitcast_convert_type3A_547 = tpu.bitcast %or3A_536 : vector<16xi32> -> vector<16xf32>
          %mul3A_548 = arith.constant 5.19229686E+33 : f32
          %mul3A_549 = vector.broadcast %mul3A_548 : f32 to vector<16xf32>
          %mul3A_550 = arith.mulf %bitcast_convert_type3A_547, %mul3A_549 : vector<16xf32>
          %bitcast_convert_type3A_551 = tpu.bitcast %or3A_546 : vector<16xi32> -> vector<16xf32>
          %mul3A_552 = arith.constant 5.19229686E+33 : f32
          %mul3A_553 = vector.broadcast %mul3A_552 : f32 to vector<16xf32>
          %mul3A_554 = arith.mulf %bitcast_convert_type3A_551, %mul3A_553 : vector<16xf32>
          %scatter3A_555 = arith.constant 0 : i32
          %scatter3A_556 = arith.constant 0 : i32
          %scatter3A_557 = arith.constant 0 : i32
          %scatter3A_558 = arith.constant 0 : i32
          %scatter3A_559 = tpu.memref_slice %arg7[%scatter3A_555, %scatter3A_556, %scatter3A_557, %scatter3A_558] : memref<2x8x50x64xf32, #tpu.memory_space<vmem>> -> memref<1x8x50x64xf32, #tpu.memory_space<vmem>>
          %scatter3A_560 = tpu.memref_squeeze %scatter3A_559 : memref<1x8x50x64xf32, #tpu.memory_space<vmem>> -> memref<8x50x64xf32, #tpu.memory_space<vmem>>
          tpu.vector_store_idx %scatter3A_560[%add3A_188, %add3A_514, %add3A_9], %mul3A_550 : memref<8x50x64xf32, #tpu.memory_space<vmem>>[vector<16xi32>, vector<16xi32>, vector<16xi32>], vector<16xf32>,
          %scatter3A_561 = arith.constant 0 : i32
          %scatter3A_562 = arith.constant 0 : i32
          %scatter3A_563 = arith.constant 0 : i32
          %scatter3A_564 = arith.constant 0 : i32
          %scatter3A_565 = tpu.memref_slice %arg7[%scatter3A_561, %scatter3A_562, %scatter3A_563, %scatter3A_564] : memref<2x8x50x64xf32, #tpu.memory_space<vmem>> -> memref<1x8x50x64xf32, #tpu.memory_space<vmem>>
          %scatter3A_566 = tpu.memref_squeeze %scatter3A_565 : memref<1x8x50x64xf32, #tpu.memory_space<vmem>> -> memref<8x50x64xf32, #tpu.memory_space<vmem>>
          tpu.vector_store_idx %scatter3A_566[%add3A_188, %add3A_514, %add3A_18], %mul3A_554 : memref<8x50x64xf32, #tpu.memory_space<vmem>>[vector<16xi32>, vector<16xi32>, vector<16xi32>], vector<16xf32>,
          %get3A_567 = arith.constant 0 : i32
          %get3A_568 = arith.index_cast %get3A_567 : i32 to index
          %get3A_569 = arith.index_cast %add3A_517 : i32 to index
          %get3A_570 = arith.constant 32 : index
          %get3A_571 = tpu.vector_load %arg6[%get3A_568, %get3A_569, %get3A_570] {strides = array<i32>} : memref<2x400x64xf16, #tpu.memory_space<vmem>>, vector<32xf16>,
          %bitcast3A_572 = vector.bitcast %get3A_571 : vector<32xf16> to vector<16xi32>
          %and3A_573 = arith.constant 32768 : i32
          %and3A_574 = vector.broadcast %and3A_573 : i32 to vector<16xi32>
          %and3A_575 = arith.andi %bitcast3A_572, %and3A_574 : vector<16xi32>
          %shift_left3A_576 = arith.constant 16 : i32
          %shift_left3A_577 = vector.broadcast %shift_left3A_576 : i32 to vector<16xi32>
          %shift_left3A_578 = arith.shli %and3A_575, %shift_left3A_577 : vector<16xi32>
          %and3A_579 = arith.constant 32767 : i32
          %and3A_580 = vector.broadcast %and3A_579 : i32 to vector<16xi32>
          %and3A_581 = arith.andi %bitcast3A_572, %and3A_580 : vector<16xi32>
          %shift_left3A_582 = arith.constant 13 : i32
          %shift_left3A_583 = vector.broadcast %shift_left3A_582 : i32 to vector<16xi32>
          %shift_left3A_584 = arith.shli %and3A_581, %shift_left3A_583 : vector<16xi32>
          %or3A_585 = arith.ori %shift_left3A_578, %shift_left3A_584 : vector<16xi32>
          %and3A_586 = arith.constant -2147483648 : i32
          %and3A_587 = vector.broadcast %and3A_586 : i32 to vector<16xi32>
          %and3A_588 = arith.andi %bitcast3A_572, %and3A_587 : vector<16xi32>
          %shift_right_logical3A_589 = arith.constant 3 : i32
          %shift_right_logical3A_590 = vector.broadcast %shift_right_logical3A_589 : i32 to vector<16xi32>
          %shift_right_logical3A_591 = arith.shrui %bitcast3A_572, %shift_right_logical3A_590 : vector<16xi32>
          %and3A_592 = arith.constant 268427264 : i32
          %and3A_593 = vector.broadcast %and3A_592 : i32 to vector<16xi32>
          %and3A_594 = arith.andi %shift_right_logical3A_591, %and3A_593 : vector<16xi32>
          %or3A_595 = arith.ori %and3A_588, %and3A_594 : vector<16xi32>
          %bitcast_convert_type3A_596 = tpu.bitcast %or3A_585 : vector<16xi32> -> vector<16xf32>
          %mul3A_597 = arith.constant 5.19229686E+33 : f32
          %mul3A_598 = vector.broadcast %mul3A_597 : f32 to vector<16xf32>
          %mul3A_599 = arith.mulf %bitcast_convert_type3A_596, %mul3A_598 : vector<16xf32>
          %bitcast_convert_type3A_600 = tpu.bitcast %or3A_595 : vector<16xi32> -> vector<16xf32>
          %mul3A_601 = arith.constant 5.19229686E+33 : f32
          %mul3A_602 = vector.broadcast %mul3A_601 : f32 to vector<16xf32>
          %mul3A_603 = arith.mulf %bitcast_convert_type3A_600, %mul3A_602 : vector<16xf32>
          %scatter3A_604 = arith.constant 0 : i32
          %scatter3A_605 = arith.constant 0 : i32
          %scatter3A_606 = arith.constant 0 : i32
          %scatter3A_607 = arith.constant 0 : i32
          %scatter3A_608 = tpu.memref_slice %arg7[%scatter3A_604, %scatter3A_605, %scatter3A_606, %scatter3A_607] : memref<2x8x50x64xf32, #tpu.memory_space<vmem>> -> memref<1x8x50x64xf32, #tpu.memory_space<vmem>>
          %scatter3A_609 = tpu.memref_squeeze %scatter3A_608 : memref<1x8x50x64xf32, #tpu.memory_space<vmem>> -> memref<8x50x64xf32, #tpu.memory_space<vmem>>
          tpu.vector_store_idx %scatter3A_609[%add3A_188, %add3A_514, %add3A_24], %mul3A_599 : memref<8x50x64xf32, #tpu.memory_space<vmem>>[vector<16xi32>, vector<16xi32>, vector<16xi32>], vector<16xf32>,
          %scatter3A_610 = arith.constant 0 : i32
          %scatter3A_611 = arith.constant 0 : i32
          %scatter3A_612 = arith.constant 0 : i32
          %scatter3A_613 = arith.constant 0 : i32
          %scatter3A_614 = tpu.memref_slice %arg7[%scatter3A_610, %scatter3A_611, %scatter3A_612, %scatter3A_613] : memref<2x8x50x64xf32, #tpu.memory_space<vmem>> -> memref<1x8x50x64xf32, #tpu.memory_space<vmem>>
          %scatter3A_615 = tpu.memref_squeeze %scatter3A_614 : memref<1x8x50x64xf32, #tpu.memory_space<vmem>> -> memref<8x50x64xf32, #tpu.memory_space<vmem>>
          tpu.vector_store_idx %scatter3A_615[%add3A_188, %add3A_514, %add3A_33], %mul3A_603 : memref<8x50x64xf32, #tpu.memory_space<vmem>>[vector<16xi32>, vector<16xi32>, vector<16xi32>], vector<16xf32>,
          %mul3A_616 = arith.constant 10 : i32
          %mul3A_617 = arith.muli %scan3A_195, %mul3A_616 : i32
          %add3A_618 = arith.constant 4 : i32
          %add3A_619 = arith.addi %mul3A_617, %add3A_618 : i32
          %add3A_620 = vector.broadcast %add3A_619 : i32 to vector<16xi32>
          %add3A_621 = arith.addi %broadcast_in_dim3A_3, %add3A_620 : vector<16xi32>
          %mul3A_622 = arith.constant 50 : i32
          %mul3A_623 = arith.muli %scan3A_186, %mul3A_622 : i32
          %add3A_624 = arith.addi %mul3A_623, %add3A_619 : i32
          %get3A_625 = arith.constant 0 : i32
          %get3A_626 = arith.index_cast %get3A_625 : i32 to index
          %get3A_627 = arith.index_cast %add3A_624 : i32 to index
          %get3A_628 = arith.constant 0 : index
          %get3A_629 = tpu.vector_load %arg6[%get3A_626, %get3A_627, %get3A_628] {strides = array<i32>} : memref<2x400x64xf16, #tpu.memory_space<vmem>>, vector<32xf16>,
          %bitcast3A_630 = vector.bitcast %get3A_629 : vector<32xf16> to vector<16xi32>
          %and3A_631 = arith.constant 32768 : i32
          %and3A_632 = vector.broadcast %and3A_631 : i32 to vector<16xi32>
          %and3A_633 = arith.andi %bitcast3A_630, %and3A_632 : vector<16xi32>
          %shift_left3A_634 = arith.constant 16 : i32
          %shift_left3A_635 = vector.broadcast %shift_left3A_634 : i32 to vector<16xi32>
          %shift_left3A_636 = arith.shli %and3A_633, %shift_left3A_635 : vector<16xi32>
          %and3A_637 = arith.constant 32767 : i32
          %and3A_638 = vector.broadcast %and3A_637 : i32 to vector<16xi32>
          %and3A_639 = arith.andi %bitcast3A_630, %and3A_638 : vector<16xi32>
          %shift_left3A_640 = arith.constant 13 : i32
          %shift_left3A_641 = vector.broadcast %shift_left3A_640 : i32 to vector<16xi32>
          %shift_left3A_642 = arith.shli %and3A_639, %shift_left3A_641 : vector<16xi32>
          %or3A_643 = arith.ori %shift_left3A_636, %shift_left3A_642 : vector<16xi32>
          %and3A_644 = arith.constant -2147483648 : i32
          %and3A_645 = vector.broadcast %and3A_644 : i32 to vector<16xi32>
          %and3A_646 = arith.andi %bitcast3A_630, %and3A_645 : vector<16xi32>
          %shift_right_logical3A_647 = arith.constant 3 : i32
          %shift_right_logical3A_648 = vector.broadcast %shift_right_logical3A_647 : i32 to vector<16xi32>
          %shift_right_logical3A_649 = arith.shrui %bitcast3A_630, %shift_right_logical3A_648 : vector<16xi32>
          %and3A_650 = arith.constant 268427264 : i32
          %and3A_651 = vector.broadcast %and3A_650 : i32 to vector<16xi32>
          %and3A_652 = arith.andi %shift_right_logical3A_649, %and3A_651 : vector<16xi32>
          %or3A_653 = arith.ori %and3A_646, %and3A_652 : vector<16xi32>
          %bitcast_convert_type3A_654 = tpu.bitcast %or3A_643 : vector<16xi32> -> vector<16xf32>
          %mul3A_655 = arith.constant 5.19229686E+33 : f32
          %mul3A_656 = vector.broadcast %mul3A_655 : f32 to vector<16xf32>
          %mul3A_657 = arith.mulf %bitcast_convert_type3A_654, %mul3A_656 : vector<16xf32>
          %bitcast_convert_type3A_658 = tpu.bitcast %or3A_653 : vector<16xi32> -> vector<16xf32>
          %mul3A_659 = arith.constant 5.19229686E+33 : f32
          %mul3A_660 = vector.broadcast %mul3A_659 : f32 to vector<16xf32>
          %mul3A_661 = arith.mulf %bitcast_convert_type3A_658, %mul3A_660 : vector<16xf32>
          %scatter3A_662 = arith.constant 0 : i32
          %scatter3A_663 = arith.constant 0 : i32
          %scatter3A_664 = arith.constant 0 : i32
          %scatter3A_665 = arith.constant 0 : i32
          %scatter3A_666 = tpu.memref_slice %arg7[%scatter3A_662, %scatter3A_663, %scatter3A_664, %scatter3A_665] : memref<2x8x50x64xf32, #tpu.memory_space<vmem>> -> memref<1x8x50x64xf32, #tpu.memory_space<vmem>>
          %scatter3A_667 = tpu.memref_squeeze %scatter3A_666 : memref<1x8x50x64xf32, #tpu.memory_space<vmem>> -> memref<8x50x64xf32, #tpu.memory_space<vmem>>
          tpu.vector_store_idx %scatter3A_667[%add3A_188, %add3A_621, %add3A_9], %mul3A_657 : memref<8x50x64xf32, #tpu.memory_space<vmem>>[vector<16xi32>, vector<16xi32>, vector<16xi32>], vector<16xf32>,
          %scatter3A_668 = arith.constant 0 : i32
          %scatter3A_669 = arith.constant 0 : i32
          %scatter3A_670 = arith.constant 0 : i32
          %scatter3A_671 = arith.constant 0 : i32
          %scatter3A_672 = tpu.memref_slice %arg7[%scatter3A_668, %scatter3A_669, %scatter3A_670, %scatter3A_671] : memref<2x8x50x64xf32, #tpu.memory_space<vmem>> -> memref<1x8x50x64xf32, #tpu.memory_space<vmem>>
          %scatter3A_673 = tpu.memref_squeeze %scatter3A_672 : memref<1x8x50x64xf32, #tpu.memory_space<vmem>> -> memref<8x50x64xf32, #tpu.memory_space<vmem>>
          tpu.vector_store_idx %scatter3A_673[%add3A_188, %add3A_621, %add3A_18], %mul3A_661 : memref<8x50x64xf32, #tpu.memory_space<vmem>>[vector<16xi32>, vector<16xi32>, vector<16xi32>], vector<16xf32>,
          %get3A_674 = arith.constant 0 : i32
          %get3A_675 = arith.index_cast %get3A_674 : i32 to index
          %get3A_676 = arith.index_cast %add3A_624 : i32 to index
          %get3A_677 = arith.constant 32 : index
          %get3A_678 = tpu.vector_load %arg6[%get3A_675, %get3A_676, %get3A_677] {strides = array<i32>} : memref<2x400x64xf16, #tpu.memory_space<vmem>>, vector<32xf16>,
          %bitcast3A_679 = vector.bitcast %get3A_678 : vector<32xf16> to vector<16xi32>
          %and3A_680 = arith.constant 32768 : i32
          %and3A_681 = vector.broadcast %and3A_680 : i32 to vector<16xi32>
          %and3A_682 = arith.andi %bitcast3A_679, %and3A_681 : vector<16xi32>
          %shift_left3A_683 = arith.constant 16 : i32
          %shift_left3A_684 = vector.broadcast %shift_left3A_683 : i32 to vector<16xi32>
          %shift_left3A_685 = arith.shli %and3A_682, %shift_left3A_684 : vector<16xi32>
          %and3A_686 = arith.constant 32767 : i32
          %and3A_687 = vector.broadcast %and3A_686 : i32 to vector<16xi32>
          %and3A_688 = arith.andi %bitcast3A_679, %and3A_687 : vector<16xi32>
          %shift_left3A_689 = arith.constant 13 : i32
          %shift_left3A_690 = vector.broadcast %shift_left3A_689 : i32 to vector<16xi32>
          %shift_left3A_691 = arith.shli %and3A_688, %shift_left3A_690 : vector<16xi32>
          %or3A_692 = arith.ori %shift_left3A_685, %shift_left3A_691 : vector<16xi32>
          %and3A_693 = arith.constant -2147483648 : i32
          %and3A_694 = vector.broadcast %and3A_693 : i32 to vector<16xi32>
          %and3A_695 = arith.andi %bitcast3A_679, %and3A_694 : vector<16xi32>
          %shift_right_logical3A_696 = arith.constant 3 : i32
          %shift_right_logical3A_697 = vector.broadcast %shift_right_logical3A_696 : i32 to vector<16xi32>
          %shift_right_logical3A_698 = arith.shrui %bitcast3A_679, %shift_right_logical3A_697 : vector<16xi32>
          %and3A_699 = arith.constant 268427264 : i32
          %and3A_700 = vector.broadcast %and3A_699 : i32 to vector<16xi32>
          %and3A_701 = arith.andi %shift_right_logical3A_698, %and3A_700 : vector<16xi32>
          %or3A_702 = arith.ori %and3A_695, %and3A_701 : vector<16xi32>
          %bitcast_convert_type3A_703 = tpu.bitcast %or3A_692 : vector<16xi32> -> vector<16xf32>
          %mul3A_704 = arith.constant 5.19229686E+33 : f32
          %mul3A_705 = vector.broadcast %mul3A_704 : f32 to vector<16xf32>
          %mul3A_706 = arith.mulf %bitcast_convert_type3A_703, %mul3A_705 : vector<16xf32>
          %bitcast_convert_type3A_707 = tpu.bitcast %or3A_702 : vector<16xi32> -> vector<16xf32>
          %mul3A_708 = arith.constant 5.19229686E+33 : f32
          %mul3A_709 = vector.broadcast %mul3A_708 : f32 to vector<16xf32>
          %mul3A_710 = arith.mulf %bitcast_convert_type3A_707, %mul3A_709 : vector<16xf32>
          %scatter3A_711 = arith.constant 0 : i32
          %scatter3A_712 = arith.constant 0 : i32
          %scatter3A_713 = arith.constant 0 : i32
          %scatter3A_714 = arith.constant 0 : i32
          %scatter3A_715 = tpu.memref_slice %arg7[%scatter3A_711, %scatter3A_712, %scatter3A_713, %scatter3A_714] : memref<2x8x50x64xf32, #tpu.memory_space<vmem>> -> memref<1x8x50x64xf32, #tpu.memory_space<vmem>>
          %scatter3A_716 = tpu.memref_squeeze %scatter3A_715 : memref<1x8x50x64xf32, #tpu.memory_space<vmem>> -> memref<8x50x64xf32, #tpu.memory_space<vmem>>
          tpu.vector_store_idx %scatter3A_716[%add3A_188, %add3A_621, %add3A_24], %mul3A_706 : memref<8x50x64xf32, #tpu.memory_space<vmem>>[vector<16xi32>, vector<16xi32>, vector<16xi32>], vector<16xf32>,
          %scatter3A_717 = arith.constant 0 : i32
          %scatter3A_718 = arith.constant 0 : i32
          %scatter3A_719 = arith.constant 0 : i32
          %scatter3A_720 = arith.constant 0 : i32
          %scatter3A_721 = tpu.memref_slice %arg7[%scatter3A_717, %scatter3A_718, %scatter3A_719, %scatter3A_720] : memref<2x8x50x64xf32, #tpu.memory_space<vmem>> -> memref<1x8x50x64xf32, #tpu.memory_space<vmem>>
          %scatter3A_722 = tpu.memref_squeeze %scatter3A_721 : memref<1x8x50x64xf32, #tpu.memory_space<vmem>> -> memref<8x50x64xf32, #tpu.memory_space<vmem>>
          tpu.vector_store_idx %scatter3A_722[%add3A_188, %add3A_621, %add3A_33], %mul3A_710 : memref<8x50x64xf32, #tpu.memory_space<vmem>>[vector<16xi32>, vector<16xi32>, vector<16xi32>], vector<16xf32>,
          %mul3A_723 = arith.constant 10 : i32
          %mul3A_724 = arith.muli %scan3A_195, %mul3A_723 : i32
          %add3A_725 = arith.constant 5 : i32
          %add3A_726 = arith.addi %mul3A_724, %add3A_725 : i32
          %add3A_727 = vector.broadcast %add3A_726 : i32 to vector<16xi32>
          %add3A_728 = arith.addi %broadcast_in_dim3A_3, %add3A_727 : vector<16xi32>
          %mul3A_729 = arith.constant 50 : i32
          %mul3A_730 = arith.muli %scan3A_186, %mul3A_729 : i32
          %add3A_731 = arith.addi %mul3A_730, %add3A_726 : i32
          %get3A_732 = arith.constant 0 : i32
          %get3A_733 = arith.index_cast %get3A_732 : i32 to index
          %get3A_734 = arith.index_cast %add3A_731 : i32 to index
          %get3A_735 = arith.constant 0 : index
          %get3A_736 = tpu.vector_load %arg6[%get3A_733, %get3A_734, %get3A_735] {strides = array<i32>} : memref<2x400x64xf16, #tpu.memory_space<vmem>>, vector<32xf16>,
          %bitcast3A_737 = vector.bitcast %get3A_736 : vector<32xf16> to vector<16xi32>
          %and3A_738 = arith.constant 32768 : i32
          %and3A_739 = vector.broadcast %and3A_738 : i32 to vector<16xi32>
          %and3A_740 = arith.andi %bitcast3A_737, %and3A_739 : vector<16xi32>
          %shift_left3A_741 = arith.constant 16 : i32
          %shift_left3A_742 = vector.broadcast %shift_left3A_741 : i32 to vector<16xi32>
          %shift_left3A_743 = arith.shli %and3A_740, %shift_left3A_742 : vector<16xi32>
          %and3A_744 = arith.constant 32767 : i32
          %and3A_745 = vector.broadcast %and3A_744 : i32 to vector<16xi32>
          %and3A_746 = arith.andi %bitcast3A_737, %and3A_745 : vector<16xi32>
          %shift_left3A_747 = arith.constant 13 : i32
          %shift_left3A_748 = vector.broadcast %shift_left3A_747 : i32 to vector<16xi32>
          %shift_left3A_749 = arith.shli %and3A_746, %shift_left3A_748 : vector<16xi32>
          %or3A_750 = arith.ori %shift_left3A_743, %shift_left3A_749 : vector<16xi32>
          %and3A_751 = arith.constant -2147483648 : i32
          %and3A_752 = vector.broadcast %and3A_751 : i32 to vector<16xi32>
          %and3A_753 = arith.andi %bitcast3A_737, %and3A_752 : vector<16xi32>
          %shift_right_logical3A_754 = arith.constant 3 : i32
          %shift_right_logical3A_755 = vector.broadcast %shift_right_logical3A_754 : i32 to vector<16xi32>
          %shift_right_logical3A_756 = arith.shrui %bitcast3A_737, %shift_right_logical3A_755 : vector<16xi32>
          %and3A_757 = arith.constant 268427264 : i32
          %and3A_758 = vector.broadcast %and3A_757 : i32 to vector<16xi32>
          %and3A_759 = arith.andi %shift_right_logical3A_756, %and3A_758 : vector<16xi32>
          %or3A_760 = arith.ori %and3A_753, %and3A_759 : vector<16xi32>
          %bitcast_convert_type3A_761 = tpu.bitcast %or3A_750 : vector<16xi32> -> vector<16xf32>
          %mul3A_762 = arith.constant 5.19229686E+33 : f32
          %mul3A_763 = vector.broadcast %mul3A_762 : f32 to vector<16xf32>
          %mul3A_764 = arith.mulf %bitcast_convert_type3A_761, %mul3A_763 : vector<16xf32>
          %bitcast_convert_type3A_765 = tpu.bitcast %or3A_760 : vector<16xi32> -> vector<16xf32>
          %mul3A_766 = arith.constant 5.19229686E+33 : f32
          %mul3A_767 = vector.broadcast %mul3A_766 : f32 to vector<16xf32>
          %mul3A_768 = arith.mulf %bitcast_convert_type3A_765, %mul3A_767 : vector<16xf32>
          %scatter3A_769 = arith.constant 0 : i32
          %scatter3A_770 = arith.constant 0 : i32
          %scatter3A_771 = arith.constant 0 : i32
          %scatter3A_772 = arith.constant 0 : i32
          %scatter3A_773 = tpu.memref_slice %arg7[%scatter3A_769, %scatter3A_770, %scatter3A_771, %scatter3A_772] : memref<2x8x50x64xf32, #tpu.memory_space<vmem>> -> memref<1x8x50x64xf32, #tpu.memory_space<vmem>>
          %scatter3A_774 = tpu.memref_squeeze %scatter3A_773 : memref<1x8x50x64xf32, #tpu.memory_space<vmem>> -> memref<8x50x64xf32, #tpu.memory_space<vmem>>
          tpu.vector_store_idx %scatter3A_774[%add3A_188, %add3A_728, %add3A_9], %mul3A_764 : memref<8x50x64xf32, #tpu.memory_space<vmem>>[vector<16xi32>, vector<16xi32>, vector<16xi32>], vector<16xf32>,
          %scatter3A_775 = arith.constant 0 : i32
          %scatter3A_776 = arith.constant 0 : i32
          %scatter3A_777 = arith.constant 0 : i32
          %scatter3A_778 = arith.constant 0 : i32
          %scatter3A_779 = tpu.memref_slice %arg7[%scatter3A_775, %scatter3A_776, %scatter3A_777, %scatter3A_778] : memref<2x8x50x64xf32, #tpu.memory_space<vmem>> -> memref<1x8x50x64xf32, #tpu.memory_space<vmem>>
          %scatter3A_780 = tpu.memref_squeeze %scatter3A_779 : memref<1x8x50x64xf32, #tpu.memory_space<vmem>> -> memref<8x50x64xf32, #tpu.memory_space<vmem>>
          tpu.vector_store_idx %scatter3A_780[%add3A_188, %add3A_728, %add3A_18], %mul3A_768 : memref<8x50x64xf32, #tpu.memory_space<vmem>>[vector<16xi32>, vector<16xi32>, vector<16xi32>], vector<16xf32>,
          %get3A_781 = arith.constant 0 : i32
          %get3A_782 = arith.index_cast %get3A_781 : i32 to index
          %get3A_783 = arith.index_cast %add3A_731 : i32 to index
          %get3A_784 = arith.constant 32 : index
          %get3A_785 = tpu.vector_load %arg6[%get3A_782, %get3A_783, %get3A_784] {strides = array<i32>} : memref<2x400x64xf16, #tpu.memory_space<vmem>>, vector<32xf16>,
          %bitcast3A_786 = vector.bitcast %get3A_785 : vector<32xf16> to vector<16xi32>
          %and3A_787 = arith.constant 32768 : i32
          %and3A_788 = vector.broadcast %and3A_787 : i32 to vector<16xi32>
          %and3A_789 = arith.andi %bitcast3A_786, %and3A_788 : vector<16xi32>
          %shift_left3A_790 = arith.constant 16 : i32
          %shift_left3A_791 = vector.broadcast %shift_left3A_790 : i32 to vector<16xi32>
          %shift_left3A_792 = arith.shli %and3A_789, %shift_left3A_791 : vector<16xi32>
          %and3A_793 = arith.constant 32767 : i32
          %and3A_794 = vector.broadcast %and3A_793 : i32 to vector<16xi32>
          %and3A_795 = arith.andi %bitcast3A_786, %and3A_794 : vector<16xi32>
          %shift_left3A_796 = arith.constant 13 : i32
          %shift_left3A_797 = vector.broadcast %shift_left3A_796 : i32 to vector<16xi32>
          %shift_left3A_798 = arith.shli %and3A_795, %shift_left3A_797 : vector<16xi32>
          %or3A_799 = arith.ori %shift_left3A_792, %shift_left3A_798 : vector<16xi32>
          %and3A_800 = arith.constant -2147483648 : i32
          %and3A_801 = vector.broadcast %and3A_800 : i32 to vector<16xi32>
          %and3A_802 = arith.andi %bitcast3A_786, %and3A_801 : vector<16xi32>
          %shift_right_logical3A_803 = arith.constant 3 : i32
          %shift_right_logical3A_804 = vector.broadcast %shift_right_logical3A_803 : i32 to vector<16xi32>
          %shift_right_logical3A_805 = arith.shrui %bitcast3A_786, %shift_right_logical3A_804 : vector<16xi32>
          %and3A_806 = arith.constant 268427264 : i32
          %and3A_807 = vector.broadcast %and3A_806 : i32 to vector<16xi32>
          %and3A_808 = arith.andi %shift_right_logical3A_805, %and3A_807 : vector<16xi32>
          %or3A_809 = arith.ori %and3A_802, %and3A_808 : vector<16xi32>
          %bitcast_convert_type3A_810 = tpu.bitcast %or3A_799 : vector<16xi32> -> vector<16xf32>
          %mul3A_811 = arith.constant 5.19229686E+33 : f32
          %mul3A_812 = vector.broadcast %mul3A_811 : f32 to vector<16xf32>
          %mul3A_813 = arith.mulf %bitcast_convert_type3A_810, %mul3A_812 : vector<16xf32>
          %bitcast_convert_type3A_814 = tpu.bitcast %or3A_809 : vector<16xi32> -> vector<16xf32>
          %mul3A_815 = arith.constant 5.19229686E+33 : f32
          %mul3A_816 = vector.broadcast %mul3A_815 : f32 to vector<16xf32>
          %mul3A_817 = arith.mulf %bitcast_convert_type3A_814, %mul3A_816 : vector<16xf32>
          %scatter3A_818 = arith.constant 0 : i32
          %scatter3A_819 = arith.constant 0 : i32
          %scatter3A_820 = arith.constant 0 : i32
          %scatter3A_821 = arith.constant 0 : i32
          %scatter3A_822 = tpu.memref_slice %arg7[%scatter3A_818, %scatter3A_819, %scatter3A_820, %scatter3A_821] : memref<2x8x50x64xf32, #tpu.memory_space<vmem>> -> memref<1x8x50x64xf32, #tpu.memory_space<vmem>>
          %scatter3A_823 = tpu.memref_squeeze %scatter3A_822 : memref<1x8x50x64xf32, #tpu.memory_space<vmem>> -> memref<8x50x64xf32, #tpu.memory_space<vmem>>
          tpu.vector_store_idx %scatter3A_823[%add3A_188, %add3A_728, %add3A_24], %mul3A_813 : memref<8x50x64xf32, #tpu.memory_space<vmem>>[vector<16xi32>, vector<16xi32>, vector<16xi32>], vector<16xf32>,
          %scatter3A_824 = arith.constant 0 : i32
          %scatter3A_825 = arith.constant 0 : i32
          %scatter3A_826 = arith.constant 0 : i32
          %scatter3A_827 = arith.constant 0 : i32
          %scatter3A_828 = tpu.memref_slice %arg7[%scatter3A_824, %scatter3A_825, %scatter3A_826, %scatter3A_827] : memref<2x8x50x64xf32, #tpu.memory_space<vmem>> -> memref<1x8x50x64xf32, #tpu.memory_space<vmem>>
          %scatter3A_829 = tpu.memref_squeeze %scatter3A_828 : memref<1x8x50x64xf32, #tpu.memory_space<vmem>> -> memref<8x50x64xf32, #tpu.memory_space<vmem>>
          tpu.vector_store_idx %scatter3A_829[%add3A_188, %add3A_728, %add3A_33], %mul3A_817 : memref<8x50x64xf32, #tpu.memory_space<vmem>>[vector<16xi32>, vector<16xi32>, vector<16xi32>], vector<16xf32>,
          %mul3A_830 = arith.constant 10 : i32
          %mul3A_831 = arith.muli %scan3A_195, %mul3A_830 : i32
          %add3A_832 = arith.constant 6 : i32
          %add3A_833 = arith.addi %mul3A_831, %add3A_832 : i32
          %add3A_834 = vector.broadcast %add3A_833 : i32 to vector<16xi32>
          %add3A_835 = arith.addi %broadcast_in_dim3A_3, %add3A_834 : vector<16xi32>
          %mul3A_836 = arith.constant 50 : i32
          %mul3A_837 = arith.muli %scan3A_186, %mul3A_836 : i32
          %add3A_838 = arith.addi %mul3A_837, %add3A_833 : i32
          %get3A_839 = arith.constant 0 : i32
          %get3A_840 = arith.index_cast %get3A_839 : i32 to index
          %get3A_841 = arith.index_cast %add3A_838 : i32 to index
          %get3A_842 = arith.constant 0 : index
          %get3A_843 = tpu.vector_load %arg6[%get3A_840, %get3A_841, %get3A_842] {strides = array<i32>} : memref<2x400x64xf16, #tpu.memory_space<vmem>>, vector<32xf16>,
          %bitcast3A_844 = vector.bitcast %get3A_843 : vector<32xf16> to vector<16xi32>
          %and3A_845 = arith.constant 32768 : i32
          %and3A_846 = vector.broadcast %and3A_845 : i32 to vector<16xi32>
          %and3A_847 = arith.andi %bitcast3A_844, %and3A_846 : vector<16xi32>
          %shift_left3A_848 = arith.constant 16 : i32
          %shift_left3A_849 = vector.broadcast %shift_left3A_848 : i32 to vector<16xi32>
          %shift_left3A_850 = arith.shli %and3A_847, %shift_left3A_849 : vector<16xi32>
          %and3A_851 = arith.constant 32767 : i32
          %and3A_852 = vector.broadcast %and3A_851 : i32 to vector<16xi32>
          %and3A_853 = arith.andi %bitcast3A_844, %and3A_852 : vector<16xi32>
          %shift_left3A_854 = arith.constant 13 : i32
          %shift_left3A_855 = vector.broadcast %shift_left3A_854 : i32 to vector<16xi32>
          %shift_left3A_856 = arith.shli %and3A_853, %shift_left3A_855 : vector<16xi32>
          %or3A_857 = arith.ori %shift_left3A_850, %shift_left3A_856 : vector<16xi32>
          %and3A_858 = arith.constant -2147483648 : i32
          %and3A_859 = vector.broadcast %and3A_858 : i32 to vector<16xi32>
          %and3A_860 = arith.andi %bitcast3A_844, %and3A_859 : vector<16xi32>
          %shift_right_logical3A_861 = arith.constant 3 : i32
          %shift_right_logical3A_862 = vector.broadcast %shift_right_logical3A_861 : i32 to vector<16xi32>
          %shift_right_logical3A_863 = arith.shrui %bitcast3A_844, %shift_right_logical3A_862 : vector<16xi32>
          %and3A_864 = arith.constant 268427264 : i32
          %and3A_865 = vector.broadcast %and3A_864 : i32 to vector<16xi32>
          %and3A_866 = arith.andi %shift_right_logical3A_863, %and3A_865 : vector<16xi32>
          %or3A_867 = arith.ori %and3A_860, %and3A_866 : vector<16xi32>
          %bitcast_convert_type3A_868 = tpu.bitcast %or3A_857 : vector<16xi32> -> vector<16xf32>
          %mul3A_869 = arith.constant 5.19229686E+33 : f32
          %mul3A_870 = vector.broadcast %mul3A_869 : f32 to vector<16xf32>
          %mul3A_871 = arith.mulf %bitcast_convert_type3A_868, %mul3A_870 : vector<16xf32>
          %bitcast_convert_type3A_872 = tpu.bitcast %or3A_867 : vector<16xi32> -> vector<16xf32>
          %mul3A_873 = arith.constant 5.19229686E+33 : f32
          %mul3A_874 = vector.broadcast %mul3A_873 : f32 to vector<16xf32>
          %mul3A_875 = arith.mulf %bitcast_convert_type3A_872, %mul3A_874 : vector<16xf32>
          %scatter3A_876 = arith.constant 0 : i32
          %scatter3A_877 = arith.constant 0 : i32
          %scatter3A_878 = arith.constant 0 : i32
          %scatter3A_879 = arith.constant 0 : i32
          %scatter3A_880 = tpu.memref_slice %arg7[%scatter3A_876, %scatter3A_877, %scatter3A_878, %scatter3A_879] : memref<2x8x50x64xf32, #tpu.memory_space<vmem>> -> memref<1x8x50x64xf32, #tpu.memory_space<vmem>>
          %scatter3A_881 = tpu.memref_squeeze %scatter3A_880 : memref<1x8x50x64xf32, #tpu.memory_space<vmem>> -> memref<8x50x64xf32, #tpu.memory_space<vmem>>
          tpu.vector_store_idx %scatter3A_881[%add3A_188, %add3A_835, %add3A_9], %mul3A_871 : memref<8x50x64xf32, #tpu.memory_space<vmem>>[vector<16xi32>, vector<16xi32>, vector<16xi32>], vector<16xf32>,
          %scatter3A_882 = arith.constant 0 : i32
          %scatter3A_883 = arith.constant 0 : i32
          %scatter3A_884 = arith.constant 0 : i32
          %scatter3A_885 = arith.constant 0 : i32
          %scatter3A_886 = tpu.memref_slice %arg7[%scatter3A_882, %scatter3A_883, %scatter3A_884, %scatter3A_885] : memref<2x8x50x64xf32, #tpu.memory_space<vmem>> -> memref<1x8x50x64xf32, #tpu.memory_space<vmem>>
          %scatter3A_887 = tpu.memref_squeeze %scatter3A_886 : memref<1x8x50x64xf32, #tpu.memory_space<vmem>> -> memref<8x50x64xf32, #tpu.memory_space<vmem>>
          tpu.vector_store_idx %scatter3A_887[%add3A_188, %add3A_835, %add3A_18], %mul3A_875 : memref<8x50x64xf32, #tpu.memory_space<vmem>>[vector<16xi32>, vector<16xi32>, vector<16xi32>], vector<16xf32>,
          %get3A_888 = arith.constant 0 : i32
          %get3A_889 = arith.index_cast %get3A_888 : i32 to index
          %get3A_890 = arith.index_cast %add3A_838 : i32 to index
          %get3A_891 = arith.constant 32 : index
          %get3A_892 = tpu.vector_load %arg6[%get3A_889, %get3A_890, %get3A_891] {strides = array<i32>} : memref<2x400x64xf16, #tpu.memory_space<vmem>>, vector<32xf16>,
          %bitcast3A_893 = vector.bitcast %get3A_892 : vector<32xf16> to vector<16xi32>
          %and3A_894 = arith.constant 32768 : i32
          %and3A_895 = vector.broadcast %and3A_894 : i32 to vector<16xi32>
          %and3A_896 = arith.andi %bitcast3A_893, %and3A_895 : vector<16xi32>
          %shift_left3A_897 = arith.constant 16 : i32
          %shift_left3A_898 = vector.broadcast %shift_left3A_897 : i32 to vector<16xi32>
          %shift_left3A_899 = arith.shli %and3A_896, %shift_left3A_898 : vector<16xi32>
          %and3A_900 = arith.constant 32767 : i32
          %and3A_901 = vector.broadcast %and3A_900 : i32 to vector<16xi32>
          %and3A_902 = arith.andi %bitcast3A_893, %and3A_901 : vector<16xi32>
          %shift_left3A_903 = arith.constant 13 : i32
          %shift_left3A_904 = vector.broadcast %shift_left3A_903 : i32 to vector<16xi32>
          %shift_left3A_905 = arith.shli %and3A_902, %shift_left3A_904 : vector<16xi32>
          %or3A_906 = arith.ori %shift_left3A_899, %shift_left3A_905 : vector<16xi32>
          %and3A_907 = arith.constant -2147483648 : i32
          %and3A_908 = vector.broadcast %and3A_907 : i32 to vector<16xi32>
          %and3A_909 = arith.andi %bitcast3A_893, %and3A_908 : vector<16xi32>
          %shift_right_logical3A_910 = arith.constant 3 : i32
          %shift_right_logical3A_911 = vector.broadcast %shift_right_logical3A_910 : i32 to vector<16xi32>
          %shift_right_logical3A_912 = arith.shrui %bitcast3A_893, %shift_right_logical3A_911 : vector<16xi32>
          %and3A_913 = arith.constant 268427264 : i32
          %and3A_914 = vector.broadcast %and3A_913 : i32 to vector<16xi32>
          %and3A_915 = arith.andi %shift_right_logical3A_912, %and3A_914 : vector<16xi32>
          %or3A_916 = arith.ori %and3A_909, %and3A_915 : vector<16xi32>
          %bitcast_convert_type3A_917 = tpu.bitcast %or3A_906 : vector<16xi32> -> vector<16xf32>
          %mul3A_918 = arith.constant 5.19229686E+33 : f32
          %mul3A_919 = vector.broadcast %mul3A_918 : f32 to vector<16xf32>
          %mul3A_920 = arith.mulf %bitcast_convert_type3A_917, %mul3A_919 : vector<16xf32>
          %bitcast_convert_type3A_921 = tpu.bitcast %or3A_916 : vector<16xi32> -> vector<16xf32>
          %mul3A_922 = arith.constant 5.19229686E+33 : f32
          %mul3A_923 = vector.broadcast %mul3A_922 : f32 to vector<16xf32>
          %mul3A_924 = arith.mulf %bitcast_convert_type3A_921, %mul3A_923 : vector<16xf32>
          %scatter3A_925 = arith.constant 0 : i32
          %scatter3A_926 = arith.constant 0 : i32
          %scatter3A_927 = arith.constant 0 : i32
          %scatter3A_928 = arith.constant 0 : i32
          %scatter3A_929 = tpu.memref_slice %arg7[%scatter3A_925, %scatter3A_926, %scatter3A_927, %scatter3A_928] : memref<2x8x50x64xf32, #tpu.memory_space<vmem>> -> memref<1x8x50x64xf32, #tpu.memory_space<vmem>>
          %scatter3A_930 = tpu.memref_squeeze %scatter3A_929 : memref<1x8x50x64xf32, #tpu.memory_space<vmem>> -> memref<8x50x64xf32, #tpu.memory_space<vmem>>
          tpu.vector_store_idx %scatter3A_930[%add3A_188, %add3A_835, %add3A_24], %mul3A_920 : memref<8x50x64xf32, #tpu.memory_space<vmem>>[vector<16xi32>, vector<16xi32>, vector<16xi32>], vector<16xf32>,
          %scatter3A_931 = arith.constant 0 : i32
          %scatter3A_932 = arith.constant 0 : i32
          %scatter3A_933 = arith.constant 0 : i32
          %scatter3A_934 = arith.constant 0 : i32
          %scatter3A_935 = tpu.memref_slice %arg7[%scatter3A_931, %scatter3A_932, %scatter3A_933, %scatter3A_934] : memref<2x8x50x64xf32, #tpu.memory_space<vmem>> -> memref<1x8x50x64xf32, #tpu.memory_space<vmem>>
          %scatter3A_936 = tpu.memref_squeeze %scatter3A_935 : memref<1x8x50x64xf32, #tpu.memory_space<vmem>> -> memref<8x50x64xf32, #tpu.memory_space<vmem>>
          tpu.vector_store_idx %scatter3A_936[%add3A_188, %add3A_835, %add3A_33], %mul3A_924 : memref<8x50x64xf32, #tpu.memory_space<vmem>>[vector<16xi32>, vector<16xi32>, vector<16xi32>], vector<16xf32>,
          %mul3A_937 = arith.constant 10 : i32
          %mul3A_938 = arith.muli %scan3A_195, %mul3A_937 : i32
          %add3A_939 = arith.constant 7 : i32
          %add3A_940 = arith.addi %mul3A_938, %add3A_939 : i32
          %add3A_941 = vector.broadcast %add3A_940 : i32 to vector<16xi32>
          %add3A_942 = arith.addi %broadcast_in_dim3A_3, %add3A_941 : vector<16xi32>
          %mul3A_943 = arith.constant 50 : i32
          %mul3A_944 = arith.muli %scan3A_186, %mul3A_943 : i32
          %add3A_945 = arith.addi %mul3A_944, %add3A_940 : i32
          %get3A_946 = arith.constant 0 : i32
          %get3A_947 = arith.index_cast %get3A_946 : i32 to index
          %get3A_948 = arith.index_cast %add3A_945 : i32 to index
          %get3A_949 = arith.constant 0 : index
          %get3A_950 = tpu.vector_load %arg6[%get3A_947, %get3A_948, %get3A_949] {strides = array<i32>} : memref<2x400x64xf16, #tpu.memory_space<vmem>>, vector<32xf16>,
          %bitcast3A_951 = vector.bitcast %get3A_950 : vector<32xf16> to vector<16xi32>
          %and3A_952 = arith.constant 32768 : i32
          %and3A_953 = vector.broadcast %and3A_952 : i32 to vector<16xi32>
          %and3A_954 = arith.andi %bitcast3A_951, %and3A_953 : vector<16xi32>
          %shift_left3A_955 = arith.constant 16 : i32
          %shift_left3A_956 = vector.broadcast %shift_left3A_955 : i32 to vector<16xi32>
          %shift_left3A_957 = arith.shli %and3A_954, %shift_left3A_956 : vector<16xi32>
          %and3A_958 = arith.constant 32767 : i32
          %and3A_959 = vector.broadcast %and3A_958 : i32 to vector<16xi32>
          %and3A_960 = arith.andi %bitcast3A_951, %and3A_959 : vector<16xi32>
          %shift_left3A_961 = arith.constant 13 : i32
          %shift_left3A_962 = vector.broadcast %shift_left3A_961 : i32 to vector<16xi32>
          %shift_left3A_963 = arith.shli %and3A_960, %shift_left3A_962 : vector<16xi32>
          %or3A_964 = arith.ori %shift_left3A_957, %shift_left3A_963 : vector<16xi32>
          %and3A_965 = arith.constant -2147483648 : i32
          %and3A_966 = vector.broadcast %and3A_965 : i32 to vector<16xi32>
          %and3A_967 = arith.andi %bitcast3A_951, %and3A_966 : vector<16xi32>
          %shift_right_logical3A_968 = arith.constant 3 : i32
          %shift_right_logical3A_969 = vector.broadcast %shift_right_logical3A_968 : i32 to vector<16xi32>
          %shift_right_logical3A_970 = arith.shrui %bitcast3A_951, %shift_right_logical3A_969 : vector<16xi32>
          %and3A_971 = arith.constant 268427264 : i32
          %and3A_972 = vector.broadcast %and3A_971 : i32 to vector<16xi32>
          %and3A_973 = arith.andi %shift_right_logical3A_970, %and3A_972 : vector<16xi32>
          %or3A_974 = arith.ori %and3A_967, %and3A_973 : vector<16xi32>
          %bitcast_convert_type3A_975 = tpu.bitcast %or3A_964 : vector<16xi32> -> vector<16xf32>
          %mul3A_976 = arith.constant 5.19229686E+33 : f32
          %mul3A_977 = vector.broadcast %mul3A_976 : f32 to vector<16xf32>
          %mul3A_978 = arith.mulf %bitcast_convert_type3A_975, %mul3A_977 : vector<16xf32>
          %bitcast_convert_type3A_979 = tpu.bitcast %or3A_974 : vector<16xi32> -> vector<16xf32>
          %mul3A_980 = arith.constant 5.19229686E+33 : f32
          %mul3A_981 = vector.broadcast %mul3A_980 : f32 to vector<16xf32>
          %mul3A_982 = arith.mulf %bitcast_convert_type3A_979, %mul3A_981 : vector<16xf32>
          %scatter3A_983 = arith.constant 0 : i32
          %scatter3A_984 = arith.constant 0 : i32
          %scatter3A_985 = arith.constant 0 : i32
          %scatter3A_986 = arith.constant 0 : i32
          %scatter3A_987 = tpu.memref_slice %arg7[%scatter3A_983, %scatter3A_984, %scatter3A_985, %scatter3A_986] : memref<2x8x50x64xf32, #tpu.memory_space<vmem>> -> memref<1x8x50x64xf32, #tpu.memory_space<vmem>>
          %scatter3A_988 = tpu.memref_squeeze %scatter3A_987 : memref<1x8x50x64xf32, #tpu.memory_space<vmem>> -> memref<8x50x64xf32, #tpu.memory_space<vmem>>
          tpu.vector_store_idx %scatter3A_988[%add3A_188, %add3A_942, %add3A_9], %mul3A_978 : memref<8x50x64xf32, #tpu.memory_space<vmem>>[vector<16xi32>, vector<16xi32>, vector<16xi32>], vector<16xf32>,
          %scatter3A_989 = arith.constant 0 : i32
          %scatter3A_990 = arith.constant 0 : i32
          %scatter3A_991 = arith.constant 0 : i32
          %scatter3A_992 = arith.constant 0 : i32
          %scatter3A_993 = tpu.memref_slice %arg7[%scatter3A_989, %scatter3A_990, %scatter3A_991, %scatter3A_992] : memref<2x8x50x64xf32, #tpu.memory_space<vmem>> -> memref<1x8x50x64xf32, #tpu.memory_space<vmem>>
          %scatter3A_994 = tpu.memref_squeeze %scatter3A_993 : memref<1x8x50x64xf32, #tpu.memory_space<vmem>> -> memref<8x50x64xf32, #tpu.memory_space<vmem>>
          tpu.vector_store_idx %scatter3A_994[%add3A_188, %add3A_942, %add3A_18], %mul3A_982 : memref<8x50x64xf32, #tpu.memory_space<vmem>>[vector<16xi32>, vector<16xi32>, vector<16xi32>], vector<16xf32>,
          %get3A_995 = arith.constant 0 : i32
          %get3A_996 = arith.index_cast %get3A_995 : i32 to index
          %get3A_997 = arith.index_cast %add3A_945 : i32 to index
          %get3A_998 = arith.constant 32 : index
          %get3A_999 = tpu.vector_load %arg6[%get3A_996, %get3A_997, %get3A_998] {strides = array<i32>} : memref<2x400x64xf16, #tpu.memory_space<vmem>>, vector<32xf16>,
          %bitcast3A_1000 = vector.bitcast %get3A_999 : vector<32xf16> to vector<16xi32>
          %and3A_1001 = arith.constant 32768 : i32
          %and3A_1002 = vector.broadcast %and3A_1001 : i32 to vector<16xi32>
          %and3A_1003 = arith.andi %bitcast3A_1000, %and3A_1002 : vector<16xi32>
          %shift_left3A_1004 = arith.constant 16 : i32
          %shift_left3A_1005 = vector.broadcast %shift_left3A_1004 : i32 to vector<16xi32>
          %shift_left3A_1006 = arith.shli %and3A_1003, %shift_left3A_1005 : vector<16xi32>
          %and3A_1007 = arith.constant 32767 : i32
          %and3A_1008 = vector.broadcast %and3A_1007 : i32 to vector<16xi32>
          %and3A_1009 = arith.andi %bitcast3A_1000, %and3A_1008 : vector<16xi32>
          %shift_left3A_1010 = arith.constant 13 : i32
          %shift_left3A_1011 = vector.broadcast %shift_left3A_1010 : i32 to vector<16xi32>
          %shift_left3A_1012 = arith.shli %and3A_1009, %shift_left3A_1011 : vector<16xi32>
          %or3A_1013 = arith.ori %shift_left3A_1006, %shift_left3A_1012 : vector<16xi32>
          %and3A_1014 = arith.constant -2147483648 : i32
          %and3A_1015 = vector.broadcast %and3A_1014 : i32 to vector<16xi32>
          %and3A_1016 = arith.andi %bitcast3A_1000, %and3A_1015 : vector<16xi32>
          %shift_right_logical3A_1017 = arith.constant 3 : i32
          %shift_right_logical3A_1018 = vector.broadcast %shift_right_logical3A_1017 : i32 to vector<16xi32>
          %shift_right_logical3A_1019 = arith.shrui %bitcast3A_1000, %shift_right_logical3A_1018 : vector<16xi32>
          %and3A_1020 = arith.constant 268427264 : i32
          %and3A_1021 = vector.broadcast %and3A_1020 : i32 to vector<16xi32>
          %and3A_1022 = arith.andi %shift_right_logical3A_1019, %and3A_1021 : vector<16xi32>
          %or3A_1023 = arith.ori %and3A_1016, %and3A_1022 : vector<16xi32>
          %bitcast_convert_type3A_1024 = tpu.bitcast %or3A_1013 : vector<16xi32> -> vector<16xf32>
          %mul3A_1025 = arith.constant 5.19229686E+33 : f32
          %mul3A_1026 = vector.broadcast %mul3A_1025 : f32 to vector<16xf32>
          %mul3A_1027 = arith.mulf %bitcast_convert_type3A_1024, %mul3A_1026 : vector<16xf32>
          %bitcast_convert_type3A_1028 = tpu.bitcast %or3A_1023 : vector<16xi32> -> vector<16xf32>
          %mul3A_1029 = arith.constant 5.19229686E+33 : f32
          %mul3A_1030 = vector.broadcast %mul3A_1029 : f32 to vector<16xf32>
          %mul3A_1031 = arith.mulf %bitcast_convert_type3A_1028, %mul3A_1030 : vector<16xf32>
          %scatter3A_1032 = arith.constant 0 : i32
          %scatter3A_1033 = arith.constant 0 : i32
          %scatter3A_1034 = arith.constant 0 : i32
          %scatter3A_1035 = arith.constant 0 : i32
          %scatter3A_1036 = tpu.memref_slice %arg7[%scatter3A_1032, %scatter3A_1033, %scatter3A_1034, %scatter3A_1035] : memref<2x8x50x64xf32, #tpu.memory_space<vmem>> -> memref<1x8x50x64xf32, #tpu.memory_space<vmem>>
          %scatter3A_1037 = tpu.memref_squeeze %scatter3A_1036 : memref<1x8x50x64xf32, #tpu.memory_space<vmem>> -> memref<8x50x64xf32, #tpu.memory_space<vmem>>
          tpu.vector_store_idx %scatter3A_1037[%add3A_188, %add3A_942, %add3A_24], %mul3A_1027 : memref<8x50x64xf32, #tpu.memory_space<vmem>>[vector<16xi32>, vector<16xi32>, vector<16xi32>], vector<16xf32>,
          %scatter3A_1038 = arith.constant 0 : i32
          %scatter3A_1039 = arith.constant 0 : i32
          %scatter3A_1040 = arith.constant 0 : i32
          %scatter3A_1041 = arith.constant 0 : i32
          %scatter3A_1042 = tpu.memref_slice %arg7[%scatter3A_1038, %scatter3A_1039, %scatter3A_1040, %scatter3A_1041] : memref<2x8x50x64xf32, #tpu.memory_space<vmem>> -> memref<1x8x50x64xf32, #tpu.memory_space<vmem>>
          %scatter3A_1043 = tpu.memref_squeeze %scatter3A_1042 : memref<1x8x50x64xf32, #tpu.memory_space<vmem>> -> memref<8x50x64xf32, #tpu.memory_space<vmem>>
          tpu.vector_store_idx %scatter3A_1043[%add3A_188, %add3A_942, %add3A_33], %mul3A_1031 : memref<8x50x64xf32, #tpu.memory_space<vmem>>[vector<16xi32>, vector<16xi32>, vector<16xi32>], vector<16xf32>,
          %mul3A_1044 = arith.constant 10 : i32
          %mul3A_1045 = arith.muli %scan3A_195, %mul3A_1044 : i32
          %add3A_1046 = arith.constant 8 : i32
          %add3A_1047 = arith.addi %mul3A_1045, %add3A_1046 : i32
          %add3A_1048 = vector.broadcast %add3A_1047 : i32 to vector<16xi32>
          %add3A_1049 = arith.addi %broadcast_in_dim3A_3, %add3A_1048 : vector<16xi32>
          %mul3A_1050 = arith.constant 50 : i32
          %mul3A_1051 = arith.muli %scan3A_186, %mul3A_1050 : i32
          %add3A_1052 = arith.addi %mul3A_1051, %add3A_1047 : i32
          %get3A_1053 = arith.constant 0 : i32
          %get3A_1054 = arith.index_cast %get3A_1053 : i32 to index
          %get3A_1055 = arith.index_cast %add3A_1052 : i32 to index
          %get3A_1056 = arith.constant 0 : index
          %get3A_1057 = tpu.vector_load %arg6[%get3A_1054, %get3A_1055, %get3A_1056] {strides = array<i32>} : memref<2x400x64xf16, #tpu.memory_space<vmem>>, vector<32xf16>,
          %bitcast3A_1058 = vector.bitcast %get3A_1057 : vector<32xf16> to vector<16xi32>
          %and3A_1059 = arith.constant 32768 : i32
          %and3A_1060 = vector.broadcast %and3A_1059 : i32 to vector<16xi32>
          %and3A_1061 = arith.andi %bitcast3A_1058, %and3A_1060 : vector<16xi32>
          %shift_left3A_1062 = arith.constant 16 : i32
          %shift_left3A_1063 = vector.broadcast %shift_left3A_1062 : i32 to vector<16xi32>
          %shift_left3A_1064 = arith.shli %and3A_1061, %shift_left3A_1063 : vector<16xi32>
          %and3A_1065 = arith.constant 32767 : i32
          %and3A_1066 = vector.broadcast %and3A_1065 : i32 to vector<16xi32>
          %and3A_1067 = arith.andi %bitcast3A_1058, %and3A_1066 : vector<16xi32>
          %shift_left3A_1068 = arith.constant 13 : i32
          %shift_left3A_1069 = vector.broadcast %shift_left3A_1068 : i32 to vector<16xi32>
          %shift_left3A_1070 = arith.shli %and3A_1067, %shift_left3A_1069 : vector<16xi32>
          %or3A_1071 = arith.ori %shift_left3A_1064, %shift_left3A_1070 : vector<16xi32>
          %and3A_1072 = arith.constant -2147483648 : i32
          %and3A_1073 = vector.broadcast %and3A_1072 : i32 to vector<16xi32>
          %and3A_1074 = arith.andi %bitcast3A_1058, %and3A_1073 : vector<16xi32>
          %shift_right_logical3A_1075 = arith.constant 3 : i32
          %shift_right_logical3A_1076 = vector.broadcast %shift_right_logical3A_1075 : i32 to vector<16xi32>
          %shift_right_logical3A_1077 = arith.shrui %bitcast3A_1058, %shift_right_logical3A_1076 : vector<16xi32>
          %and3A_1078 = arith.constant 268427264 : i32
          %and3A_1079 = vector.broadcast %and3A_1078 : i32 to vector<16xi32>
          %and3A_1080 = arith.andi %shift_right_logical3A_1077, %and3A_1079 : vector<16xi32>
          %or3A_1081 = arith.ori %and3A_1074, %and3A_1080 : vector<16xi32>
          %bitcast_convert_type3A_1082 = tpu.bitcast %or3A_1071 : vector<16xi32> -> vector<16xf32>
          %mul3A_1083 = arith.constant 5.19229686E+33 : f32
          %mul3A_1084 = vector.broadcast %mul3A_1083 : f32 to vector<16xf32>
          %mul3A_1085 = arith.mulf %bitcast_convert_type3A_1082, %mul3A_1084 : vector<16xf32>
          %bitcast_convert_type3A_1086 = tpu.bitcast %or3A_1081 : vector<16xi32> -> vector<16xf32>
          %mul3A_1087 = arith.constant 5.19229686E+33 : f32
          %mul3A_1088 = vector.broadcast %mul3A_1087 : f32 to vector<16xf32>
          %mul3A_1089 = arith.mulf %bitcast_convert_type3A_1086, %mul3A_1088 : vector<16xf32>
          %scatter3A_1090 = arith.constant 0 : i32
          %scatter3A_1091 = arith.constant 0 : i32
          %scatter3A_1092 = arith.constant 0 : i32
          %scatter3A_1093 = arith.constant 0 : i32
          %scatter3A_1094 = tpu.memref_slice %arg7[%scatter3A_1090, %scatter3A_1091, %scatter3A_1092, %scatter3A_1093] : memref<2x8x50x64xf32, #tpu.memory_space<vmem>> -> memref<1x8x50x64xf32, #tpu.memory_space<vmem>>
          %scatter3A_1095 = tpu.memref_squeeze %scatter3A_1094 : memref<1x8x50x64xf32, #tpu.memory_space<vmem>> -> memref<8x50x64xf32, #tpu.memory_space<vmem>>
          tpu.vector_store_idx %scatter3A_1095[%add3A_188, %add3A_1049, %add3A_9], %mul3A_1085 : memref<8x50x64xf32, #tpu.memory_space<vmem>>[vector<16xi32>, vector<16xi32>, vector<16xi32>], vector<16xf32>,
          %scatter3A_1096 = arith.constant 0 : i32
          %scatter3A_1097 = arith.constant 0 : i32
          %scatter3A_1098 = arith.constant 0 : i32
          %scatter3A_1099 = arith.constant 0 : i32
          %scatter3A_1100 = tpu.memref_slice %arg7[%scatter3A_1096, %scatter3A_1097, %scatter3A_1098, %scatter3A_1099] : memref<2x8x50x64xf32, #tpu.memory_space<vmem>> -> memref<1x8x50x64xf32, #tpu.memory_space<vmem>>
          %scatter3A_1101 = tpu.memref_squeeze %scatter3A_1100 : memref<1x8x50x64xf32, #tpu.memory_space<vmem>> -> memref<8x50x64xf32, #tpu.memory_space<vmem>>
          tpu.vector_store_idx %scatter3A_1101[%add3A_188, %add3A_1049, %add3A_18], %mul3A_1089 : memref<8x50x64xf32, #tpu.memory_space<vmem>>[vector<16xi32>, vector<16xi32>, vector<16xi32>], vector<16xf32>,
          %get3A_1102 = arith.constant 0 : i32
          %get3A_1103 = arith.index_cast %get3A_1102 : i32 to index
          %get3A_1104 = arith.index_cast %add3A_1052 : i32 to index
          %get3A_1105 = arith.constant 32 : index
          %get3A_1106 = tpu.vector_load %arg6[%get3A_1103, %get3A_1104, %get3A_1105] {strides = array<i32>} : memref<2x400x64xf16, #tpu.memory_space<vmem>>, vector<32xf16>,
          %bitcast3A_1107 = vector.bitcast %get3A_1106 : vector<32xf16> to vector<16xi32>
          %and3A_1108 = arith.constant 32768 : i32
          %and3A_1109 = vector.broadcast %and3A_1108 : i32 to vector<16xi32>
          %and3A_1110 = arith.andi %bitcast3A_1107, %and3A_1109 : vector<16xi32>
          %shift_left3A_1111 = arith.constant 16 : i32
          %shift_left3A_1112 = vector.broadcast %shift_left3A_1111 : i32 to vector<16xi32>
          %shift_left3A_1113 = arith.shli %and3A_1110, %shift_left3A_1112 : vector<16xi32>
          %and3A_1114 = arith.constant 32767 : i32
          %and3A_1115 = vector.broadcast %and3A_1114 : i32 to vector<16xi32>
          %and3A_1116 = arith.andi %bitcast3A_1107, %and3A_1115 : vector<16xi32>
          %shift_left3A_1117 = arith.constant 13 : i32
          %shift_left3A_1118 = vector.broadcast %shift_left3A_1117 : i32 to vector<16xi32>
          %shift_left3A_1119 = arith.shli %and3A_1116, %shift_left3A_1118 : vector<16xi32>
          %or3A_1120 = arith.ori %shift_left3A_1113, %shift_left3A_1119 : vector<16xi32>
          %and3A_1121 = arith.constant -2147483648 : i32
          %and3A_1122 = vector.broadcast %and3A_1121 : i32 to vector<16xi32>
          %and3A_1123 = arith.andi %bitcast3A_1107, %and3A_1122 : vector<16xi32>
          %shift_right_logical3A_1124 = arith.constant 3 : i32
          %shift_right_logical3A_1125 = vector.broadcast %shift_right_logical3A_1124 : i32 to vector<16xi32>
          %shift_right_logical3A_1126 = arith.shrui %bitcast3A_1107, %shift_right_logical3A_1125 : vector<16xi32>
          %and3A_1127 = arith.constant 268427264 : i32
          %and3A_1128 = vector.broadcast %and3A_1127 : i32 to vector<16xi32>
          %and3A_1129 = arith.andi %shift_right_logical3A_1126, %and3A_1128 : vector<16xi32>
          %or3A_1130 = arith.ori %and3A_1123, %and3A_1129 : vector<16xi32>
          %bitcast_convert_type3A_1131 = tpu.bitcast %or3A_1120 : vector<16xi32> -> vector<16xf32>
          %mul3A_1132 = arith.constant 5.19229686E+33 : f32
          %mul3A_1133 = vector.broadcast %mul3A_1132 : f32 to vector<16xf32>
          %mul3A_1134 = arith.mulf %bitcast_convert_type3A_1131, %mul3A_1133 : vector<16xf32>
          %bitcast_convert_type3A_1135 = tpu.bitcast %or3A_1130 : vector<16xi32> -> vector<16xf32>
          %mul3A_1136 = arith.constant 5.19229686E+33 : f32
          %mul3A_1137 = vector.broadcast %mul3A_1136 : f32 to vector<16xf32>
          %mul3A_1138 = arith.mulf %bitcast_convert_type3A_1135, %mul3A_1137 : vector<16xf32>
          %scatter3A_1139 = arith.constant 0 : i32
          %scatter3A_1140 = arith.constant 0 : i32
          %scatter3A_1141 = arith.constant 0 : i32
          %scatter3A_1142 = arith.constant 0 : i32
          %scatter3A_1143 = tpu.memref_slice %arg7[%scatter3A_1139, %scatter3A_1140, %scatter3A_1141, %scatter3A_1142] : memref<2x8x50x64xf32, #tpu.memory_space<vmem>> -> memref<1x8x50x64xf32, #tpu.memory_space<vmem>>
          %scatter3A_1144 = tpu.memref_squeeze %scatter3A_1143 : memref<1x8x50x64xf32, #tpu.memory_space<vmem>> -> memref<8x50x64xf32, #tpu.memory_space<vmem>>
          tpu.vector_store_idx %scatter3A_1144[%add3A_188, %add3A_1049, %add3A_24], %mul3A_1134 : memref<8x50x64xf32, #tpu.memory_space<vmem>>[vector<16xi32>, vector<16xi32>, vector<16xi32>], vector<16xf32>,
          %scatter3A_1145 = arith.constant 0 : i32
          %scatter3A_1146 = arith.constant 0 : i32
          %scatter3A_1147 = arith.constant 0 : i32
          %scatter3A_1148 = arith.constant 0 : i32
          %scatter3A_1149 = tpu.memref_slice %arg7[%scatter3A_1145, %scatter3A_1146, %scatter3A_1147, %scatter3A_1148] : memref<2x8x50x64xf32, #tpu.memory_space<vmem>> -> memref<1x8x50x64xf32, #tpu.memory_space<vmem>>
          %scatter3A_1150 = tpu.memref_squeeze %scatter3A_1149 : memref<1x8x50x64xf32, #tpu.memory_space<vmem>> -> memref<8x50x64xf32, #tpu.memory_space<vmem>>
          tpu.vector_store_idx %scatter3A_1150[%add3A_188, %add3A_1049, %add3A_33], %mul3A_1138 : memref<8x50x64xf32, #tpu.memory_space<vmem>>[vector<16xi32>, vector<16xi32>, vector<16xi32>], vector<16xf32>,
          %mul3A_1151 = arith.constant 10 : i32
          %mul3A_1152 = arith.muli %scan3A_195, %mul3A_1151 : i32
          %add3A_1153 = arith.constant 9 : i32
          %add3A_1154 = arith.addi %mul3A_1152, %add3A_1153 : i32
          %add3A_1155 = vector.broadcast %add3A_1154 : i32 to vector<16xi32>
          %add3A_1156 = arith.addi %broadcast_in_dim3A_3, %add3A_1155 : vector<16xi32>
          %mul3A_1157 = arith.constant 50 : i32
          %mul3A_1158 = arith.muli %scan3A_186, %mul3A_1157 : i32
          %add3A_1159 = arith.addi %mul3A_1158, %add3A_1154 : i32
          %get3A_1160 = arith.constant 0 : i32
          %get3A_1161 = arith.index_cast %get3A_1160 : i32 to index
          %get3A_1162 = arith.index_cast %add3A_1159 : i32 to index
          %get3A_1163 = arith.constant 0 : index
          %get3A_1164 = tpu.vector_load %arg6[%get3A_1161, %get3A_1162, %get3A_1163] {strides = array<i32>} : memref<2x400x64xf16, #tpu.memory_space<vmem>>, vector<32xf16>,
          %bitcast3A_1165 = vector.bitcast %get3A_1164 : vector<32xf16> to vector<16xi32>
          %and3A_1166 = arith.constant 32768 : i32
          %and3A_1167 = vector.broadcast %and3A_1166 : i32 to vector<16xi32>
          %and3A_1168 = arith.andi %bitcast3A_1165, %and3A_1167 : vector<16xi32>
          %shift_left3A_1169 = arith.constant 16 : i32
          %shift_left3A_1170 = vector.broadcast %shift_left3A_1169 : i32 to vector<16xi32>
          %shift_left3A_1171 = arith.shli %and3A_1168, %shift_left3A_1170 : vector<16xi32>
          %and3A_1172 = arith.constant 32767 : i32
          %and3A_1173 = vector.broadcast %and3A_1172 : i32 to vector<16xi32>
          %and3A_1174 = arith.andi %bitcast3A_1165, %and3A_1173 : vector<16xi32>
          %shift_left3A_1175 = arith.constant 13 : i32
          %shift_left3A_1176 = vector.broadcast %shift_left3A_1175 : i32 to vector<16xi32>
          %shift_left3A_1177 = arith.shli %and3A_1174, %shift_left3A_1176 : vector<16xi32>
          %or3A_1178 = arith.ori %shift_left3A_1171, %shift_left3A_1177 : vector<16xi32>
          %and3A_1179 = arith.constant -2147483648 : i32
          %and3A_1180 = vector.broadcast %and3A_1179 : i32 to vector<16xi32>
          %and3A_1181 = arith.andi %bitcast3A_1165, %and3A_1180 : vector<16xi32>
          %shift_right_logical3A_1182 = arith.constant 3 : i32
          %shift_right_logical3A_1183 = vector.broadcast %shift_right_logical3A_1182 : i32 to vector<16xi32>
          %shift_right_logical3A_1184 = arith.shrui %bitcast3A_1165, %shift_right_logical3A_1183 : vector<16xi32>
          %and3A_1185 = arith.constant 268427264 : i32
          %and3A_1186 = vector.broadcast %and3A_1185 : i32 to vector<16xi32>
          %and3A_1187 = arith.andi %shift_right_logical3A_1184, %and3A_1186 : vector<16xi32>
          %or3A_1188 = arith.ori %and3A_1181, %and3A_1187 : vector<16xi32>
          %bitcast_convert_type3A_1189 = tpu.bitcast %or3A_1178 : vector<16xi32> -> vector<16xf32>
          %mul3A_1190 = arith.constant 5.19229686E+33 : f32
          %mul3A_1191 = vector.broadcast %mul3A_1190 : f32 to vector<16xf32>
          %mul3A_1192 = arith.mulf %bitcast_convert_type3A_1189, %mul3A_1191 : vector<16xf32>
          %bitcast_convert_type3A_1193 = tpu.bitcast %or3A_1188 : vector<16xi32> -> vector<16xf32>
          %mul3A_1194 = arith.constant 5.19229686E+33 : f32
          %mul3A_1195 = vector.broadcast %mul3A_1194 : f32 to vector<16xf32>
          %mul3A_1196 = arith.mulf %bitcast_convert_type3A_1193, %mul3A_1195 : vector<16xf32>
          %scatter3A_1197 = arith.constant 0 : i32
          %scatter3A_1198 = arith.constant 0 : i32
          %scatter3A_1199 = arith.constant 0 : i32
          %scatter3A_1200 = arith.constant 0 : i32
          %scatter3A_1201 = tpu.memref_slice %arg7[%scatter3A_1197, %scatter3A_1198, %scatter3A_1199, %scatter3A_1200] : memref<2x8x50x64xf32, #tpu.memory_space<vmem>> -> memref<1x8x50x64xf32, #tpu.memory_space<vmem>>
          %scatter3A_1202 = tpu.memref_squeeze %scatter3A_1201 : memref<1x8x50x64xf32, #tpu.memory_space<vmem>> -> memref<8x50x64xf32, #tpu.memory_space<vmem>>
          tpu.vector_store_idx %scatter3A_1202[%add3A_188, %add3A_1156, %add3A_9], %mul3A_1192 : memref<8x50x64xf32, #tpu.memory_space<vmem>>[vector<16xi32>, vector<16xi32>, vector<16xi32>], vector<16xf32>,
          %scatter3A_1203 = arith.constant 0 : i32
          %scatter3A_1204 = arith.constant 0 : i32
          %scatter3A_1205 = arith.constant 0 : i32
          %scatter3A_1206 = arith.constant 0 : i32
          %scatter3A_1207 = tpu.memref_slice %arg7[%scatter3A_1203, %scatter3A_1204, %scatter3A_1205, %scatter3A_1206] : memref<2x8x50x64xf32, #tpu.memory_space<vmem>> -> memref<1x8x50x64xf32, #tpu.memory_space<vmem>>
          %scatter3A_1208 = tpu.memref_squeeze %scatter3A_1207 : memref<1x8x50x64xf32, #tpu.memory_space<vmem>> -> memref<8x50x64xf32, #tpu.memory_space<vmem>>
          tpu.vector_store_idx %scatter3A_1208[%add3A_188, %add3A_1156, %add3A_18], %mul3A_1196 : memref<8x50x64xf32, #tpu.memory_space<vmem>>[vector<16xi32>, vector<16xi32>, vector<16xi32>], vector<16xf32>,
          %get3A_1209 = arith.constant 0 : i32
          %get3A_1210 = arith.index_cast %get3A_1209 : i32 to index
          %get3A_1211 = arith.index_cast %add3A_1159 : i32 to index
          %get3A_1212 = arith.constant 32 : index
          %get3A_1213 = tpu.vector_load %arg6[%get3A_1210, %get3A_1211, %get3A_1212] {strides = array<i32>} : memref<2x400x64xf16, #tpu.memory_space<vmem>>, vector<32xf16>,
          %bitcast3A_1214 = vector.bitcast %get3A_1213 : vector<32xf16> to vector<16xi32>
          %and3A_1215 = arith.constant 32768 : i32
          %and3A_1216 = vector.broadcast %and3A_1215 : i32 to vector<16xi32>
          %and3A_1217 = arith.andi %bitcast3A_1214, %and3A_1216 : vector<16xi32>
          %shift_left3A_1218 = arith.constant 16 : i32
          %shift_left3A_1219 = vector.broadcast %shift_left3A_1218 : i32 to vector<16xi32>
          %shift_left3A_1220 = arith.shli %and3A_1217, %shift_left3A_1219 : vector<16xi32>
          %and3A_1221 = arith.constant 32767 : i32
          %and3A_1222 = vector.broadcast %and3A_1221 : i32 to vector<16xi32>
          %and3A_1223 = arith.andi %bitcast3A_1214, %and3A_1222 : vector<16xi32>
          %shift_left3A_1224 = arith.constant 13 : i32
          %shift_left3A_1225 = vector.broadcast %shift_left3A_1224 : i32 to vector<16xi32>
          %shift_left3A_1226 = arith.shli %and3A_1223, %shift_left3A_1225 : vector<16xi32>
          %or3A_1227 = arith.ori %shift_left3A_1220, %shift_left3A_1226 : vector<16xi32>
          %and3A_1228 = arith.constant -2147483648 : i32
          %and3A_1229 = vector.broadcast %and3A_1228 : i32 to vector<16xi32>
          %and3A_1230 = arith.andi %bitcast3A_1214, %and3A_1229 : vector<16xi32>
          %shift_right_logical3A_1231 = arith.constant 3 : i32
          %shift_right_logical3A_1232 = vector.broadcast %shift_right_logical3A_1231 : i32 to vector<16xi32>
          %shift_right_logical3A_1233 = arith.shrui %bitcast3A_1214, %shift_right_logical3A_1232 : vector<16xi32>
          %and3A_1234 = arith.constant 268427264 : i32
          %and3A_1235 = vector.broadcast %and3A_1234 : i32 to vector<16xi32>
          %and3A_1236 = arith.andi %shift_right_logical3A_1233, %and3A_1235 : vector<16xi32>
          %or3A_1237 = arith.ori %and3A_1230, %and3A_1236 : vector<16xi32>
          %bitcast_convert_type3A_1238 = tpu.bitcast %or3A_1227 : vector<16xi32> -> vector<16xf32>
          %mul3A_1239 = arith.constant 5.19229686E+33 : f32
          %mul3A_1240 = vector.broadcast %mul3A_1239 : f32 to vector<16xf32>
          %mul3A_1241 = arith.mulf %bitcast_convert_type3A_1238, %mul3A_1240 : vector<16xf32>
          %bitcast_convert_type3A_1242 = tpu.bitcast %or3A_1237 : vector<16xi32> -> vector<16xf32>
          %mul3A_1243 = arith.constant 5.19229686E+33 : f32
          %mul3A_1244 = vector.broadcast %mul3A_1243 : f32 to vector<16xf32>
          %mul3A_1245 = arith.mulf %bitcast_convert_type3A_1242, %mul3A_1244 : vector<16xf32>
          %scatter3A_1246 = arith.constant 0 : i32
          %scatter3A_1247 = arith.constant 0 : i32
          %scatter3A_1248 = arith.constant 0 : i32
          %scatter3A_1249 = arith.constant 0 : i32
          %scatter3A_1250 = tpu.memref_slice %arg7[%scatter3A_1246, %scatter3A_1247, %scatter3A_1248, %scatter3A_1249] : memref<2x8x50x64xf32, #tpu.memory_space<vmem>> -> memref<1x8x50x64xf32, #tpu.memory_space<vmem>>
          %scatter3A_1251 = tpu.memref_squeeze %scatter3A_1250 : memref<1x8x50x64xf32, #tpu.memory_space<vmem>> -> memref<8x50x64xf32, #tpu.memory_space<vmem>>
          tpu.vector_store_idx %scatter3A_1251[%add3A_188, %add3A_1156, %add3A_24], %mul3A_1241 : memref<8x50x64xf32, #tpu.memory_space<vmem>>[vector<16xi32>, vector<16xi32>, vector<16xi32>], vector<16xf32>,
          %scatter3A_1252 = arith.constant 0 : i32
          %scatter3A_1253 = arith.constant 0 : i32
          %scatter3A_1254 = arith.constant 0 : i32
          %scatter3A_1255 = arith.constant 0 : i32
          %scatter3A_1256 = tpu.memref_slice %arg7[%scatter3A_1252, %scatter3A_1253, %scatter3A_1254, %scatter3A_1255] : memref<2x8x50x64xf32, #tpu.memory_space<vmem>> -> memref<1x8x50x64xf32, #tpu.memory_space<vmem>>
          %scatter3A_1257 = tpu.memref_squeeze %scatter3A_1256 : memref<1x8x50x64xf32, #tpu.memory_space<vmem>> -> memref<8x50x64xf32, #tpu.memory_space<vmem>>
          tpu.vector_store_idx %scatter3A_1257[%add3A_188, %add3A_1156, %add3A_33], %mul3A_1245 : memref<8x50x64xf32, #tpu.memory_space<vmem>>[vector<16xi32>, vector<16xi32>, vector<16xi32>], vector<16xf32>,
        }
        %scan3A_194 = arith.constant 5 : i32
      }
      %scan3A_112 = arith.constant 8 : i32
      %mul3A_113 = arith.constant 8 : i32
      %mul3A_114 = arith.muli %add3A_87, %mul3A_113 : i32
      %add3A_115 = arith.addi %mul3A_2, %mul3A_114 : i32
      %dma_start3A_116 = arith.constant 0 : i32
      %dma_start3A_117 = arith.constant 0 : i32
      %dma_start3A_118 = arith.constant 0 : i32
      %dma_start3A_119 = arith.constant 0 : i32
      %dma_start3A_120 = tpu.memref_slice %arg7[%dma_start3A_116, %dma_start3A_117, %dma_start3A_118, %dma_start3A_119] : memref<2x8x50x64xf32, #tpu.memory_space<vmem>> -> memref<1x8x50x64xf32, #tpu.memory_space<vmem>>
      %dma_start3A_121 = tpu.memref_squeeze %dma_start3A_120 : memref<1x8x50x64xf32, #tpu.memory_space<vmem>> -> memref<8x50x64xf32, #tpu.memory_space<vmem>>
      %dma_start3A_122 = arith.constant 0 : i32
      %dma_start3A_123 = arith.constant 0 : i32
      %dma_start3A_124 = tpu.memref_slice %arg4[%add3A_115, %dma_start3A_122, %dma_start3A_123] : memref<16384x50x64xf32, #tpu.memory_space<hbm>> -> memref<8x50x64xf32, #tpu.memory_space<hbm>>
      %dma_start3A_125 = arith.constant 0 : i32
      %dma_start3A_126 = arith.constant 0 : i32
      %dma_start3A_127 = tpu.memref_slice %arg4[%add3A_115, %dma_start3A_125, %dma_start3A_126] : memref<16384x50x64xf32, #tpu.memory_space<hbm>> -> memref<8x50x64xf32, #tpu.memory_space<hbm>>
      %dma_start3A_128 = arith.constant 0 : i32
      %dma_start3A_129 = arith.constant 0 : i32
      %dma_start3A_130 = arith.constant 0 : i32
      %dma_start3A_131 = tpu.memref_slice %arg7[%dma_start3A_116, %dma_start3A_128, %dma_start3A_129, %dma_start3A_130] : memref<2x8x50x64xf32, #tpu.memory_space<vmem>> -> memref<1x8x50x64xf32, #tpu.memory_space<vmem>>
      %dma_start3A_132 = tpu.memref_squeeze %dma_start3A_131 : memref<1x8x50x64xf32, #tpu.memory_space<vmem>> -> memref<8x50x64xf32, #tpu.memory_space<vmem>>
      tpu.enqueue_dma source(%dma_start3A_132 : memref<8x50x64xf32, #tpu.memory_space<vmem>>) target(%dma_start3A_127 : memref<8x50x64xf32, #tpu.memory_space<hbm>>) target_semaphore(%arg10 : memref<!tpu.dma_semaphore, #tpu.memory_space<semaphore_mem>>)
      %mul3A_133 = arith.constant 2 : i32
      %mul3A_134 = arith.muli %mul3A_133, %scan3A_83 : i32
      %add3A_135 = arith.constant 1 : i32
      %add3A_136 = arith.addi %mul3A_134, %add3A_135 : i32
      %add3A_137 = arith.constant 1 : i32
      %add3A_138 = arith.addi %add3A_136, %add3A_137 : i32
      %lt3A_139 = arith.constant 64 : i32
      %lt3A_140 = arith.cmpi slt, %add3A_138, %lt3A_139 : i32
      %convert_element_type3A_141 = arith.extui %lt3A_140 : i1 to i32
      %cond3A_142 = arith.constant 0 : i32
      %cond3A_143 = arith.cmpi ne, %convert_element_type3A_141, %cond3A_142 : i32
      scf.if %cond3A_143 {
        %add3A_186 = arith.constant 1 : i32
        %add3A_187 = arith.addi %add3A_136, %add3A_186 : i32
        %mul3A_188 = arith.constant 400 : i32
        %mul3A_189 = arith.muli %add3A_187, %mul3A_188 : i32
        %dma_start3A_190 = arith.constant 0 : i32
        %dma_start3A_191 = arith.constant 0 : i32
        %dma_start3A_192 = arith.constant 0 : i32
        %dma_start3A_193 = tpu.memref_slice %arg6[%dma_start3A_190, %dma_start3A_191, %dma_start3A_192] : memref<2x400x64xf16, #tpu.memory_space<vmem>> -> memref<1x400x64xf16, #tpu.memory_space<vmem>>
        %dma_start3A_194 = tpu.memref_squeeze %dma_start3A_193 : memref<1x400x64xf16, #tpu.memory_space<vmem>> -> memref<400x64xf16, #tpu.memory_space<vmem>>
        %dma_start3A_195 = tpu.memref_slice %arg5[%mul3A_189] : memref<25600xi32, #tpu.memory_space<vmem>> -> memref<400xi32, #tpu.memory_space<vmem>>
        %dma_start3A_196 = arith.constant 0 : i32
        %dma_start3A_197 = arith.constant 0 : i32
        %dma_start3A_198 = tpu.memref_slice %arg3[%dma_start3A_196, %dma_start3A_197] : memref<1000000x64xf16, #tpu.memory_space<hbm>> -> memref<1000000x64xf16, #tpu.memory_space<hbm>>
        tpu.enqueue_indirect_dma source(%dma_start3A_198 : memref<1000000x64xf16, #tpu.memory_space<hbm>>) target(%dma_start3A_194 : memref<400x64xf16, #tpu.memory_space<vmem>>) offsets(%dma_start3A_195 : memref<400xi32, #tpu.memory_space<vmem>>) semaphore(%arg8 : memref<!tpu.dma_semaphore, #tpu.memory_space<semaphore_mem>>)
      } else {
      }
      %mul3A_144 = arith.constant 400 : i32
      %mul3A_145 = arith.muli %add3A_136, %mul3A_144 : i32
      %dma_wait3A_146 = arith.constant 1 : i32
      %dma_wait3A_147 = arith.constant 0 : i32
      %dma_wait3A_148 = arith.constant 0 : i32
      %dma_wait3A_149 = tpu.memref_slice %arg6[%dma_wait3A_146, %dma_wait3A_147, %dma_wait3A_148] : memref<2x400x64xf16, #tpu.memory_space<vmem>> -> memref<1x400x64xf16, #tpu.memory_space<vmem>>
      %dma_wait3A_150 = tpu.memref_squeeze %dma_wait3A_149 : memref<1x400x64xf16, #tpu.memory_space<vmem>> -> memref<400x64xf16, #tpu.memory_space<vmem>>
      %dma_wait3A_151 = tpu.memref_slice %arg5[%mul3A_145] : memref<25600xi32, #tpu.memory_space<vmem>> -> memref<400xi32, #tpu.memory_space<vmem>>
      %dma_wait3A_152 = arith.constant 0 : i32
      %dma_wait3A_153 = arith.constant 0 : i32
      %dma_wait3A_154 = tpu.memref_slice %arg3[%dma_wait3A_152, %dma_wait3A_153] : memref<1000000x64xf16, #tpu.memory_space<hbm>> -> memref<1000000x64xf16, #tpu.memory_space<hbm>>
      tpu.wait_indirect_dma semaphore(%arg9 : memref<!tpu.dma_semaphore, #tpu.memory_space<semaphore_mem>>) src(%dma_wait3A_154 : memref<1000000x64xf16, #tpu.memory_space<hbm>>) dst(%dma_wait3A_150 : memref<400x64xf16, #tpu.memory_space<vmem>>)
      %ge3A_155 = arith.constant 2 : i32
      %ge3A_156 = arith.cmpi sge, %add3A_136, %ge3A_155 : i32
      %convert_element_type3A_157 = arith.extui %ge3A_156 : i1 to i32
      %cond3A_158 = arith.constant 0 : i32
      %cond3A_159 = arith.cmpi ne, %convert_element_type3A_157, %cond3A_158 : i32
      scf.if %cond3A_159 {
        %dma_wait3A_186 = arith.constant 1 : i32
        %dma_wait3A_187 = arith.constant 0 : i32
        %dma_wait3A_188 = arith.constant 0 : i32
        %dma_wait3A_189 = arith.constant 0 : i32
        %dma_wait3A_190 = tpu.memref_slice %arg7[%dma_wait3A_186, %dma_wait3A_187, %dma_wait3A_188, %dma_wait3A_189] : memref<2x8x50x64xf32, #tpu.memory_space<vmem>> -> memref<1x8x50x64xf32, #tpu.memory_space<vmem>>
        %dma_wait3A_191 = tpu.memref_squeeze %dma_wait3A_190 : memref<1x8x50x64xf32, #tpu.memory_space<vmem>> -> memref<8x50x64xf32, #tpu.memory_space<vmem>>
        %dma_wait3A_192 = arith.constant 0 : i32
        %dma_wait3A_193 = arith.constant 0 : i32
        %dma_wait3A_194 = tpu.memref_slice %arg4[%mul3A_2, %dma_wait3A_192, %dma_wait3A_193] : memref<16384x50x64xf32, #tpu.memory_space<hbm>> -> memref<8x50x64xf32, #tpu.memory_space<hbm>>
        %dma_wait3A_195 = arith.constant 0 : i32
        %dma_wait3A_196 = arith.constant 0 : i32
        %dma_wait3A_197 = tpu.memref_slice %arg4[%mul3A_2, %dma_wait3A_195, %dma_wait3A_196] : memref<16384x50x64xf32, #tpu.memory_space<hbm>> -> memref<8x50x64xf32, #tpu.memory_space<hbm>>
        %dma_wait3A_198 = arith.constant 0 : i32
        %dma_wait3A_199 = arith.constant 0 : i32
        %dma_wait3A_200 = arith.constant 0 : i32
        %dma_wait3A_201 = tpu.memref_slice %arg7[%dma_wait3A_186, %dma_wait3A_198, %dma_wait3A_199, %dma_wait3A_200] : memref<2x8x50x64xf32, #tpu.memory_space<vmem>> -> memref<1x8x50x64xf32, #tpu.memory_space<vmem>>
        %dma_wait3A_202 = tpu.memref_squeeze %dma_wait3A_201 : memref<1x8x50x64xf32, #tpu.memory_space<vmem>> -> memref<8x50x64xf32, #tpu.memory_space<vmem>>
        tpu.wait_dma2 semaphore(%arg11 : memref<!tpu.dma_semaphore, #tpu.memory_space<semaphore_mem>>) src(%dma_wait3A_202 : memref<8x50x64xf32, #tpu.memory_space<vmem>>) dst(%dma_wait3A_197 : memref<8x50x64xf32, #tpu.memory_space<hbm>>)
      } else {
      }
      %scan3A_160 = arith.constant 0 : i32
      %scan3A_161 = arith.constant 0 : i32
      %scan3A_162 = arith.constant 8 : i32
      %scan3A_163 = arith.addi %scan3A_161, %scan3A_162 : i32
      %scan3A_164 = arith.constant 1 : i32
      scf.for %scan3A_186 = %scan3A_161 to %scan3A_163 step %scan3A_164  : i32 {
        %add3A_187 = vector.broadcast %scan3A_186 : i32 to vector<16xi32>
        %add3A_188 = arith.addi %broadcast_in_dim3A_3, %add3A_187 : vector<16xi32>
        %scan3A_189 = arith.constant 0 : i32
        %scan3A_190 = arith.constant 0 : i32
        %scan3A_191 = arith.constant 5 : i32
        %scan3A_192 = arith.addi %scan3A_190, %scan3A_191 : i32
        %scan3A_193 = arith.constant 1 : i32
        scf.for %scan3A_195 = %scan3A_190 to %scan3A_192 step %scan3A_193  : i32 {
          %mul3A_196 = arith.constant 10 : i32
          %mul3A_197 = arith.muli %scan3A_195, %mul3A_196 : i32
          %add3A_198 = arith.constant 0 : i32
          %add3A_199 = arith.addi %mul3A_197, %add3A_198 : i32
          %add3A_200 = vector.broadcast %add3A_199 : i32 to vector<16xi32>
          %add3A_201 = arith.addi %broadcast_in_dim3A_3, %add3A_200 : vector<16xi32>
          %mul3A_202 = arith.constant 50 : i32
          %mul3A_203 = arith.muli %scan3A_186, %mul3A_202 : i32
          %add3A_204 = arith.addi %mul3A_203, %add3A_199 : i32
          %get3A = arith.constant 1 : i32
          %get3A_205 = arith.index_cast %get3A : i32 to index
          %get3A_206 = arith.index_cast %add3A_204 : i32 to index
          %get3A_207 = arith.constant 0 : index
          %get3A_208 = tpu.vector_load %arg6[%get3A_205, %get3A_206, %get3A_207] {strides = array<i32>} : memref<2x400x64xf16, #tpu.memory_space<vmem>>, vector<32xf16>,
          %bitcast3A = vector.bitcast %get3A_208 : vector<32xf16> to vector<16xi32>
          %and3A = arith.constant 32768 : i32
          %and3A_209 = vector.broadcast %and3A : i32 to vector<16xi32>
          %and3A_210 = arith.andi %bitcast3A, %and3A_209 : vector<16xi32>
          %shift_left3A = arith.constant 16 : i32
          %shift_left3A_211 = vector.broadcast %shift_left3A : i32 to vector<16xi32>
          %shift_left3A_212 = arith.shli %and3A_210, %shift_left3A_211 : vector<16xi32>
          %and3A_213 = arith.constant 32767 : i32
          %and3A_214 = vector.broadcast %and3A_213 : i32 to vector<16xi32>
          %and3A_215 = arith.andi %bitcast3A, %and3A_214 : vector<16xi32>
          %shift_left3A_216 = arith.constant 13 : i32
          %shift_left3A_217 = vector.broadcast %shift_left3A_216 : i32 to vector<16xi32>
          %shift_left3A_218 = arith.shli %and3A_215, %shift_left3A_217 : vector<16xi32>
          %or3A = arith.ori %shift_left3A_212, %shift_left3A_218 : vector<16xi32>
          %and3A_219 = arith.constant -2147483648 : i32
          %and3A_220 = vector.broadcast %and3A_219 : i32 to vector<16xi32>
          %and3A_221 = arith.andi %bitcast3A, %and3A_220 : vector<16xi32>
          %shift_right_logical3A = arith.constant 3 : i32
          %shift_right_logical3A_222 = vector.broadcast %shift_right_logical3A : i32 to vector<16xi32>
          %shift_right_logical3A_223 = arith.shrui %bitcast3A, %shift_right_logical3A_222 : vector<16xi32>
          %and3A_224 = arith.constant 268427264 : i32
          %and3A_225 = vector.broadcast %and3A_224 : i32 to vector<16xi32>
          %and3A_226 = arith.andi %shift_right_logical3A_223, %and3A_225 : vector<16xi32>
          %or3A_227 = arith.ori %and3A_221, %and3A_226 : vector<16xi32>
          %bitcast_convert_type3A = tpu.bitcast %or3A : vector<16xi32> -> vector<16xf32>
          %mul3A_228 = arith.constant 5.19229686E+33 : f32
          %mul3A_229 = vector.broadcast %mul3A_228 : f32 to vector<16xf32>
          %mul3A_230 = arith.mulf %bitcast_convert_type3A, %mul3A_229 : vector<16xf32>
          %bitcast_convert_type3A_231 = tpu.bitcast %or3A_227 : vector<16xi32> -> vector<16xf32>
          %mul3A_232 = arith.constant 5.19229686E+33 : f32
          %mul3A_233 = vector.broadcast %mul3A_232 : f32 to vector<16xf32>
          %mul3A_234 = arith.mulf %bitcast_convert_type3A_231, %mul3A_233 : vector<16xf32>
          %scatter3A = arith.constant 1 : i32
          %scatter3A_235 = arith.constant 0 : i32
          %scatter3A_236 = arith.constant 0 : i32
          %scatter3A_237 = arith.constant 0 : i32
          %scatter3A_238 = tpu.memref_slice %arg7[%scatter3A, %scatter3A_235, %scatter3A_236, %scatter3A_237] : memref<2x8x50x64xf32, #tpu.memory_space<vmem>> -> memref<1x8x50x64xf32, #tpu.memory_space<vmem>>
          %scatter3A_239 = tpu.memref_squeeze %scatter3A_238 : memref<1x8x50x64xf32, #tpu.memory_space<vmem>> -> memref<8x50x64xf32, #tpu.memory_space<vmem>>
          tpu.vector_store_idx %scatter3A_239[%add3A_188, %add3A_201, %add3A_9], %mul3A_230 : memref<8x50x64xf32, #tpu.memory_space<vmem>>[vector<16xi32>, vector<16xi32>, vector<16xi32>], vector<16xf32>,
          %scatter3A_240 = arith.constant 1 : i32
          %scatter3A_241 = arith.constant 0 : i32
          %scatter3A_242 = arith.constant 0 : i32
          %scatter3A_243 = arith.constant 0 : i32
          %scatter3A_244 = tpu.memref_slice %arg7[%scatter3A_240, %scatter3A_241, %scatter3A_242, %scatter3A_243] : memref<2x8x50x64xf32, #tpu.memory_space<vmem>> -> memref<1x8x50x64xf32, #tpu.memory_space<vmem>>
          %scatter3A_245 = tpu.memref_squeeze %scatter3A_244 : memref<1x8x50x64xf32, #tpu.memory_space<vmem>> -> memref<8x50x64xf32, #tpu.memory_space<vmem>>
          tpu.vector_store_idx %scatter3A_245[%add3A_188, %add3A_201, %add3A_18], %mul3A_234 : memref<8x50x64xf32, #tpu.memory_space<vmem>>[vector<16xi32>, vector<16xi32>, vector<16xi32>], vector<16xf32>,
          %get3A_246 = arith.constant 1 : i32
          %get3A_247 = arith.index_cast %get3A_246 : i32 to index
          %get3A_248 = arith.index_cast %add3A_204 : i32 to index
          %get3A_249 = arith.constant 32 : index
          %get3A_250 = tpu.vector_load %arg6[%get3A_247, %get3A_248, %get3A_249] {strides = array<i32>} : memref<2x400x64xf16, #tpu.memory_space<vmem>>, vector<32xf16>,
          %bitcast3A_251 = vector.bitcast %get3A_250 : vector<32xf16> to vector<16xi32>
          %and3A_252 = arith.constant 32768 : i32
          %and3A_253 = vector.broadcast %and3A_252 : i32 to vector<16xi32>
          %and3A_254 = arith.andi %bitcast3A_251, %and3A_253 : vector<16xi32>
          %shift_left3A_255 = arith.constant 16 : i32
          %shift_left3A_256 = vector.broadcast %shift_left3A_255 : i32 to vector<16xi32>
          %shift_left3A_257 = arith.shli %and3A_254, %shift_left3A_256 : vector<16xi32>
          %and3A_258 = arith.constant 32767 : i32
          %and3A_259 = vector.broadcast %and3A_258 : i32 to vector<16xi32>
          %and3A_260 = arith.andi %bitcast3A_251, %and3A_259 : vector<16xi32>
          %shift_left3A_261 = arith.constant 13 : i32
          %shift_left3A_262 = vector.broadcast %shift_left3A_261 : i32 to vector<16xi32>
          %shift_left3A_263 = arith.shli %and3A_260, %shift_left3A_262 : vector<16xi32>
          %or3A_264 = arith.ori %shift_left3A_257, %shift_left3A_263 : vector<16xi32>
          %and3A_265 = arith.constant -2147483648 : i32
          %and3A_266 = vector.broadcast %and3A_265 : i32 to vector<16xi32>
          %and3A_267 = arith.andi %bitcast3A_251, %and3A_266 : vector<16xi32>
          %shift_right_logical3A_268 = arith.constant 3 : i32
          %shift_right_logical3A_269 = vector.broadcast %shift_right_logical3A_268 : i32 to vector<16xi32>
          %shift_right_logical3A_270 = arith.shrui %bitcast3A_251, %shift_right_logical3A_269 : vector<16xi32>
          %and3A_271 = arith.constant 268427264 : i32
          %and3A_272 = vector.broadcast %and3A_271 : i32 to vector<16xi32>
          %and3A_273 = arith.andi %shift_right_logical3A_270, %and3A_272 : vector<16xi32>
          %or3A_274 = arith.ori %and3A_267, %and3A_273 : vector<16xi32>
          %bitcast_convert_type3A_275 = tpu.bitcast %or3A_264 : vector<16xi32> -> vector<16xf32>
          %mul3A_276 = arith.constant 5.19229686E+33 : f32
          %mul3A_277 = vector.broadcast %mul3A_276 : f32 to vector<16xf32>
          %mul3A_278 = arith.mulf %bitcast_convert_type3A_275, %mul3A_277 : vector<16xf32>
          %bitcast_convert_type3A_279 = tpu.bitcast %or3A_274 : vector<16xi32> -> vector<16xf32>
          %mul3A_280 = arith.constant 5.19229686E+33 : f32
          %mul3A_281 = vector.broadcast %mul3A_280 : f32 to vector<16xf32>
          %mul3A_282 = arith.mulf %bitcast_convert_type3A_279, %mul3A_281 : vector<16xf32>
          %scatter3A_283 = arith.constant 1 : i32
          %scatter3A_284 = arith.constant 0 : i32
          %scatter3A_285 = arith.constant 0 : i32
          %scatter3A_286 = arith.constant 0 : i32
          %scatter3A_287 = tpu.memref_slice %arg7[%scatter3A_283, %scatter3A_284, %scatter3A_285, %scatter3A_286] : memref<2x8x50x64xf32, #tpu.memory_space<vmem>> -> memref<1x8x50x64xf32, #tpu.memory_space<vmem>>
          %scatter3A_288 = tpu.memref_squeeze %scatter3A_287 : memref<1x8x50x64xf32, #tpu.memory_space<vmem>> -> memref<8x50x64xf32, #tpu.memory_space<vmem>>
          tpu.vector_store_idx %scatter3A_288[%add3A_188, %add3A_201, %add3A_24], %mul3A_278 : memref<8x50x64xf32, #tpu.memory_space<vmem>>[vector<16xi32>, vector<16xi32>, vector<16xi32>], vector<16xf32>,
          %scatter3A_289 = arith.constant 1 : i32
          %scatter3A_290 = arith.constant 0 : i32
          %scatter3A_291 = arith.constant 0 : i32
          %scatter3A_292 = arith.constant 0 : i32
          %scatter3A_293 = tpu.memref_slice %arg7[%scatter3A_289, %scatter3A_290, %scatter3A_291, %scatter3A_292] : memref<2x8x50x64xf32, #tpu.memory_space<vmem>> -> memref<1x8x50x64xf32, #tpu.memory_space<vmem>>
          %scatter3A_294 = tpu.memref_squeeze %scatter3A_293 : memref<1x8x50x64xf32, #tpu.memory_space<vmem>> -> memref<8x50x64xf32, #tpu.memory_space<vmem>>
          tpu.vector_store_idx %scatter3A_294[%add3A_188, %add3A_201, %add3A_33], %mul3A_282 : memref<8x50x64xf32, #tpu.memory_space<vmem>>[vector<16xi32>, vector<16xi32>, vector<16xi32>], vector<16xf32>,
          %mul3A_295 = arith.constant 10 : i32
          %mul3A_296 = arith.muli %scan3A_195, %mul3A_295 : i32
          %add3A_297 = arith.constant 1 : i32
          %add3A_298 = arith.addi %mul3A_296, %add3A_297 : i32
          %add3A_299 = vector.broadcast %add3A_298 : i32 to vector<16xi32>
          %add3A_300 = arith.addi %broadcast_in_dim3A_3, %add3A_299 : vector<16xi32>
          %mul3A_301 = arith.constant 50 : i32
          %mul3A_302 = arith.muli %scan3A_186, %mul3A_301 : i32
          %add3A_303 = arith.addi %mul3A_302, %add3A_298 : i32
          %get3A_304 = arith.constant 1 : i32
          %get3A_305 = arith.index_cast %get3A_304 : i32 to index
          %get3A_306 = arith.index_cast %add3A_303 : i32 to index
          %get3A_307 = arith.constant 0 : index
          %get3A_308 = tpu.vector_load %arg6[%get3A_305, %get3A_306, %get3A_307] {strides = array<i32>} : memref<2x400x64xf16, #tpu.memory_space<vmem>>, vector<32xf16>,
          %bitcast3A_309 = vector.bitcast %get3A_308 : vector<32xf16> to vector<16xi32>
          %and3A_310 = arith.constant 32768 : i32
          %and3A_311 = vector.broadcast %and3A_310 : i32 to vector<16xi32>
          %and3A_312 = arith.andi %bitcast3A_309, %and3A_311 : vector<16xi32>
          %shift_left3A_313 = arith.constant 16 : i32
          %shift_left3A_314 = vector.broadcast %shift_left3A_313 : i32 to vector<16xi32>
          %shift_left3A_315 = arith.shli %and3A_312, %shift_left3A_314 : vector<16xi32>
          %and3A_316 = arith.constant 32767 : i32
          %and3A_317 = vector.broadcast %and3A_316 : i32 to vector<16xi32>
          %and3A_318 = arith.andi %bitcast3A_309, %and3A_317 : vector<16xi32>
          %shift_left3A_319 = arith.constant 13 : i32
          %shift_left3A_320 = vector.broadcast %shift_left3A_319 : i32 to vector<16xi32>
          %shift_left3A_321 = arith.shli %and3A_318, %shift_left3A_320 : vector<16xi32>
          %or3A_322 = arith.ori %shift_left3A_315, %shift_left3A_321 : vector<16xi32>
          %and3A_323 = arith.constant -2147483648 : i32
          %and3A_324 = vector.broadcast %and3A_323 : i32 to vector<16xi32>
          %and3A_325 = arith.andi %bitcast3A_309, %and3A_324 : vector<16xi32>
          %shift_right_logical3A_326 = arith.constant 3 : i32
          %shift_right_logical3A_327 = vector.broadcast %shift_right_logical3A_326 : i32 to vector<16xi32>
          %shift_right_logical3A_328 = arith.shrui %bitcast3A_309, %shift_right_logical3A_327 : vector<16xi32>
          %and3A_329 = arith.constant 268427264 : i32
          %and3A_330 = vector.broadcast %and3A_329 : i32 to vector<16xi32>
          %and3A_331 = arith.andi %shift_right_logical3A_328, %and3A_330 : vector<16xi32>
          %or3A_332 = arith.ori %and3A_325, %and3A_331 : vector<16xi32>
          %bitcast_convert_type3A_333 = tpu.bitcast %or3A_322 : vector<16xi32> -> vector<16xf32>
          %mul3A_334 = arith.constant 5.19229686E+33 : f32
          %mul3A_335 = vector.broadcast %mul3A_334 : f32 to vector<16xf32>
          %mul3A_336 = arith.mulf %bitcast_convert_type3A_333, %mul3A_335 : vector<16xf32>
          %bitcast_convert_type3A_337 = tpu.bitcast %or3A_332 : vector<16xi32> -> vector<16xf32>
          %mul3A_338 = arith.constant 5.19229686E+33 : f32
          %mul3A_339 = vector.broadcast %mul3A_338 : f32 to vector<16xf32>
          %mul3A_340 = arith.mulf %bitcast_convert_type3A_337, %mul3A_339 : vector<16xf32>
          %scatter3A_341 = arith.constant 1 : i32
          %scatter3A_342 = arith.constant 0 : i32
          %scatter3A_343 = arith.constant 0 : i32
          %scatter3A_344 = arith.constant 0 : i32
          %scatter3A_345 = tpu.memref_slice %arg7[%scatter3A_341, %scatter3A_342, %scatter3A_343, %scatter3A_344] : memref<2x8x50x64xf32, #tpu.memory_space<vmem>> -> memref<1x8x50x64xf32, #tpu.memory_space<vmem>>
          %scatter3A_346 = tpu.memref_squeeze %scatter3A_345 : memref<1x8x50x64xf32, #tpu.memory_space<vmem>> -> memref<8x50x64xf32, #tpu.memory_space<vmem>>
          tpu.vector_store_idx %scatter3A_346[%add3A_188, %add3A_300, %add3A_9], %mul3A_336 : memref<8x50x64xf32, #tpu.memory_space<vmem>>[vector<16xi32>, vector<16xi32>, vector<16xi32>], vector<16xf32>,
          %scatter3A_347 = arith.constant 1 : i32
          %scatter3A_348 = arith.constant 0 : i32
          %scatter3A_349 = arith.constant 0 : i32
          %scatter3A_350 = arith.constant 0 : i32
          %scatter3A_351 = tpu.memref_slice %arg7[%scatter3A_347, %scatter3A_348, %scatter3A_349, %scatter3A_350] : memref<2x8x50x64xf32, #tpu.memory_space<vmem>> -> memref<1x8x50x64xf32, #tpu.memory_space<vmem>>
          %scatter3A_352 = tpu.memref_squeeze %scatter3A_351 : memref<1x8x50x64xf32, #tpu.memory_space<vmem>> -> memref<8x50x64xf32, #tpu.memory_space<vmem>>
          tpu.vector_store_idx %scatter3A_352[%add3A_188, %add3A_300, %add3A_18], %mul3A_340 : memref<8x50x64xf32, #tpu.memory_space<vmem>>[vector<16xi32>, vector<16xi32>, vector<16xi32>], vector<16xf32>,
          %get3A_353 = arith.constant 1 : i32
          %get3A_354 = arith.index_cast %get3A_353 : i32 to index
          %get3A_355 = arith.index_cast %add3A_303 : i32 to index
          %get3A_356 = arith.constant 32 : index
          %get3A_357 = tpu.vector_load %arg6[%get3A_354, %get3A_355, %get3A_356] {strides = array<i32>} : memref<2x400x64xf16, #tpu.memory_space<vmem>>, vector<32xf16>,
          %bitcast3A_358 = vector.bitcast %get3A_357 : vector<32xf16> to vector<16xi32>
          %and3A_359 = arith.constant 32768 : i32
          %and3A_360 = vector.broadcast %and3A_359 : i32 to vector<16xi32>
          %and3A_361 = arith.andi %bitcast3A_358, %and3A_360 : vector<16xi32>
          %shift_left3A_362 = arith.constant 16 : i32
          %shift_left3A_363 = vector.broadcast %shift_left3A_362 : i32 to vector<16xi32>
          %shift_left3A_364 = arith.shli %and3A_361, %shift_left3A_363 : vector<16xi32>
          %and3A_365 = arith.constant 32767 : i32
          %and3A_366 = vector.broadcast %and3A_365 : i32 to vector<16xi32>
          %and3A_367 = arith.andi %bitcast3A_358, %and3A_366 : vector<16xi32>
          %shift_left3A_368 = arith.constant 13 : i32
          %shift_left3A_369 = vector.broadcast %shift_left3A_368 : i32 to vector<16xi32>
          %shift_left3A_370 = arith.shli %and3A_367, %shift_left3A_369 : vector<16xi32>
          %or3A_371 = arith.ori %shift_left3A_364, %shift_left3A_370 : vector<16xi32>
          %and3A_372 = arith.constant -2147483648 : i32
          %and3A_373 = vector.broadcast %and3A_372 : i32 to vector<16xi32>
          %and3A_374 = arith.andi %bitcast3A_358, %and3A_373 : vector<16xi32>
          %shift_right_logical3A_375 = arith.constant 3 : i32
          %shift_right_logical3A_376 = vector.broadcast %shift_right_logical3A_375 : i32 to vector<16xi32>
          %shift_right_logical3A_377 = arith.shrui %bitcast3A_358, %shift_right_logical3A_376 : vector<16xi32>
          %and3A_378 = arith.constant 268427264 : i32
          %and3A_379 = vector.broadcast %and3A_378 : i32 to vector<16xi32>
          %and3A_380 = arith.andi %shift_right_logical3A_377, %and3A_379 : vector<16xi32>
          %or3A_381 = arith.ori %and3A_374, %and3A_380 : vector<16xi32>
          %bitcast_convert_type3A_382 = tpu.bitcast %or3A_371 : vector<16xi32> -> vector<16xf32>
          %mul3A_383 = arith.constant 5.19229686E+33 : f32
          %mul3A_384 = vector.broadcast %mul3A_383 : f32 to vector<16xf32>
          %mul3A_385 = arith.mulf %bitcast_convert_type3A_382, %mul3A_384 : vector<16xf32>
          %bitcast_convert_type3A_386 = tpu.bitcast %or3A_381 : vector<16xi32> -> vector<16xf32>
          %mul3A_387 = arith.constant 5.19229686E+33 : f32
          %mul3A_388 = vector.broadcast %mul3A_387 : f32 to vector<16xf32>
          %mul3A_389 = arith.mulf %bitcast_convert_type3A_386, %mul3A_388 : vector<16xf32>
          %scatter3A_390 = arith.constant 1 : i32
          %scatter3A_391 = arith.constant 0 : i32
          %scatter3A_392 = arith.constant 0 : i32
          %scatter3A_393 = arith.constant 0 : i32
          %scatter3A_394 = tpu.memref_slice %arg7[%scatter3A_390, %scatter3A_391, %scatter3A_392, %scatter3A_393] : memref<2x8x50x64xf32, #tpu.memory_space<vmem>> -> memref<1x8x50x64xf32, #tpu.memory_space<vmem>>
          %scatter3A_395 = tpu.memref_squeeze %scatter3A_394 : memref<1x8x50x64xf32, #tpu.memory_space<vmem>> -> memref<8x50x64xf32, #tpu.memory_space<vmem>>
          tpu.vector_store_idx %scatter3A_395[%add3A_188, %add3A_300, %add3A_24], %mul3A_385 : memref<8x50x64xf32, #tpu.memory_space<vmem>>[vector<16xi32>, vector<16xi32>, vector<16xi32>], vector<16xf32>,
          %scatter3A_396 = arith.constant 1 : i32
          %scatter3A_397 = arith.constant 0 : i32
          %scatter3A_398 = arith.constant 0 : i32
          %scatter3A_399 = arith.constant 0 : i32
          %scatter3A_400 = tpu.memref_slice %arg7[%scatter3A_396, %scatter3A_397, %scatter3A_398, %scatter3A_399] : memref<2x8x50x64xf32, #tpu.memory_space<vmem>> -> memref<1x8x50x64xf32, #tpu.memory_space<vmem>>
          %scatter3A_401 = tpu.memref_squeeze %scatter3A_400 : memref<1x8x50x64xf32, #tpu.memory_space<vmem>> -> memref<8x50x64xf32, #tpu.memory_space<vmem>>
          tpu.vector_store_idx %scatter3A_401[%add3A_188, %add3A_300, %add3A_33], %mul3A_389 : memref<8x50x64xf32, #tpu.memory_space<vmem>>[vector<16xi32>, vector<16xi32>, vector<16xi32>], vector<16xf32>,
          %mul3A_402 = arith.constant 10 : i32
          %mul3A_403 = arith.muli %scan3A_195, %mul3A_402 : i32
          %add3A_404 = arith.constant 2 : i32
          %add3A_405 = arith.addi %mul3A_403, %add3A_404 : i32
          %add3A_406 = vector.broadcast %add3A_405 : i32 to vector<16xi32>
          %add3A_407 = arith.addi %broadcast_in_dim3A_3, %add3A_406 : vector<16xi32>
          %mul3A_408 = arith.constant 50 : i32
          %mul3A_409 = arith.muli %scan3A_186, %mul3A_408 : i32
          %add3A_410 = arith.addi %mul3A_409, %add3A_405 : i32
          %get3A_411 = arith.constant 1 : i32
          %get3A_412 = arith.index_cast %get3A_411 : i32 to index
          %get3A_413 = arith.index_cast %add3A_410 : i32 to index
          %get3A_414 = arith.constant 0 : index
          %get3A_415 = tpu.vector_load %arg6[%get3A_412, %get3A_413, %get3A_414] {strides = array<i32>} : memref<2x400x64xf16, #tpu.memory_space<vmem>>, vector<32xf16>,
          %bitcast3A_416 = vector.bitcast %get3A_415 : vector<32xf16> to vector<16xi32>
          %and3A_417 = arith.constant 32768 : i32
          %and3A_418 = vector.broadcast %and3A_417 : i32 to vector<16xi32>
          %and3A_419 = arith.andi %bitcast3A_416, %and3A_418 : vector<16xi32>
          %shift_left3A_420 = arith.constant 16 : i32
          %shift_left3A_421 = vector.broadcast %shift_left3A_420 : i32 to vector<16xi32>
          %shift_left3A_422 = arith.shli %and3A_419, %shift_left3A_421 : vector<16xi32>
          %and3A_423 = arith.constant 32767 : i32
          %and3A_424 = vector.broadcast %and3A_423 : i32 to vector<16xi32>
          %and3A_425 = arith.andi %bitcast3A_416, %and3A_424 : vector<16xi32>
          %shift_left3A_426 = arith.constant 13 : i32
          %shift_left3A_427 = vector.broadcast %shift_left3A_426 : i32 to vector<16xi32>
          %shift_left3A_428 = arith.shli %and3A_425, %shift_left3A_427 : vector<16xi32>
          %or3A_429 = arith.ori %shift_left3A_422, %shift_left3A_428 : vector<16xi32>
          %and3A_430 = arith.constant -2147483648 : i32
          %and3A_431 = vector.broadcast %and3A_430 : i32 to vector<16xi32>
          %and3A_432 = arith.andi %bitcast3A_416, %and3A_431 : vector<16xi32>
          %shift_right_logical3A_433 = arith.constant 3 : i32
          %shift_right_logical3A_434 = vector.broadcast %shift_right_logical3A_433 : i32 to vector<16xi32>
          %shift_right_logical3A_435 = arith.shrui %bitcast3A_416, %shift_right_logical3A_434 : vector<16xi32>
          %and3A_436 = arith.constant 268427264 : i32
          %and3A_437 = vector.broadcast %and3A_436 : i32 to vector<16xi32>
          %and3A_438 = arith.andi %shift_right_logical3A_435, %and3A_437 : vector<16xi32>
          %or3A_439 = arith.ori %and3A_432, %and3A_438 : vector<16xi32>
          %bitcast_convert_type3A_440 = tpu.bitcast %or3A_429 : vector<16xi32> -> vector<16xf32>
          %mul3A_441 = arith.constant 5.19229686E+33 : f32
          %mul3A_442 = vector.broadcast %mul3A_441 : f32 to vector<16xf32>
          %mul3A_443 = arith.mulf %bitcast_convert_type3A_440, %mul3A_442 : vector<16xf32>
          %bitcast_convert_type3A_444 = tpu.bitcast %or3A_439 : vector<16xi32> -> vector<16xf32>
          %mul3A_445 = arith.constant 5.19229686E+33 : f32
          %mul3A_446 = vector.broadcast %mul3A_445 : f32 to vector<16xf32>
          %mul3A_447 = arith.mulf %bitcast_convert_type3A_444, %mul3A_446 : vector<16xf32>
          %scatter3A_448 = arith.constant 1 : i32
          %scatter3A_449 = arith.constant 0 : i32
          %scatter3A_450 = arith.constant 0 : i32
          %scatter3A_451 = arith.constant 0 : i32
          %scatter3A_452 = tpu.memref_slice %arg7[%scatter3A_448, %scatter3A_449, %scatter3A_450, %scatter3A_451] : memref<2x8x50x64xf32, #tpu.memory_space<vmem>> -> memref<1x8x50x64xf32, #tpu.memory_space<vmem>>
          %scatter3A_453 = tpu.memref_squeeze %scatter3A_452 : memref<1x8x50x64xf32, #tpu.memory_space<vmem>> -> memref<8x50x64xf32, #tpu.memory_space<vmem>>
          tpu.vector_store_idx %scatter3A_453[%add3A_188, %add3A_407, %add3A_9], %mul3A_443 : memref<8x50x64xf32, #tpu.memory_space<vmem>>[vector<16xi32>, vector<16xi32>, vector<16xi32>], vector<16xf32>,
          %scatter3A_454 = arith.constant 1 : i32
          %scatter3A_455 = arith.constant 0 : i32
          %scatter3A_456 = arith.constant 0 : i32
          %scatter3A_457 = arith.constant 0 : i32
          %scatter3A_458 = tpu.memref_slice %arg7[%scatter3A_454, %scatter3A_455, %scatter3A_456, %scatter3A_457] : memref<2x8x50x64xf32, #tpu.memory_space<vmem>> -> memref<1x8x50x64xf32, #tpu.memory_space<vmem>>
          %scatter3A_459 = tpu.memref_squeeze %scatter3A_458 : memref<1x8x50x64xf32, #tpu.memory_space<vmem>> -> memref<8x50x64xf32, #tpu.memory_space<vmem>>
          tpu.vector_store_idx %scatter3A_459[%add3A_188, %add3A_407, %add3A_18], %mul3A_447 : memref<8x50x64xf32, #tpu.memory_space<vmem>>[vector<16xi32>, vector<16xi32>, vector<16xi32>], vector<16xf32>,
          %get3A_460 = arith.constant 1 : i32
          %get3A_461 = arith.index_cast %get3A_460 : i32 to index
          %get3A_462 = arith.index_cast %add3A_410 : i32 to index
          %get3A_463 = arith.constant 32 : index
          %get3A_464 = tpu.vector_load %arg6[%get3A_461, %get3A_462, %get3A_463] {strides = array<i32>} : memref<2x400x64xf16, #tpu.memory_space<vmem>>, vector<32xf16>,
          %bitcast3A_465 = vector.bitcast %get3A_464 : vector<32xf16> to vector<16xi32>
          %and3A_466 = arith.constant 32768 : i32
          %and3A_467 = vector.broadcast %and3A_466 : i32 to vector<16xi32>
          %and3A_468 = arith.andi %bitcast3A_465, %and3A_467 : vector<16xi32>
          %shift_left3A_469 = arith.constant 16 : i32
          %shift_left3A_470 = vector.broadcast %shift_left3A_469 : i32 to vector<16xi32>
          %shift_left3A_471 = arith.shli %and3A_468, %shift_left3A_470 : vector<16xi32>
          %and3A_472 = arith.constant 32767 : i32
          %and3A_473 = vector.broadcast %and3A_472 : i32 to vector<16xi32>
          %and3A_474 = arith.andi %bitcast3A_465, %and3A_473 : vector<16xi32>
          %shift_left3A_475 = arith.constant 13 : i32
          %shift_left3A_476 = vector.broadcast %shift_left3A_475 : i32 to vector<16xi32>
          %shift_left3A_477 = arith.shli %and3A_474, %shift_left3A_476 : vector<16xi32>
          %or3A_478 = arith.ori %shift_left3A_471, %shift_left3A_477 : vector<16xi32>
          %and3A_479 = arith.constant -2147483648 : i32
          %and3A_480 = vector.broadcast %and3A_479 : i32 to vector<16xi32>
          %and3A_481 = arith.andi %bitcast3A_465, %and3A_480 : vector<16xi32>
          %shift_right_logical3A_482 = arith.constant 3 : i32
          %shift_right_logical3A_483 = vector.broadcast %shift_right_logical3A_482 : i32 to vector<16xi32>
          %shift_right_logical3A_484 = arith.shrui %bitcast3A_465, %shift_right_logical3A_483 : vector<16xi32>
          %and3A_485 = arith.constant 268427264 : i32
          %and3A_486 = vector.broadcast %and3A_485 : i32 to vector<16xi32>
          %and3A_487 = arith.andi %shift_right_logical3A_484, %and3A_486 : vector<16xi32>
          %or3A_488 = arith.ori %and3A_481, %and3A_487 : vector<16xi32>
          %bitcast_convert_type3A_489 = tpu.bitcast %or3A_478 : vector<16xi32> -> vector<16xf32>
          %mul3A_490 = arith.constant 5.19229686E+33 : f32
          %mul3A_491 = vector.broadcast %mul3A_490 : f32 to vector<16xf32>
          %mul3A_492 = arith.mulf %bitcast_convert_type3A_489, %mul3A_491 : vector<16xf32>
          %bitcast_convert_type3A_493 = tpu.bitcast %or3A_488 : vector<16xi32> -> vector<16xf32>
          %mul3A_494 = arith.constant 5.19229686E+33 : f32
          %mul3A_495 = vector.broadcast %mul3A_494 : f32 to vector<16xf32>
          %mul3A_496 = arith.mulf %bitcast_convert_type3A_493, %mul3A_495 : vector<16xf32>
          %scatter3A_497 = arith.constant 1 : i32
          %scatter3A_498 = arith.constant 0 : i32
          %scatter3A_499 = arith.constant 0 : i32
          %scatter3A_500 = arith.constant 0 : i32
          %scatter3A_501 = tpu.memref_slice %arg7[%scatter3A_497, %scatter3A_498, %scatter3A_499, %scatter3A_500] : memref<2x8x50x64xf32, #tpu.memory_space<vmem>> -> memref<1x8x50x64xf32, #tpu.memory_space<vmem>>
          %scatter3A_502 = tpu.memref_squeeze %scatter3A_501 : memref<1x8x50x64xf32, #tpu.memory_space<vmem>> -> memref<8x50x64xf32, #tpu.memory_space<vmem>>
          tpu.vector_store_idx %scatter3A_502[%add3A_188, %add3A_407, %add3A_24], %mul3A_492 : memref<8x50x64xf32, #tpu.memory_space<vmem>>[vector<16xi32>, vector<16xi32>, vector<16xi32>], vector<16xf32>,
          %scatter3A_503 = arith.constant 1 : i32
          %scatter3A_504 = arith.constant 0 : i32
          %scatter3A_505 = arith.constant 0 : i32
          %scatter3A_506 = arith.constant 0 : i32
          %scatter3A_507 = tpu.memref_slice %arg7[%scatter3A_503, %scatter3A_504, %scatter3A_505, %scatter3A_506] : memref<2x8x50x64xf32, #tpu.memory_space<vmem>> -> memref<1x8x50x64xf32, #tpu.memory_space<vmem>>
          %scatter3A_508 = tpu.memref_squeeze %scatter3A_507 : memref<1x8x50x64xf32, #tpu.memory_space<vmem>> -> memref<8x50x64xf32, #tpu.memory_space<vmem>>
          tpu.vector_store_idx %scatter3A_508[%add3A_188, %add3A_407, %add3A_33], %mul3A_496 : memref<8x50x64xf32, #tpu.memory_space<vmem>>[vector<16xi32>, vector<16xi32>, vector<16xi32>], vector<16xf32>,
          %mul3A_509 = arith.constant 10 : i32
          %mul3A_510 = arith.muli %scan3A_195, %mul3A_509 : i32
          %add3A_511 = arith.constant 3 : i32
          %add3A_512 = arith.addi %mul3A_510, %add3A_511 : i32
          %add3A_513 = vector.broadcast %add3A_512 : i32 to vector<16xi32>
          %add3A_514 = arith.addi %broadcast_in_dim3A_3, %add3A_513 : vector<16xi32>
          %mul3A_515 = arith.constant 50 : i32
          %mul3A_516 = arith.muli %scan3A_186, %mul3A_515 : i32
          %add3A_517 = arith.addi %mul3A_516, %add3A_512 : i32
          %get3A_518 = arith.constant 1 : i32
          %get3A_519 = arith.index_cast %get3A_518 : i32 to index
          %get3A_520 = arith.index_cast %add3A_517 : i32 to index
          %get3A_521 = arith.constant 0 : index
          %get3A_522 = tpu.vector_load %arg6[%get3A_519, %get3A_520, %get3A_521] {strides = array<i32>} : memref<2x400x64xf16, #tpu.memory_space<vmem>>, vector<32xf16>,
          %bitcast3A_523 = vector.bitcast %get3A_522 : vector<32xf16> to vector<16xi32>
          %and3A_524 = arith.constant 32768 : i32
          %and3A_525 = vector.broadcast %and3A_524 : i32 to vector<16xi32>
          %and3A_526 = arith.andi %bitcast3A_523, %and3A_525 : vector<16xi32>
          %shift_left3A_527 = arith.constant 16 : i32
          %shift_left3A_528 = vector.broadcast %shift_left3A_527 : i32 to vector<16xi32>
          %shift_left3A_529 = arith.shli %and3A_526, %shift_left3A_528 : vector<16xi32>
          %and3A_530 = arith.constant 32767 : i32
          %and3A_531 = vector.broadcast %and3A_530 : i32 to vector<16xi32>
          %and3A_532 = arith.andi %bitcast3A_523, %and3A_531 : vector<16xi32>
          %shift_left3A_533 = arith.constant 13 : i32
          %shift_left3A_534 = vector.broadcast %shift_left3A_533 : i32 to vector<16xi32>
          %shift_left3A_535 = arith.shli %and3A_532, %shift_left3A_534 : vector<16xi32>
          %or3A_536 = arith.ori %shift_left3A_529, %shift_left3A_535 : vector<16xi32>
          %and3A_537 = arith.constant -2147483648 : i32
          %and3A_538 = vector.broadcast %and3A_537 : i32 to vector<16xi32>
          %and3A_539 = arith.andi %bitcast3A_523, %and3A_538 : vector<16xi32>
          %shift_right_logical3A_540 = arith.constant 3 : i32
          %shift_right_logical3A_541 = vector.broadcast %shift_right_logical3A_540 : i32 to vector<16xi32>
          %shift_right_logical3A_542 = arith.shrui %bitcast3A_523, %shift_right_logical3A_541 : vector<16xi32>
          %and3A_543 = arith.constant 268427264 : i32
          %and3A_544 = vector.broadcast %and3A_543 : i32 to vector<16xi32>
          %and3A_545 = arith.andi %shift_right_logical3A_542, %and3A_544 : vector<16xi32>
          %or3A_546 = arith.ori %and3A_539, %and3A_545 : vector<16xi32>
          %bitcast_convert_type3A_547 = tpu.bitcast %or3A_536 : vector<16xi32> -> vector<16xf32>
          %mul3A_548 = arith.constant 5.19229686E+33 : f32
          %mul3A_549 = vector.broadcast %mul3A_548 : f32 to vector<16xf32>
          %mul3A_550 = arith.mulf %bitcast_convert_type3A_547, %mul3A_549 : vector<16xf32>
          %bitcast_convert_type3A_551 = tpu.bitcast %or3A_546 : vector<16xi32> -> vector<16xf32>
          %mul3A_552 = arith.constant 5.19229686E+33 : f32
          %mul3A_553 = vector.broadcast %mul3A_552 : f32 to vector<16xf32>
          %mul3A_554 = arith.mulf %bitcast_convert_type3A_551, %mul3A_553 : vector<16xf32>
          %scatter3A_555 = arith.constant 1 : i32
          %scatter3A_556 = arith.constant 0 : i32
          %scatter3A_557 = arith.constant 0 : i32
          %scatter3A_558 = arith.constant 0 : i32
          %scatter3A_559 = tpu.memref_slice %arg7[%scatter3A_555, %scatter3A_556, %scatter3A_557, %scatter3A_558] : memref<2x8x50x64xf32, #tpu.memory_space<vmem>> -> memref<1x8x50x64xf32, #tpu.memory_space<vmem>>
          %scatter3A_560 = tpu.memref_squeeze %scatter3A_559 : memref<1x8x50x64xf32, #tpu.memory_space<vmem>> -> memref<8x50x64xf32, #tpu.memory_space<vmem>>
          tpu.vector_store_idx %scatter3A_560[%add3A_188, %add3A_514, %add3A_9], %mul3A_550 : memref<8x50x64xf32, #tpu.memory_space<vmem>>[vector<16xi32>, vector<16xi32>, vector<16xi32>], vector<16xf32>,
          %scatter3A_561 = arith.constant 1 : i32
          %scatter3A_562 = arith.constant 0 : i32
          %scatter3A_563 = arith.constant 0 : i32
          %scatter3A_564 = arith.constant 0 : i32
          %scatter3A_565 = tpu.memref_slice %arg7[%scatter3A_561, %scatter3A_562, %scatter3A_563, %scatter3A_564] : memref<2x8x50x64xf32, #tpu.memory_space<vmem>> -> memref<1x8x50x64xf32, #tpu.memory_space<vmem>>
          %scatter3A_566 = tpu.memref_squeeze %scatter3A_565 : memref<1x8x50x64xf32, #tpu.memory_space<vmem>> -> memref<8x50x64xf32, #tpu.memory_space<vmem>>
          tpu.vector_store_idx %scatter3A_566[%add3A_188, %add3A_514, %add3A_18], %mul3A_554 : memref<8x50x64xf32, #tpu.memory_space<vmem>>[vector<16xi32>, vector<16xi32>, vector<16xi32>], vector<16xf32>,
          %get3A_567 = arith.constant 1 : i32
          %get3A_568 = arith.index_cast %get3A_567 : i32 to index
          %get3A_569 = arith.index_cast %add3A_517 : i32 to index
          %get3A_570 = arith.constant 32 : index
          %get3A_571 = tpu.vector_load %arg6[%get3A_568, %get3A_569, %get3A_570] {strides = array<i32>} : memref<2x400x64xf16, #tpu.memory_space<vmem>>, vector<32xf16>,
          %bitcast3A_572 = vector.bitcast %get3A_571 : vector<32xf16> to vector<16xi32>
          %and3A_573 = arith.constant 32768 : i32
          %and3A_574 = vector.broadcast %and3A_573 : i32 to vector<16xi32>
          %and3A_575 = arith.andi %bitcast3A_572, %and3A_574 : vector<16xi32>
          %shift_left3A_576 = arith.constant 16 : i32
          %shift_left3A_577 = vector.broadcast %shift_left3A_576 : i32 to vector<16xi32>
          %shift_left3A_578 = arith.shli %and3A_575, %shift_left3A_577 : vector<16xi32>
          %and3A_579 = arith.constant 32767 : i32
          %and3A_580 = vector.broadcast %and3A_579 : i32 to vector<16xi32>
          %and3A_581 = arith.andi %bitcast3A_572, %and3A_580 : vector<16xi32>
          %shift_left3A_582 = arith.constant 13 : i32
          %shift_left3A_583 = vector.broadcast %shift_left3A_582 : i32 to vector<16xi32>
          %shift_left3A_584 = arith.shli %and3A_581, %shift_left3A_583 : vector<16xi32>
          %or3A_585 = arith.ori %shift_left3A_578, %shift_left3A_584 : vector<16xi32>
          %and3A_586 = arith.constant -2147483648 : i32
          %and3A_587 = vector.broadcast %and3A_586 : i32 to vector<16xi32>
          %and3A_588 = arith.andi %bitcast3A_572, %and3A_587 : vector<16xi32>
          %shift_right_logical3A_589 = arith.constant 3 : i32
          %shift_right_logical3A_590 = vector.broadcast %shift_right_logical3A_589 : i32 to vector<16xi32>
          %shift_right_logical3A_591 = arith.shrui %bitcast3A_572, %shift_right_logical3A_590 : vector<16xi32>
          %and3A_592 = arith.constant 268427264 : i32
          %and3A_593 = vector.broadcast %and3A_592 : i32 to vector<16xi32>
          %and3A_594 = arith.andi %shift_right_logical3A_591, %and3A_593 : vector<16xi32>
          %or3A_595 = arith.ori %and3A_588, %and3A_594 : vector<16xi32>
          %bitcast_convert_type3A_596 = tpu.bitcast %or3A_585 : vector<16xi32> -> vector<16xf32>
          %mul3A_597 = arith.constant 5.19229686E+33 : f32
          %mul3A_598 = vector.broadcast %mul3A_597 : f32 to vector<16xf32>
          %mul3A_599 = arith.mulf %bitcast_convert_type3A_596, %mul3A_598 : vector<16xf32>
          %bitcast_convert_type3A_600 = tpu.bitcast %or3A_595 : vector<16xi32> -> vector<16xf32>
          %mul3A_601 = arith.constant 5.19229686E+33 : f32
          %mul3A_602 = vector.broadcast %mul3A_601 : f32 to vector<16xf32>
          %mul3A_603 = arith.mulf %bitcast_convert_type3A_600, %mul3A_602 : vector<16xf32>
          %scatter3A_604 = arith.constant 1 : i32
          %scatter3A_605 = arith.constant 0 : i32
          %scatter3A_606 = arith.constant 0 : i32
          %scatter3A_607 = arith.constant 0 : i32
          %scatter3A_608 = tpu.memref_slice %arg7[%scatter3A_604, %scatter3A_605, %scatter3A_606, %scatter3A_607] : memref<2x8x50x64xf32, #tpu.memory_space<vmem>> -> memref<1x8x50x64xf32, #tpu.memory_space<vmem>>
          %scatter3A_609 = tpu.memref_squeeze %scatter3A_608 : memref<1x8x50x64xf32, #tpu.memory_space<vmem>> -> memref<8x50x64xf32, #tpu.memory_space<vmem>>
          tpu.vector_store_idx %scatter3A_609[%add3A_188, %add3A_514, %add3A_24], %mul3A_599 : memref<8x50x64xf32, #tpu.memory_space<vmem>>[vector<16xi32>, vector<16xi32>, vector<16xi32>], vector<16xf32>,
          %scatter3A_610 = arith.constant 1 : i32
          %scatter3A_611 = arith.constant 0 : i32
          %scatter3A_612 = arith.constant 0 : i32
          %scatter3A_613 = arith.constant 0 : i32
          %scatter3A_614 = tpu.memref_slice %arg7[%scatter3A_610, %scatter3A_611, %scatter3A_612, %scatter3A_613] : memref<2x8x50x64xf32, #tpu.memory_space<vmem>> -> memref<1x8x50x64xf32, #tpu.memory_space<vmem>>
          %scatter3A_615 = tpu.memref_squeeze %scatter3A_614 : memref<1x8x50x64xf32, #tpu.memory_space<vmem>> -> memref<8x50x64xf32, #tpu.memory_space<vmem>>
          tpu.vector_store_idx %scatter3A_615[%add3A_188, %add3A_514, %add3A_33], %mul3A_603 : memref<8x50x64xf32, #tpu.memory_space<vmem>>[vector<16xi32>, vector<16xi32>, vector<16xi32>], vector<16xf32>,
          %mul3A_616 = arith.constant 10 : i32
          %mul3A_617 = arith.muli %scan3A_195, %mul3A_616 : i32
          %add3A_618 = arith.constant 4 : i32
          %add3A_619 = arith.addi %mul3A_617, %add3A_618 : i32
          %add3A_620 = vector.broadcast %add3A_619 : i32 to vector<16xi32>
          %add3A_621 = arith.addi %broadcast_in_dim3A_3, %add3A_620 : vector<16xi32>
          %mul3A_622 = arith.constant 50 : i32
          %mul3A_623 = arith.muli %scan3A_186, %mul3A_622 : i32
          %add3A_624 = arith.addi %mul3A_623, %add3A_619 : i32
          %get3A_625 = arith.constant 1 : i32
          %get3A_626 = arith.index_cast %get3A_625 : i32 to index
          %get3A_627 = arith.index_cast %add3A_624 : i32 to index
          %get3A_628 = arith.constant 0 : index
          %get3A_629 = tpu.vector_load %arg6[%get3A_626, %get3A_627, %get3A_628] {strides = array<i32>} : memref<2x400x64xf16, #tpu.memory_space<vmem>>, vector<32xf16>,
          %bitcast3A_630 = vector.bitcast %get3A_629 : vector<32xf16> to vector<16xi32>
          %and3A_631 = arith.constant 32768 : i32
          %and3A_632 = vector.broadcast %and3A_631 : i32 to vector<16xi32>
          %and3A_633 = arith.andi %bitcast3A_630, %and3A_632 : vector<16xi32>
          %shift_left3A_634 = arith.constant 16 : i32
          %shift_left3A_635 = vector.broadcast %shift_left3A_634 : i32 to vector<16xi32>
          %shift_left3A_636 = arith.shli %and3A_633, %shift_left3A_635 : vector<16xi32>
          %and3A_637 = arith.constant 32767 : i32
          %and3A_638 = vector.broadcast %and3A_637 : i32 to vector<16xi32>
          %and3A_639 = arith.andi %bitcast3A_630, %and3A_638 : vector<16xi32>
          %shift_left3A_640 = arith.constant 13 : i32
          %shift_left3A_641 = vector.broadcast %shift_left3A_640 : i32 to vector<16xi32>
          %shift_left3A_642 = arith.shli %and3A_639, %shift_left3A_641 : vector<16xi32>
          %or3A_643 = arith.ori %shift_left3A_636, %shift_left3A_642 : vector<16xi32>
          %and3A_644 = arith.constant -2147483648 : i32
          %and3A_645 = vector.broadcast %and3A_644 : i32 to vector<16xi32>
          %and3A_646 = arith.andi %bitcast3A_630, %and3A_645 : vector<16xi32>
          %shift_right_logical3A_647 = arith.constant 3 : i32
          %shift_right_logical3A_648 = vector.broadcast %shift_right_logical3A_647 : i32 to vector<16xi32>
          %shift_right_logical3A_649 = arith.shrui %bitcast3A_630, %shift_right_logical3A_648 : vector<16xi32>
          %and3A_650 = arith.constant 268427264 : i32
          %and3A_651 = vector.broadcast %and3A_650 : i32 to vector<16xi32>
          %and3A_652 = arith.andi %shift_right_logical3A_649, %and3A_651 : vector<16xi32>
          %or3A_653 = arith.ori %and3A_646, %and3A_652 : vector<16xi32>
          %bitcast_convert_type3A_654 = tpu.bitcast %or3A_643 : vector<16xi32> -> vector<16xf32>
          %mul3A_655 = arith.constant 5.19229686E+33 : f32
          %mul3A_656 = vector.broadcast %mul3A_655 : f32 to vector<16xf32>
          %mul3A_657 = arith.mulf %bitcast_convert_type3A_654, %mul3A_656 : vector<16xf32>
          %bitcast_convert_type3A_658 = tpu.bitcast %or3A_653 : vector<16xi32> -> vector<16xf32>
          %mul3A_659 = arith.constant 5.19229686E+33 : f32
          %mul3A_660 = vector.broadcast %mul3A_659 : f32 to vector<16xf32>
          %mul3A_661 = arith.mulf %bitcast_convert_type3A_658, %mul3A_660 : vector<16xf32>
          %scatter3A_662 = arith.constant 1 : i32
          %scatter3A_663 = arith.constant 0 : i32
          %scatter3A_664 = arith.constant 0 : i32
          %scatter3A_665 = arith.constant 0 : i32
          %scatter3A_666 = tpu.memref_slice %arg7[%scatter3A_662, %scatter3A_663, %scatter3A_664, %scatter3A_665] : memref<2x8x50x64xf32, #tpu.memory_space<vmem>> -> memref<1x8x50x64xf32, #tpu.memory_space<vmem>>
          %scatter3A_667 = tpu.memref_squeeze %scatter3A_666 : memref<1x8x50x64xf32, #tpu.memory_space<vmem>> -> memref<8x50x64xf32, #tpu.memory_space<vmem>>
          tpu.vector_store_idx %scatter3A_667[%add3A_188, %add3A_621, %add3A_9], %mul3A_657 : memref<8x50x64xf32, #tpu.memory_space<vmem>>[vector<16xi32>, vector<16xi32>, vector<16xi32>], vector<16xf32>,
          %scatter3A_668 = arith.constant 1 : i32
          %scatter3A_669 = arith.constant 0 : i32
          %scatter3A_670 = arith.constant 0 : i32
          %scatter3A_671 = arith.constant 0 : i32
          %scatter3A_672 = tpu.memref_slice %arg7[%scatter3A_668, %scatter3A_669, %scatter3A_670, %scatter3A_671] : memref<2x8x50x64xf32, #tpu.memory_space<vmem>> -> memref<1x8x50x64xf32, #tpu.memory_space<vmem>>
          %scatter3A_673 = tpu.memref_squeeze %scatter3A_672 : memref<1x8x50x64xf32, #tpu.memory_space<vmem>> -> memref<8x50x64xf32, #tpu.memory_space<vmem>>
          tpu.vector_store_idx %scatter3A_673[%add3A_188, %add3A_621, %add3A_18], %mul3A_661 : memref<8x50x64xf32, #tpu.memory_space<vmem>>[vector<16xi32>, vector<16xi32>, vector<16xi32>], vector<16xf32>,
          %get3A_674 = arith.constant 1 : i32
          %get3A_675 = arith.index_cast %get3A_674 : i32 to index
          %get3A_676 = arith.index_cast %add3A_624 : i32 to index
          %get3A_677 = arith.constant 32 : index
          %get3A_678 = tpu.vector_load %arg6[%get3A_675, %get3A_676, %get3A_677] {strides = array<i32>} : memref<2x400x64xf16, #tpu.memory_space<vmem>>, vector<32xf16>,
          %bitcast3A_679 = vector.bitcast %get3A_678 : vector<32xf16> to vector<16xi32>
          %and3A_680 = arith.constant 32768 : i32
          %and3A_681 = vector.broadcast %and3A_680 : i32 to vector<16xi32>
          %and3A_682 = arith.andi %bitcast3A_679, %and3A_681 : vector<16xi32>
          %shift_left3A_683 = arith.constant 16 : i32
          %shift_left3A_684 = vector.broadcast %shift_left3A_683 : i32 to vector<16xi32>
          %shift_left3A_685 = arith.shli %and3A_682, %shift_left3A_684 : vector<16xi32>
          %and3A_686 = arith.constant 32767 : i32
          %and3A_687 = vector.broadcast %and3A_686 : i32 to vector<16xi32>
          %and3A_688 = arith.andi %bitcast3A_679, %and3A_687 : vector<16xi32>
          %shift_left3A_689 = arith.constant 13 : i32
          %shift_left3A_690 = vector.broadcast %shift_left3A_689 : i32 to vector<16xi32>
          %shift_left3A_691 = arith.shli %and3A_688, %shift_left3A_690 : vector<16xi32>
          %or3A_692 = arith.ori %shift_left3A_685, %shift_left3A_691 : vector<16xi32>
          %and3A_693 = arith.constant -2147483648 : i32
          %and3A_694 = vector.broadcast %and3A_693 : i32 to vector<16xi32>
          %and3A_695 = arith.andi %bitcast3A_679, %and3A_694 : vector<16xi32>
          %shift_right_logical3A_696 = arith.constant 3 : i32
          %shift_right_logical3A_697 = vector.broadcast %shift_right_logical3A_696 : i32 to vector<16xi32>
          %shift_right_logical3A_698 = arith.shrui %bitcast3A_679, %shift_right_logical3A_697 : vector<16xi32>
          %and3A_699 = arith.constant 268427264 : i32
          %and3A_700 = vector.broadcast %and3A_699 : i32 to vector<16xi32>
          %and3A_701 = arith.andi %shift_right_logical3A_698, %and3A_700 : vector<16xi32>
          %or3A_702 = arith.ori %and3A_695, %and3A_701 : vector<16xi32>
          %bitcast_convert_type3A_703 = tpu.bitcast %or3A_692 : vector<16xi32> -> vector<16xf32>
          %mul3A_704 = arith.constant 5.19229686E+33 : f32
          %mul3A_705 = vector.broadcast %mul3A_704 : f32 to vector<16xf32>
          %mul3A_706 = arith.mulf %bitcast_convert_type3A_703, %mul3A_705 : vector<16xf32>
          %bitcast_convert_type3A_707 = tpu.bitcast %or3A_702 : vector<16xi32> -> vector<16xf32>
          %mul3A_708 = arith.constant 5.19229686E+33 : f32
          %mul3A_709 = vector.broadcast %mul3A_708 : f32 to vector<16xf32>
          %mul3A_710 = arith.mulf %bitcast_convert_type3A_707, %mul3A_709 : vector<16xf32>
          %scatter3A_711 = arith.constant 1 : i32
          %scatter3A_712 = arith.constant 0 : i32
          %scatter3A_713 = arith.constant 0 : i32
          %scatter3A_714 = arith.constant 0 : i32
          %scatter3A_715 = tpu.memref_slice %arg7[%scatter3A_711, %scatter3A_712, %scatter3A_713, %scatter3A_714] : memref<2x8x50x64xf32, #tpu.memory_space<vmem>> -> memref<1x8x50x64xf32, #tpu.memory_space<vmem>>
          %scatter3A_716 = tpu.memref_squeeze %scatter3A_715 : memref<1x8x50x64xf32, #tpu.memory_space<vmem>> -> memref<8x50x64xf32, #tpu.memory_space<vmem>>
          tpu.vector_store_idx %scatter3A_716[%add3A_188, %add3A_621, %add3A_24], %mul3A_706 : memref<8x50x64xf32, #tpu.memory_space<vmem>>[vector<16xi32>, vector<16xi32>, vector<16xi32>], vector<16xf32>,
          %scatter3A_717 = arith.constant 1 : i32
          %scatter3A_718 = arith.constant 0 : i32
          %scatter3A_719 = arith.constant 0 : i32
          %scatter3A_720 = arith.constant 0 : i32
          %scatter3A_721 = tpu.memref_slice %arg7[%scatter3A_717, %scatter3A_718, %scatter3A_719, %scatter3A_720] : memref<2x8x50x64xf32, #tpu.memory_space<vmem>> -> memref<1x8x50x64xf32, #tpu.memory_space<vmem>>
          %scatter3A_722 = tpu.memref_squeeze %scatter3A_721 : memref<1x8x50x64xf32, #tpu.memory_space<vmem>> -> memref<8x50x64xf32, #tpu.memory_space<vmem>>
          tpu.vector_store_idx %scatter3A_722[%add3A_188, %add3A_621, %add3A_33], %mul3A_710 : memref<8x50x64xf32, #tpu.memory_space<vmem>>[vector<16xi32>, vector<16xi32>, vector<16xi32>], vector<16xf32>,
          %mul3A_723 = arith.constant 10 : i32
          %mul3A_724 = arith.muli %scan3A_195, %mul3A_723 : i32
          %add3A_725 = arith.constant 5 : i32
          %add3A_726 = arith.addi %mul3A_724, %add3A_725 : i32
          %add3A_727 = vector.broadcast %add3A_726 : i32 to vector<16xi32>
          %add3A_728 = arith.addi %broadcast_in_dim3A_3, %add3A_727 : vector<16xi32>
          %mul3A_729 = arith.constant 50 : i32
          %mul3A_730 = arith.muli %scan3A_186, %mul3A_729 : i32
          %add3A_731 = arith.addi %mul3A_730, %add3A_726 : i32
          %get3A_732 = arith.constant 1 : i32
          %get3A_733 = arith.index_cast %get3A_732 : i32 to index
          %get3A_734 = arith.index_cast %add3A_731 : i32 to index
          %get3A_735 = arith.constant 0 : index
          %get3A_736 = tpu.vector_load %arg6[%get3A_733, %get3A_734, %get3A_735] {strides = array<i32>} : memref<2x400x64xf16, #tpu.memory_space<vmem>>, vector<32xf16>,
          %bitcast3A_737 = vector.bitcast %get3A_736 : vector<32xf16> to vector<16xi32>
          %and3A_738 = arith.constant 32768 : i32
          %and3A_739 = vector.broadcast %and3A_738 : i32 to vector<16xi32>
          %and3A_740 = arith.andi %bitcast3A_737, %and3A_739 : vector<16xi32>
          %shift_left3A_741 = arith.constant 16 : i32
          %shift_left3A_742 = vector.broadcast %shift_left3A_741 : i32 to vector<16xi32>
          %shift_left3A_743 = arith.shli %and3A_740, %shift_left3A_742 : vector<16xi32>
          %and3A_744 = arith.constant 32767 : i32
          %and3A_745 = vector.broadcast %and3A_744 : i32 to vector<16xi32>
          %and3A_746 = arith.andi %bitcast3A_737, %and3A_745 : vector<16xi32>
          %shift_left3A_747 = arith.constant 13 : i32
          %shift_left3A_748 = vector.broadcast %shift_left3A_747 : i32 to vector<16xi32>
          %shift_left3A_749 = arith.shli %and3A_746, %shift_left3A_748 : vector<16xi32>
          %or3A_750 = arith.ori %shift_left3A_743, %shift_left3A_749 : vector<16xi32>
          %and3A_751 = arith.constant -2147483648 : i32
          %and3A_752 = vector.broadcast %and3A_751 : i32 to vector<16xi32>
          %and3A_753 = arith.andi %bitcast3A_737, %and3A_752 : vector<16xi32>
          %shift_right_logical3A_754 = arith.constant 3 : i32
          %shift_right_logical3A_755 = vector.broadcast %shift_right_logical3A_754 : i32 to vector<16xi32>
          %shift_right_logical3A_756 = arith.shrui %bitcast3A_737, %shift_right_logical3A_755 : vector<16xi32>
          %and3A_757 = arith.constant 268427264 : i32
          %and3A_758 = vector.broadcast %and3A_757 : i32 to vector<16xi32>
          %and3A_759 = arith.andi %shift_right_logical3A_756, %and3A_758 : vector<16xi32>
          %or3A_760 = arith.ori %and3A_753, %and3A_759 : vector<16xi32>
          %bitcast_convert_type3A_761 = tpu.bitcast %or3A_750 : vector<16xi32> -> vector<16xf32>
          %mul3A_762 = arith.constant 5.19229686E+33 : f32
          %mul3A_763 = vector.broadcast %mul3A_762 : f32 to vector<16xf32>
          %mul3A_764 = arith.mulf %bitcast_convert_type3A_761, %mul3A_763 : vector<16xf32>
          %bitcast_convert_type3A_765 = tpu.bitcast %or3A_760 : vector<16xi32> -> vector<16xf32>
          %mul3A_766 = arith.constant 5.19229686E+33 : f32
          %mul3A_767 = vector.broadcast %mul3A_766 : f32 to vector<16xf32>
          %mul3A_768 = arith.mulf %bitcast_convert_type3A_765, %mul3A_767 : vector<16xf32>
          %scatter3A_769 = arith.constant 1 : i32
          %scatter3A_770 = arith.constant 0 : i32
          %scatter3A_771 = arith.constant 0 : i32
          %scatter3A_772 = arith.constant 0 : i32
          %scatter3A_773 = tpu.memref_slice %arg7[%scatter3A_769, %scatter3A_770, %scatter3A_771, %scatter3A_772] : memref<2x8x50x64xf32, #tpu.memory_space<vmem>> -> memref<1x8x50x64xf32, #tpu.memory_space<vmem>>
          %scatter3A_774 = tpu.memref_squeeze %scatter3A_773 : memref<1x8x50x64xf32, #tpu.memory_space<vmem>> -> memref<8x50x64xf32, #tpu.memory_space<vmem>>
          tpu.vector_store_idx %scatter3A_774[%add3A_188, %add3A_728, %add3A_9], %mul3A_764 : memref<8x50x64xf32, #tpu.memory_space<vmem>>[vector<16xi32>, vector<16xi32>, vector<16xi32>], vector<16xf32>,
          %scatter3A_775 = arith.constant 1 : i32
          %scatter3A_776 = arith.constant 0 : i32
          %scatter3A_777 = arith.constant 0 : i32
          %scatter3A_778 = arith.constant 0 : i32
          %scatter3A_779 = tpu.memref_slice %arg7[%scatter3A_775, %scatter3A_776, %scatter3A_777, %scatter3A_778] : memref<2x8x50x64xf32, #tpu.memory_space<vmem>> -> memref<1x8x50x64xf32, #tpu.memory_space<vmem>>
          %scatter3A_780 = tpu.memref_squeeze %scatter3A_779 : memref<1x8x50x64xf32, #tpu.memory_space<vmem>> -> memref<8x50x64xf32, #tpu.memory_space<vmem>>
          tpu.vector_store_idx %scatter3A_780[%add3A_188, %add3A_728, %add3A_18], %mul3A_768 : memref<8x50x64xf32, #tpu.memory_space<vmem>>[vector<16xi32>, vector<16xi32>, vector<16xi32>], vector<16xf32>,
          %get3A_781 = arith.constant 1 : i32
          %get3A_782 = arith.index_cast %get3A_781 : i32 to index
          %get3A_783 = arith.index_cast %add3A_731 : i32 to index
          %get3A_784 = arith.constant 32 : index
          %get3A_785 = tpu.vector_load %arg6[%get3A_782, %get3A_783, %get3A_784] {strides = array<i32>} : memref<2x400x64xf16, #tpu.memory_space<vmem>>, vector<32xf16>,
          %bitcast3A_786 = vector.bitcast %get3A_785 : vector<32xf16> to vector<16xi32>
          %and3A_787 = arith.constant 32768 : i32
          %and3A_788 = vector.broadcast %and3A_787 : i32 to vector<16xi32>
          %and3A_789 = arith.andi %bitcast3A_786, %and3A_788 : vector<16xi32>
          %shift_left3A_790 = arith.constant 16 : i32
          %shift_left3A_791 = vector.broadcast %shift_left3A_790 : i32 to vector<16xi32>
          %shift_left3A_792 = arith.shli %and3A_789, %shift_left3A_791 : vector<16xi32>
          %and3A_793 = arith.constant 32767 : i32
          %and3A_794 = vector.broadcast %and3A_793 : i32 to vector<16xi32>
          %and3A_795 = arith.andi %bitcast3A_786, %and3A_794 : vector<16xi32>
          %shift_left3A_796 = arith.constant 13 : i32
          %shift_left3A_797 = vector.broadcast %shift_left3A_796 : i32 to vector<16xi32>
          %shift_left3A_798 = arith.shli %and3A_795, %shift_left3A_797 : vector<16xi32>
          %or3A_799 = arith.ori %shift_left3A_792, %shift_left3A_798 : vector<16xi32>
          %and3A_800 = arith.constant -2147483648 : i32
          %and3A_801 = vector.broadcast %and3A_800 : i32 to vector<16xi32>
          %and3A_802 = arith.andi %bitcast3A_786, %and3A_801 : vector<16xi32>
          %shift_right_logical3A_803 = arith.constant 3 : i32
          %shift_right_logical3A_804 = vector.broadcast %shift_right_logical3A_803 : i32 to vector<16xi32>
          %shift_right_logical3A_805 = arith.shrui %bitcast3A_786, %shift_right_logical3A_804 : vector<16xi32>
          %and3A_806 = arith.constant 268427264 : i32
          %and3A_807 = vector.broadcast %and3A_806 : i32 to vector<16xi32>
          %and3A_808 = arith.andi %shift_right_logical3A_805, %and3A_807 : vector<16xi32>
          %or3A_809 = arith.ori %and3A_802, %and3A_808 : vector<16xi32>
          %bitcast_convert_type3A_810 = tpu.bitcast %or3A_799 : vector<16xi32> -> vector<16xf32>
          %mul3A_811 = arith.constant 5.19229686E+33 : f32
          %mul3A_812 = vector.broadcast %mul3A_811 : f32 to vector<16xf32>
          %mul3A_813 = arith.mulf %bitcast_convert_type3A_810, %mul3A_812 : vector<16xf32>
          %bitcast_convert_type3A_814 = tpu.bitcast %or3A_809 : vector<16xi32> -> vector<16xf32>
          %mul3A_815 = arith.constant 5.19229686E+33 : f32
          %mul3A_816 = vector.broadcast %mul3A_815 : f32 to vector<16xf32>
          %mul3A_817 = arith.mulf %bitcast_convert_type3A_814, %mul3A_816 : vector<16xf32>
          %scatter3A_818 = arith.constant 1 : i32
          %scatter3A_819 = arith.constant 0 : i32
          %scatter3A_820 = arith.constant 0 : i32
          %scatter3A_821 = arith.constant 0 : i32
          %scatter3A_822 = tpu.memref_slice %arg7[%scatter3A_818, %scatter3A_819, %scatter3A_820, %scatter3A_821] : memref<2x8x50x64xf32, #tpu.memory_space<vmem>> -> memref<1x8x50x64xf32, #tpu.memory_space<vmem>>
          %scatter3A_823 = tpu.memref_squeeze %scatter3A_822 : memref<1x8x50x64xf32, #tpu.memory_space<vmem>> -> memref<8x50x64xf32, #tpu.memory_space<vmem>>
          tpu.vector_store_idx %scatter3A_823[%add3A_188, %add3A_728, %add3A_24], %mul3A_813 : memref<8x50x64xf32, #tpu.memory_space<vmem>>[vector<16xi32>, vector<16xi32>, vector<16xi32>], vector<16xf32>,
          %scatter3A_824 = arith.constant 1 : i32
          %scatter3A_825 = arith.constant 0 : i32
          %scatter3A_826 = arith.constant 0 : i32
          %scatter3A_827 = arith.constant 0 : i32
          %scatter3A_828 = tpu.memref_slice %arg7[%scatter3A_824, %scatter3A_825, %scatter3A_826, %scatter3A_827] : memref<2x8x50x64xf32, #tpu.memory_space<vmem>> -> memref<1x8x50x64xf32, #tpu.memory_space<vmem>>
          %scatter3A_829 = tpu.memref_squeeze %scatter3A_828 : memref<1x8x50x64xf32, #tpu.memory_space<vmem>> -> memref<8x50x64xf32, #tpu.memory_space<vmem>>
          tpu.vector_store_idx %scatter3A_829[%add3A_188, %add3A_728, %add3A_33], %mul3A_817 : memref<8x50x64xf32, #tpu.memory_space<vmem>>[vector<16xi32>, vector<16xi32>, vector<16xi32>], vector<16xf32>,
          %mul3A_830 = arith.constant 10 : i32
          %mul3A_831 = arith.muli %scan3A_195, %mul3A_830 : i32
          %add3A_832 = arith.constant 6 : i32
          %add3A_833 = arith.addi %mul3A_831, %add3A_832 : i32
          %add3A_834 = vector.broadcast %add3A_833 : i32 to vector<16xi32>
          %add3A_835 = arith.addi %broadcast_in_dim3A_3, %add3A_834 : vector<16xi32>
          %mul3A_836 = arith.constant 50 : i32
          %mul3A_837 = arith.muli %scan3A_186, %mul3A_836 : i32
          %add3A_838 = arith.addi %mul3A_837, %add3A_833 : i32
          %get3A_839 = arith.constant 1 : i32
          %get3A_840 = arith.index_cast %get3A_839 : i32 to index
          %get3A_841 = arith.index_cast %add3A_838 : i32 to index
          %get3A_842 = arith.constant 0 : index
          %get3A_843 = tpu.vector_load %arg6[%get3A_840, %get3A_841, %get3A_842] {strides = array<i32>} : memref<2x400x64xf16, #tpu.memory_space<vmem>>, vector<32xf16>,
          %bitcast3A_844 = vector.bitcast %get3A_843 : vector<32xf16> to vector<16xi32>
          %and3A_845 = arith.constant 32768 : i32
          %and3A_846 = vector.broadcast %and3A_845 : i32 to vector<16xi32>
          %and3A_847 = arith.andi %bitcast3A_844, %and3A_846 : vector<16xi32>
          %shift_left3A_848 = arith.constant 16 : i32
          %shift_left3A_849 = vector.broadcast %shift_left3A_848 : i32 to vector<16xi32>
          %shift_left3A_850 = arith.shli %and3A_847, %shift_left3A_849 : vector<16xi32>
          %and3A_851 = arith.constant 32767 : i32
          %and3A_852 = vector.broadcast %and3A_851 : i32 to vector<16xi32>
          %and3A_853 = arith.andi %bitcast3A_844, %and3A_852 : vector<16xi32>
          %shift_left3A_854 = arith.constant 13 : i32
          %shift_left3A_855 = vector.broadcast %shift_left3A_854 : i32 to vector<16xi32>
          %shift_left3A_856 = arith.shli %and3A_853, %shift_left3A_855 : vector<16xi32>
          %or3A_857 = arith.ori %shift_left3A_850, %shift_left3A_856 : vector<16xi32>
          %and3A_858 = arith.constant -2147483648 : i32
          %and3A_859 = vector.broadcast %and3A_858 : i32 to vector<16xi32>
          %and3A_860 = arith.andi %bitcast3A_844, %and3A_859 : vector<16xi32>
          %shift_right_logical3A_861 = arith.constant 3 : i32
          %shift_right_logical3A_862 = vector.broadcast %shift_right_logical3A_861 : i32 to vector<16xi32>
          %shift_right_logical3A_863 = arith.shrui %bitcast3A_844, %shift_right_logical3A_862 : vector<16xi32>
          %and3A_864 = arith.constant 268427264 : i32
          %and3A_865 = vector.broadcast %and3A_864 : i32 to vector<16xi32>
          %and3A_866 = arith.andi %shift_right_logical3A_863, %and3A_865 : vector<16xi32>
          %or3A_867 = arith.ori %and3A_860, %and3A_866 : vector<16xi32>
          %bitcast_convert_type3A_868 = tpu.bitcast %or3A_857 : vector<16xi32> -> vector<16xf32>
          %mul3A_869 = arith.constant 5.19229686E+33 : f32
          %mul3A_870 = vector.broadcast %mul3A_869 : f32 to vector<16xf32>
          %mul3A_871 = arith.mulf %bitcast_convert_type3A_868, %mul3A_870 : vector<16xf32>
          %bitcast_convert_type3A_872 = tpu.bitcast %or3A_867 : vector<16xi32> -> vector<16xf32>
          %mul3A_873 = arith.constant 5.19229686E+33 : f32
          %mul3A_874 = vector.broadcast %mul3A_873 : f32 to vector<16xf32>
          %mul3A_875 = arith.mulf %bitcast_convert_type3A_872, %mul3A_874 : vector<16xf32>
          %scatter3A_876 = arith.constant 1 : i32
          %scatter3A_877 = arith.constant 0 : i32
          %scatter3A_878 = arith.constant 0 : i32
          %scatter3A_879 = arith.constant 0 : i32
          %scatter3A_880 = tpu.memref_slice %arg7[%scatter3A_876, %scatter3A_877, %scatter3A_878, %scatter3A_879] : memref<2x8x50x64xf32, #tpu.memory_space<vmem>> -> memref<1x8x50x64xf32, #tpu.memory_space<vmem>>
          %scatter3A_881 = tpu.memref_squeeze %scatter3A_880 : memref<1x8x50x64xf32, #tpu.memory_space<vmem>> -> memref<8x50x64xf32, #tpu.memory_space<vmem>>
          tpu.vector_store_idx %scatter3A_881[%add3A_188, %add3A_835, %add3A_9], %mul3A_871 : memref<8x50x64xf32, #tpu.memory_space<vmem>>[vector<16xi32>, vector<16xi32>, vector<16xi32>], vector<16xf32>,
          %scatter3A_882 = arith.constant 1 : i32
          %scatter3A_883 = arith.constant 0 : i32
          %scatter3A_884 = arith.constant 0 : i32
          %scatter3A_885 = arith.constant 0 : i32
          %scatter3A_886 = tpu.memref_slice %arg7[%scatter3A_882, %scatter3A_883, %scatter3A_884, %scatter3A_885] : memref<2x8x50x64xf32, #tpu.memory_space<vmem>> -> memref<1x8x50x64xf32, #tpu.memory_space<vmem>>
          %scatter3A_887 = tpu.memref_squeeze %scatter3A_886 : memref<1x8x50x64xf32, #tpu.memory_space<vmem>> -> memref<8x50x64xf32, #tpu.memory_space<vmem>>
          tpu.vector_store_idx %scatter3A_887[%add3A_188, %add3A_835, %add3A_18], %mul3A_875 : memref<8x50x64xf32, #tpu.memory_space<vmem>>[vector<16xi32>, vector<16xi32>, vector<16xi32>], vector<16xf32>,
          %get3A_888 = arith.constant 1 : i32
          %get3A_889 = arith.index_cast %get3A_888 : i32 to index
          %get3A_890 = arith.index_cast %add3A_838 : i32 to index
          %get3A_891 = arith.constant 32 : index
          %get3A_892 = tpu.vector_load %arg6[%get3A_889, %get3A_890, %get3A_891] {strides = array<i32>} : memref<2x400x64xf16, #tpu.memory_space<vmem>>, vector<32xf16>,
          %bitcast3A_893 = vector.bitcast %get3A_892 : vector<32xf16> to vector<16xi32>
          %and3A_894 = arith.constant 32768 : i32
          %and3A_895 = vector.broadcast %and3A_894 : i32 to vector<16xi32>
          %and3A_896 = arith.andi %bitcast3A_893, %and3A_895 : vector<16xi32>
          %shift_left3A_897 = arith.constant 16 : i32
          %shift_left3A_898 = vector.broadcast %shift_left3A_897 : i32 to vector<16xi32>
          %shift_left3A_899 = arith.shli %and3A_896, %shift_left3A_898 : vector<16xi32>
          %and3A_900 = arith.constant 32767 : i32
          %and3A_901 = vector.broadcast %and3A_900 : i32 to vector<16xi32>
          %and3A_902 = arith.andi %bitcast3A_893, %and3A_901 : vector<16xi32>
          %shift_left3A_903 = arith.constant 13 : i32
          %shift_left3A_904 = vector.broadcast %shift_left3A_903 : i32 to vector<16xi32>
          %shift_left3A_905 = arith.shli %and3A_902, %shift_left3A_904 : vector<16xi32>
          %or3A_906 = arith.ori %shift_left3A_899, %shift_left3A_905 : vector<16xi32>
          %and3A_907 = arith.constant -2147483648 : i32
          %and3A_908 = vector.broadcast %and3A_907 : i32 to vector<16xi32>
          %and3A_909 = arith.andi %bitcast3A_893, %and3A_908 : vector<16xi32>
          %shift_right_logical3A_910 = arith.constant 3 : i32
          %shift_right_logical3A_911 = vector.broadcast %shift_right_logical3A_910 : i32 to vector<16xi32>
          %shift_right_logical3A_912 = arith.shrui %bitcast3A_893, %shift_right_logical3A_911 : vector<16xi32>
          %and3A_913 = arith.constant 268427264 : i32
          %and3A_914 = vector.broadcast %and3A_913 : i32 to vector<16xi32>
          %and3A_915 = arith.andi %shift_right_logical3A_912, %and3A_914 : vector<16xi32>
          %or3A_916 = arith.ori %and3A_909, %and3A_915 : vector<16xi32>
          %bitcast_convert_type3A_917 = tpu.bitcast %or3A_906 : vector<16xi32> -> vector<16xf32>
          %mul3A_918 = arith.constant 5.19229686E+33 : f32
          %mul3A_919 = vector.broadcast %mul3A_918 : f32 to vector<16xf32>
          %mul3A_920 = arith.mulf %bitcast_convert_type3A_917, %mul3A_919 : vector<16xf32>
          %bitcast_convert_type3A_921 = tpu.bitcast %or3A_916 : vector<16xi32> -> vector<16xf32>
          %mul3A_922 = arith.constant 5.19229686E+33 : f32
          %mul3A_923 = vector.broadcast %mul3A_922 : f32 to vector<16xf32>
          %mul3A_924 = arith.mulf %bitcast_convert_type3A_921, %mul3A_923 : vector<16xf32>
          %scatter3A_925 = arith.constant 1 : i32
          %scatter3A_926 = arith.constant 0 : i32
          %scatter3A_927 = arith.constant 0 : i32
          %scatter3A_928 = arith.constant 0 : i32
          %scatter3A_929 = tpu.memref_slice %arg7[%scatter3A_925, %scatter3A_926, %scatter3A_927, %scatter3A_928] : memref<2x8x50x64xf32, #tpu.memory_space<vmem>> -> memref<1x8x50x64xf32, #tpu.memory_space<vmem>>
          %scatter3A_930 = tpu.memref_squeeze %scatter3A_929 : memref<1x8x50x64xf32, #tpu.memory_space<vmem>> -> memref<8x50x64xf32, #tpu.memory_space<vmem>>
          tpu.vector_store_idx %scatter3A_930[%add3A_188, %add3A_835, %add3A_24], %mul3A_920 : memref<8x50x64xf32, #tpu.memory_space<vmem>>[vector<16xi32>, vector<16xi32>, vector<16xi32>], vector<16xf32>,
          %scatter3A_931 = arith.constant 1 : i32
          %scatter3A_932 = arith.constant 0 : i32
          %scatter3A_933 = arith.constant 0 : i32
          %scatter3A_934 = arith.constant 0 : i32
          %scatter3A_935 = tpu.memref_slice %arg7[%scatter3A_931, %scatter3A_932, %scatter3A_933, %scatter3A_934] : memref<2x8x50x64xf32, #tpu.memory_space<vmem>> -> memref<1x8x50x64xf32, #tpu.memory_space<vmem>>
          %scatter3A_936 = tpu.memref_squeeze %scatter3A_935 : memref<1x8x50x64xf32, #tpu.memory_space<vmem>> -> memref<8x50x64xf32, #tpu.memory_space<vmem>>
          tpu.vector_store_idx %scatter3A_936[%add3A_188, %add3A_835, %add3A_33], %mul3A_924 : memref<8x50x64xf32, #tpu.memory_space<vmem>>[vector<16xi32>, vector<16xi32>, vector<16xi32>], vector<16xf32>,
          %mul3A_937 = arith.constant 10 : i32
          %mul3A_938 = arith.muli %scan3A_195, %mul3A_937 : i32
          %add3A_939 = arith.constant 7 : i32
          %add3A_940 = arith.addi %mul3A_938, %add3A_939 : i32
          %add3A_941 = vector.broadcast %add3A_940 : i32 to vector<16xi32>
          %add3A_942 = arith.addi %broadcast_in_dim3A_3, %add3A_941 : vector<16xi32>
          %mul3A_943 = arith.constant 50 : i32
          %mul3A_944 = arith.muli %scan3A_186, %mul3A_943 : i32
          %add3A_945 = arith.addi %mul3A_944, %add3A_940 : i32
          %get3A_946 = arith.constant 1 : i32
          %get3A_947 = arith.index_cast %get3A_946 : i32 to index
          %get3A_948 = arith.index_cast %add3A_945 : i32 to index
          %get3A_949 = arith.constant 0 : index
          %get3A_950 = tpu.vector_load %arg6[%get3A_947, %get3A_948, %get3A_949] {strides = array<i32>} : memref<2x400x64xf16, #tpu.memory_space<vmem>>, vector<32xf16>,
          %bitcast3A_951 = vector.bitcast %get3A_950 : vector<32xf16> to vector<16xi32>
          %and3A_952 = arith.constant 32768 : i32
          %and3A_953 = vector.broadcast %and3A_952 : i32 to vector<16xi32>
          %and3A_954 = arith.andi %bitcast3A_951, %and3A_953 : vector<16xi32>
          %shift_left3A_955 = arith.constant 16 : i32
          %shift_left3A_956 = vector.broadcast %shift_left3A_955 : i32 to vector<16xi32>
          %shift_left3A_957 = arith.shli %and3A_954, %shift_left3A_956 : vector<16xi32>
          %and3A_958 = arith.constant 32767 : i32
          %and3A_959 = vector.broadcast %and3A_958 : i32 to vector<16xi32>
          %and3A_960 = arith.andi %bitcast3A_951, %and3A_959 : vector<16xi32>
          %shift_left3A_961 = arith.constant 13 : i32
          %shift_left3A_962 = vector.broadcast %shift_left3A_961 : i32 to vector<16xi32>
          %shift_left3A_963 = arith.shli %and3A_960, %shift_left3A_962 : vector<16xi32>
          %or3A_964 = arith.ori %shift_left3A_957, %shift_left3A_963 : vector<16xi32>
          %and3A_965 = arith.constant -2147483648 : i32
          %and3A_966 = vector.broadcast %and3A_965 : i32 to vector<16xi32>
          %and3A_967 = arith.andi %bitcast3A_951, %and3A_966 : vector<16xi32>
          %shift_right_logical3A_968 = arith.constant 3 : i32
          %shift_right_logical3A_969 = vector.broadcast %shift_right_logical3A_968 : i32 to vector<16xi32>
          %shift_right_logical3A_970 = arith.shrui %bitcast3A_951, %shift_right_logical3A_969 : vector<16xi32>
          %and3A_971 = arith.constant 268427264 : i32
          %and3A_972 = vector.broadcast %and3A_971 : i32 to vector<16xi32>
          %and3A_973 = arith.andi %shift_right_logical3A_970, %and3A_972 : vector<16xi32>
          %or3A_974 = arith.ori %and3A_967, %and3A_973 : vector<16xi32>
          %bitcast_convert_type3A_975 = tpu.bitcast %or3A_964 : vector<16xi32> -> vector<16xf32>
          %mul3A_976 = arith.constant 5.19229686E+33 : f32
          %mul3A_977 = vector.broadcast %mul3A_976 : f32 to vector<16xf32>
          %mul3A_978 = arith.mulf %bitcast_convert_type3A_975, %mul3A_977 : vector<16xf32>
          %bitcast_convert_type3A_979 = tpu.bitcast %or3A_974 : vector<16xi32> -> vector<16xf32>
          %mul3A_980 = arith.constant 5.19229686E+33 : f32
          %mul3A_981 = vector.broadcast %mul3A_980 : f32 to vector<16xf32>
          %mul3A_982 = arith.mulf %bitcast_convert_type3A_979, %mul3A_981 : vector<16xf32>
          %scatter3A_983 = arith.constant 1 : i32
          %scatter3A_984 = arith.constant 0 : i32
          %scatter3A_985 = arith.constant 0 : i32
          %scatter3A_986 = arith.constant 0 : i32
          %scatter3A_987 = tpu.memref_slice %arg7[%scatter3A_983, %scatter3A_984, %scatter3A_985, %scatter3A_986] : memref<2x8x50x64xf32, #tpu.memory_space<vmem>> -> memref<1x8x50x64xf32, #tpu.memory_space<vmem>>
          %scatter3A_988 = tpu.memref_squeeze %scatter3A_987 : memref<1x8x50x64xf32, #tpu.memory_space<vmem>> -> memref<8x50x64xf32, #tpu.memory_space<vmem>>
          tpu.vector_store_idx %scatter3A_988[%add3A_188, %add3A_942, %add3A_9], %mul3A_978 : memref<8x50x64xf32, #tpu.memory_space<vmem>>[vector<16xi32>, vector<16xi32>, vector<16xi32>], vector<16xf32>,
          %scatter3A_989 = arith.constant 1 : i32
          %scatter3A_990 = arith.constant 0 : i32
          %scatter3A_991 = arith.constant 0 : i32
          %scatter3A_992 = arith.constant 0 : i32
          %scatter3A_993 = tpu.memref_slice %arg7[%scatter3A_989, %scatter3A_990, %scatter3A_991, %scatter3A_992] : memref<2x8x50x64xf32, #tpu.memory_space<vmem>> -> memref<1x8x50x64xf32, #tpu.memory_space<vmem>>
          %scatter3A_994 = tpu.memref_squeeze %scatter3A_993 : memref<1x8x50x64xf32, #tpu.memory_space<vmem>> -> memref<8x50x64xf32, #tpu.memory_space<vmem>>
          tpu.vector_store_idx %scatter3A_994[%add3A_188, %add3A_942, %add3A_18], %mul3A_982 : memref<8x50x64xf32, #tpu.memory_space<vmem>>[vector<16xi32>, vector<16xi32>, vector<16xi32>], vector<16xf32>,
          %get3A_995 = arith.constant 1 : i32
          %get3A_996 = arith.index_cast %get3A_995 : i32 to index
          %get3A_997 = arith.index_cast %add3A_945 : i32 to index
          %get3A_998 = arith.constant 32 : index
          %get3A_999 = tpu.vector_load %arg6[%get3A_996, %get3A_997, %get3A_998] {strides = array<i32>} : memref<2x400x64xf16, #tpu.memory_space<vmem>>, vector<32xf16>,
          %bitcast3A_1000 = vector.bitcast %get3A_999 : vector<32xf16> to vector<16xi32>
          %and3A_1001 = arith.constant 32768 : i32
          %and3A_1002 = vector.broadcast %and3A_1001 : i32 to vector<16xi32>
          %and3A_1003 = arith.andi %bitcast3A_1000, %and3A_1002 : vector<16xi32>
          %shift_left3A_1004 = arith.constant 16 : i32
          %shift_left3A_1005 = vector.broadcast %shift_left3A_1004 : i32 to vector<16xi32>
          %shift_left3A_1006 = arith.shli %and3A_1003, %shift_left3A_1005 : vector<16xi32>
          %and3A_1007 = arith.constant 32767 : i32
          %and3A_1008 = vector.broadcast %and3A_1007 : i32 to vector<16xi32>
          %and3A_1009 = arith.andi %bitcast3A_1000, %and3A_1008 : vector<16xi32>
          %shift_left3A_1010 = arith.constant 13 : i32
          %shift_left3A_1011 = vector.broadcast %shift_left3A_1010 : i32 to vector<16xi32>
          %shift_left3A_1012 = arith.shli %and3A_1009, %shift_left3A_1011 : vector<16xi32>
          %or3A_1013 = arith.ori %shift_left3A_1006, %shift_left3A_1012 : vector<16xi32>
          %and3A_1014 = arith.constant -2147483648 : i32
          %and3A_1015 = vector.broadcast %and3A_1014 : i32 to vector<16xi32>
          %and3A_1016 = arith.andi %bitcast3A_1000, %and3A_1015 : vector<16xi32>
          %shift_right_logical3A_1017 = arith.constant 3 : i32
          %shift_right_logical3A_1018 = vector.broadcast %shift_right_logical3A_1017 : i32 to vector<16xi32>
          %shift_right_logical3A_1019 = arith.shrui %bitcast3A_1000, %shift_right_logical3A_1018 : vector<16xi32>
          %and3A_1020 = arith.constant 268427264 : i32
          %and3A_1021 = vector.broadcast %and3A_1020 : i32 to vector<16xi32>
          %and3A_1022 = arith.andi %shift_right_logical3A_1019, %and3A_1021 : vector<16xi32>
          %or3A_1023 = arith.ori %and3A_1016, %and3A_1022 : vector<16xi32>
          %bitcast_convert_type3A_1024 = tpu.bitcast %or3A_1013 : vector<16xi32> -> vector<16xf32>
          %mul3A_1025 = arith.constant 5.19229686E+33 : f32
          %mul3A_1026 = vector.broadcast %mul3A_1025 : f32 to vector<16xf32>
          %mul3A_1027 = arith.mulf %bitcast_convert_type3A_1024, %mul3A_1026 : vector<16xf32>
          %bitcast_convert_type3A_1028 = tpu.bitcast %or3A_1023 : vector<16xi32> -> vector<16xf32>
          %mul3A_1029 = arith.constant 5.19229686E+33 : f32
          %mul3A_1030 = vector.broadcast %mul3A_1029 : f32 to vector<16xf32>
          %mul3A_1031 = arith.mulf %bitcast_convert_type3A_1028, %mul3A_1030 : vector<16xf32>
          %scatter3A_1032 = arith.constant 1 : i32
          %scatter3A_1033 = arith.constant 0 : i32
          %scatter3A_1034 = arith.constant 0 : i32
          %scatter3A_1035 = arith.constant 0 : i32
          %scatter3A_1036 = tpu.memref_slice %arg7[%scatter3A_1032, %scatter3A_1033, %scatter3A_1034, %scatter3A_1035] : memref<2x8x50x64xf32, #tpu.memory_space<vmem>> -> memref<1x8x50x64xf32, #tpu.memory_space<vmem>>
          %scatter3A_1037 = tpu.memref_squeeze %scatter3A_1036 : memref<1x8x50x64xf32, #tpu.memory_space<vmem>> -> memref<8x50x64xf32, #tpu.memory_space<vmem>>
          tpu.vector_store_idx %scatter3A_1037[%add3A_188, %add3A_942, %add3A_24], %mul3A_1027 : memref<8x50x64xf32, #tpu.memory_space<vmem>>[vector<16xi32>, vector<16xi32>, vector<16xi32>], vector<16xf32>,
          %scatter3A_1038 = arith.constant 1 : i32
          %scatter3A_1039 = arith.constant 0 : i32
          %scatter3A_1040 = arith.constant 0 : i32
          %scatter3A_1041 = arith.constant 0 : i32
          %scatter3A_1042 = tpu.memref_slice %arg7[%scatter3A_1038, %scatter3A_1039, %scatter3A_1040, %scatter3A_1041] : memref<2x8x50x64xf32, #tpu.memory_space<vmem>> -> memref<1x8x50x64xf32, #tpu.memory_space<vmem>>
          %scatter3A_1043 = tpu.memref_squeeze %scatter3A_1042 : memref<1x8x50x64xf32, #tpu.memory_space<vmem>> -> memref<8x50x64xf32, #tpu.memory_space<vmem>>
          tpu.vector_store_idx %scatter3A_1043[%add3A_188, %add3A_942, %add3A_33], %mul3A_1031 : memref<8x50x64xf32, #tpu.memory_space<vmem>>[vector<16xi32>, vector<16xi32>, vector<16xi32>], vector<16xf32>,
          %mul3A_1044 = arith.constant 10 : i32
          %mul3A_1045 = arith.muli %scan3A_195, %mul3A_1044 : i32
          %add3A_1046 = arith.constant 8 : i32
          %add3A_1047 = arith.addi %mul3A_1045, %add3A_1046 : i32
          %add3A_1048 = vector.broadcast %add3A_1047 : i32 to vector<16xi32>
          %add3A_1049 = arith.addi %broadcast_in_dim3A_3, %add3A_1048 : vector<16xi32>
          %mul3A_1050 = arith.constant 50 : i32
          %mul3A_1051 = arith.muli %scan3A_186, %mul3A_1050 : i32
          %add3A_1052 = arith.addi %mul3A_1051, %add3A_1047 : i32
          %get3A_1053 = arith.constant 1 : i32
          %get3A_1054 = arith.index_cast %get3A_1053 : i32 to index
          %get3A_1055 = arith.index_cast %add3A_1052 : i32 to index
          %get3A_1056 = arith.constant 0 : index
          %get3A_1057 = tpu.vector_load %arg6[%get3A_1054, %get3A_1055, %get3A_1056] {strides = array<i32>} : memref<2x400x64xf16, #tpu.memory_space<vmem>>, vector<32xf16>,
          %bitcast3A_1058 = vector.bitcast %get3A_1057 : vector<32xf16> to vector<16xi32>
          %and3A_1059 = arith.constant 32768 : i32
          %and3A_1060 = vector.broadcast %and3A_1059 : i32 to vector<16xi32>
          %and3A_1061 = arith.andi %bitcast3A_1058, %and3A_1060 : vector<16xi32>
          %shift_left3A_1062 = arith.constant 16 : i32
          %shift_left3A_1063 = vector.broadcast %shift_left3A_1062 : i32 to vector<16xi32>
          %shift_left3A_1064 = arith.shli %and3A_1061, %shift_left3A_1063 : vector<16xi32>
          %and3A_1065 = arith.constant 32767 : i32
          %and3A_1066 = vector.broadcast %and3A_1065 : i32 to vector<16xi32>
          %and3A_1067 = arith.andi %bitcast3A_1058, %and3A_1066 : vector<16xi32>
          %shift_left3A_1068 = arith.constant 13 : i32
          %shift_left3A_1069 = vector.broadcast %shift_left3A_1068 : i32 to vector<16xi32>
          %shift_left3A_1070 = arith.shli %and3A_1067, %shift_left3A_1069 : vector<16xi32>
          %or3A_1071 = arith.ori %shift_left3A_1064, %shift_left3A_1070 : vector<16xi32>
          %and3A_1072 = arith.constant -2147483648 : i32
          %and3A_1073 = vector.broadcast %and3A_1072 : i32 to vector<16xi32>
          %and3A_1074 = arith.andi %bitcast3A_1058, %and3A_1073 : vector<16xi32>
          %shift_right_logical3A_1075 = arith.constant 3 : i32
          %shift_right_logical3A_1076 = vector.broadcast %shift_right_logical3A_1075 : i32 to vector<16xi32>
          %shift_right_logical3A_1077 = arith.shrui %bitcast3A_1058, %shift_right_logical3A_1076 : vector<16xi32>
          %and3A_1078 = arith.constant 268427264 : i32
          %and3A_1079 = vector.broadcast %and3A_1078 : i32 to vector<16xi32>
          %and3A_1080 = arith.andi %shift_right_logical3A_1077, %and3A_1079 : vector<16xi32>
          %or3A_1081 = arith.ori %and3A_1074, %and3A_1080 : vector<16xi32>
          %bitcast_convert_type3A_1082 = tpu.bitcast %or3A_1071 : vector<16xi32> -> vector<16xf32>
          %mul3A_1083 = arith.constant 5.19229686E+33 : f32
          %mul3A_1084 = vector.broadcast %mul3A_1083 : f32 to vector<16xf32>
          %mul3A_1085 = arith.mulf %bitcast_convert_type3A_1082, %mul3A_1084 : vector<16xf32>
          %bitcast_convert_type3A_1086 = tpu.bitcast %or3A_1081 : vector<16xi32> -> vector<16xf32>
          %mul3A_1087 = arith.constant 5.19229686E+33 : f32
          %mul3A_1088 = vector.broadcast %mul3A_1087 : f32 to vector<16xf32>
          %mul3A_1089 = arith.mulf %bitcast_convert_type3A_1086, %mul3A_1088 : vector<16xf32>
          %scatter3A_1090 = arith.constant 1 : i32
          %scatter3A_1091 = arith.constant 0 : i32
          %scatter3A_1092 = arith.constant 0 : i32
          %scatter3A_1093 = arith.constant 0 : i32
          %scatter3A_1094 = tpu.memref_slice %arg7[%scatter3A_1090, %scatter3A_1091, %scatter3A_1092, %scatter3A_1093] : memref<2x8x50x64xf32, #tpu.memory_space<vmem>> -> memref<1x8x50x64xf32, #tpu.memory_space<vmem>>
          %scatter3A_1095 = tpu.memref_squeeze %scatter3A_1094 : memref<1x8x50x64xf32, #tpu.memory_space<vmem>> -> memref<8x50x64xf32, #tpu.memory_space<vmem>>
          tpu.vector_store_idx %scatter3A_1095[%add3A_188, %add3A_1049, %add3A_9], %mul3A_1085 : memref<8x50x64xf32, #tpu.memory_space<vmem>>[vector<16xi32>, vector<16xi32>, vector<16xi32>], vector<16xf32>,
          %scatter3A_1096 = arith.constant 1 : i32
          %scatter3A_1097 = arith.constant 0 : i32
          %scatter3A_1098 = arith.constant 0 : i32
          %scatter3A_1099 = arith.constant 0 : i32
          %scatter3A_1100 = tpu.memref_slice %arg7[%scatter3A_1096, %scatter3A_1097, %scatter3A_1098, %scatter3A_1099] : memref<2x8x50x64xf32, #tpu.memory_space<vmem>> -> memref<1x8x50x64xf32, #tpu.memory_space<vmem>>
          %scatter3A_1101 = tpu.memref_squeeze %scatter3A_1100 : memref<1x8x50x64xf32, #tpu.memory_space<vmem>> -> memref<8x50x64xf32, #tpu.memory_space<vmem>>
          tpu.vector_store_idx %scatter3A_1101[%add3A_188, %add3A_1049, %add3A_18], %mul3A_1089 : memref<8x50x64xf32, #tpu.memory_space<vmem>>[vector<16xi32>, vector<16xi32>, vector<16xi32>], vector<16xf32>,
          %get3A_1102 = arith.constant 1 : i32
          %get3A_1103 = arith.index_cast %get3A_1102 : i32 to index
          %get3A_1104 = arith.index_cast %add3A_1052 : i32 to index
          %get3A_1105 = arith.constant 32 : index
          %get3A_1106 = tpu.vector_load %arg6[%get3A_1103, %get3A_1104, %get3A_1105] {strides = array<i32>} : memref<2x400x64xf16, #tpu.memory_space<vmem>>, vector<32xf16>,
          %bitcast3A_1107 = vector.bitcast %get3A_1106 : vector<32xf16> to vector<16xi32>
          %and3A_1108 = arith.constant 32768 : i32
          %and3A_1109 = vector.broadcast %and3A_1108 : i32 to vector<16xi32>
          %and3A_1110 = arith.andi %bitcast3A_1107, %and3A_1109 : vector<16xi32>
          %shift_left3A_1111 = arith.constant 16 : i32
          %shift_left3A_1112 = vector.broadcast %shift_left3A_1111 : i32 to vector<16xi32>
          %shift_left3A_1113 = arith.shli %and3A_1110, %shift_left3A_1112 : vector<16xi32>
          %and3A_1114 = arith.constant 32767 : i32
          %and3A_1115 = vector.broadcast %and3A_1114 : i32 to vector<16xi32>
          %and3A_1116 = arith.andi %bitcast3A_1107, %and3A_1115 : vector<16xi32>
          %shift_left3A_1117 = arith.constant 13 : i32
          %shift_left3A_1118 = vector.broadcast %shift_left3A_1117 : i32 to vector<16xi32>
          %shift_left3A_1119 = arith.shli %and3A_1116, %shift_left3A_1118 : vector<16xi32>
          %or3A_1120 = arith.ori %shift_left3A_1113, %shift_left3A_1119 : vector<16xi32>
          %and3A_1121 = arith.constant -2147483648 : i32
          %and3A_1122 = vector.broadcast %and3A_1121 : i32 to vector<16xi32>
          %and3A_1123 = arith.andi %bitcast3A_1107, %and3A_1122 : vector<16xi32>
          %shift_right_logical3A_1124 = arith.constant 3 : i32
          %shift_right_logical3A_1125 = vector.broadcast %shift_right_logical3A_1124 : i32 to vector<16xi32>
          %shift_right_logical3A_1126 = arith.shrui %bitcast3A_1107, %shift_right_logical3A_1125 : vector<16xi32>
          %and3A_1127 = arith.constant 268427264 : i32
          %and3A_1128 = vector.broadcast %and3A_1127 : i32 to vector<16xi32>
          %and3A_1129 = arith.andi %shift_right_logical3A_1126, %and3A_1128 : vector<16xi32>
          %or3A_1130 = arith.ori %and3A_1123, %and3A_1129 : vector<16xi32>
          %bitcast_convert_type3A_1131 = tpu.bitcast %or3A_1120 : vector<16xi32> -> vector<16xf32>
          %mul3A_1132 = arith.constant 5.19229686E+33 : f32
          %mul3A_1133 = vector.broadcast %mul3A_1132 : f32 to vector<16xf32>
          %mul3A_1134 = arith.mulf %bitcast_convert_type3A_1131, %mul3A_1133 : vector<16xf32>
          %bitcast_convert_type3A_1135 = tpu.bitcast %or3A_1130 : vector<16xi32> -> vector<16xf32>
          %mul3A_1136 = arith.constant 5.19229686E+33 : f32
          %mul3A_1137 = vector.broadcast %mul3A_1136 : f32 to vector<16xf32>
          %mul3A_1138 = arith.mulf %bitcast_convert_type3A_1135, %mul3A_1137 : vector<16xf32>
          %scatter3A_1139 = arith.constant 1 : i32
          %scatter3A_1140 = arith.constant 0 : i32
          %scatter3A_1141 = arith.constant 0 : i32
          %scatter3A_1142 = arith.constant 0 : i32
          %scatter3A_1143 = tpu.memref_slice %arg7[%scatter3A_1139, %scatter3A_1140, %scatter3A_1141, %scatter3A_1142] : memref<2x8x50x64xf32, #tpu.memory_space<vmem>> -> memref<1x8x50x64xf32, #tpu.memory_space<vmem>>
          %scatter3A_1144 = tpu.memref_squeeze %scatter3A_1143 : memref<1x8x50x64xf32, #tpu.memory_space<vmem>> -> memref<8x50x64xf32, #tpu.memory_space<vmem>>
          tpu.vector_store_idx %scatter3A_1144[%add3A_188, %add3A_1049, %add3A_24], %mul3A_1134 : memref<8x50x64xf32, #tpu.memory_space<vmem>>[vector<16xi32>, vector<16xi32>, vector<16xi32>], vector<16xf32>,
          %scatter3A_1145 = arith.constant 1 : i32
          %scatter3A_1146 = arith.constant 0 : i32
          %scatter3A_1147 = arith.constant 0 : i32
          %scatter3A_1148 = arith.constant 0 : i32
          %scatter3A_1149 = tpu.memref_slice %arg7[%scatter3A_1145, %scatter3A_1146, %scatter3A_1147, %scatter3A_1148] : memref<2x8x50x64xf32, #tpu.memory_space<vmem>> -> memref<1x8x50x64xf32, #tpu.memory_space<vmem>>
          %scatter3A_1150 = tpu.memref_squeeze %scatter3A_1149 : memref<1x8x50x64xf32, #tpu.memory_space<vmem>> -> memref<8x50x64xf32, #tpu.memory_space<vmem>>
          tpu.vector_store_idx %scatter3A_1150[%add3A_188, %add3A_1049, %add3A_33], %mul3A_1138 : memref<8x50x64xf32, #tpu.memory_space<vmem>>[vector<16xi32>, vector<16xi32>, vector<16xi32>], vector<16xf32>,
          %mul3A_1151 = arith.constant 10 : i32
          %mul3A_1152 = arith.muli %scan3A_195, %mul3A_1151 : i32
          %add3A_1153 = arith.constant 9 : i32
          %add3A_1154 = arith.addi %mul3A_1152, %add3A_1153 : i32
          %add3A_1155 = vector.broadcast %add3A_1154 : i32 to vector<16xi32>
          %add3A_1156 = arith.addi %broadcast_in_dim3A_3, %add3A_1155 : vector<16xi32>
          %mul3A_1157 = arith.constant 50 : i32
          %mul3A_1158 = arith.muli %scan3A_186, %mul3A_1157 : i32
          %add3A_1159 = arith.addi %mul3A_1158, %add3A_1154 : i32
          %get3A_1160 = arith.constant 1 : i32
          %get3A_1161 = arith.index_cast %get3A_1160 : i32 to index
          %get3A_1162 = arith.index_cast %add3A_1159 : i32 to index
          %get3A_1163 = arith.constant 0 : index
          %get3A_1164 = tpu.vector_load %arg6[%get3A_1161, %get3A_1162, %get3A_1163] {strides = array<i32>} : memref<2x400x64xf16, #tpu.memory_space<vmem>>, vector<32xf16>,
          %bitcast3A_1165 = vector.bitcast %get3A_1164 : vector<32xf16> to vector<16xi32>
          %and3A_1166 = arith.constant 32768 : i32
          %and3A_1167 = vector.broadcast %and3A_1166 : i32 to vector<16xi32>
          %and3A_1168 = arith.andi %bitcast3A_1165, %and3A_1167 : vector<16xi32>
          %shift_left3A_1169 = arith.constant 16 : i32
          %shift_left3A_1170 = vector.broadcast %shift_left3A_1169 : i32 to vector<16xi32>
          %shift_left3A_1171 = arith.shli %and3A_1168, %shift_left3A_1170 : vector<16xi32>
          %and3A_1172 = arith.constant 32767 : i32
          %and3A_1173 = vector.broadcast %and3A_1172 : i32 to vector<16xi32>
          %and3A_1174 = arith.andi %bitcast3A_1165, %and3A_1173 : vector<16xi32>
          %shift_left3A_1175 = arith.constant 13 : i32
          %shift_left3A_1176 = vector.broadcast %shift_left3A_1175 : i32 to vector<16xi32>
          %shift_left3A_1177 = arith.shli %and3A_1174, %shift_left3A_1176 : vector<16xi32>
          %or3A_1178 = arith.ori %shift_left3A_1171, %shift_left3A_1177 : vector<16xi32>
          %and3A_1179 = arith.constant -2147483648 : i32
          %and3A_1180 = vector.broadcast %and3A_1179 : i32 to vector<16xi32>
          %and3A_1181 = arith.andi %bitcast3A_1165, %and3A_1180 : vector<16xi32>
          %shift_right_logical3A_1182 = arith.constant 3 : i32
          %shift_right_logical3A_1183 = vector.broadcast %shift_right_logical3A_1182 : i32 to vector<16xi32>
          %shift_right_logical3A_1184 = arith.shrui %bitcast3A_1165, %shift_right_logical3A_1183 : vector<16xi32>
          %and3A_1185 = arith.constant 268427264 : i32
          %and3A_1186 = vector.broadcast %and3A_1185 : i32 to vector<16xi32>
          %and3A_1187 = arith.andi %shift_right_logical3A_1184, %and3A_1186 : vector<16xi32>
          %or3A_1188 = arith.ori %and3A_1181, %and3A_1187 : vector<16xi32>
          %bitcast_convert_type3A_1189 = tpu.bitcast %or3A_1178 : vector<16xi32> -> vector<16xf32>
          %mul3A_1190 = arith.constant 5.19229686E+33 : f32
          %mul3A_1191 = vector.broadcast %mul3A_1190 : f32 to vector<16xf32>
          %mul3A_1192 = arith.mulf %bitcast_convert_type3A_1189, %mul3A_1191 : vector<16xf32>
          %bitcast_convert_type3A_1193 = tpu.bitcast %or3A_1188 : vector<16xi32> -> vector<16xf32>
          %mul3A_1194 = arith.constant 5.19229686E+33 : f32
          %mul3A_1195 = vector.broadcast %mul3A_1194 : f32 to vector<16xf32>
          %mul3A_1196 = arith.mulf %bitcast_convert_type3A_1193, %mul3A_1195 : vector<16xf32>
          %scatter3A_1197 = arith.constant 1 : i32
          %scatter3A_1198 = arith.constant 0 : i32
          %scatter3A_1199 = arith.constant 0 : i32
          %scatter3A_1200 = arith.constant 0 : i32
          %scatter3A_1201 = tpu.memref_slice %arg7[%scatter3A_1197, %scatter3A_1198, %scatter3A_1199, %scatter3A_1200] : memref<2x8x50x64xf32, #tpu.memory_space<vmem>> -> memref<1x8x50x64xf32, #tpu.memory_space<vmem>>
          %scatter3A_1202 = tpu.memref_squeeze %scatter3A_1201 : memref<1x8x50x64xf32, #tpu.memory_space<vmem>> -> memref<8x50x64xf32, #tpu.memory_space<vmem>>
          tpu.vector_store_idx %scatter3A_1202[%add3A_188, %add3A_1156, %add3A_9], %mul3A_1192 : memref<8x50x64xf32, #tpu.memory_space<vmem>>[vector<16xi32>, vector<16xi32>, vector<16xi32>], vector<16xf32>,
          %scatter3A_1203 = arith.constant 1 : i32
          %scatter3A_1204 = arith.constant 0 : i32
          %scatter3A_1205 = arith.constant 0 : i32
          %scatter3A_1206 = arith.constant 0 : i32
          %scatter3A_1207 = tpu.memref_slice %arg7[%scatter3A_1203, %scatter3A_1204, %scatter3A_1205, %scatter3A_1206] : memref<2x8x50x64xf32, #tpu.memory_space<vmem>> -> memref<1x8x50x64xf32, #tpu.memory_space<vmem>>
          %scatter3A_1208 = tpu.memref_squeeze %scatter3A_1207 : memref<1x8x50x64xf32, #tpu.memory_space<vmem>> -> memref<8x50x64xf32, #tpu.memory_space<vmem>>
          tpu.vector_store_idx %scatter3A_1208[%add3A_188, %add3A_1156, %add3A_18], %mul3A_1196 : memref<8x50x64xf32, #tpu.memory_space<vmem>>[vector<16xi32>, vector<16xi32>, vector<16xi32>], vector<16xf32>,
          %get3A_1209 = arith.constant 1 : i32
          %get3A_1210 = arith.index_cast %get3A_1209 : i32 to index
          %get3A_1211 = arith.index_cast %add3A_1159 : i32 to index
          %get3A_1212 = arith.constant 32 : index
          %get3A_1213 = tpu.vector_load %arg6[%get3A_1210, %get3A_1211, %get3A_1212] {strides = array<i32>} : memref<2x400x64xf16, #tpu.memory_space<vmem>>, vector<32xf16>,
          %bitcast3A_1214 = vector.bitcast %get3A_1213 : vector<32xf16> to vector<16xi32>
          %and3A_1215 = arith.constant 32768 : i32
          %and3A_1216 = vector.broadcast %and3A_1215 : i32 to vector<16xi32>
          %and3A_1217 = arith.andi %bitcast3A_1214, %and3A_1216 : vector<16xi32>
          %shift_left3A_1218 = arith.constant 16 : i32
          %shift_left3A_1219 = vector.broadcast %shift_left3A_1218 : i32 to vector<16xi32>
          %shift_left3A_1220 = arith.shli %and3A_1217, %shift_left3A_1219 : vector<16xi32>
          %and3A_1221 = arith.constant 32767 : i32
          %and3A_1222 = vector.broadcast %and3A_1221 : i32 to vector<16xi32>
          %and3A_1223 = arith.andi %bitcast3A_1214, %and3A_1222 : vector<16xi32>
          %shift_left3A_1224 = arith.constant 13 : i32
          %shift_left3A_1225 = vector.broadcast %shift_left3A_1224 : i32 to vector<16xi32>
          %shift_left3A_1226 = arith.shli %and3A_1223, %shift_left3A_1225 : vector<16xi32>
          %or3A_1227 = arith.ori %shift_left3A_1220, %shift_left3A_1226 : vector<16xi32>
          %and3A_1228 = arith.constant -2147483648 : i32
          %and3A_1229 = vector.broadcast %and3A_1228 : i32 to vector<16xi32>
          %and3A_1230 = arith.andi %bitcast3A_1214, %and3A_1229 : vector<16xi32>
          %shift_right_logical3A_1231 = arith.constant 3 : i32
          %shift_right_logical3A_1232 = vector.broadcast %shift_right_logical3A_1231 : i32 to vector<16xi32>
          %shift_right_logical3A_1233 = arith.shrui %bitcast3A_1214, %shift_right_logical3A_1232 : vector<16xi32>
          %and3A_1234 = arith.constant 268427264 : i32
          %and3A_1235 = vector.broadcast %and3A_1234 : i32 to vector<16xi32>
          %and3A_1236 = arith.andi %shift_right_logical3A_1233, %and3A_1235 : vector<16xi32>
          %or3A_1237 = arith.ori %and3A_1230, %and3A_1236 : vector<16xi32>
          %bitcast_convert_type3A_1238 = tpu.bitcast %or3A_1227 : vector<16xi32> -> vector<16xf32>
          %mul3A_1239 = arith.constant 5.19229686E+33 : f32
          %mul3A_1240 = vector.broadcast %mul3A_1239 : f32 to vector<16xf32>
          %mul3A_1241 = arith.mulf %bitcast_convert_type3A_1238, %mul3A_1240 : vector<16xf32>
          %bitcast_convert_type3A_1242 = tpu.bitcast %or3A_1237 : vector<16xi32> -> vector<16xf32>
          %mul3A_1243 = arith.constant 5.19229686E+33 : f32
          %mul3A_1244 = vector.broadcast %mul3A_1243 : f32 to vector<16xf32>
          %mul3A_1245 = arith.mulf %bitcast_convert_type3A_1242, %mul3A_1244 : vector<16xf32>
          %scatter3A_1246 = arith.constant 1 : i32
          %scatter3A_1247 = arith.constant 0 : i32
          %scatter3A_1248 = arith.constant 0 : i32
          %scatter3A_1249 = arith.constant 0 : i32
          %scatter3A_1250 = tpu.memref_slice %arg7[%scatter3A_1246, %scatter3A_1247, %scatter3A_1248, %scatter3A_1249] : memref<2x8x50x64xf32, #tpu.memory_space<vmem>> -> memref<1x8x50x64xf32, #tpu.memory_space<vmem>>
          %scatter3A_1251 = tpu.memref_squeeze %scatter3A_1250 : memref<1x8x50x64xf32, #tpu.memory_space<vmem>> -> memref<8x50x64xf32, #tpu.memory_space<vmem>>
          tpu.vector_store_idx %scatter3A_1251[%add3A_188, %add3A_1156, %add3A_24], %mul3A_1241 : memref<8x50x64xf32, #tpu.memory_space<vmem>>[vector<16xi32>, vector<16xi32>, vector<16xi32>], vector<16xf32>,
          %scatter3A_1252 = arith.constant 1 : i32
          %scatter3A_1253 = arith.constant 0 : i32
          %scatter3A_1254 = arith.constant 0 : i32
          %scatter3A_1255 = arith.constant 0 : i32
          %scatter3A_1256 = tpu.memref_slice %arg7[%scatter3A_1252, %scatter3A_1253, %scatter3A_1254, %scatter3A_1255] : memref<2x8x50x64xf32, #tpu.memory_space<vmem>> -> memref<1x8x50x64xf32, #tpu.memory_space<vmem>>
          %scatter3A_1257 = tpu.memref_squeeze %scatter3A_1256 : memref<1x8x50x64xf32, #tpu.memory_space<vmem>> -> memref<8x50x64xf32, #tpu.memory_space<vmem>>
          tpu.vector_store_idx %scatter3A_1257[%add3A_188, %add3A_1156, %add3A_33], %mul3A_1245 : memref<8x50x64xf32, #tpu.memory_space<vmem>>[vector<16xi32>, vector<16xi32>, vector<16xi32>], vector<16xf32>,
        }
        %scan3A_194 = arith.constant 5 : i32
      }
      %scan3A_165 = arith.constant 8 : i32
      %mul3A_166 = arith.constant 8 : i32
      %mul3A_167 = arith.muli %add3A_136, %mul3A_166 : i32
      %add3A_168 = arith.addi %mul3A_2, %mul3A_167 : i32
      %dma_start3A_169 = arith.constant 1 : i32
      %dma_start3A_170 = arith.constant 0 : i32
      %dma_start3A_171 = arith.constant 0 : i32
      %dma_start3A_172 = arith.constant 0 : i32
      %dma_start3A_173 = tpu.memref_slice %arg7[%dma_start3A_169, %dma_start3A_170, %dma_start3A_171, %dma_start3A_172] : memref<2x8x50x64xf32, #tpu.memory_space<vmem>> -> memref<1x8x50x64xf32, #tpu.memory_space<vmem>>
      %dma_start3A_174 = tpu.memref_squeeze %dma_start3A_173 : memref<1x8x50x64xf32, #tpu.memory_space<vmem>> -> memref<8x50x64xf32, #tpu.memory_space<vmem>>
      %dma_start3A_175 = arith.constant 0 : i32
      %dma_start3A_176 = arith.constant 0 : i32
      %dma_start3A_177 = tpu.memref_slice %arg4[%add3A_168, %dma_start3A_175, %dma_start3A_176] : memref<16384x50x64xf32, #tpu.memory_space<hbm>> -> memref<8x50x64xf32, #tpu.memory_space<hbm>>
      %dma_start3A_178 = arith.constant 0 : i32
      %dma_start3A_179 = arith.constant 0 : i32
      %dma_start3A_180 = tpu.memref_slice %arg4[%add3A_168, %dma_start3A_178, %dma_start3A_179] : memref<16384x50x64xf32, #tpu.memory_space<hbm>> -> memref<8x50x64xf32, #tpu.memory_space<hbm>>
      %dma_start3A_181 = arith.constant 0 : i32
      %dma_start3A_182 = arith.constant 0 : i32
      %dma_start3A_183 = arith.constant 0 : i32
      %dma_start3A_184 = tpu.memref_slice %arg7[%dma_start3A_169, %dma_start3A_181, %dma_start3A_182, %dma_start3A_183] : memref<2x8x50x64xf32, #tpu.memory_space<vmem>> -> memref<1x8x50x64xf32, #tpu.memory_space<vmem>>
      %dma_start3A_185 = tpu.memref_squeeze %dma_start3A_184 : memref<1x8x50x64xf32, #tpu.memory_space<vmem>> -> memref<8x50x64xf32, #tpu.memory_space<vmem>>
      tpu.enqueue_dma source(%dma_start3A_185 : memref<8x50x64xf32, #tpu.memory_space<vmem>>) target(%dma_start3A_180 : memref<8x50x64xf32, #tpu.memory_space<hbm>>) target_semaphore(%arg11 : memref<!tpu.dma_semaphore, #tpu.memory_space<semaphore_mem>>)
    }
    %scan3A_49 = arith.constant 32 : i32
    %dma_wait3A = arith.constant 0 : i32
    %dma_wait3A_50 = arith.constant 0 : i32
    %dma_wait3A_51 = arith.constant 0 : i32
    %dma_wait3A_52 = arith.constant 0 : i32
    %dma_wait3A_53 = tpu.memref_slice %arg7[%dma_wait3A, %dma_wait3A_50, %dma_wait3A_51, %dma_wait3A_52] : memref<2x8x50x64xf32, #tpu.memory_space<vmem>> -> memref<1x8x50x64xf32, #tpu.memory_space<vmem>>
    %dma_wait3A_54 = tpu.memref_squeeze %dma_wait3A_53 : memref<1x8x50x64xf32, #tpu.memory_space<vmem>> -> memref<8x50x64xf32, #tpu.memory_space<vmem>>
    %dma_wait3A_55 = arith.constant 0 : i32
    %dma_wait3A_56 = arith.constant 0 : i32
    %dma_wait3A_57 = tpu.memref_slice %arg4[%mul3A_2, %dma_wait3A_55, %dma_wait3A_56] : memref<16384x50x64xf32, #tpu.memory_space<hbm>> -> memref<8x50x64xf32, #tpu.memory_space<hbm>>
    %dma_wait3A_58 = arith.constant 0 : i32
    %dma_wait3A_59 = arith.constant 0 : i32
    %dma_wait3A_60 = tpu.memref_slice %arg4[%mul3A_2, %dma_wait3A_58, %dma_wait3A_59] : memref<16384x50x64xf32, #tpu.memory_space<hbm>> -> memref<8x50x64xf32, #tpu.memory_space<hbm>>
    %dma_wait3A_61 = arith.constant 0 : i32
    %dma_wait3A_62 = arith.constant 0 : i32
    %dma_wait3A_63 = arith.constant 0 : i32
    %dma_wait3A_64 = tpu.memref_slice %arg7[%dma_wait3A, %dma_wait3A_61, %dma_wait3A_62, %dma_wait3A_63] : memref<2x8x50x64xf32, #tpu.memory_space<vmem>> -> memref<1x8x50x64xf32, #tpu.memory_space<vmem>>
    %dma_wait3A_65 = tpu.memref_squeeze %dma_wait3A_64 : memref<1x8x50x64xf32, #tpu.memory_space<vmem>> -> memref<8x50x64xf32, #tpu.memory_space<vmem>>
    tpu.wait_dma2 semaphore(%arg10 : memref<!tpu.dma_semaphore, #tpu.memory_space<semaphore_mem>>) src(%dma_wait3A_65 : memref<8x50x64xf32, #tpu.memory_space<vmem>>) dst(%dma_wait3A_60 : memref<8x50x64xf32, #tpu.memory_space<hbm>>)
    %dma_wait3A_66 = arith.constant 1 : i32
    %dma_wait3A_67 = arith.constant 0 : i32
    %dma_wait3A_68 = arith.constant 0 : i32
    %dma_wait3A_69 = arith.constant 0 : i32
    %dma_wait3A_70 = tpu.memref_slice %arg7[%dma_wait3A_66, %dma_wait3A_67, %dma_wait3A_68, %dma_wait3A_69] : memref<2x8x50x64xf32, #tpu.memory_space<vmem>> -> memref<1x8x50x64xf32, #tpu.memory_space<vmem>>
    %dma_wait3A_71 = tpu.memref_squeeze %dma_wait3A_70 : memref<1x8x50x64xf32, #tpu.memory_space<vmem>> -> memref<8x50x64xf32, #tpu.memory_space<vmem>>
    %dma_wait3A_72 = arith.constant 0 : i32
    %dma_wait3A_73 = arith.constant 0 : i32
    %dma_wait3A_74 = tpu.memref_slice %arg4[%mul3A_2, %dma_wait3A_72, %dma_wait3A_73] : memref<16384x50x64xf32, #tpu.memory_space<hbm>> -> memref<8x50x64xf32, #tpu.memory_space<hbm>>
    %dma_wait3A_75 = arith.constant 0 : i32
    %dma_wait3A_76 = arith.constant 0 : i32
    %dma_wait3A_77 = tpu.memref_slice %arg4[%mul3A_2, %dma_wait3A_75, %dma_wait3A_76] : memref<16384x50x64xf32, #tpu.memory_space<hbm>> -> memref<8x50x64xf32, #tpu.memory_space<hbm>>
    %dma_wait3A_78 = arith.constant 0 : i32
    %dma_wait3A_79 = arith.constant 0 : i32
    %dma_wait3A_80 = arith.constant 0 : i32
    %dma_wait3A_81 = tpu.memref_slice %arg7[%dma_wait3A_66, %dma_wait3A_78, %dma_wait3A_79, %dma_wait3A_80] : memref<2x8x50x64xf32, #tpu.memory_space<vmem>> -> memref<1x8x50x64xf32, #tpu.memory_space<vmem>>
    %dma_wait3A_82 = tpu.memref_squeeze %dma_wait3A_81 : memref<1x8x50x64xf32, #tpu.memory_space<vmem>> -> memref<8x50x64xf32, #tpu.memory_space<vmem>>
    tpu.wait_dma2 semaphore(%arg11 : memref<!tpu.dma_semaphore, #tpu.memory_space<semaphore_mem>>) src(%dma_wait3A_82 : memref<8x50x64xf32, #tpu.memory_space<vmem>>) dst(%dma_wait3A_77 : memref<8x50x64xf32, #tpu.memory_space<hbm>>)
    return
  }
}

</mosaic_0001>

<sc_bundles>
// kernel: kernel.3.cloned.1.call-start
scs
__scs_entry_jumppad:
0x0: {  	(pc) =	sbr.rel $0x88, $3  }
0x1: {  	(tag) =	ssettag $0x0;
	lr =	simm.s32 $0x1  }
0x2: {  	[smem:$0x3F9F] =	sst lr;
	_ =	strace $0xD0000000  }
0x3: {  	_ = 	snop  }
0x4: {  	_ = 	snop  }
0x5: {  	_ = 	snop  }
0x6: {  	_ = 	snop  }
0x7: {  	_ = 	snop  }
__scs_overlays_trampoline_lowered:
0x8: {  	[smem:$0x3FAE] =	sst s0  }
0x9: {  	[smem:$0x3FAF] =	sst s1  }
0xa: {  	[smem:$0x3FB0] =	sst s2  }
0xb: {  	[smem:$0x3FB1] =	sst s3  }
0xc: {  	[smem:$0x3FB2] =	sst s4  }
0xd: {  	[smem:$0x3FB3] =	sst s5  }
0xe: {  	[smem:$0x3FB4] =	sst s6  }
0xf: {  	[smem:$0x3FB5] =	sst s7  }
0x10: {  	[smem:$0x3FB6] =	sst s8  }
0x11: {  	[smem:$0x3FB7] =	sst s9;
	s0 =	simm.s32 @!p0 $0x0  }
0x12: {  	s1 =	sld [smem:$0x3F9D];
	s0 =	simm.s32 @p0 $0x1  }
0x13: {  	[smem:$0x3FB8] =	sst s0;
	s0 =	simm.s32 @!p1 $0x0  }
0x14: {  	s2 =	sld [smem:$0x3F9C];
	s0 =	simm.s32 @p1 $0x1  }
0x15: {  	[smem:$0x3FB9] =	sst s0;
	s0 =	simm.s32 @!p2 $0x0  }
0x16: {  	s3 =	sld [smem:$0x3FDB];
	s0 =	simm.s32 @p2 $0x1  }
0x17: {  	s4 =	simm.s32 $0x1BF5;
	[smem:$0x3FBB] =	sst s0  }
0x18: {  	s0 =	sld [smem:$0x3F9E];
	_ =	swait.ge [sflag:s4], $0x0  }
0x19: {  	s7 =	sld [smem:$0x3F9F]  }
0x1a: {  	s8 =	sadd.s32 $0xFFFFE003, lr  }
0x1b: {  	s9 =	sadd.s32 $0xFFFFFEF7, lr;
	s5 =	simm.s32 $0xFFFFFFFF;
	p2 =	slt.u32 s8, $0xFFFFF086  }
0x1c: {  	p1 =	slt.u32 s9, $0xF7A;
	s5 =	simm.s32 @!p2 $0x0  }
0x1d: {  	s5 =	simm.s32 @p1 $0x1;
	p0 =	seq.s32 s7, s2  }
0x1e: {  	s7 =	smul.u32 @!p0 $0xF7A, s2;
	p2 =	seq.s32 @!p0 s5, $0x0  }
0x1f: {  	s9 =	smul.u32 $0xF7A, s1;
	s8 =	simm.s32 @!p0 $0x1BF5;
	p2 =	por !p2, p0  }
0x20: {  	[sflag:s8] =	ssyncset.s32 @!p0 $0xFFFFF086;
	s6 =	sadd.s32 @!p0 s3, s7;
	s7 =	simm.s32 @!p0 $0x108  }
0x21: {  	s3 =	sadd.s32 s3, s9;
	s6 =	sadd.s32 @!p0 $0x88, s6;
	s7 =	simm.s32 @p2 $0x1082  }
0x22: {  	[simem:s7], [sflag:s8] =	dma.local @!p0 [hbm:s6], $0xF7A  }
0x23: {  	s9 =	sor.u32 $0xD0000000, s2;
	s6 =	simm.s32 $0x108;
	_ =	swait.ge @!p0 [sflag:s8], $0x0  }
0x24: {  	s3 =	sadd.s32 $0x88, s3;
	s6 =	simm.s32 @!p1 $0x1082;
	[sflag:s4] =	ssyncset.s32 $0xFFFFF086  }
0x25: {  	[simem:s6], [sflag:s4] =	dma.local [hbm:s3], $0xF7A  }
0x26: {  	[smem:$0x3F9F] =	sst s1;
	(tag) =	ssettag s2;
	_ =	strace s9  }
0x27: {  	s1 =	sld [smem:$0x3FAF]  }
0x28: {  	s2 =	sld [smem:$0x3FB0]  }
0x29: {  	s4 =	sld [smem:$0x3FB2]  }
0x2a: {  	p0 =	seq.s32 s5, $0x0;
	s5 =	sld [smem:$0x3FB3]  }
0x2b: {  	s6 =	sld [smem:$0x3FB4]  }
0x2c: {  	s7 =	sld [smem:$0x3FB5]  }
0x2d: {  	s3 =	simm.s32 $0x108;
	s8 =	sld [smem:$0x3FB6]  }
0x2e: {  	s3 =	simm.s32 @!p0 $0x1082;
	s9 =	sld [smem:$0x3FB7]  }
0x2f: {  	lr =	sadd.s32 s0, s3;
	s0 =	sld [smem:$0x3FAE]  }
0x30: {  	s3 =	sld [smem:$0x3FB1]  }
0x31: {  	[smem:$0x3FBA] =	sst s10  }
0x32: {  	s10 =	sld [smem:$0x3FB8];
	_ =	sdelay $0x3  }
0x33: {  	p0 =	seq.s32 s10, $0x1;
	s10 =	sld [smem:$0x3FBA];
	_ =	sdelay $0x3  }
0x34: {  	[smem:$0x3FBA] =	sst s10  }
0x35: {  	s10 =	sld [smem:$0x3FB9];
	_ =	sdelay $0x3  }
0x36: {  	p1 =	seq.s32 s10, $0x1;
	s10 =	sld [smem:$0x3FBA];
	_ =	sdelay $0x3  }
0x37: {  	[smem:$0x3FBA] =	sst s10  }
0x38: {  	s10 =	sld [smem:$0x3FBB]  }
0x39: {  	_ = 	snop;
	(pc) =	sbr.ind lr, $3  }
0x3a: {  	_ = 	snop  }
0x3b: {  	_ = 	snop  }
0x3c: {  	p2 =	seq.s32 s10, $0x1;
	s10 =	sld [smem:$0x3FBA]  }
0x3d: {  	_ =	shalt  }
0x3e: {  	_ =	shalt  }
0x3f: {  	_ =	shalt  }
0x40: {  	_ =	shalt  }
0x41: {  	_ =	shalt  }
0x42: {  	_ =	shalt  }
0x43: {  	_ =	shalt  }
0x44: {  	_ =	shalt  }
0x45: {  	_ =	shalt  }
0x46: {  	_ =	shalt  }
0x47: {  	_ =	shalt  }
0x48: {  	_ =	shalt  }
0x49: {  	_ =	shalt  }
0x4a: {  	_ =	shalt  }
0x4b: {  	_ =	shalt  }
0x4c: {  	_ =	shalt  }
0x4d: {  	_ =	shalt  }
0x4e: {  	_ =	shalt  }
0x4f: {  	_ =	shalt  }
0x50: {  	_ =	shalt  }
0x51: {  	_ =	shalt  }
0x52: {  	_ =	shalt  }
0x53: {  	_ =	shalt  }
0x54: {  	_ =	shalt  }
0x55: {  	_ =	shalt  }
0x56: {  	_ =	shalt  }
0x57: {  	_ =	shalt  }
0x58: {  	_ =	shalt  }
0x59: {  	_ =	shalt  }
0x5a: {  	_ =	shalt  }
0x5b: {  	_ =	shalt  }
0x5c: {  	_ =	shalt  }
0x5d: {  	_ =	shalt  }
0x5e: {  	_ =	shalt  }
0x5f: {  	_ =	shalt  }
0x60: {  	_ =	shalt  }
0x61: {  	_ =	shalt  }
0x62: {  	_ =	shalt  }
0x63: {  	_ =	shalt  }
0x64: {  	_ =	shalt  }
0x65: {  	_ =	shalt  }
0x66: {  	_ =	shalt  }
0x67: {  	_ =	shalt  }
0x68: {  	_ =	shalt  }
0x69: {  	_ =	shalt  }
0x6a: {  	_ =	shalt  }
0x6b: {  	_ =	shalt  }
0x6c: {  	_ =	shalt  }
0x6d: {  	_ =	shalt  }
0x6e: {  	_ =	shalt  }
0x6f: {  	_ =	shalt  }
0x70: {  	_ =	shalt  }
0x71: {  	_ =	shalt  }
0x72: {  	_ =	shalt  }
0x73: {  	_ =	shalt  }
0x74: {  	_ =	shalt  }
0x75: {  	_ =	shalt  }
0x76: {  	_ =	shalt  }
0x77: {  	_ =	shalt  }
0x78: {  	_ =	shalt  }
0x79: {  	_ =	shalt  }
0x7a: {  	_ =	shalt  }
0x7b: {  	_ =	shalt  }
0x7c: {  	_ =	shalt  }
0x7d: {  	_ =	shalt  }
0x7e: {  	_ =	shalt  }
0x7f: {  	_ =	shalt  }
0x80: {  	_ =	shalt  }
0x81: {  	_ =	shalt  }
0x82: {  	_ =	shalt  }
0x83: {  	_ =	shalt  }
0x84: {  	_ =	shalt  }
0x85: {  	_ =	shalt  }
0x86: {  	_ =	shalt  }
0x87: {  	_ =	shalt  }
.Lfunc_end0:
.L_simem_size_0:
called_computation.2_lowered:
.L_overlay_start_0:
0x88: {  	s2 =	sld [smem:$0x3FD9]  }
0x89: {  	s3 =	sld [smem:$0x3FFE];
	_ =	sdelay $0x1  }
0x8a: {  	s1 =	srdreg.scid  }
0x8b: {  	s0 =	sand.u32 $0x1, s1  }
0x8c: {  	s17 =	sshll.u32 s0, $0xA;
	s2 =	sadd.s32 s3, s2  }
0x8d: {  	s2 =	sadd.s32 s2, s17  }
0x8e: {  	[smem:$0x3FC6] =	sst s2  }
0x8f: {  	_ = 	snop  }
0x90: {  	s2 =	sld [smem:$0x3FD0];
	(tm) =	ssettm $0x1  }
0x91: {  	s18 =	sld [smem:$0x3FFB];
	_ =	sdelay $0x3  }
0x92: {  	_ =	strace s18  }
0x93: {  	s3 =	sld [smem:$0x3FFC];
	_ =	sdelay $0x3  }
0x94: {  	_ =	strace s3  }
0x95: {  	s3 =	sld [smem:$0x3FFD];
	_ =	sdelay $0x3  }
0x96: {  	_ =	strace s3  }
0x97: {  	_ =	strace $0x8FFFFFFF  }
0x98: {  	s19 =	sld [smem:$0x3FDB];
	_ =	sdelay $0x1  }
0x99: {  	s4 =	simm.s32 $_scs_section_size  }
0x9a: {  	s5 =	simm.s32 $_size__tile_overlayer_lowered;
	s6 =	simm.s32 $_tile_overlayer_lowered  }
0x9b: {  	s22 =	simm.s32 $0x1BFF;
	s21 =	sshll.u32 s6, $0x1;
	s3 =	sadd.s32 s4, s19  }
0x9c: {  	s7 =	simm.s32 $0x0;
	s20 =	sshll.u32 s5, $0x1;
	s5 =	sadd.s32 s21, s3  }
0x9d: {  	[timem:s7], [sflag:s22] =	dma.local [hbm:s5], s20  }
0x9e: {  	_ =	swait.ge [sflag:s22], s20  }
0x9f: {  	s4 =	ssub.s32 $0x0, s20;
	[sflag:s22] =	ssyncset.done $0x0  }
0xa0: {  	[sflag:s22] =	ssyncadd.s32 s4;
	_ =	sdelay $0x1  }
0xa1: {  	s23 =	simm.s32 $0x1B8B  }
0xa2: {  	_ =	swait.ge [sflag:s23], $0x1  }
0xa3: {  	[sflag:s23] =	ssyncset.done $0x0  }
0xa4: {  	s25 =	simm.s32 $0x1B8E;
	s24 =	sld [smem:$0x3FFE];
	[sflag:s23] =	ssyncadd.s32 $0xFFFFFFFF  }
0xa5: {  	s26 =	simm.s32 $execute0_lowered;
	[smem:$0x3FD2] =	sst s25  }
0xa6: {  	s5 =	sshll.u32 s26, $0x1;
	_ =	strace $0x80000049;
	[dreg:$0x1] =	wrdreg $0xFFFFFFFF  }
0xa7: {  	s28 =	simm.s32 $_size_execute0_lowered;
	s3 =	sadd.s32 s3, s5;
	[dreg:$0x0] =	wrdreg $0x0  }
0xa8: {  	s5 =	sshll.u32 s28, $0x1;
	[dreg:$0x2] =	wrdreg s3  }
0xa9: {  	[dreg:$0x3] =	wrdreg s5  }
0xaa: {  	[dreg:$0x4] =	wrdreg $0xC0  }
0xab: {  	_ =	task [dreg:s7], $0x5FFFF  }
0xac: {  	[dreg:$0x1] =	wrdreg $0xFFFFFFFF  }
0xad: {  	[dreg:$0x0] =	wrdreg $0x60  }
0xae: {  	[dreg:$0x2] =	wrdreg s24  }
0xaf: {  	[dreg:$0x3] =	wrdreg s2  }
0xb0: {  	[dreg:$0x4] =	wrdreg $0x9  }
0xb1: {  	_ =	task.clear_ibuf [dreg:s7], $0x5FFFF;
	_ =	strace $0x90000049  }
0xb2: {  	s29 =	simm.s32 $0x9;
	_ =	strace $0x8000004B  }
0xb3: {  	_ =	swait.ge [sflag:s29], $0x1  }
0xb4: {  	[sflag:s29] =	ssyncadd.s32 $0xFFFFFFFF  }
0xb5: {  	_ =	strace $0x9000004B  }
0xb6: {  	_ =	sfence  }
0xb7: {  	s30 =	sld [smem:$0x0];
	_ =	sdelay $0x2  }
0xb8: {  	s31 =	sshll.u32 s1, $0xD;
	s1 =	sshrl.u32 s1, $0x2  }
0xb9: {  	s3 =	sand.u32 $0x4000, s31;
	s1 =	sadd.s32 s1, s30  }
0xba: {  	s0 =	sor.u32 s3, s0;
	s1 =	sshll.u32 s1, $0x11  }
0xbb: {  	s0 =	sor.u32 s1, s0  }
0xbc: {  	s0 =	sadd.s32 $0x8F2B, s0  }
0xbd: {  	[sflag:s0] =	ssyncadd.remote.s32 $0x1  }
0xbe: {  	_ =	sfence.sel $0xFFFF  }
0xbf: {  	[dreg:$0x0] =	wrdreg $0xFFFFFFFF;
	(pc) =	sbr.abs _section_cstart, $3  }
0xc0: {  	[dreg:$0x1] =	wrdreg $0xFFFFFFFF  }
0xc1: {  	_ =	task.clear_ibuf [dreg:s7], $0x2FFFF;
	_ =	strace $0x9FFFFFFF  }
0xc2: {  	(tm) =	ssettm $0x7FFFFFFF  }
0xc3: {  	_ =	shalt  }
tec
execute0_lowered:
.L_overlay_start_1:
0x0: {  	(tag) =	ssettag $0x1  }
0x1: {  	s4 =	rddreg [dreg:$0x0];
	s1 =	srdreg.scid  }
0x2: {  	s0 =	stileid.u32;
	s2 =	rddreg [dreg:$0x1]  }
0x3: {  	s3 =	simm.s32 $0x0;
	s9 =	simm.s32 $0x190;
	s10 =	simm.s32 $0x6400  }
0x4: {  	s11 =	simm.s32 $0x9600;
	s12 =	simm.s32 $0x1;
	s13 =	simm.s32 $0xC800  }
0x5: {  	s14 =	simm.s32 $0x2;
	s15 =	simm.s32 $0x4;
	s16 =	simm.s32 $0x12C00  }
0x6: {  	s17 =	simm.s32 $0x3;
	s5 =	sand.u32 $0x1, s1;
	s6 =	sshll.u32 s0, $0x1  }
0x7: {  	s18 =	simm.s32 $0x0;
	s6 =	sor.u32 s5, s6;
	s5 =	ssub.s32 $0x2, s5  }
0x8: {  	v0 =	vlaneseq.u32;
	[smem:$0x7FF] =	sst s3;
	s7 =	smul.u32 $0xC80, s6;
	s8 =	sshrl.u32 s5, $0x1  }
0x9: {  	s1 =	rddreg [dreg:$0x2];
	v0 =	vmul.u32 $0x2, v0;
	_ =	strace $0x8000004A;
	s8 =	ssub.s32 s5, s8  }
0xa: {  	s5 =	sshll.u32 s6, $0x9;
	s7 =	sadd.s32 s7, s4;
	s4 =	sadd.s32 $0x3D1800, s4  }
0xb: {  	v1 =	vor.u32 $0x1, v0;
	v2 =	vor.u32 $0x20, v0;
	v3 =	vor.u32 $0x21, v0;
	s6 =	sadd.s32 $0x7A2200, s7;
	s7 =	smax.u32 s8, $0x1;
	s8 =	simm.s32 $0x5  }
.LBB2_1:
0xc: {  	[tilespmem:s3], [sflag:$0x5] =	stream.linear.gather [hbm4b:s6+s3], $0x6400, $0x38;
	[tilespmem:$0x19000] =	vst v63  }
0xd: {  	_ =	swait.ge [sflag:s8], $0x6400  }
0xe: {  	[sflag:s8] =	ssyncset.done $0x0  }
0xf: {  	s19 =	simm.s32 $0x0;
	[sflag:s8] =	ssyncadd.s32 $0xFFFF9C00  }
0x10: {  	[tilespmem:s10], [sflag:$0x1] =	stream.indirect.gather [hbm4b:s4+s9], $0x20, s3, s9, $0xb8;
	[tilespmem:$0x19000] =	vst v63  }
.LBB2_2:
0x11: {  	s20 =	sshllo.u32 s19, $0x1  }
0x12: {  	s21 =	smul.u32 $0x640, s20;
	_ =	sdelay $0x1  }
0x13: {  	s21 =	sshra.s32 s21, $0x2  }
0x14: {  	[tilespmem:s11], [sflag:$0x2] =	stream.indirect.gather [hbm4b:s4+s9], $0x20, s21, s9, $0xb8;
	[tilespmem:$0x19000] =	vst v63  }
0x15: {  	_ =	swait.ge [sflag:s12], $0x3200  }
0x16: {  	p0 =	seq.s32 s19, $0x0;
	[sflag:s12] =	ssyncset.done $0x0  }
0x17: {  	s21 =	simm.s32 @!p0 $0x3;
	[sflag:s12] =	ssyncadd.s32 $0xFFFFCE00  }
0x18: {  	_ =	swait.ge @!p0 [sflag:s21], $0x6400  }
0x19: {  	[sflag:s21] =	ssyncset.done @!p0 $0x0  }
0x1a: {  	s22 =	simm.s32 $0x64A0;
	[sflag:s21] =	ssyncadd.s32 @!p0 $0xFFFF9C00;
	s21 =	simm.s32 $0x0  }
.LBB2_3:
0x1b: {  	v4 =	vmov s21;
	v5 =	vld [tilespmem:s22+$0xFFFFFF60]  }
0x1c: {  	v4 =	vmul.u32 $0xC80, v4  }
0x1d: {  	s23 =	simm.s32 $0x0  }
0x1e: {  	v6 =	vadd.s32 s23, v4  }
0x1f: {  	v6 =	vbroadcast v6, $0x0  }
0x20: {  	v8 =	vshll.u32 v5, $0x10  }
0x21: {  	v9 =	vshll.u32 v5, $0xD;
	v11 =	vshrl.u32 v5, $0x3;
	v10 =	vor.u32 v0, v6  }
0x22: {  	v7 =	vor.u32 v1, v6;
	v8 =	vand.u32 $0x80000000, v8;
	v9 =	vand.u32 $0xFFFE000, v9  }
0x23: {  	v5 =	vand.u32 $0x80000000, v5;
	v8 =	vor.u32 v9, v8;
	v9 =	vand.u32 $0xFFFE000, v11  }
0x24: {  	v5 =	vor.u32 v5, v9;
	v8 =	vmul.f32 $5.192296860e+33, v8  }
0x25: {  	v5 =	vmul.f32 $5.192296860e+33, v5  }
0x26: {  	[tilespmem:v10+s13+$0x0] =	vst.idx.msk $0xffff, v8  }
0x27: {  	[tilespmem:v7+s13+$0x0] =	vst.idx.msk $0xffff, v5  }
0x28: {  	v5 =	vld [tilespmem:s22+$0xFFFFFF70];
	_ =	sdelay $0x3  }
0x29: {  	v7 =	vor.u32 v2, v6  }
0x2a: {  	v6 =	vor.u32 v3, v6;
	v8 =	vshll.u32 v5, $0x10;
	v9 =	vshll.u32 v5, $0xD  }
0x2b: {  	v10 =	vshrl.u32 v5, $0x3;
	v8 =	vand.u32 $0x80000000, v8;
	v9 =	vand.u32 $0xFFFE000, v9  }
0x2c: {  	v5 =	vand.u32 $0x80000000, v5;
	v10 =	vand.u32 $0xFFFE000, v10;
	v8 =	vor.u32 v9, v8  }
0x2d: {  	v5 =	vor.u32 v5, v10;
	v8 =	vmul.f32 $5.192296860e+33, v8  }
0x2e: {  	v5 =	vmul.f32 $5.192296860e+33, v5  }
0x2f: {  	[tilespmem:v7+s13+$0x0] =	vst.idx.msk $0xffff, v8  }
0x30: {  	[tilespmem:v6+s13+$0x0] =	vst.idx.msk $0xffff, v5  }
0x31: {  	s30 =	simm.s32 $0x40;
	v5 =	vld [tilespmem:s22+$0xFFFFFF80]  }
0x32: {  	v6 =	vadd.s32 s30, v4  }
0x33: {  	v6 =	vbroadcast v6, $0x0;
	_ =	sdelay $0x1  }
0x34: {  	v7 =	vor.u32 v0, v6  }
0x35: {  	v8 =	vor.u32 v1, v6;
	v9 =	vshll.u32 v5, $0x10;
	v10 =	vshll.u32 v5, $0xD  }
0x36: {  	v11 =	vshrl.u32 v5, $0x3;
	v9 =	vand.u32 $0x80000000, v9;
	v10 =	vand.u32 $0xFFFE000, v10  }
0x37: {  	v5 =	vand.u32 $0x80000000, v5;
	v11 =	vand.u32 $0xFFFE000, v11;
	v9 =	vor.u32 v10, v9  }
0x38: {  	v5 =	vor.u32 v5, v11;
	v9 =	vmul.f32 $5.192296860e+33, v9  }
0x39: {  	v5 =	vmul.f32 $5.192296860e+33, v5  }
0x3a: {  	[tilespmem:v7+s13+$0x0] =	vst.idx.msk $0xffff, v9  }
0x3b: {  	[tilespmem:v8+s13+$0x0] =	vst.idx.msk $0xffff, v5  }
0x3c: {  	v5 =	vld [tilespmem:s22+$0xFFFFFF90];
	_ =	sdelay $0x3  }
0x3d: {  	v7 =	vor.u32 v2, v6  }
0x3e: {  	v6 =	vor.u32 v3, v6;
	v8 =	vshll.u32 v5, $0x10;
	v9 =	vshll.u32 v5, $0xD  }
0x3f: {  	v10 =	vshrl.u32 v5, $0x3;
	v8 =	vand.u32 $0x80000000, v8;
	v9 =	vand.u32 $0xFFFE000, v9  }
0x40: {  	v5 =	vand.u32 $0x80000000, v5;
	v10 =	vand.u32 $0xFFFE000, v10;
	v8 =	vor.u32 v9, v8  }
0x41: {  	v5 =	vor.u32 v5, v10;
	v8 =	vmul.f32 $5.192296860e+33, v8  }
0x42: {  	v5 =	vmul.f32 $5.192296860e+33, v5  }
0x43: {  	[tilespmem:v7+s13+$0x0] =	vst.idx.msk $0xffff, v8  }
0x44: {  	[tilespmem:v6+s13+$0x0] =	vst.idx.msk $0xffff, v5  }
0x45: {  	s31 =	simm.s32 $0x80;
	v5 =	vld [tilespmem:s22+$0xFFFFFFA0]  }
0x46: {  	v6 =	vadd.s32 s31, v4  }
0x47: {  	v6 =	vbroadcast v6, $0x0;
	_ =	sdelay $0x1  }
0x48: {  	v7 =	vor.u32 v0, v6  }
0x49: {  	v8 =	vor.u32 v1, v6;
	v9 =	vshll.u32 v5, $0x10;
	v10 =	vshll.u32 v5, $0xD  }
0x4a: {  	v11 =	vshrl.u32 v5, $0x3;
	v9 =	vand.u32 $0x80000000, v9;
	v10 =	vand.u32 $0xFFFE000, v10  }
0x4b: {  	v5 =	vand.u32 $0x80000000, v5;
	v11 =	vand.u32 $0xFFFE000, v11;
	v9 =	vor.u32 v10, v9  }
0x4c: {  	v5 =	vor.u32 v5, v11;
	v9 =	vmul.f32 $5.192296860e+33, v9  }
0x4d: {  	v5 =	vmul.f32 $5.192296860e+33, v5  }
0x4e: {  	[tilespmem:v7+s13+$0x0] =	vst.idx.msk $0xffff, v9  }
0x4f: {  	[tilespmem:v8+s13+$0x0] =	vst.idx.msk $0xffff, v5  }
0x50: {  	v5 =	vld [tilespmem:s22+$0xFFFFFFB0];
	_ =	sdelay $0x3  }
0x51: {  	v7 =	vor.u32 v2, v6  }
0x52: {  	v6 =	vor.u32 v3, v6;
	v8 =	vshll.u32 v5, $0x10;
	v9 =	vshll.u32 v5, $0xD  }
0x53: {  	v10 =	vshrl.u32 v5, $0x3;
	v8 =	vand.u32 $0x80000000, v8;
	v9 =	vand.u32 $0xFFFE000, v9  }
0x54: {  	v5 =	vand.u32 $0x80000000, v5;
	v10 =	vand.u32 $0xFFFE000, v10;
	v8 =	vor.u32 v9, v8  }
0x55: {  	v5 =	vor.u32 v5, v10;
	v8 =	vmul.f32 $5.192296860e+33, v8  }
0x56: {  	v5 =	vmul.f32 $5.192296860e+33, v5  }
0x57: {  	[tilespmem:v7+s13+$0x0] =	vst.idx.msk $0xffff, v8  }
0x58: {  	[tilespmem:v6+s13+$0x0] =	vst.idx.msk $0xffff, v5  }
0x59: {  	s24 =	simm.s32 $0xC0;
	v5 =	vld [tilespmem:s22+$0xFFFFFFC0]  }
0x5a: {  	v6 =	vadd.s32 s24, v4  }
0x5b: {  	v6 =	vbroadcast v6, $0x0;
	_ =	sdelay $0x1  }
0x5c: {  	v7 =	vor.u32 v0, v6  }
0x5d: {  	v8 =	vor.u32 v1, v6;
	v9 =	vshll.u32 v5, $0x10;
	v10 =	vshll.u32 v5, $0xD  }
0x5e: {  	v11 =	vshrl.u32 v5, $0x3;
	v9 =	vand.u32 $0x80000000, v9;
	v10 =	vand.u32 $0xFFFE000, v10  }
0x5f: {  	v5 =	vand.u32 $0x80000000, v5;
	v11 =	vand.u32 $0xFFFE000, v11;
	v9 =	vor.u32 v10, v9  }
0x60: {  	v5 =	vor.u32 v5, v11;
	v9 =	vmul.f32 $5.192296860e+33, v9  }
0x61: {  	v5 =	vmul.f32 $5.192296860e+33, v5  }
0x62: {  	[tilespmem:v7+s13+$0x0] =	vst.idx.msk $0xffff, v9  }
0x63: {  	[tilespmem:v8+s13+$0x0] =	vst.idx.msk $0xffff, v5  }
0x64: {  	v5 =	vld [tilespmem:s22+$0xFFFFFFD0];
	_ =	sdelay $0x3  }
0x65: {  	v7 =	vor.u32 v2, v6  }
0x66: {  	v6 =	vor.u32 v3, v6;
	v8 =	vshll.u32 v5, $0x10;
	v9 =	vshll.u32 v5, $0xD  }
0x67: {  	v10 =	vshrl.u32 v5, $0x3;
	v8 =	vand.u32 $0x80000000, v8;
	v9 =	vand.u32 $0xFFFE000, v9  }
0x68: {  	v5 =	vand.u32 $0x80000000, v5;
	v10 =	vand.u32 $0xFFFE000, v10;
	v8 =	vor.u32 v9, v8  }
0x69: {  	v5 =	vor.u32 v5, v10;
	v8 =	vmul.f32 $5.192296860e+33, v8  }
0x6a: {  	v5 =	vmul.f32 $5.192296860e+33, v5  }
0x6b: {  	[tilespmem:v7+s13+$0x0] =	vst.idx.msk $0xffff, v8  }
0x6c: {  	[tilespmem:v6+s13+$0x0] =	vst.idx.msk $0xffff, v5  }
0x6d: {  	s25 =	simm.s32 $0x100;
	v5 =	vld [tilespmem:s22+$0xFFFFFFE0]  }
0x6e: {  	v6 =	vadd.s32 s25, v4  }
0x6f: {  	v6 =	vbroadcast v6, $0x0;
	_ =	sdelay $0x1  }
0x70: {  	v7 =	vor.u32 v0, v6  }
0x71: {  	v8 =	vor.u32 v1, v6;
	v9 =	vshll.u32 v5, $0x10;
	v10 =	vshll.u32 v5, $0xD  }
0x72: {  	v11 =	vshrl.u32 v5, $0x3;
	v9 =	vand.u32 $0x80000000, v9;
	v10 =	vand.u32 $0xFFFE000, v10  }
0x73: {  	v5 =	vand.u32 $0x80000000, v5;
	v11 =	vand.u32 $0xFFFE000, v11;
	v9 =	vor.u32 v10, v9  }
0x74: {  	v5 =	vor.u32 v5, v11;
	v9 =	vmul.f32 $5.192296860e+33, v9  }
0x75: {  	v5 =	vmul.f32 $5.192296860e+33, v5  }
0x76: {  	[tilespmem:v7+s13+$0x0] =	vst.idx.msk $0xffff, v9  }
0x77: {  	[tilespmem:v8+s13+$0x0] =	vst.idx.msk $0xffff, v5  }
0x78: {  	v5 =	vld [tilespmem:s22+$0xFFFFFFF0];
	_ =	sdelay $0x3  }
0x79: {  	v7 =	vor.u32 v2, v6  }
0x7a: {  	v6 =	vor.u32 v3, v6;
	v8 =	vshll.u32 v5, $0x10;
	v9 =	vshll.u32 v5, $0xD  }
0x7b: {  	v10 =	vshrl.u32 v5, $0x3;
	v8 =	vand.u32 $0x80000000, v8;
	v9 =	vand.u32 $0xFFFE000, v9  }
0x7c: {  	v5 =	vand.u32 $0x80000000, v5;
	v10 =	vand.u32 $0xFFFE000, v10;
	v8 =	vor.u32 v9, v8  }
0x7d: {  	v5 =	vor.u32 v5, v10;
	v8 =	vmul.f32 $5.192296860e+33, v8  }
0x7e: {  	v5 =	vmul.f32 $5.192296860e+33, v5  }
0x7f: {  	[tilespmem:v7+s13+$0x0] =	vst.idx.msk $0xffff, v8  }
0x80: {  	[tilespmem:v6+s13+$0x0] =	vst.idx.msk $0xffff, v5  }
0x81: {  	s26 =	simm.s32 $0x140;
	v5 =	vld [tilespmem:s22+$0x0]  }
0x82: {  	v6 =	vadd.s32 s26, v4  }
0x83: {  	v6 =	vbroadcast v6, $0x0;
	_ =	sdelay $0x1  }
0x84: {  	v7 =	vor.u32 v0, v6  }
0x85: {  	v8 =	vor.u32 v1, v6;
	v9 =	vshll.u32 v5, $0x10;
	v10 =	vshll.u32 v5, $0xD  }
0x86: {  	v11 =	vshrl.u32 v5, $0x3;
	v9 =	vand.u32 $0x80000000, v9;
	v10 =	vand.u32 $0xFFFE000, v10  }
0x87: {  	v5 =	vand.u32 $0x80000000, v5;
	v11 =	vand.u32 $0xFFFE000, v11;
	v9 =	vor.u32 v10, v9  }
0x88: {  	v5 =	vor.u32 v5, v11;
	v9 =	vmul.f32 $5.192296860e+33, v9  }
0x89: {  	v5 =	vmul.f32 $5.192296860e+33, v5  }
0x8a: {  	[tilespmem:v7+s13+$0x0] =	vst.idx.msk $0xffff, v9  }
0x8b: {  	[tilespmem:v8+s13+$0x0] =	vst.idx.msk $0xffff, v5  }
0x8c: {  	v5 =	vld [tilespmem:s22+$0x10];
	_ =	sdelay $0x3  }
0x8d: {  	v7 =	vor.u32 v2, v6  }
0x8e: {  	v6 =	vor.u32 v3, v6;
	v8 =	vshll.u32 v5, $0x10;
	v9 =	vshll.u32 v5, $0xD  }
0x8f: {  	v10 =	vshrl.u32 v5, $0x3;
	v8 =	vand.u32 $0x80000000, v8;
	v9 =	vand.u32 $0xFFFE000, v9  }
0x90: {  	v5 =	vand.u32 $0x80000000, v5;
	v10 =	vand.u32 $0xFFFE000, v10;
	v8 =	vor.u32 v9, v8  }
0x91: {  	v5 =	vor.u32 v5, v10;
	v8 =	vmul.f32 $5.192296860e+33, v8  }
0x92: {  	v5 =	vmul.f32 $5.192296860e+33, v5  }
0x93: {  	[tilespmem:v7+s13+$0x0] =	vst.idx.msk $0xffff, v8  }
0x94: {  	[tilespmem:v6+s13+$0x0] =	vst.idx.msk $0xffff, v5  }
0x95: {  	s28 =	simm.s32 $0x180;
	v5 =	vld [tilespmem:s22+$0x20]  }
0x96: {  	v6 =	vadd.s32 s28, v4  }
0x97: {  	v6 =	vbroadcast v6, $0x0;
	_ =	sdelay $0x1  }
0x98: {  	v7 =	vor.u32 v0, v6  }
0x99: {  	v8 =	vor.u32 v1, v6;
	v9 =	vshll.u32 v5, $0x10;
	v10 =	vshll.u32 v5, $0xD  }
0x9a: {  	v11 =	vshrl.u32 v5, $0x3;
	v9 =	vand.u32 $0x80000000, v9;
	v10 =	vand.u32 $0xFFFE000, v10  }
0x9b: {  	v5 =	vand.u32 $0x80000000, v5;
	v11 =	vand.u32 $0xFFFE000, v11;
	v9 =	vor.u32 v10, v9  }
0x9c: {  	v5 =	vor.u32 v5, v11;
	v9 =	vmul.f32 $5.192296860e+33, v9  }
0x9d: {  	v5 =	vmul.f32 $5.192296860e+33, v5  }
0x9e: {  	[tilespmem:v7+s13+$0x0] =	vst.idx.msk $0xffff, v9  }
0x9f: {  	[tilespmem:v8+s13+$0x0] =	vst.idx.msk $0xffff, v5  }
0xa0: {  	v5 =	vld [tilespmem:s22+$0x30];
	_ =	sdelay $0x3  }
0xa1: {  	v7 =	vor.u32 v2, v6  }
0xa2: {  	v6 =	vor.u32 v3, v6;
	v8 =	vshll.u32 v5, $0x10;
	v9 =	vshll.u32 v5, $0xD  }
0xa3: {  	v10 =	vshrl.u32 v5, $0x3;
	v8 =	vand.u32 $0x80000000, v8;
	v9 =	vand.u32 $0xFFFE000, v9  }
0xa4: {  	v5 =	vand.u32 $0x80000000, v5;
	v10 =	vand.u32 $0xFFFE000, v10;
	v8 =	vor.u32 v9, v8  }
0xa5: {  	v5 =	vor.u32 v5, v10;
	v8 =	vmul.f32 $5.192296860e+33, v8  }
0xa6: {  	v5 =	vmul.f32 $5.192296860e+33, v5  }
0xa7: {  	[tilespmem:v7+s13+$0x0] =	vst.idx.msk $0xffff, v8  }
0xa8: {  	[tilespmem:v6+s13+$0x0] =	vst.idx.msk $0xffff, v5  }
0xa9: {  	s29 =	simm.s32 $0x1C0;
	v5 =	vld [tilespmem:s22+$0x40]  }
0xaa: {  	v6 =	vadd.s32 s29, v4  }
0xab: {  	v6 =	vbroadcast v6, $0x0;
	_ =	sdelay $0x1  }
0xac: {  	v7 =	vor.u32 v0, v6  }
0xad: {  	v8 =	vor.u32 v1, v6;
	v9 =	vshll.u32 v5, $0x10;
	v10 =	vshll.u32 v5, $0xD  }
0xae: {  	v11 =	vshrl.u32 v5, $0x3;
	v9 =	vand.u32 $0x80000000, v9;
	v10 =	vand.u32 $0xFFFE000, v10  }
0xaf: {  	v5 =	vand.u32 $0x80000000, v5;
	v11 =	vand.u32 $0xFFFE000, v11;
	v9 =	vor.u32 v10, v9  }
0xb0: {  	v5 =	vor.u32 v5, v11;
	v9 =	vmul.f32 $5.192296860e+33, v9  }
0xb1: {  	v5 =	vmul.f32 $5.192296860e+33, v5  }
0xb2: {  	[tilespmem:v7+s13+$0x0] =	vst.idx.msk $0xffff, v9  }
0xb3: {  	[tilespmem:v8+s13+$0x0] =	vst.idx.msk $0xffff, v5  }
0xb4: {  	v5 =	vld [tilespmem:s22+$0x50];
	_ =	sdelay $0x3  }
0xb5: {  	v7 =	vor.u32 v2, v6  }
0xb6: {  	v6 =	vor.u32 v3, v6;
	v8 =	vshll.u32 v5, $0x10;
	v9 =	vshll.u32 v5, $0xD  }
0xb7: {  	v10 =	vshrl.u32 v5, $0x3;
	v8 =	vand.u32 $0x80000000, v8;
	v9 =	vand.u32 $0xFFFE000, v9  }
0xb8: {  	v5 =	vand.u32 $0x80000000, v5;
	v10 =	vand.u32 $0xFFFE000, v10;
	v8 =	vor.u32 v9, v8  }
0xb9: {  	v5 =	vor.u32 v5, v10;
	v8 =	vmul.f32 $5.192296860e+33, v8  }
0xba: {  	v5 =	vmul.f32 $5.192296860e+33, v5  }
0xbb: {  	[tilespmem:v7+s13+$0x0] =	vst.idx.msk $0xffff, v8  }
0xbc: {  	[tilespmem:v6+s13+$0x0] =	vst.idx.msk $0xffff, v5  }
0xbd: {  	s30 =	simm.s32 $0x200;
	v5 =	vld [tilespmem:s22+$0x60]  }
0xbe: {  	v6 =	vadd.s32 s30, v4  }
0xbf: {  	v6 =	vbroadcast v6, $0x0;
	_ =	sdelay $0x1  }
0xc0: {  	v7 =	vor.u32 v0, v6  }
0xc1: {  	v8 =	vor.u32 v1, v6;
	v9 =	vshll.u32 v5, $0x10;
	v10 =	vshll.u32 v5, $0xD  }
0xc2: {  	v11 =	vshrl.u32 v5, $0x3;
	v9 =	vand.u32 $0x80000000, v9;
	v10 =	vand.u32 $0xFFFE000, v10  }
0xc3: {  	v5 =	vand.u32 $0x80000000, v5;
	v11 =	vand.u32 $0xFFFE000, v11;
	v9 =	vor.u32 v10, v9  }
0xc4: {  	v5 =	vor.u32 v5, v11;
	v9 =	vmul.f32 $5.192296860e+33, v9  }
0xc5: {  	v5 =	vmul.f32 $5.192296860e+33, v5  }
0xc6: {  	[tilespmem:v7+s13+$0x0] =	vst.idx.msk $0xffff, v9  }
0xc7: {  	[tilespmem:v8+s13+$0x0] =	vst.idx.msk $0xffff, v5  }
0xc8: {  	v5 =	vld [tilespmem:s22+$0x70];
	_ =	sdelay $0x3  }
0xc9: {  	v7 =	vor.u32 v2, v6  }
0xca: {  	v6 =	vor.u32 v3, v6;
	v8 =	vshll.u32 v5, $0x10;
	v9 =	vshll.u32 v5, $0xD  }
0xcb: {  	v10 =	vshrl.u32 v5, $0x3;
	v8 =	vand.u32 $0x80000000, v8;
	v9 =	vand.u32 $0xFFFE000, v9  }
0xcc: {  	v5 =	vand.u32 $0x80000000, v5;
	v10 =	vand.u32 $0xFFFE000, v10;
	v8 =	vor.u32 v9, v8  }
0xcd: {  	v5 =	vor.u32 v5, v10;
	v8 =	vmul.f32 $5.192296860e+33, v8  }
0xce: {  	v5 =	vmul.f32 $5.192296860e+33, v5  }
0xcf: {  	[tilespmem:v7+s13+$0x0] =	vst.idx.msk $0xffff, v8  }
0xd0: {  	[tilespmem:v6+s13+$0x0] =	vst.idx.msk $0xffff, v5  }
0xd1: {  	s31 =	simm.s32 $0x240;
	v5 =	vld [tilespmem:s22+$0x80]  }
0xd2: {  	v6 =	vadd.s32 s31, v4  }
0xd3: {  	v7 =	vbroadcast v6, $0x0;
	_ =	sdelay $0x1  }
0xd4: {  	v6 =	vor.u32 v0, v7  }
0xd5: {  	v8 =	vor.u32 v1, v7;
	v9 =	vshll.u32 v5, $0x10;
	v10 =	vshll.u32 v5, $0xD  }
0xd6: {  	v11 =	vshrl.u32 v5, $0x3;
	v9 =	vand.u32 $0x80000000, v9;
	v10 =	vand.u32 $0xFFFE000, v10  }
0xd7: {  	v5 =	vand.u32 $0x80000000, v5;
	v11 =	vand.u32 $0xFFFE000, v11;
	v9 =	vor.u32 v10, v9  }
0xd8: {  	v5 =	vor.u32 v5, v11;
	v9 =	vmul.f32 $5.192296860e+33, v9  }
0xd9: {  	v5 =	vmul.f32 $5.192296860e+33, v5  }
0xda: {  	[tilespmem:v6+s13+$0x0] =	vst.idx.msk $0xffff, v9  }
0xdb: {  	[tilespmem:v8+s13+$0x0] =	vst.idx.msk $0xffff, v5  }
0xdc: {  	v5 =	vld [tilespmem:s22+$0x90];
	_ =	sdelay $0x4  }
0xdd: {  	v6 =	vshll.u32 v5, $0x10  }
0xde: {  	v8 =	vshll.u32 v5, $0xD;
	v9 =	vshrl.u32 v5, $0x3;
	v5 =	vand.u32 $0x80000000, v5  }
0xdf: {  	v10 =	vand.u32 $0x80000000, v6;
	v9 =	vand.u32 $0xFFFE000, v9;
	v6 =	vor.u32 v2, v7  }
0xe0: {  	v8 =	vand.u32 $0xFFFE000, v8;
	v9 =	vor.u32 v5, v9;
	v5 =	vor.u32 v3, v7  }
0xe1: {  	v8 =	vor.u32 v8, v10  }
0xe2: {  	s23 =	simm.s32 $0x13;
	s24 =	smov.u32 s22;
	v8 =	vmul.f32 $5.192296860e+33, v8;
	v7 =	vmul.f32 $5.192296860e+33, v9  }
.LBB2_4:
0xe3: {  	p1 =	sne.s32 s23, $0x31  }
0xe4: {  	[tilespmem:v6+s13+$0x0] =	vst.idx.msk $0xffff, v8;
	s24 =	sadd.s32 $0x140, s24;
	s25 =	smov.u32 s23;
	s23 =	sadd.s32 $0xA, s23  }
0xe5: {  	s25 =	sshll.u32 s25, $0x6;
	[tilespmem:v5+s13+$0x0] =	vst.idx.msk $0xffff, v7  }
0xe6: {  	v5 =	vld [tilespmem:s24+$0xFFFFFF60];
	s26 =	sadd.s32 $0xFFFFFDC0, s25;
	s28 =	sadd.s32 $0xFFFFFE00, s25;
	s29 =	sadd.s32 $0xFFFFFE40, s25;
	v13 =	vadd.s32 s25, v4  }
0xe7: {  	v6 =	vadd.s32 s26, v4;
	v7 =	vadd.s32 s28, v4;
	v8 =	vadd.s32 s29, v4;
	s26 =	sadd.s32 $0xFFFFFE80, s25;
	s28 =	sadd.s32 $0xFFFFFEC0, s25;
	s29 =	sadd.s32 $0xFFFFFF00, s25  }
0xe8: {  	s30 =	sadd.s32 $0xFFFFFF80, s25;
	v14 =	vbroadcast v6, $0x0;
	v15 =	vbroadcast v7, $0x0;
	v6 =	vadd.s32 s26, v4;
	s26 =	sadd.s32 $0xFFFFFF40, s25;
	s25 =	sadd.s32 $0xFFFFFFC0, s25  }
0xe9: {  	v12 =	vbroadcast v8, $0x0;
	v11 =	vbroadcast v6, $0x0;
	v6 =	vadd.s32 s28, v4  }
0xea: {  	v16 =	vor.u32 v1, v14;
	v10 =	vbroadcast v6, $0x0;
	v6 =	vadd.s32 s29, v4  }
0xeb: {  	v17 =	vor.u32 v0, v14;
	v7 =	vshll.u32 v5, $0x10;
	v8 =	vshll.u32 v5, $0xD  }
0xec: {  	v9 =	vshrl.u32 v5, $0x3;
	v7 =	vand.u32 $0x80000000, v7;
	v8 =	vand.u32 $0xFFFE000, v8  }
0xed: {  	v5 =	vand.u32 $0x80000000, v5;
	v7 =	vor.u32 v8, v7;
	v8 =	vand.u32 $0xFFFE000, v9  }
0xee: {  	v9 =	vbroadcast v6, $0x0;
	v5 =	vor.u32 v5, v8;
	v7 =	vmul.f32 $5.192296860e+33, v7  }
0xef: {  	v18 =	vadd.s32 s30, v4;
	v6 =	vadd.s32 s26, v4;
	v5 =	vmul.f32 $5.192296860e+33, v5  }
0xf0: {  	v8 =	vbroadcast v6, $0x0;
	v6 =	vadd.s32 s25, v4;
	[tilespmem:v17+s13+$0x0] =	vst.idx.msk $0xffff, v7;
	v7 =	vbroadcast v18, $0x0  }
0xf1: {  	v6 =	vbroadcast v6, $0x0;
	[tilespmem:v16+s13+$0x0] =	vst.idx.msk $0xffff, v5;
	v5 =	vbroadcast v13, $0x0  }
0xf2: {  	v13 =	vld [tilespmem:s24+$0xFFFFFF70];
	_ =	sdelay $0x3  }
0xf3: {  	v16 =	vor.u32 v2, v14;
	v14 =	vor.u32 v3, v14  }
0xf4: {  	v17 =	vshll.u32 v13, $0x10;
	v18 =	vshll.u32 v13, $0xD;
	v19 =	vshrl.u32 v13, $0x3  }
0xf5: {  	v17 =	vand.u32 $0x80000000, v17;
	v18 =	vand.u32 $0xFFFE000, v18;
	v19 =	vand.u32 $0xFFFE000, v19  }
0xf6: {  	v13 =	vand.u32 $0x80000000, v13;
	v17 =	vor.u32 v18, v17  }
0xf7: {  	v13 =	vor.u32 v13, v19;
	v17 =	vmul.f32 $5.192296860e+33, v17  }
0xf8: {  	v13 =	vmul.f32 $5.192296860e+33, v13  }
0xf9: {  	[tilespmem:v16+s13+$0x0] =	vst.idx.msk $0xffff, v17  }
0xfa: {  	[tilespmem:v14+s13+$0x0] =	vst.idx.msk $0xffff, v13  }
0xfb: {  	v13 =	vld [tilespmem:s24+$0xFFFFFF80];
	_ =	sdelay $0x3  }
0xfc: {  	v16 =	vor.u32 v1, v15;
	v14 =	vor.u32 v0, v15  }
0xfd: {  	v17 =	vshll.u32 v13, $0x10;
	v18 =	vshll.u32 v13, $0xD;
	v19 =	vshrl.u32 v13, $0x3  }
0xfe: {  	v17 =	vand.u32 $0x80000000, v17;
	v18 =	vand.u32 $0xFFFE000, v18;
	v19 =	vand.u32 $0xFFFE000, v19  }
0xff: {  	v13 =	vand.u32 $0x80000000, v13;
	v17 =	vor.u32 v18, v17  }
0x100: {  	v13 =	vor.u32 v13, v19;
	v17 =	vmul.f32 $5.192296860e+33, v17  }
0x101: {  	v13 =	vmul.f32 $5.192296860e+33, v13  }
0x102: {  	[tilespmem:v14+s13+$0x0] =	vst.idx.msk $0xffff, v17  }
0x103: {  	[tilespmem:v16+s13+$0x0] =	vst.idx.msk $0xffff, v13  }
0x104: {  	v13 =	vld [tilespmem:s24+$0xFFFFFF90];
	_ =	sdelay $0x3  }
0x105: {  	v14 =	vor.u32 v2, v15;
	v15 =	vor.u32 v3, v15  }
0x106: {  	v16 =	vshll.u32 v13, $0x10;
	v17 =	vshll.u32 v13, $0xD;
	v18 =	vshrl.u32 v13, $0x3  }
0x107: {  	v16 =	vand.u32 $0x80000000, v16;
	v17 =	vand.u32 $0xFFFE000, v17;
	v18 =	vand.u32 $0xFFFE000, v18  }
0x108: {  	v13 =	vand.u32 $0x80000000, v13;
	v16 =	vor.u32 v17, v16  }
0x109: {  	v13 =	vor.u32 v13, v18;
	v16 =	vmul.f32 $5.192296860e+33, v16  }
0x10a: {  	v13 =	vmul.f32 $5.192296860e+33, v13  }
0x10b: {  	[tilespmem:v14+s13+$0x0] =	vst.idx.msk $0xffff, v16  }
0x10c: {  	[tilespmem:v15+s13+$0x0] =	vst.idx.msk $0xffff, v13  }
0x10d: {  	v13 =	vld [tilespmem:s24+$0xFFFFFFA0];
	_ =	sdelay $0x3  }
0x10e: {  	v14 =	vor.u32 v0, v12;
	v15 =	vor.u32 v1, v12  }
0x10f: {  	v16 =	vshll.u32 v13, $0x10;
	v17 =	vshll.u32 v13, $0xD;
	v18 =	vshrl.u32 v13, $0x3  }
0x110: {  	v16 =	vand.u32 $0x80000000, v16;
	v17 =	vand.u32 $0xFFFE000, v17;
	v18 =	vand.u32 $0xFFFE000, v18  }
0x111: {  	v13 =	vand.u32 $0x80000000, v13;
	v16 =	vor.u32 v17, v16  }
0x112: {  	v13 =	vor.u32 v13, v18;
	v16 =	vmul.f32 $5.192296860e+33, v16  }
0x113: {  	v13 =	vmul.f32 $5.192296860e+33, v13  }
0x114: {  	[tilespmem:v14+s13+$0x0] =	vst.idx.msk $0xffff, v16  }
0x115: {  	[tilespmem:v15+s13+$0x0] =	vst.idx.msk $0xffff, v13  }
0x116: {  	v13 =	vld [tilespmem:s24+$0xFFFFFFB0];
	_ =	sdelay $0x3  }
0x117: {  	v14 =	vor.u32 v2, v12;
	v12 =	vor.u32 v3, v12  }
0x118: {  	v15 =	vshll.u32 v13, $0x10;
	v16 =	vshll.u32 v13, $0xD;
	v17 =	vshrl.u32 v13, $0x3  }
0x119: {  	v15 =	vand.u32 $0x80000000, v15;
	v16 =	vand.u32 $0xFFFE000, v16;
	v17 =	vand.u32 $0xFFFE000, v17  }
0x11a: {  	v13 =	vand.u32 $0x80000000, v13;
	v15 =	vor.u32 v16, v15  }
0x11b: {  	v13 =	vor.u32 v13, v17;
	v15 =	vmul.f32 $5.192296860e+33, v15  }
0x11c: {  	v13 =	vmul.f32 $5.192296860e+33, v13  }
0x11d: {  	[tilespmem:v14+s13+$0x0] =	vst.idx.msk $0xffff, v15  }
0x11e: {  	[tilespmem:v12+s13+$0x0] =	vst.idx.msk $0xffff, v13  }
0x11f: {  	v12 =	vld [tilespmem:s24+$0xFFFFFFC0];
	_ =	sdelay $0x3  }
0x120: {  	v14 =	vor.u32 v1, v11;
	v13 =	vor.u32 v0, v11  }
0x121: {  	v15 =	vshll.u32 v12, $0x10;
	v16 =	vshll.u32 v12, $0xD;
	v17 =	vshrl.u32 v12, $0x3  }
0x122: {  	v15 =	vand.u32 $0x80000000, v15;
	v16 =	vand.u32 $0xFFFE000, v16;
	v17 =	vand.u32 $0xFFFE000, v17  }
0x123: {  	v12 =	vand.u32 $0x80000000, v12;
	v15 =	vor.u32 v16, v15  }
0x124: {  	v12 =	vor.u32 v12, v17;
	v15 =	vmul.f32 $5.192296860e+33, v15  }
0x125: {  	v12 =	vmul.f32 $5.192296860e+33, v12  }
0x126: {  	[tilespmem:v13+s13+$0x0] =	vst.idx.msk $0xffff, v15  }
0x127: {  	[tilespmem:v14+s13+$0x0] =	vst.idx.msk $0xffff, v12  }
0x128: {  	v12 =	vld [tilespmem:s24+$0xFFFFFFD0];
	_ =	sdelay $0x3  }
0x129: {  	v13 =	vor.u32 v2, v11;
	v11 =	vor.u32 v3, v11  }
0x12a: {  	v14 =	vshll.u32 v12, $0x10;
	v15 =	vshll.u32 v12, $0xD;
	v16 =	vshrl.u32 v12, $0x3  }
0x12b: {  	v14 =	vand.u32 $0x80000000, v14;
	v15 =	vand.u32 $0xFFFE000, v15;
	v16 =	vand.u32 $0xFFFE000, v16  }
0x12c: {  	v12 =	vand.u32 $0x80000000, v12;
	v14 =	vor.u32 v15, v14  }
0x12d: {  	v12 =	vor.u32 v12, v16;
	v14 =	vmul.f32 $5.192296860e+33, v14  }
0x12e: {  	v12 =	vmul.f32 $5.192296860e+33, v12  }
0x12f: {  	[tilespmem:v13+s13+$0x0] =	vst.idx.msk $0xffff, v14  }
0x130: {  	[tilespmem:v11+s13+$0x0] =	vst.idx.msk $0xffff, v12  }
0x131: {  	v11 =	vld [tilespmem:s24+$0xFFFFFFE0];
	_ =	sdelay $0x3  }
0x132: {  	v13 =	vor.u32 v1, v10;
	v12 =	vor.u32 v0, v10  }
0x133: {  	v14 =	vshll.u32 v11, $0x10;
	v15 =	vshll.u32 v11, $0xD;
	v16 =	vshrl.u32 v11, $0x3  }
0x134: {  	v14 =	vand.u32 $0x80000000, v14;
	v15 =	vand.u32 $0xFFFE000, v15;
	v16 =	vand.u32 $0xFFFE000, v16  }
0x135: {  	v11 =	vand.u32 $0x80000000, v11;
	v14 =	vor.u32 v15, v14  }
0x136: {  	v11 =	vor.u32 v11, v16;
	v14 =	vmul.f32 $5.192296860e+33, v14  }
0x137: {  	v11 =	vmul.f32 $5.192296860e+33, v11  }
0x138: {  	[tilespmem:v12+s13+$0x0] =	vst.idx.msk $0xffff, v14  }
0x139: {  	[tilespmem:v13+s13+$0x0] =	vst.idx.msk $0xffff, v11  }
0x13a: {  	v11 =	vld [tilespmem:s24+$0xFFFFFFF0];
	_ =	sdelay $0x3  }
0x13b: {  	v12 =	vor.u32 v2, v10;
	v10 =	vor.u32 v3, v10  }
0x13c: {  	v13 =	vshll.u32 v11, $0x10;
	v14 =	vshll.u32 v11, $0xD;
	v15 =	vshrl.u32 v11, $0x3  }
0x13d: {  	v13 =	vand.u32 $0x80000000, v13;
	v14 =	vand.u32 $0xFFFE000, v14;
	v15 =	vand.u32 $0xFFFE000, v15  }
0x13e: {  	v11 =	vand.u32 $0x80000000, v11;
	v13 =	vor.u32 v14, v13  }
0x13f: {  	v11 =	vor.u32 v11, v15;
	v13 =	vmul.f32 $5.192296860e+33, v13  }
0x140: {  	v11 =	vmul.f32 $5.192296860e+33, v11  }
0x141: {  	[tilespmem:v12+s13+$0x0] =	vst.idx.msk $0xffff, v13  }
0x142: {  	[tilespmem:v10+s13+$0x0] =	vst.idx.msk $0xffff, v11  }
0x143: {  	v10 =	vld [tilespmem:s24+$0x0];
	_ =	sdelay $0x3  }
0x144: {  	v12 =	vor.u32 v1, v9;
	v11 =	vor.u32 v0, v9  }
0x145: {  	v13 =	vshll.u32 v10, $0x10;
	v14 =	vshll.u32 v10, $0xD;
	v15 =	vshrl.u32 v10, $0x3  }
0x146: {  	v13 =	vand.u32 $0x80000000, v13;
	v14 =	vand.u32 $0xFFFE000, v14;
	v15 =	vand.u32 $0xFFFE000, v15  }
0x147: {  	v10 =	vand.u32 $0x80000000, v10;
	v13 =	vor.u32 v14, v13  }
0x148: {  	v10 =	vor.u32 v10, v15;
	v13 =	vmul.f32 $5.192296860e+33, v13  }
0x149: {  	v10 =	vmul.f32 $5.192296860e+33, v10  }
0x14a: {  	[tilespmem:v11+s13+$0x0] =	vst.idx.msk $0xffff, v13  }
0x14b: {  	[tilespmem:v12+s13+$0x0] =	vst.idx.msk $0xffff, v10  }
0x14c: {  	v10 =	vld [tilespmem:s24+$0x10];
	_ =	sdelay $0x3  }
0x14d: {  	v11 =	vor.u32 v2, v9;
	v9 =	vor.u32 v3, v9  }
0x14e: {  	v12 =	vshll.u32 v10, $0x10;
	v13 =	vshll.u32 v10, $0xD;
	v14 =	vshrl.u32 v10, $0x3  }
0x14f: {  	v12 =	vand.u32 $0x80000000, v12;
	v13 =	vand.u32 $0xFFFE000, v13;
	v14 =	vand.u32 $0xFFFE000, v14  }
0x150: {  	v10 =	vand.u32 $0x80000000, v10;
	v12 =	vor.u32 v13, v12  }
0x151: {  	v10 =	vor.u32 v10, v14;
	v12 =	vmul.f32 $5.192296860e+33, v12  }
0x152: {  	v10 =	vmul.f32 $5.192296860e+33, v10  }
0x153: {  	[tilespmem:v11+s13+$0x0] =	vst.idx.msk $0xffff, v12  }
0x154: {  	[tilespmem:v9+s13+$0x0] =	vst.idx.msk $0xffff, v10  }
0x155: {  	v9 =	vld [tilespmem:s24+$0x20];
	_ =	sdelay $0x3  }
0x156: {  	v11 =	vor.u32 v1, v8;
	v10 =	vor.u32 v0, v8  }
0x157: {  	v12 =	vshll.u32 v9, $0x10;
	v13 =	vshll.u32 v9, $0xD;
	v14 =	vshrl.u32 v9, $0x3  }
0x158: {  	v12 =	vand.u32 $0x80000000, v12;
	v13 =	vand.u32 $0xFFFE000, v13;
	v14 =	vand.u32 $0xFFFE000, v14  }
0x159: {  	v9 =	vand.u32 $0x80000000, v9;
	v12 =	vor.u32 v13, v12  }
0x15a: {  	v9 =	vor.u32 v9, v14;
	v12 =	vmul.f32 $5.192296860e+33, v12  }
0x15b: {  	v9 =	vmul.f32 $5.192296860e+33, v9  }
0x15c: {  	[tilespmem:v10+s13+$0x0] =	vst.idx.msk $0xffff, v12  }
0x15d: {  	[tilespmem:v11+s13+$0x0] =	vst.idx.msk $0xffff, v9  }
0x15e: {  	v9 =	vld [tilespmem:s24+$0x30];
	_ =	sdelay $0x3  }
0x15f: {  	v10 =	vor.u32 v2, v8;
	v8 =	vor.u32 v3, v8  }
0x160: {  	v11 =	vshll.u32 v9, $0x10;
	v12 =	vshll.u32 v9, $0xD;
	v13 =	vshrl.u32 v9, $0x3  }
0x161: {  	v11 =	vand.u32 $0x80000000, v11;
	v12 =	vand.u32 $0xFFFE000, v12;
	v13 =	vand.u32 $0xFFFE000, v13  }
0x162: {  	v9 =	vand.u32 $0x80000000, v9;
	v11 =	vor.u32 v12, v11  }
0x163: {  	v9 =	vor.u32 v9, v13;
	v11 =	vmul.f32 $5.192296860e+33, v11  }
0x164: {  	v9 =	vmul.f32 $5.192296860e+33, v9  }
0x165: {  	[tilespmem:v10+s13+$0x0] =	vst.idx.msk $0xffff, v11  }
0x166: {  	[tilespmem:v8+s13+$0x0] =	vst.idx.msk $0xffff, v9  }
0x167: {  	v8 =	vld [tilespmem:s24+$0x40];
	_ =	sdelay $0x3  }
0x168: {  	v10 =	vor.u32 v1, v7;
	v9 =	vor.u32 v0, v7  }
0x169: {  	v11 =	vshll.u32 v8, $0x10;
	v12 =	vshll.u32 v8, $0xD;
	v13 =	vshrl.u32 v8, $0x3  }
0x16a: {  	v11 =	vand.u32 $0x80000000, v11;
	v12 =	vand.u32 $0xFFFE000, v12;
	v13 =	vand.u32 $0xFFFE000, v13  }
0x16b: {  	v8 =	vand.u32 $0x80000000, v8;
	v11 =	vor.u32 v12, v11  }
0x16c: {  	v8 =	vor.u32 v8, v13;
	v11 =	vmul.f32 $5.192296860e+33, v11  }
0x16d: {  	v8 =	vmul.f32 $5.192296860e+33, v8  }
0x16e: {  	[tilespmem:v9+s13+$0x0] =	vst.idx.msk $0xffff, v11  }
0x16f: {  	[tilespmem:v10+s13+$0x0] =	vst.idx.msk $0xffff, v8  }
0x170: {  	v8 =	vld [tilespmem:s24+$0x50];
	_ =	sdelay $0x3  }
0x171: {  	v9 =	vor.u32 v2, v7;
	v7 =	vor.u32 v3, v7  }
0x172: {  	v10 =	vshll.u32 v8, $0x10;
	v11 =	vshll.u32 v8, $0xD;
	v12 =	vshrl.u32 v8, $0x3  }
0x173: {  	v10 =	vand.u32 $0x80000000, v10;
	v11 =	vand.u32 $0xFFFE000, v11;
	v12 =	vand.u32 $0xFFFE000, v12  }
0x174: {  	v8 =	vand.u32 $0x80000000, v8;
	v10 =	vor.u32 v11, v10  }
0x175: {  	v8 =	vor.u32 v8, v12;
	v10 =	vmul.f32 $5.192296860e+33, v10  }
0x176: {  	v8 =	vmul.f32 $5.192296860e+33, v8  }
0x177: {  	[tilespmem:v9+s13+$0x0] =	vst.idx.msk $0xffff, v10  }
0x178: {  	[tilespmem:v7+s13+$0x0] =	vst.idx.msk $0xffff, v8  }
0x179: {  	v7 =	vld [tilespmem:s24+$0x60];
	_ =	sdelay $0x3  }
0x17a: {  	v9 =	vor.u32 v1, v6;
	v8 =	vor.u32 v0, v6  }
0x17b: {  	v10 =	vshll.u32 v7, $0x10;
	v11 =	vshll.u32 v7, $0xD;
	v12 =	vshrl.u32 v7, $0x3  }
0x17c: {  	v10 =	vand.u32 $0x80000000, v10;
	v11 =	vand.u32 $0xFFFE000, v11;
	v12 =	vand.u32 $0xFFFE000, v12  }
0x17d: {  	v7 =	vand.u32 $0x80000000, v7;
	v10 =	vor.u32 v11, v10  }
0x17e: {  	v7 =	vor.u32 v7, v12;
	v10 =	vmul.f32 $5.192296860e+33, v10  }
0x17f: {  	v7 =	vmul.f32 $5.192296860e+33, v7  }
0x180: {  	[tilespmem:v8+s13+$0x0] =	vst.idx.msk $0xffff, v10  }
0x181: {  	[tilespmem:v9+s13+$0x0] =	vst.idx.msk $0xffff, v7  }
0x182: {  	v7 =	vld [tilespmem:s24+$0x70];
	_ =	sdelay $0x3  }
0x183: {  	v8 =	vor.u32 v2, v6;
	v6 =	vor.u32 v3, v6  }
0x184: {  	v9 =	vshll.u32 v7, $0x10;
	v10 =	vshll.u32 v7, $0xD;
	v11 =	vshrl.u32 v7, $0x3  }
0x185: {  	v9 =	vand.u32 $0x80000000, v9;
	v10 =	vand.u32 $0xFFFE000, v10;
	v11 =	vand.u32 $0xFFFE000, v11  }
0x186: {  	v7 =	vand.u32 $0x80000000, v7;
	v9 =	vor.u32 v10, v9  }
0x187: {  	v7 =	vor.u32 v7, v11;
	v9 =	vmul.f32 $5.192296860e+33, v9  }
0x188: {  	v7 =	vmul.f32 $5.192296860e+33, v7  }
0x189: {  	[tilespmem:v8+s13+$0x0] =	vst.idx.msk $0xffff, v9  }
0x18a: {  	[tilespmem:v6+s13+$0x0] =	vst.idx.msk $0xffff, v7  }
0x18b: {  	v6 =	vld [tilespmem:s24+$0x80];
	_ =	sdelay $0x3  }
0x18c: {  	v8 =	vor.u32 v1, v5;
	v7 =	vor.u32 v0, v5  }
0x18d: {  	v9 =	vshll.u32 v6, $0x10;
	v10 =	vshll.u32 v6, $0xD;
	v11 =	vshrl.u32 v6, $0x3  }
0x18e: {  	v9 =	vand.u32 $0x80000000, v9;
	v10 =	vand.u32 $0xFFFE000, v10;
	v11 =	vand.u32 $0xFFFE000, v11  }
0x18f: {  	v6 =	vand.u32 $0x80000000, v6;
	v9 =	vor.u32 v10, v9  }
0x190: {  	v6 =	vor.u32 v6, v11;
	v9 =	vmul.f32 $5.192296860e+33, v9  }
0x191: {  	v6 =	vmul.f32 $5.192296860e+33, v6  }
0x192: {  	[tilespmem:v7+s13+$0x0] =	vst.idx.msk $0xffff, v9  }
0x193: {  	[tilespmem:v8+s13+$0x0] =	vst.idx.msk $0xffff, v6  }
0x194: {  	v7 =	vld [tilespmem:s24+$0x90];
	_ =	sdelay $0x3  }
0x195: {  	v6 =	vor.u32 v2, v5;
	v5 =	vor.u32 v3, v5  }
.Ltmp0:
0x196: {  	v8 =	vshll.u32 v7, $0x10;
	v9 =	vshll.u32 v7, $0xD;
	v10 =	vshrl.u32 v7, $0x3;
	(pc) =	sbr.rel @p1 .LBB2_4-.Ltmp0, $4  }
0x197: {  	v8 =	vand.u32 $0x80000000, v8;
	v9 =	vand.u32 $0xFFFE000, v9;
	v10 =	vand.u32 $0xFFFE000, v10  }
0x198: {  	v7 =	vand.u32 $0x80000000, v7;
	v8 =	vor.u32 v9, v8  }
0x199: {  	v7 =	vor.u32 v7, v10;
	v8 =	vmul.f32 $5.192296860e+33, v8  }
0x19a: {  	v7 =	vmul.f32 $5.192296860e+33, v7  }
0x19b: {  	s21 =	sadd.s32 $0x1, s21  }
0x19c: {  	p1 =	sne.s32 s21, $0x8  }
.Ltmp1:
0x19d: {  	_ = 	snop;
	(pc) =	sbr.rel @p1 .LBB2_3-.Ltmp1, $3  }
0x19e: {  	_ =	sdelay $0x1  }
0x19f: {  	[tilespmem:v6+s13+$0x0] =	vst.idx.msk $0xffff, v8  }
0x1a0: {  	s22 =	sadd.s32 $0x640, s22;
	[tilespmem:v5+s13+$0x0] =	vst.idx.msk $0xffff, v7  }
0x1a1: {  	s21 =	sshll.u32 s19, $0x4;
	p1 =	sne.s32 s19, $0x1F  }
.Ltmp2:
0x1a2: {  	s21 =	sadd.s32 s5, s21;
	(pc) =	sbr.rel @p1 .LBB2_8-.Ltmp2, $3  }
0x1a3: {  	s21 =	smul.u32 $0x190, s21;
	_ =	sdelay $0x1  }
0x1a4: {  	s21 =	sadd.s32 s2, s21  }
0x1a5: {  	[hbm4b:s21+s3] =	stream.linear.scatter [tilespmem:s13], [sflag:$0x3], $0x6400, $0x38;
	[tilespmem:$0x19000] =	vst v63  }
.Ltmp3:
0x1a6: {  	(pc) =	sbr.rel .LBB2_9-.Ltmp3, $4  }
0x1a7: {  	_ = 	snop  }
0x1a8: {  	_ =	swait.ge [sflag:s14], $0x3200  }
0x1a9: {  	[sflag:s14] =	ssyncset.done $0x0  }
0x1aa: {  	[sflag:s14] =	ssyncadd.s32 $0xFFFFCE00  }
.LBB2_8:
0x1ab: {  	s21 =	smul.u32 $0xC80, s19;
	_ =	sdelay $0x1  }
0x1ac: {  	s21 =	sshra.s32 s21, $0x2  }
.Ltmp4:
0x1ad: {  	s21 =	sadd.s32 $0x320, s21;
	(pc) =	sbr.rel @p0 .LBB2_10-.Ltmp4, $4  }
0x1ae: {  	[tilespmem:s10], [sflag:$0x1] =	stream.indirect.gather [hbm4b:s4+s9], $0x20, s21, s9, $0xb8;
	[tilespmem:$0x19000] =	vst v63  }
0x1af: {  	_ =	swait.ge [sflag:s14], $0x3200  }
0x1b0: {  	[sflag:s14] =	ssyncset.done $0x0  }
0x1b1: {  	[sflag:s14] =	ssyncadd.s32 $0xFFFFCE00  }
.LBB2_9:
0x1b2: {  	_ =	swait.ge [sflag:s15], $0x6400  }
0x1b3: {  	[sflag:s15] =	ssyncset.done $0x0  }
0x1b4: {  	[sflag:s15] =	ssyncadd.s32 $0xFFFF9C00  }
.LBB2_10:
0x1b5: {  	s21 =	simm.s32 $0x0;
	s22 =	simm.s32 $0x9730  }
.LBB2_11:
0x1b6: {  	v4 =	vmov s21;
	v5 =	vld [tilespmem:s22+$0xFFFFFED0]  }
0x1b7: {  	v4 =	vmul.u32 $0xC80, v4  }
0x1b8: {  	s23 =	simm.s32 $0x0  }
0x1b9: {  	v6 =	vadd.s32 s23, v4  }
0x1ba: {  	v6 =	vbroadcast v6, $0x0  }
0x1bb: {  	v8 =	vshll.u32 v5, $0x10  }
0x1bc: {  	v9 =	vshll.u32 v5, $0xD;
	v11 =	vshrl.u32 v5, $0x3;
	v10 =	vor.u32 v0, v6  }
0x1bd: {  	v7 =	vor.u32 v1, v6;
	v8 =	vand.u32 $0x80000000, v8;
	v9 =	vand.u32 $0xFFFE000, v9  }
0x1be: {  	v5 =	vand.u32 $0x80000000, v5;
	v8 =	vor.u32 v9, v8;
	v9 =	vand.u32 $0xFFFE000, v11  }
0x1bf: {  	v5 =	vor.u32 v5, v9;
	v8 =	vmul.f32 $5.192296860e+33, v8  }
0x1c0: {  	v5 =	vmul.f32 $5.192296860e+33, v5  }
0x1c1: {  	[tilespmem:v10+s16+$0x0] =	vst.idx.msk $0xffff, v8  }
0x1c2: {  	[tilespmem:v7+s16+$0x0] =	vst.idx.msk $0xffff, v5  }
0x1c3: {  	v5 =	vld [tilespmem:s22+$0xFFFFFEE0];
	_ =	sdelay $0x3  }
0x1c4: {  	v7 =	vor.u32 v2, v6  }
0x1c5: {  	v6 =	vor.u32 v3, v6;
	v8 =	vshll.u32 v5, $0x10;
	v9 =	vshll.u32 v5, $0xD  }
0x1c6: {  	v10 =	vshrl.u32 v5, $0x3;
	v8 =	vand.u32 $0x80000000, v8;
	v9 =	vand.u32 $0xFFFE000, v9  }
0x1c7: {  	v5 =	vand.u32 $0x80000000, v5;
	v10 =	vand.u32 $0xFFFE000, v10;
	v8 =	vor.u32 v9, v8  }
0x1c8: {  	v5 =	vor.u32 v5, v10;
	v8 =	vmul.f32 $5.192296860e+33, v8  }
0x1c9: {  	v5 =	vmul.f32 $5.192296860e+33, v5  }
0x1ca: {  	[tilespmem:v7+s16+$0x0] =	vst.idx.msk $0xffff, v8  }
0x1cb: {  	[tilespmem:v6+s16+$0x0] =	vst.idx.msk $0xffff, v5  }
0x1cc: {  	s30 =	simm.s32 $0x40;
	v5 =	vld [tilespmem:s22+$0xFFFFFEF0]  }
0x1cd: {  	v6 =	vadd.s32 s30, v4  }
0x1ce: {  	v6 =	vbroadcast v6, $0x0;
	_ =	sdelay $0x1  }
0x1cf: {  	v7 =	vor.u32 v0, v6  }
0x1d0: {  	v8 =	vor.u32 v1, v6;
	v9 =	vshll.u32 v5, $0x10;
	v10 =	vshll.u32 v5, $0xD  }
0x1d1: {  	v11 =	vshrl.u32 v5, $0x3;
	v9 =	vand.u32 $0x80000000, v9;
	v10 =	vand.u32 $0xFFFE000, v10  }
0x1d2: {  	v5 =	vand.u32 $0x80000000, v5;
	v11 =	vand.u32 $0xFFFE000, v11;
	v9 =	vor.u32 v10, v9  }
0x1d3: {  	v5 =	vor.u32 v5, v11;
	v9 =	vmul.f32 $5.192296860e+33, v9  }
0x1d4: {  	v5 =	vmul.f32 $5.192296860e+33, v5  }
0x1d5: {  	[tilespmem:v7+s16+$0x0] =	vst.idx.msk $0xffff, v9  }
0x1d6: {  	[tilespmem:v8+s16+$0x0] =	vst.idx.msk $0xffff, v5  }
0x1d7: {  	v5 =	vld [tilespmem:s22+$0xFFFFFF00];
	_ =	sdelay $0x3  }
0x1d8: {  	v7 =	vor.u32 v2, v6  }
0x1d9: {  	v6 =	vor.u32 v3, v6;
	v8 =	vshll.u32 v5, $0x10;
	v9 =	vshll.u32 v5, $0xD  }
0x1da: {  	v10 =	vshrl.u32 v5, $0x3;
	v8 =	vand.u32 $0x80000000, v8;
	v9 =	vand.u32 $0xFFFE000, v9  }
0x1db: {  	v5 =	vand.u32 $0x80000000, v5;
	v10 =	vand.u32 $0xFFFE000, v10;
	v8 =	vor.u32 v9, v8  }
0x1dc: {  	v5 =	vor.u32 v5, v10;
	v8 =	vmul.f32 $5.192296860e+33, v8  }
0x1dd: {  	v5 =	vmul.f32 $5.192296860e+33, v5  }
0x1de: {  	[tilespmem:v7+s16+$0x0] =	vst.idx.msk $0xffff, v8  }
0x1df: {  	[tilespmem:v6+s16+$0x0] =	vst.idx.msk $0xffff, v5  }
0x1e0: {  	s31 =	simm.s32 $0x80;
	v5 =	vld [tilespmem:s22+$0xFFFFFF10]  }
0x1e1: {  	v6 =	vadd.s32 s31, v4  }
0x1e2: {  	v6 =	vbroadcast v6, $0x0;
	_ =	sdelay $0x1  }
0x1e3: {  	v7 =	vor.u32 v0, v6  }
0x1e4: {  	v8 =	vor.u32 v1, v6;
	v9 =	vshll.u32 v5, $0x10;
	v10 =	vshll.u32 v5, $0xD  }
0x1e5: {  	v11 =	vshrl.u32 v5, $0x3;
	v9 =	vand.u32 $0x80000000, v9;
	v10 =	vand.u32 $0xFFFE000, v10  }
0x1e6: {  	v5 =	vand.u32 $0x80000000, v5;
	v11 =	vand.u32 $0xFFFE000, v11;
	v9 =	vor.u32 v10, v9  }
0x1e7: {  	v5 =	vor.u32 v5, v11;
	v9 =	vmul.f32 $5.192296860e+33, v9  }
0x1e8: {  	v5 =	vmul.f32 $5.192296860e+33, v5  }
0x1e9: {  	[tilespmem:v7+s16+$0x0] =	vst.idx.msk $0xffff, v9  }
0x1ea: {  	[tilespmem:v8+s16+$0x0] =	vst.idx.msk $0xffff, v5  }
0x1eb: {  	v5 =	vld [tilespmem:s22+$0xFFFFFF20];
	_ =	sdelay $0x3  }
0x1ec: {  	v7 =	vor.u32 v2, v6  }
0x1ed: {  	v6 =	vor.u32 v3, v6;
	v8 =	vshll.u32 v5, $0x10;
	v9 =	vshll.u32 v5, $0xD  }
0x1ee: {  	v10 =	vshrl.u32 v5, $0x3;
	v8 =	vand.u32 $0x80000000, v8;
	v9 =	vand.u32 $0xFFFE000, v9  }
0x1ef: {  	v5 =	vand.u32 $0x80000000, v5;
	v10 =	vand.u32 $0xFFFE000, v10;
	v8 =	vor.u32 v9, v8  }
0x1f0: {  	v5 =	vor.u32 v5, v10;
	v8 =	vmul.f32 $5.192296860e+33, v8  }
0x1f1: {  	v5 =	vmul.f32 $5.192296860e+33, v5  }
0x1f2: {  	[tilespmem:v7+s16+$0x0] =	vst.idx.msk $0xffff, v8  }
0x1f3: {  	[tilespmem:v6+s16+$0x0] =	vst.idx.msk $0xffff, v5  }
0x1f4: {  	s24 =	simm.s32 $0xC0;
	v5 =	vld [tilespmem:s22+$0xFFFFFF30]  }
0x1f5: {  	v6 =	vadd.s32 s24, v4  }
0x1f6: {  	v6 =	vbroadcast v6, $0x0;
	_ =	sdelay $0x1  }
0x1f7: {  	v7 =	vor.u32 v0, v6  }
0x1f8: {  	v8 =	vor.u32 v1, v6;
	v9 =	vshll.u32 v5, $0x10;
	v10 =	vshll.u32 v5, $0xD  }
0x1f9: {  	v11 =	vshrl.u32 v5, $0x3;
	v9 =	vand.u32 $0x80000000, v9;
	v10 =	vand.u32 $0xFFFE000, v10  }
0x1fa: {  	v5 =	vand.u32 $0x80000000, v5;
	v11 =	vand.u32 $0xFFFE000, v11;
	v9 =	vor.u32 v10, v9  }
0x1fb: {  	v5 =	vor.u32 v5, v11;
	v9 =	vmul.f32 $5.192296860e+33, v9  }
0x1fc: {  	v5 =	vmul.f32 $5.192296860e+33, v5  }
0x1fd: {  	[tilespmem:v7+s16+$0x0] =	vst.idx.msk $0xffff, v9  }
0x1fe: {  	[tilespmem:v8+s16+$0x0] =	vst.idx.msk $0xffff, v5  }
0x1ff: {  	v5 =	vld [tilespmem:s22+$0xFFFFFF40];
	_ =	sdelay $0x3  }
0x200: {  	v7 =	vor.u32 v2, v6  }
0x201: {  	v6 =	vor.u32 v3, v6;
	v8 =	vshll.u32 v5, $0x10;
	v9 =	vshll.u32 v5, $0xD  }
0x202: {  	v10 =	vshrl.u32 v5, $0x3;
	v8 =	vand.u32 $0x80000000, v8;
	v9 =	vand.u32 $0xFFFE000, v9  }
0x203: {  	v5 =	vand.u32 $0x80000000, v5;
	v10 =	vand.u32 $0xFFFE000, v10;
	v8 =	vor.u32 v9, v8  }
0x204: {  	v5 =	vor.u32 v5, v10;
	v8 =	vmul.f32 $5.192296860e+33, v8  }
0x205: {  	v5 =	vmul.f32 $5.192296860e+33, v5  }
0x206: {  	[tilespmem:v7+s16+$0x0] =	vst.idx.msk $0xffff, v8  }
0x207: {  	[tilespmem:v6+s16+$0x0] =	vst.idx.msk $0xffff, v5  }
0x208: {  	s25 =	simm.s32 $0x100;
	v5 =	vld [tilespmem:s22+$0xFFFFFF50]  }
0x209: {  	v6 =	vadd.s32 s25, v4  }
0x20a: {  	v6 =	vbroadcast v6, $0x0;
	_ =	sdelay $0x1  }
0x20b: {  	v7 =	vor.u32 v0, v6  }
0x20c: {  	v8 =	vor.u32 v1, v6;
	v9 =	vshll.u32 v5, $0x10;
	v10 =	vshll.u32 v5, $0xD  }
0x20d: {  	v11 =	vshrl.u32 v5, $0x3;
	v9 =	vand.u32 $0x80000000, v9;
	v10 =	vand.u32 $0xFFFE000, v10  }
0x20e: {  	v5 =	vand.u32 $0x80000000, v5;
	v11 =	vand.u32 $0xFFFE000, v11;
	v9 =	vor.u32 v10, v9  }
0x20f: {  	v5 =	vor.u32 v5, v11;
	v9 =	vmul.f32 $5.192296860e+33, v9  }
0x210: {  	v5 =	vmul.f32 $5.192296860e+33, v5  }
0x211: {  	[tilespmem:v7+s16+$0x0] =	vst.idx.msk $0xffff, v9  }
0x212: {  	[tilespmem:v8+s16+$0x0] =	vst.idx.msk $0xffff, v5  }
0x213: {  	v5 =	vld [tilespmem:s22+$0xFFFFFF60];
	_ =	sdelay $0x3  }
0x214: {  	v7 =	vor.u32 v2, v6  }
0x215: {  	v6 =	vor.u32 v3, v6;
	v8 =	vshll.u32 v5, $0x10;
	v9 =	vshll.u32 v5, $0xD  }
0x216: {  	v10 =	vshrl.u32 v5, $0x3;
	v8 =	vand.u32 $0x80000000, v8;
	v9 =	vand.u32 $0xFFFE000, v9  }
0x217: {  	v5 =	vand.u32 $0x80000000, v5;
	v10 =	vand.u32 $0xFFFE000, v10;
	v8 =	vor.u32 v9, v8  }
0x218: {  	v5 =	vor.u32 v5, v10;
	v8 =	vmul.f32 $5.192296860e+33, v8  }
0x219: {  	v5 =	vmul.f32 $5.192296860e+33, v5  }
0x21a: {  	[tilespmem:v7+s16+$0x0] =	vst.idx.msk $0xffff, v8  }
0x21b: {  	[tilespmem:v6+s16+$0x0] =	vst.idx.msk $0xffff, v5  }
0x21c: {  	s26 =	simm.s32 $0x140;
	v5 =	vld [tilespmem:s22+$0xFFFFFF70]  }
0x21d: {  	v6 =	vadd.s32 s26, v4  }
0x21e: {  	v6 =	vbroadcast v6, $0x0;
	_ =	sdelay $0x1  }
0x21f: {  	v7 =	vor.u32 v0, v6  }
0x220: {  	v8 =	vor.u32 v1, v6;
	v9 =	vshll.u32 v5, $0x10;
	v10 =	vshll.u32 v5, $0xD  }
0x221: {  	v11 =	vshrl.u32 v5, $0x3;
	v9 =	vand.u32 $0x80000000, v9;
	v10 =	vand.u32 $0xFFFE000, v10  }
0x222: {  	v5 =	vand.u32 $0x80000000, v5;
	v11 =	vand.u32 $0xFFFE000, v11;
	v9 =	vor.u32 v10, v9  }
0x223: {  	v5 =	vor.u32 v5, v11;
	v9 =	vmul.f32 $5.192296860e+33, v9  }
0x224: {  	v5 =	vmul.f32 $5.192296860e+33, v5  }
0x225: {  	[tilespmem:v7+s16+$0x0] =	vst.idx.msk $0xffff, v9  }
0x226: {  	[tilespmem:v8+s16+$0x0] =	vst.idx.msk $0xffff, v5  }
0x227: {  	v5 =	vld [tilespmem:s22+$0xFFFFFF80];
	_ =	sdelay $0x3  }
0x228: {  	v7 =	vor.u32 v2, v6  }
0x229: {  	v6 =	vor.u32 v3, v6;
	v8 =	vshll.u32 v5, $0x10;
	v9 =	vshll.u32 v5, $0xD  }
0x22a: {  	v10 =	vshrl.u32 v5, $0x3;
	v8 =	vand.u32 $0x80000000, v8;
	v9 =	vand.u32 $0xFFFE000, v9  }
0x22b: {  	v5 =	vand.u32 $0x80000000, v5;
	v10 =	vand.u32 $0xFFFE000, v10;
	v8 =	vor.u32 v9, v8  }
0x22c: {  	v5 =	vor.u32 v5, v10;
	v8 =	vmul.f32 $5.192296860e+33, v8  }
0x22d: {  	v5 =	vmul.f32 $5.192296860e+33, v5  }
0x22e: {  	[tilespmem:v7+s16+$0x0] =	vst.idx.msk $0xffff, v8  }
0x22f: {  	[tilespmem:v6+s16+$0x0] =	vst.idx.msk $0xffff, v5  }
0x230: {  	s28 =	simm.s32 $0x180;
	v5 =	vld [tilespmem:s22+$0xFFFFFF90]  }
0x231: {  	v6 =	vadd.s32 s28, v4  }
0x232: {  	v6 =	vbroadcast v6, $0x0;
	_ =	sdelay $0x1  }
0x233: {  	v7 =	vor.u32 v0, v6  }
0x234: {  	v8 =	vor.u32 v1, v6;
	v9 =	vshll.u32 v5, $0x10;
	v10 =	vshll.u32 v5, $0xD  }
0x235: {  	v11 =	vshrl.u32 v5, $0x3;
	v9 =	vand.u32 $0x80000000, v9;
	v10 =	vand.u32 $0xFFFE000, v10  }
0x236: {  	v5 =	vand.u32 $0x80000000, v5;
	v11 =	vand.u32 $0xFFFE000, v11;
	v9 =	vor.u32 v10, v9  }
0x237: {  	v5 =	vor.u32 v5, v11;
	v9 =	vmul.f32 $5.192296860e+33, v9  }
0x238: {  	v5 =	vmul.f32 $5.192296860e+33, v5  }
0x239: {  	[tilespmem:v7+s16+$0x0] =	vst.idx.msk $0xffff, v9  }
0x23a: {  	[tilespmem:v8+s16+$0x0] =	vst.idx.msk $0xffff, v5  }
0x23b: {  	v5 =	vld [tilespmem:s22+$0xFFFFFFA0];
	_ =	sdelay $0x3  }
0x23c: {  	v7 =	vor.u32 v2, v6  }
0x23d: {  	v6 =	vor.u32 v3, v6;
	v8 =	vshll.u32 v5, $0x10;
	v9 =	vshll.u32 v5, $0xD  }
0x23e: {  	v10 =	vshrl.u32 v5, $0x3;
	v8 =	vand.u32 $0x80000000, v8;
	v9 =	vand.u32 $0xFFFE000, v9  }
0x23f: {  	v5 =	vand.u32 $0x80000000, v5;
	v10 =	vand.u32 $0xFFFE000, v10;
	v8 =	vor.u32 v9, v8  }
0x240: {  	v5 =	vor.u32 v5, v10;
	v8 =	vmul.f32 $5.192296860e+33, v8  }
0x241: {  	v5 =	vmul.f32 $5.192296860e+33, v5  }
0x242: {  	[tilespmem:v7+s16+$0x0] =	vst.idx.msk $0xffff, v8  }
0x243: {  	[tilespmem:v6+s16+$0x0] =	vst.idx.msk $0xffff, v5  }
0x244: {  	s29 =	simm.s32 $0x1C0;
	v5 =	vld [tilespmem:s22+$0xFFFFFFB0]  }
0x245: {  	v6 =	vadd.s32 s29, v4  }
0x246: {  	v6 =	vbroadcast v6, $0x0;
	_ =	sdelay $0x1  }
0x247: {  	v7 =	vor.u32 v0, v6  }
0x248: {  	v8 =	vor.u32 v1, v6;
	v9 =	vshll.u32 v5, $0x10;
	v10 =	vshll.u32 v5, $0xD  }
0x249: {  	v11 =	vshrl.u32 v5, $0x3;
	v9 =	vand.u32 $0x80000000, v9;
	v10 =	vand.u32 $0xFFFE000, v10  }
0x24a: {  	v5 =	vand.u32 $0x80000000, v5;
	v11 =	vand.u32 $0xFFFE000, v11;
	v9 =	vor.u32 v10, v9  }
0x24b: {  	v5 =	vor.u32 v5, v11;
	v9 =	vmul.f32 $5.192296860e+33, v9  }
0x24c: {  	v5 =	vmul.f32 $5.192296860e+33, v5  }
0x24d: {  	[tilespmem:v7+s16+$0x0] =	vst.idx.msk $0xffff, v9  }
0x24e: {  	[tilespmem:v8+s16+$0x0] =	vst.idx.msk $0xffff, v5  }
0x24f: {  	v5 =	vld [tilespmem:s22+$0xFFFFFFC0];
	_ =	sdelay $0x3  }
0x250: {  	v7 =	vor.u32 v2, v6  }
0x251: {  	v6 =	vor.u32 v3, v6;
	v8 =	vshll.u32 v5, $0x10;
	v9 =	vshll.u32 v5, $0xD  }
0x252: {  	v10 =	vshrl.u32 v5, $0x3;
	v8 =	vand.u32 $0x80000000, v8;
	v9 =	vand.u32 $0xFFFE000, v9  }
0x253: {  	v5 =	vand.u32 $0x80000000, v5;
	v10 =	vand.u32 $0xFFFE000, v10;
	v8 =	vor.u32 v9, v8  }
0x254: {  	v5 =	vor.u32 v5, v10;
	v8 =	vmul.f32 $5.192296860e+33, v8  }
0x255: {  	v5 =	vmul.f32 $5.192296860e+33, v5  }
0x256: {  	[tilespmem:v7+s16+$0x0] =	vst.idx.msk $0xffff, v8  }
0x257: {  	[tilespmem:v6+s16+$0x0] =	vst.idx.msk $0xffff, v5  }
0x258: {  	s30 =	simm.s32 $0x200;
	v5 =	vld [tilespmem:s22+$0xFFFFFFD0]  }
0x259: {  	v6 =	vadd.s32 s30, v4  }
0x25a: {  	v6 =	vbroadcast v6, $0x0;
	_ =	sdelay $0x1  }
0x25b: {  	v7 =	vor.u32 v0, v6  }
0x25c: {  	v8 =	vor.u32 v1, v6;
	v9 =	vshll.u32 v5, $0x10;
	v10 =	vshll.u32 v5, $0xD  }
0x25d: {  	v11 =	vshrl.u32 v5, $0x3;
	v9 =	vand.u32 $0x80000000, v9;
	v10 =	vand.u32 $0xFFFE000, v10  }
0x25e: {  	v5 =	vand.u32 $0x80000000, v5;
	v11 =	vand.u32 $0xFFFE000, v11;
	v9 =	vor.u32 v10, v9  }
0x25f: {  	v5 =	vor.u32 v5, v11;
	v9 =	vmul.f32 $5.192296860e+33, v9  }
0x260: {  	v5 =	vmul.f32 $5.192296860e+33, v5  }
0x261: {  	[tilespmem:v7+s16+$0x0] =	vst.idx.msk $0xffff, v9  }
0x262: {  	[tilespmem:v8+s16+$0x0] =	vst.idx.msk $0xffff, v5  }
0x263: {  	v5 =	vld [tilespmem:s22+$0xFFFFFFE0];
	_ =	sdelay $0x3  }
0x264: {  	v7 =	vor.u32 v2, v6  }
0x265: {  	v6 =	vor.u32 v3, v6;
	v8 =	vshll.u32 v5, $0x10;
	v9 =	vshll.u32 v5, $0xD  }
0x266: {  	v10 =	vshrl.u32 v5, $0x3;
	v8 =	vand.u32 $0x80000000, v8;
	v9 =	vand.u32 $0xFFFE000, v9  }
0x267: {  	v5 =	vand.u32 $0x80000000, v5;
	v10 =	vand.u32 $0xFFFE000, v10;
	v8 =	vor.u32 v9, v8  }
0x268: {  	v5 =	vor.u32 v5, v10;
	v8 =	vmul.f32 $5.192296860e+33, v8  }
0x269: {  	v5 =	vmul.f32 $5.192296860e+33, v5  }
0x26a: {  	[tilespmem:v7+s16+$0x0] =	vst.idx.msk $0xffff, v8  }
0x26b: {  	[tilespmem:v6+s16+$0x0] =	vst.idx.msk $0xffff, v5  }
0x26c: {  	s31 =	simm.s32 $0x240;
	v5 =	vld [tilespmem:s22+$0xFFFFFFF0]  }
0x26d: {  	v6 =	vadd.s32 s31, v4  }
0x26e: {  	v7 =	vbroadcast v6, $0x0;
	_ =	sdelay $0x1  }
0x26f: {  	v6 =	vor.u32 v0, v7  }
0x270: {  	v8 =	vor.u32 v1, v7;
	v9 =	vshll.u32 v5, $0x10;
	v10 =	vshll.u32 v5, $0xD  }
0x271: {  	v11 =	vshrl.u32 v5, $0x3;
	v9 =	vand.u32 $0x80000000, v9;
	v10 =	vand.u32 $0xFFFE000, v10  }
0x272: {  	v5 =	vand.u32 $0x80000000, v5;
	v11 =	vand.u32 $0xFFFE000, v11;
	v9 =	vor.u32 v10, v9  }
0x273: {  	v5 =	vor.u32 v5, v11;
	v9 =	vmul.f32 $5.192296860e+33, v9  }
0x274: {  	v5 =	vmul.f32 $5.192296860e+33, v5  }
0x275: {  	[tilespmem:v6+s16+$0x0] =	vst.idx.msk $0xffff, v9  }
0x276: {  	[tilespmem:v8+s16+$0x0] =	vst.idx.msk $0xffff, v5  }
0x277: {  	v5 =	vld [tilespmem:s22+$0x0];
	_ =	sdelay $0x4  }
0x278: {  	v6 =	vshll.u32 v5, $0x10  }
0x279: {  	v8 =	vshll.u32 v5, $0xD;
	v9 =	vshrl.u32 v5, $0x3;
	v5 =	vand.u32 $0x80000000, v5  }
0x27a: {  	v10 =	vand.u32 $0x80000000, v6;
	v9 =	vand.u32 $0xFFFE000, v9;
	v6 =	vor.u32 v2, v7  }
0x27b: {  	v8 =	vand.u32 $0xFFFE000, v8;
	v9 =	vor.u32 v5, v9;
	v5 =	vor.u32 v3, v7  }
0x27c: {  	v8 =	vor.u32 v8, v10  }
0x27d: {  	s23 =	simm.s32 $0x13;
	s24 =	smov.u32 s22;
	v8 =	vmul.f32 $5.192296860e+33, v8;
	v7 =	vmul.f32 $5.192296860e+33, v9  }
.LBB2_12:
0x27e: {  	p0 =	sne.s32 s23, $0x31  }
0x27f: {  	[tilespmem:v6+s16+$0x0] =	vst.idx.msk $0xffff, v8;
	s24 =	sadd.s32 $0x140, s24;
	s25 =	smov.u32 s23;
	s23 =	sadd.s32 $0xA, s23  }
0x280: {  	s25 =	sshll.u32 s25, $0x6;
	[tilespmem:v5+s16+$0x0] =	vst.idx.msk $0xffff, v7  }
0x281: {  	v5 =	vld [tilespmem:s24+$0xFFFFFED0];
	s26 =	sadd.s32 $0xFFFFFDC0, s25;
	s28 =	sadd.s32 $0xFFFFFE00, s25;
	s29 =	sadd.s32 $0xFFFFFE40, s25;
	v13 =	vadd.s32 s25, v4  }
0x282: {  	v6 =	vadd.s32 s26, v4;
	v7 =	vadd.s32 s28, v4;
	v8 =	vadd.s32 s29, v4;
	s26 =	sadd.s32 $0xFFFFFE80, s25;
	s28 =	sadd.s32 $0xFFFFFEC0, s25;
	s29 =	sadd.s32 $0xFFFFFF00, s25  }
0x283: {  	s30 =	sadd.s32 $0xFFFFFF80, s25;
	v14 =	vbroadcast v6, $0x0;
	v15 =	vbroadcast v7, $0x0;
	v6 =	vadd.s32 s26, v4;
	s26 =	sadd.s32 $0xFFFFFF40, s25;
	s25 =	sadd.s32 $0xFFFFFFC0, s25  }
0x284: {  	v12 =	vbroadcast v8, $0x0;
	v11 =	vbroadcast v6, $0x0;
	v6 =	vadd.s32 s28, v4  }
0x285: {  	v16 =	vor.u32 v1, v14;
	v10 =	vbroadcast v6, $0x0;
	v6 =	vadd.s32 s29, v4  }
0x286: {  	v17 =	vor.u32 v0, v14;
	v7 =	vshll.u32 v5, $0x10;
	v8 =	vshll.u32 v5, $0xD  }
0x287: {  	v9 =	vshrl.u32 v5, $0x3;
	v7 =	vand.u32 $0x80000000, v7;
	v8 =	vand.u32 $0xFFFE000, v8  }
0x288: {  	v5 =	vand.u32 $0x80000000, v5;
	v7 =	vor.u32 v8, v7;
	v8 =	vand.u32 $0xFFFE000, v9  }
0x289: {  	v9 =	vbroadcast v6, $0x0;
	v5 =	vor.u32 v5, v8;
	v7 =	vmul.f32 $5.192296860e+33, v7  }
0x28a: {  	v18 =	vadd.s32 s30, v4;
	v6 =	vadd.s32 s26, v4;
	v5 =	vmul.f32 $5.192296860e+33, v5  }
0x28b: {  	v8 =	vbroadcast v6, $0x0;
	v6 =	vadd.s32 s25, v4;
	[tilespmem:v17+s16+$0x0] =	vst.idx.msk $0xffff, v7;
	v7 =	vbroadcast v18, $0x0  }
0x28c: {  	v6 =	vbroadcast v6, $0x0;
	[tilespmem:v16+s16+$0x0] =	vst.idx.msk $0xffff, v5;
	v5 =	vbroadcast v13, $0x0  }
0x28d: {  	v13 =	vld [tilespmem:s24+$0xFFFFFEE0];
	_ =	sdelay $0x3  }
0x28e: {  	v16 =	vor.u32 v2, v14;
	v14 =	vor.u32 v3, v14  }
0x28f: {  	v17 =	vshll.u32 v13, $0x10;
	v18 =	vshll.u32 v13, $0xD;
	v19 =	vshrl.u32 v13, $0x3  }
0x290: {  	v17 =	vand.u32 $0x80000000, v17;
	v18 =	vand.u32 $0xFFFE000, v18;
	v19 =	vand.u32 $0xFFFE000, v19  }
0x291: {  	v13 =	vand.u32 $0x80000000, v13;
	v17 =	vor.u32 v18, v17  }
0x292: {  	v13 =	vor.u32 v13, v19;
	v17 =	vmul.f32 $5.192296860e+33, v17  }
0x293: {  	v13 =	vmul.f32 $5.192296860e+33, v13  }
0x294: {  	[tilespmem:v16+s16+$0x0] =	vst.idx.msk $0xffff, v17  }
0x295: {  	[tilespmem:v14+s16+$0x0] =	vst.idx.msk $0xffff, v13  }
0x296: {  	v13 =	vld [tilespmem:s24+$0xFFFFFEF0];
	_ =	sdelay $0x3  }
0x297: {  	v16 =	vor.u32 v1, v15;
	v14 =	vor.u32 v0, v15  }
0x298: {  	v17 =	vshll.u32 v13, $0x10;
	v18 =	vshll.u32 v13, $0xD;
	v19 =	vshrl.u32 v13, $0x3  }
0x299: {  	v17 =	vand.u32 $0x80000000, v17;
	v18 =	vand.u32 $0xFFFE000, v18;
	v19 =	vand.u32 $0xFFFE000, v19  }
0x29a: {  	v13 =	vand.u32 $0x80000000, v13;
	v17 =	vor.u32 v18, v17  }
0x29b: {  	v13 =	vor.u32 v13, v19;
	v17 =	vmul.f32 $5.192296860e+33, v17  }
0x29c: {  	v13 =	vmul.f32 $5.192296860e+33, v13  }
0x29d: {  	[tilespmem:v14+s16+$0x0] =	vst.idx.msk $0xffff, v17  }
0x29e: {  	[tilespmem:v16+s16+$0x0] =	vst.idx.msk $0xffff, v13  }
0x29f: {  	v13 =	vld [tilespmem:s24+$0xFFFFFF00];
	_ =	sdelay $0x3  }
0x2a0: {  	v14 =	vor.u32 v2, v15;
	v15 =	vor.u32 v3, v15  }
0x2a1: {  	v16 =	vshll.u32 v13, $0x10;
	v17 =	vshll.u32 v13, $0xD;
	v18 =	vshrl.u32 v13, $0x3  }
0x2a2: {  	v16 =	vand.u32 $0x80000000, v16;
	v17 =	vand.u32 $0xFFFE000, v17;
	v18 =	vand.u32 $0xFFFE000, v18  }
0x2a3: {  	v13 =	vand.u32 $0x80000000, v13;
	v16 =	vor.u32 v17, v16  }
0x2a4: {  	v13 =	vor.u32 v13, v18;
	v16 =	vmul.f32 $5.192296860e+33, v16  }
0x2a5: {  	v13 =	vmul.f32 $5.192296860e+33, v13  }
0x2a6: {  	[tilespmem:v14+s16+$0x0] =	vst.idx.msk $0xffff, v16  }
0x2a7: {  	[tilespmem:v15+s16+$0x0] =	vst.idx.msk $0xffff, v13  }
0x2a8: {  	v13 =	vld [tilespmem:s24+$0xFFFFFF10];
	_ =	sdelay $0x3  }
0x2a9: {  	v14 =	vor.u32 v0, v12;
	v15 =	vor.u32 v1, v12  }
0x2aa: {  	v16 =	vshll.u32 v13, $0x10;
	v17 =	vshll.u32 v13, $0xD;
	v18 =	vshrl.u32 v13, $0x3  }
0x2ab: {  	v16 =	vand.u32 $0x80000000, v16;
	v17 =	vand.u32 $0xFFFE000, v17;
	v18 =	vand.u32 $0xFFFE000, v18  }
0x2ac: {  	v13 =	vand.u32 $0x80000000, v13;
	v16 =	vor.u32 v17, v16  }
0x2ad: {  	v13 =	vor.u32 v13, v18;
	v16 =	vmul.f32 $5.192296860e+33, v16  }
0x2ae: {  	v13 =	vmul.f32 $5.192296860e+33, v13  }
0x2af: {  	[tilespmem:v14+s16+$0x0] =	vst.idx.msk $0xffff, v16  }
0x2b0: {  	[tilespmem:v15+s16+$0x0] =	vst.idx.msk $0xffff, v13  }
0x2b1: {  	v13 =	vld [tilespmem:s24+$0xFFFFFF20];
	_ =	sdelay $0x3  }
0x2b2: {  	v14 =	vor.u32 v2, v12;
	v12 =	vor.u32 v3, v12  }
0x2b3: {  	v15 =	vshll.u32 v13, $0x10;
	v16 =	vshll.u32 v13, $0xD;
	v17 =	vshrl.u32 v13, $0x3  }
0x2b4: {  	v15 =	vand.u32 $0x80000000, v15;
	v16 =	vand.u32 $0xFFFE000, v16;
	v17 =	vand.u32 $0xFFFE000, v17  }
0x2b5: {  	v13 =	vand.u32 $0x80000000, v13;
	v15 =	vor.u32 v16, v15  }
0x2b6: {  	v13 =	vor.u32 v13, v17;
	v15 =	vmul.f32 $5.192296860e+33, v15  }
0x2b7: {  	v13 =	vmul.f32 $5.192296860e+33, v13  }
0x2b8: {  	[tilespmem:v14+s16+$0x0] =	vst.idx.msk $0xffff, v15  }
0x2b9: {  	[tilespmem:v12+s16+$0x0] =	vst.idx.msk $0xffff, v13  }
0x2ba: {  	v12 =	vld [tilespmem:s24+$0xFFFFFF30];
	_ =	sdelay $0x3  }
0x2bb: {  	v14 =	vor.u32 v1, v11;
	v13 =	vor.u32 v0, v11  }
0x2bc: {  	v15 =	vshll.u32 v12, $0x10;
	v16 =	vshll.u32 v12, $0xD;
	v17 =	vshrl.u32 v12, $0x3  }
0x2bd: {  	v15 =	vand.u32 $0x80000000, v15;
	v16 =	vand.u32 $0xFFFE000, v16;
	v17 =	vand.u32 $0xFFFE000, v17  }
0x2be: {  	v12 =	vand.u32 $0x80000000, v12;
	v15 =	vor.u32 v16, v15  }
0x2bf: {  	v12 =	vor.u32 v12, v17;
	v15 =	vmul.f32 $5.192296860e+33, v15  }
0x2c0: {  	v12 =	vmul.f32 $5.192296860e+33, v12  }
0x2c1: {  	[tilespmem:v13+s16+$0x0] =	vst.idx.msk $0xffff, v15  }
0x2c2: {  	[tilespmem:v14+s16+$0x0] =	vst.idx.msk $0xffff, v12  }
0x2c3: {  	v12 =	vld [tilespmem:s24+$0xFFFFFF40];
	_ =	sdelay $0x3  }
0x2c4: {  	v13 =	vor.u32 v2, v11;
	v11 =	vor.u32 v3, v11  }
0x2c5: {  	v14 =	vshll.u32 v12, $0x10;
	v15 =	vshll.u32 v12, $0xD;
	v16 =	vshrl.u32 v12, $0x3  }
0x2c6: {  	v14 =	vand.u32 $0x80000000, v14;
	v15 =	vand.u32 $0xFFFE000, v15;
	v16 =	vand.u32 $0xFFFE000, v16  }
0x2c7: {  	v12 =	vand.u32 $0x80000000, v12;
	v14 =	vor.u32 v15, v14  }
0x2c8: {  	v12 =	vor.u32 v12, v16;
	v14 =	vmul.f32 $5.192296860e+33, v14  }
0x2c9: {  	v12 =	vmul.f32 $5.192296860e+33, v12  }
0x2ca: {  	[tilespmem:v13+s16+$0x0] =	vst.idx.msk $0xffff, v14  }
0x2cb: {  	[tilespmem:v11+s16+$0x0] =	vst.idx.msk $0xffff, v12  }
0x2cc: {  	v11 =	vld [tilespmem:s24+$0xFFFFFF50];
	_ =	sdelay $0x3  }
0x2cd: {  	v13 =	vor.u32 v1, v10;
	v12 =	vor.u32 v0, v10  }
0x2ce: {  	v14 =	vshll.u32 v11, $0x10;
	v15 =	vshll.u32 v11, $0xD;
	v16 =	vshrl.u32 v11, $0x3  }
0x2cf: {  	v14 =	vand.u32 $0x80000000, v14;
	v15 =	vand.u32 $0xFFFE000, v15;
	v16 =	vand.u32 $0xFFFE000, v16  }
0x2d0: {  	v11 =	vand.u32 $0x80000000, v11;
	v14 =	vor.u32 v15, v14  }
0x2d1: {  	v11 =	vor.u32 v11, v16;
	v14 =	vmul.f32 $5.192296860e+33, v14  }
0x2d2: {  	v11 =	vmul.f32 $5.192296860e+33, v11  }
0x2d3: {  	[tilespmem:v12+s16+$0x0] =	vst.idx.msk $0xffff, v14  }
0x2d4: {  	[tilespmem:v13+s16+$0x0] =	vst.idx.msk $0xffff, v11  }
0x2d5: {  	v11 =	vld [tilespmem:s24+$0xFFFFFF60];
	_ =	sdelay $0x3  }
0x2d6: {  	v12 =	vor.u32 v2, v10;
	v10 =	vor.u32 v3, v10  }
0x2d7: {  	v13 =	vshll.u32 v11, $0x10;
	v14 =	vshll.u32 v11, $0xD;
	v15 =	vshrl.u32 v11, $0x3  }
0x2d8: {  	v13 =	vand.u32 $0x80000000, v13;
	v14 =	vand.u32 $0xFFFE000, v14;
	v15 =	vand.u32 $0xFFFE000, v15  }
0x2d9: {  	v11 =	vand.u32 $0x80000000, v11;
	v13 =	vor.u32 v14, v13  }
0x2da: {  	v11 =	vor.u32 v11, v15;
	v13 =	vmul.f32 $5.192296860e+33, v13  }
0x2db: {  	v11 =	vmul.f32 $5.192296860e+33, v11  }
0x2dc: {  	[tilespmem:v12+s16+$0x0] =	vst.idx.msk $0xffff, v13  }
0x2dd: {  	[tilespmem:v10+s16+$0x0] =	vst.idx.msk $0xffff, v11  }
0x2de: {  	v10 =	vld [tilespmem:s24+$0xFFFFFF70];
	_ =	sdelay $0x3  }
0x2df: {  	v12 =	vor.u32 v1, v9;
	v11 =	vor.u32 v0, v9  }
0x2e0: {  	v13 =	vshll.u32 v10, $0x10;
	v14 =	vshll.u32 v10, $0xD;
	v15 =	vshrl.u32 v10, $0x3  }
0x2e1: {  	v13 =	vand.u32 $0x80000000, v13;
	v14 =	vand.u32 $0xFFFE000, v14;
	v15 =	vand.u32 $0xFFFE000, v15  }
0x2e2: {  	v10 =	vand.u32 $0x80000000, v10;
	v13 =	vor.u32 v14, v13  }
0x2e3: {  	v10 =	vor.u32 v10, v15;
	v13 =	vmul.f32 $5.192296860e+33, v13  }
0x2e4: {  	v10 =	vmul.f32 $5.192296860e+33, v10  }
0x2e5: {  	[tilespmem:v11+s16+$0x0] =	vst.idx.msk $0xffff, v13  }
0x2e6: {  	[tilespmem:v12+s16+$0x0] =	vst.idx.msk $0xffff, v10  }
0x2e7: {  	v10 =	vld [tilespmem:s24+$0xFFFFFF80];
	_ =	sdelay $0x3  }
0x2e8: {  	v11 =	vor.u32 v2, v9;
	v9 =	vor.u32 v3, v9  }
0x2e9: {  	v12 =	vshll.u32 v10, $0x10;
	v13 =	vshll.u32 v10, $0xD;
	v14 =	vshrl.u32 v10, $0x3  }
0x2ea: {  	v12 =	vand.u32 $0x80000000, v12;
	v13 =	vand.u32 $0xFFFE000, v13;
	v14 =	vand.u32 $0xFFFE000, v14  }
0x2eb: {  	v10 =	vand.u32 $0x80000000, v10;
	v12 =	vor.u32 v13, v12  }
0x2ec: {  	v10 =	vor.u32 v10, v14;
	v12 =	vmul.f32 $5.192296860e+33, v12  }
0x2ed: {  	v10 =	vmul.f32 $5.192296860e+33, v10  }
0x2ee: {  	[tilespmem:v11+s16+$0x0] =	vst.idx.msk $0xffff, v12  }
0x2ef: {  	[tilespmem:v9+s16+$0x0] =	vst.idx.msk $0xffff, v10  }
0x2f0: {  	v9 =	vld [tilespmem:s24+$0xFFFFFF90];
	_ =	sdelay $0x3  }
0x2f1: {  	v11 =	vor.u32 v1, v8;
	v10 =	vor.u32 v0, v8  }
0x2f2: {  	v12 =	vshll.u32 v9, $0x10;
	v13 =	vshll.u32 v9, $0xD;
	v14 =	vshrl.u32 v9, $0x3  }
0x2f3: {  	v12 =	vand.u32 $0x80000000, v12;
	v13 =	vand.u32 $0xFFFE000, v13;
	v14 =	vand.u32 $0xFFFE000, v14  }
0x2f4: {  	v9 =	vand.u32 $0x80000000, v9;
	v12 =	vor.u32 v13, v12  }
0x2f5: {  	v9 =	vor.u32 v9, v14;
	v12 =	vmul.f32 $5.192296860e+33, v12  }
0x2f6: {  	v9 =	vmul.f32 $5.192296860e+33, v9  }
0x2f7: {  	[tilespmem:v10+s16+$0x0] =	vst.idx.msk $0xffff, v12  }
0x2f8: {  	[tilespmem:v11+s16+$0x0] =	vst.idx.msk $0xffff, v9  }
0x2f9: {  	v9 =	vld [tilespmem:s24+$0xFFFFFFA0];
	_ =	sdelay $0x3  }
0x2fa: {  	v10 =	vor.u32 v2, v8;
	v8 =	vor.u32 v3, v8  }
0x2fb: {  	v11 =	vshll.u32 v9, $0x10;
	v12 =	vshll.u32 v9, $0xD;
	v13 =	vshrl.u32 v9, $0x3  }
0x2fc: {  	v11 =	vand.u32 $0x80000000, v11;
	v12 =	vand.u32 $0xFFFE000, v12;
	v13 =	vand.u32 $0xFFFE000, v13  }
0x2fd: {  	v9 =	vand.u32 $0x80000000, v9;
	v11 =	vor.u32 v12, v11  }
0x2fe: {  	v9 =	vor.u32 v9, v13;
	v11 =	vmul.f32 $5.192296860e+33, v11  }
0x2ff: {  	v9 =	vmul.f32 $5.192296860e+33, v9  }
0x300: {  	[tilespmem:v10+s16+$0x0] =	vst.idx.msk $0xffff, v11  }
0x301: {  	[tilespmem:v8+s16+$0x0] =	vst.idx.msk $0xffff, v9  }
0x302: {  	v8 =	vld [tilespmem:s24+$0xFFFFFFB0];
	_ =	sdelay $0x3  }
0x303: {  	v10 =	vor.u32 v1, v7;
	v9 =	vor.u32 v0, v7  }
0x304: {  	v11 =	vshll.u32 v8, $0x10;
	v12 =	vshll.u32 v8, $0xD;
	v13 =	vshrl.u32 v8, $0x3  }
0x305: {  	v11 =	vand.u32 $0x80000000, v11;
	v12 =	vand.u32 $0xFFFE000, v12;
	v13 =	vand.u32 $0xFFFE000, v13  }
0x306: {  	v8 =	vand.u32 $0x80000000, v8;
	v11 =	vor.u32 v12, v11  }
0x307: {  	v8 =	vor.u32 v8, v13;
	v11 =	vmul.f32 $5.192296860e+33, v11  }
0x308: {  	v8 =	vmul.f32 $5.192296860e+33, v8  }
0x309: {  	[tilespmem:v9+s16+$0x0] =	vst.idx.msk $0xffff, v11  }
0x30a: {  	[tilespmem:v10+s16+$0x0] =	vst.idx.msk $0xffff, v8  }
0x30b: {  	v8 =	vld [tilespmem:s24+$0xFFFFFFC0];
	_ =	sdelay $0x3  }
0x30c: {  	v9 =	vor.u32 v2, v7;
	v7 =	vor.u32 v3, v7  }
0x30d: {  	v10 =	vshll.u32 v8, $0x10;
	v11 =	vshll.u32 v8, $0xD;
	v12 =	vshrl.u32 v8, $0x3  }
0x30e: {  	v10 =	vand.u32 $0x80000000, v10;
	v11 =	vand.u32 $0xFFFE000, v11;
	v12 =	vand.u32 $0xFFFE000, v12  }
0x30f: {  	v8 =	vand.u32 $0x80000000, v8;
	v10 =	vor.u32 v11, v10  }
0x310: {  	v8 =	vor.u32 v8, v12;
	v10 =	vmul.f32 $5.192296860e+33, v10  }
0x311: {  	v8 =	vmul.f32 $5.192296860e+33, v8  }
0x312: {  	[tilespmem:v9+s16+$0x0] =	vst.idx.msk $0xffff, v10  }
0x313: {  	[tilespmem:v7+s16+$0x0] =	vst.idx.msk $0xffff, v8  }
0x314: {  	v7 =	vld [tilespmem:s24+$0xFFFFFFD0];
	_ =	sdelay $0x3  }
0x315: {  	v9 =	vor.u32 v1, v6;
	v8 =	vor.u32 v0, v6  }
0x316: {  	v10 =	vshll.u32 v7, $0x10;
	v11 =	vshll.u32 v7, $0xD;
	v12 =	vshrl.u32 v7, $0x3  }
0x317: {  	v10 =	vand.u32 $0x80000000, v10;
	v11 =	vand.u32 $0xFFFE000, v11;
	v12 =	vand.u32 $0xFFFE000, v12  }
0x318: {  	v7 =	vand.u32 $0x80000000, v7;
	v10 =	vor.u32 v11, v10  }
0x319: {  	v7 =	vor.u32 v7, v12;
	v10 =	vmul.f32 $5.192296860e+33, v10  }
0x31a: {  	v7 =	vmul.f32 $5.192296860e+33, v7  }
0x31b: {  	[tilespmem:v8+s16+$0x0] =	vst.idx.msk $0xffff, v10  }
0x31c: {  	[tilespmem:v9+s16+$0x0] =	vst.idx.msk $0xffff, v7  }
0x31d: {  	v7 =	vld [tilespmem:s24+$0xFFFFFFE0];
	_ =	sdelay $0x3  }
0x31e: {  	v8 =	vor.u32 v2, v6;
	v6 =	vor.u32 v3, v6  }
0x31f: {  	v9 =	vshll.u32 v7, $0x10;
	v10 =	vshll.u32 v7, $0xD;
	v11 =	vshrl.u32 v7, $0x3  }
0x320: {  	v9 =	vand.u32 $0x80000000, v9;
	v10 =	vand.u32 $0xFFFE000, v10;
	v11 =	vand.u32 $0xFFFE000, v11  }
0x321: {  	v7 =	vand.u32 $0x80000000, v7;
	v9 =	vor.u32 v10, v9  }
0x322: {  	v7 =	vor.u32 v7, v11;
	v9 =	vmul.f32 $5.192296860e+33, v9  }
0x323: {  	v7 =	vmul.f32 $5.192296860e+33, v7  }
0x324: {  	[tilespmem:v8+s16+$0x0] =	vst.idx.msk $0xffff, v9  }
0x325: {  	[tilespmem:v6+s16+$0x0] =	vst.idx.msk $0xffff, v7  }
0x326: {  	v6 =	vld [tilespmem:s24+$0xFFFFFFF0];
	_ =	sdelay $0x3  }
0x327: {  	v8 =	vor.u32 v1, v5;
	v7 =	vor.u32 v0, v5  }
0x328: {  	v9 =	vshll.u32 v6, $0x10;
	v10 =	vshll.u32 v6, $0xD;
	v11 =	vshrl.u32 v6, $0x3  }
0x329: {  	v9 =	vand.u32 $0x80000000, v9;
	v10 =	vand.u32 $0xFFFE000, v10;
	v11 =	vand.u32 $0xFFFE000, v11  }
0x32a: {  	v6 =	vand.u32 $0x80000000, v6;
	v9 =	vor.u32 v10, v9  }
0x32b: {  	v6 =	vor.u32 v6, v11;
	v9 =	vmul.f32 $5.192296860e+33, v9  }
0x32c: {  	v6 =	vmul.f32 $5.192296860e+33, v6  }
0x32d: {  	[tilespmem:v7+s16+$0x0] =	vst.idx.msk $0xffff, v9  }
0x32e: {  	[tilespmem:v8+s16+$0x0] =	vst.idx.msk $0xffff, v6  }
0x32f: {  	v7 =	vld [tilespmem:s24+$0x0];
	_ =	sdelay $0x3  }
0x330: {  	v6 =	vor.u32 v2, v5;
	v5 =	vor.u32 v3, v5  }
.Ltmp5:
0x331: {  	v8 =	vshll.u32 v7, $0x10;
	v9 =	vshll.u32 v7, $0xD;
	v10 =	vshrl.u32 v7, $0x3;
	(pc) =	sbr.rel @p0 .LBB2_12-.Ltmp5, $4  }
0x332: {  	v8 =	vand.u32 $0x80000000, v8;
	v9 =	vand.u32 $0xFFFE000, v9;
	v10 =	vand.u32 $0xFFFE000, v10  }
0x333: {  	v7 =	vand.u32 $0x80000000, v7;
	v8 =	vor.u32 v9, v8  }
0x334: {  	v7 =	vor.u32 v7, v10;
	v8 =	vmul.f32 $5.192296860e+33, v8  }
0x335: {  	v7 =	vmul.f32 $5.192296860e+33, v7  }
0x336: {  	s21 =	sadd.s32 $0x1, s21  }
0x337: {  	p0 =	sne.s32 s21, $0x8  }
.Ltmp6:
0x338: {  	_ = 	snop;
	(pc) =	sbr.rel @p0 .LBB2_11-.Ltmp6, $3  }
0x339: {  	_ =	sdelay $0x1  }
0x33a: {  	[tilespmem:v6+s16+$0x0] =	vst.idx.msk $0xffff, v8  }
0x33b: {  	s22 =	sadd.s32 $0x640, s22;
	[tilespmem:v5+s16+$0x0] =	vst.idx.msk $0xffff, v7  }
0x33c: {  	s19 =	sadd.s32 $0x1, s19  }
0x33d: {  	s20 =	sshll.u32 s20, $0x3;
	p0 =	sne.s32 s19, $0x20  }
.Ltmp7:
0x33e: {  	s20 =	sadd.s32 s5, s20;
	(pc) =	sbr.rel @p0 .LBB2_2-.Ltmp7, $3  }
0x33f: {  	s20 =	smul.u32 $0x190, s20;
	_ =	sdelay $0x1  }
0x340: {  	s20 =	sadd.s32 s2, s20  }
0x341: {  	[hbm4b:s20+s3] =	stream.linear.scatter [tilespmem:s16], [sflag:$0x4], $0x6400, $0x38;
	[tilespmem:$0x19000] =	vst v63  }
0x342: {  	s18 =	sadd.s32 $0x1, s18  }
0x343: {  	_ =	swait.ge [sflag:s17], $0x6400;
	p0 =	sne.s32 s18, s7  }
.Ltmp8:
0x344: {  	[sflag:s17] =	ssyncset.done $0x0;
	(pc) =	sbr.rel @p0 .LBB2_1-.Ltmp8, $4  }
0x345: {  	[sflag:s17] =	ssyncadd.s32 $0xFFFF9C00  }
0x346: {  	_ =	swait.ge [sflag:s15], $0x6400  }
0x347: {  	[sflag:s15] =	ssyncset.done $0x0  }
0x348: {  	[sflag:s15] =	ssyncadd.s32 $0xFFFF9C00  }
0x349: {  	_ =	sfence.sel $0x180000  }
0x34a: {  	[bflag:$0x0] =	sbarrier.arrive $0xFFFF  }
0x34b: {  	p0 =	sne.s32 s0, $0x0;
	_ =	strace $0x9000004A  }
0x34c: {  	s0 =	sadd.s32 @!p0 $0x100000, s1;
	[bflag:$0x2] =	sbarrier.arrive $0xFFFF  }
0x34d: {  	[sflag:s0] =	ssyncadd.tile.s32 @!p0 $0x1;
	_ =	shalt  }
.Lfunc_end2:
_tile_overlayer_lowered:
.L_overlay_start_2:
0x34e: {  	(tag) =	ssettag $0x2  }
0x34f: {  	s0 =	rddreg [dreg:$0x0];
	s2 =	stileid.u32  }
0x350: {  	s1 =	rddreg [dreg:$0x1];
	p0 =	sne.s32 s2, $0x0  }
0x351: {  	s3 =	rddreg [dreg:$0x2];
	[bflag:$0x3] =	sbarrier.arrive $0xFFFF;
	s2 =	simm.s32 @!p0 $0x1C05  }
0x352: {  	[timem:s3], [sflag:s2] =	dma.local @!p0 [hbm:s0], s1  }
0x353: {  	s0 =	simm.s32 @!p0 $0x5  }
0x354: {  	_ =	swait.ge @!p0 [sflag:s0], s1  }
0x355: {  	s1 =	ssub.s32 @!p0 $0x0, s1;
	[sflag:s0] =	ssyncset.done @!p0 $0x0  }
0x356: {  	[sflag:s0] =	ssyncadd.s32 @!p0 s1  }
0x357: {  	[bflag:$0x3] =	sbarrier.arrive $0xFFFF  }
0x358: {  	_ =	shalt  }

// kernel: sparse-core-data-format-call.1.cloned.1.call-start
scs
called_computation.1_lowered:
.L_overlay_start_0:
0x0: {  	s1 =	sld [smem:$0x3FD9]  }
0x1: {  	s2 =	sld [smem:$0x3FFE];
	_ =	sdelay $0x1  }
0x2: {  	s3 =	srdreg.scid  }
0x3: {  	s0 =	sand.u32 $0x1, s3  }
0x4: {  	s17 =	sshll.u32 s0, $0xA;
	s1 =	sadd.s32 s2, s1  }
0x5: {  	s1 =	sadd.s32 s1, s17  }
0x6: {  	[smem:$0x3FC6] =	sst s1  }
0x7: {  	_ = 	snop  }
0x8: {  	(tm) =	ssettm $0x1  }
0x9: {  	s18 =	sld [smem:$0x3FFB];
	_ =	sdelay $0x3  }
0xa: {  	_ =	strace s18  }
0xb: {  	s1 =	sld [smem:$0x3FFC];
	_ =	sdelay $0x3  }
0xc: {  	_ =	strace s1  }
0xd: {  	s1 =	sld [smem:$0x3FFD];
	_ =	sdelay $0x3  }
0xe: {  	_ =	strace s1  }
0xf: {  	_ =	strace $0x8FFFFFFF  }
0x10: {  	s19 =	sld [smem:$0x3FDB];
	_ =	sdelay $0x1  }
0x11: {  	s20 =	simm.s32 $_scs_section_size  }
0x12: {  	s4 =	simm.s32 $_size__tile_overlayer_lowered;
	s5 =	simm.s32 $_tile_overlayer_lowered  }
0x13: {  	s23 =	simm.s32 $0x1BFF;
	s22 =	sshll.u32 s5, $0x1;
	s1 =	sadd.s32 s20, s19  }
0x14: {  	s6 =	simm.s32 $0x0;
	s21 =	sshll.u32 s4, $0x1;
	s4 =	sadd.s32 s22, s1  }
0x15: {  	[timem:s6], [sflag:s23] =	dma.local [hbm:s4], s21  }
0x16: {  	_ =	swait.ge [sflag:s23], s21  }
0x17: {  	s2 =	ssub.s32 $0x0, s21;
	[sflag:s23] =	ssyncset.done $0x0  }
0x18: {  	[sflag:s23] =	ssyncadd.s32 s2;
	_ =	sdelay $0x1  }
0x19: {  	s24 =	simm.s32 $0x1B8B  }
0x1a: {  	_ =	swait.ge [sflag:s24], $0x1  }
0x1b: {  	[sflag:s24] =	ssyncset.done $0x0  }
0x1c: {  	s26 =	simm.s32 $0x1B8E;
	s25 =	sld [smem:$0x3FFE];
	[sflag:s24] =	ssyncadd.s32 $0xFFFFFFFF  }
0x1d: {  	s27 =	simm.s32 $execute0_lowered;
	[smem:$0x3FD2] =	sst s26  }
0x1e: {  	s4 =	sshll.u32 s27, $0x1;
	_ =	strace $0x80000046;
	[dreg:$0x1] =	wrdreg $0xFFFFFFFF  }
0x1f: {  	s28 =	simm.s32 $_size_execute0_lowered;
	s1 =	sadd.s32 s1, s4;
	[dreg:$0x0] =	wrdreg $0x0  }
0x20: {  	s4 =	sshll.u32 s28, $0x1;
	[dreg:$0x2] =	wrdreg s1  }
0x21: {  	[dreg:$0x3] =	wrdreg s4  }
0x22: {  	[dreg:$0x4] =	wrdreg $0xC0  }
0x23: {  	_ =	task [dreg:s6], $0x5FFFF  }
0x24: {  	[dreg:$0x1] =	wrdreg $0xFFFFFFFF  }
0x25: {  	[dreg:$0x0] =	wrdreg $0x60  }
0x26: {  	[dreg:$0x2] =	wrdreg s25  }
0x27: {  	[dreg:$0x3] =	wrdreg $0x9  }
0x28: {  	_ =	task.clear_ibuf [dreg:s6], $0x4FFFF;
	_ =	strace $0x90000046  }
0x29: {  	s29 =	simm.s32 $0x9;
	_ =	strace $0x80000048  }
0x2a: {  	_ =	swait.ge [sflag:s29], $0x1  }
0x2b: {  	[sflag:s29] =	ssyncadd.s32 $0xFFFFFFFF  }
0x2c: {  	_ =	strace $0x90000048  }
0x2d: {  	_ =	sfence  }
0x2e: {  	s30 =	sld [smem:$0x0];
	_ =	sdelay $0x2  }
0x2f: {  	s31 =	sshll.u32 s3, $0xD;
	s3 =	sshrl.u32 s3, $0x2  }
0x30: {  	s2 =	sand.u32 $0x4000, s31;
	s1 =	sadd.s32 s3, s30  }
0x31: {  	s0 =	sor.u32 s2, s0;
	s1 =	sshll.u32 s1, $0x11  }
0x32: {  	s0 =	sor.u32 s1, s0  }
0x33: {  	s0 =	sadd.s32 $0x8F2B, s0  }
0x34: {  	[sflag:s0] =	ssyncadd.remote.s32 $0x1  }
0x35: {  	_ =	sfence.sel $0xFFFF  }
0x36: {  	[dreg:$0x0] =	wrdreg $0xFFFFFFFF;
	(pc) =	sbr.abs _section_cstart, $3  }
0x37: {  	[dreg:$0x1] =	wrdreg $0xFFFFFFFF  }
0x38: {  	_ =	task.clear_ibuf [dreg:s6], $0x2FFFF;
	_ =	strace $0x9FFFFFFF  }
0x39: {  	(tm) =	ssettm $0x7FFFFFFF  }
tec
execute0_lowered:
.L_overlay_start_1:
0x0: {  	(tag) =	ssettag $0x1  }
0x1: {  	s0 =	srdreg.scid  }
0x2: {  	s5 =	rddreg [dreg:$0x0];
	s1 =	stileid.u32;
	s4 =	simm.s32 $0x1  }
0x3: {  	s6 =	simm.s32 $0x2;
	s8 =	simm.s32 $0x0;
	s2 =	sshll.u32 s0, $0x4  }
0x4: {  	s9 =	simm.s32 $0x0;
	s13 =	simm.s32 $0x0;
	s2 =	sand.u32 $0x10, s2  }
.Ltmp0:
0x5: {  	s10 =	simm.s32 $0x0;
	s3 =	sor.u32 s1, s2;
	(pc) =	sbr.rel .LBB1_1-.Ltmp0, $4  }
0x6: {  	s0 =	rddreg [dreg:$0x1];
	_ =	strace $0x80000047;
	s3 =	sshll.u32 s3, $0x4  }
0x7: {  	s12 =	simm.s32 $0x0;
	[sflag:s4] =	ssyncpa.u1 $0x0;
	s7 =	ssub.s32 $0x7A10, s3  }
0x8: {  	s2 =	sadd.s32 $0xE00, s5;
	[sflag:s6] =	ssyncpa.u1 $0x0;
	s6 =	sshrl.u32 s7, $0x9  }
0x9: {  	s5 =	sadd.s32 $0x3D1800, s5;
	s11 =	smov.u32 s3;
	s7 =	sor.u32 $0x2, s6  }
.LBB1_7:
0xa: {  	s15 =	sshll.u32 s12, $0xF  }
0xb: {  	s15 =	sand.u32 $0x8000, s15  }
0xc: {  	s16 =	sshll.u32 s10, $0x7;
	s15 =	sshrl.u32 s15, $0x1  }
0xd: {  	s16 =	sadd.s32 s5, s16;
	s15 =	sor.u32 $0x8000, s15  }
0xe: {  	[hbm4b:s16+s8] =	stream.linear.scatter [tilespmem:s15], [sflag:$0x2], s14, $0x38;
	[tilespmem:$0x10000] =	vst v63  }
.LBB1_8:
0xf: {  	p0 =	slt.u32 s12, $0x2  }
0x10: {  	p1 =	sgt.s32 @!p0 s13, $0x7A02  }
0x11: {  	s14 =	smov.u32 s13;
	s15 =	sshra.s32 @!p0 s13, $0x1F;
	p1 =	por !p1, p0  }
0x12: {  	s13 =	sand.u32 @!p0 s15, s13;
	s14 =	simm.s32 @p1 $0x7A02  }
0x13: {  	s13 =	ssub.s32 @!p0 s14, s13  }
0x14: {  	s13 =	sadd.s32 @!p0 $0xFFFF85FE, s13  }
0x15: {  	s14 =	sshll.u32 @!p0 s13, $0xC  }
0x16: {  	p1 =	sgt.s32 @!p0 s13, $0xF;
	s13 =	ssub.s32 @!p0 $0x10000, s14  }
0x17: {  	s15 =	sadd.s32 $0x200, s11;
	p1 =	por !p1, p0;
	s13 =	sshrl.u32 @!p0 s13, $0x2  }
0x18: {  	s13 =	simm.s32 @!p1 $0x0;
	p1 =	sgt.s32 s15, $0x7A11  }
0x19: {  	s15 =	smov.u32 @p1 s3;
	p1 =	sne.s32 s12, s7  }
.Ltmp1:
0x1a: {  	_ = 	snop;
	(pc) =	sbr.rel @!p1 .LBB1_9-.Ltmp1, $4  }
0x1b: {  	s14 =	simm.s32 @!p0 $0x2  }
0x1c: {  	s9 =	sadd.s32 $0x8000, s9;
	_ =	swait.ge @!p0 [sflag:s14], s13;
	s16 =	ssub.s32 @!p0 $0x0, s13  }
0x1d: {  	s13 =	smov.u32 s10;
	s12 =	sadd.s32 $0x1, s12;
	[sflag:s14] =	ssyncset.done @!p0 $0x0  }
0x1e: {  	s10 =	smov.u32 s11;
	s11 =	smov.u32 s15;
	[sflag:s14] =	ssyncadd.s32 @!p0 s16  }
.LBB1_1:
0x1f: {  	p0 =	sgt.u32 s12, s6  }
0x20: {  	p1 =	sgt.s32 @!p0 s11, $0x7A02  }
0x21: {  	s14 =	smov.u32 s11;
	s15 =	sshra.s32 @!p0 s11, $0x1F;
	p1 =	por !p1, p0  }
0x22: {  	s15 =	sand.u32 @!p0 s15, s11;
	s14 =	simm.s32 @p1 $0x7A02  }
0x23: {  	s14 =	ssub.s32 @!p0 s14, s15  }
0x24: {  	s14 =	sadd.s32 @!p0 $0xFFFF85FE, s14  }
0x25: {  	s16 =	sshll.u32 @!p0 s11, $0x7;
	s17 =	simm.s32 @!p0 $0x0;
	s15 =	sshll.u32 @!p0 s14, $0xC  }
0x26: {  	p1 =	sgt.s32 @!p0 s14, $0xF;
	s14 =	ssub.s32 @!p0 $0x10000, s15;
	s15 =	sxor.u32 @!p0 $0xFFFFFFFF, s12  }
0x27: {  	p1 =	por !p1, p0;
	s14 =	sshrl.u32 @!p0 s14, $0x2;
	s15 =	sshll.u32 @!p0 s15, $0xE  }
0x28: {  	s16 =	sadd.s32 @!p0 s2, s16;
	s14 =	simm.s32 @!p1 $0x0;
	s15 =	sand.u32 @!p0 $0x4000, s15  }
0x29: {  	[tilespmem:s15], [sflag:$0x1] =	stream.linear.gather @!p0 [hbm4b:s16+s17], s14, $0x38;
	[tilespmem:$0x10000] =	vst v63  }
0x2a: {  	p0 =	seq.s32 s12, $0x0  }
0x2b: {  	p1 =	sge.u32 @!p0 s12, s7  }
0x2c: {  	p0 =	por p0, p1  }
.Ltmp2:
0x2d: {  	_ = 	snop;
	(pc) =	sbr.rel @p0 .LBB1_8-.Ltmp2, $1  }
0x2e: {  	_ =	sdelay $0x3  }
0x2f: {  	p0 =	sgt.s32 s10, $0x7A02;
	s14 =	smov.u32 s10;
	s15 =	sshra.s32 s10, $0x1F  }
0x30: {  	s14 =	simm.s32 @!p0 $0x7A02;
	s15 =	sand.u32 s15, s10  }
0x31: {  	s14 =	ssub.s32 s14, s15  }
0x32: {  	s16 =	sadd.s32 $0x10, s10;
	s14 =	sadd.s32 $0xFFFF85FE, s14  }
0x33: {  	p1 =	slt.s32 s16, $0x7A12;
	s30 =	sshll.u32 s14, $0xC  }
0x34: {  	s16 =	simm.s32 @!p1 $0x7A12;
	s15 =	ssub.s32 $0x10000, s30  }
0x35: {  	p0 =	sgt.s32 s14, $0xF;
	s14 =	sshrl.u32 s15, $0x2;
	s15 =	ssub.s32 s16, s10  }
0x36: {  	s14 =	simm.s32 @p0 $0x0;
	p0 =	slt.s32 s15, $0x1  }
.Ltmp3:
0x37: {  	_ = 	snop;
	(pc) =	sbr.rel @p0 .LBB1_7-.Ltmp3, $4  }
0x38: {  	_ = 	snop  }
0x39: {  	_ =	swait.ge [sflag:s4], s14  }
0x3a: {  	s31 =	ssub.s32 $0x0, s14;
	[sflag:s4] =	ssyncset.done $0x0  }
0x3b: {  	[sflag:s4] =	ssyncadd.s32 s31  }
0x3c: {  	s16 =	sshrl.u32 s9, $0x1  }
0x3d: {  	s17 =	sand.u32 $0x4000, s16  }
0x3e: {  	s18 =	simm.s32 $0x0;
	s16 =	sor.u32 $0x200, s17;
	s17 =	sor.u32 $0x8080, s17  }
.LBB1_4:
0x3f: {  	v0 =	vld [tilespmem:s16+$0xFFFFFE70]  }
0x40: {  	v1 =	vld [tilespmem:s16+$0x70]  }
0x41: {  	v2 =	vld [tilespmem:s16+$0x0]  }
0x42: {  	v3 =	vld [tilespmem:s16+$0xFFFFFE10]  }
0x43: {  	v4 =	vld [tilespmem:s16+$0x10]  }
0x44: {  	v5 =	vld [tilespmem:s16+$0xFFFFFE20]  }
0x45: {  	v7 =	vld [tilespmem:s16+$0x20]  }
0x46: {  	v11 =	vld [tilespmem:s16+$0x30];
	v6 =	vunpack.i.l.s16.s32 v0;
	v8 =	vunpack.i.u.s16.s32 v0;
	v9 =	vunpack.i.u.s16.s32 v1  }
0x47: {  	v10 =	vunpack.i.l.s16.s32 v1;
	v0 =	vunpack.i.u.s16.s32 v2;
	v1 =	vunpack.i.l.s16.s32 v2;
	v2 =	vld [tilespmem:s16+$0xFFFFFE30]  }
0x48: {  	v8 =	vpack.i.b32.b16 v9, v8;
	v9 =	vunpack.i.u.s16.s32 v3;
	v3 =	vunpack.i.l.s16.s32 v3  }
0x49: {  	v12 =	vld [tilespmem:s16+$0xFFFFFE40];
	v6 =	vpack.i.b32.b16 v10, v6;
	[tilespmem:s17+$0x70] =	vst v8;
	v8 =	vunpack.i.u.s16.s32 v4;
	v4 =	vunpack.i.l.s16.s32 v4  }
0x4a: {  	v13 =	vld [tilespmem:s16+$0x40];
	v10 =	vunpack.i.u.s16.s32 v5;
	v5 =	vunpack.i.l.s16.s32 v5;
	[tilespmem:s17+$0xFFFFFFF0] =	vst v6;
	v3 =	vpack.i.b32.b16 v4, v3  }
0x4b: {  	v6 =	vunpack.i.l.s16.s32 v7;
	v4 =	vld [tilespmem:s16+$0xFFFFFE50];
	[tilespmem:s17+$0xFFFFFF90] =	vst v3;
	v3 =	vpack.i.b32.b16 v8, v9;
	v8 =	vunpack.i.u.s16.s32 v7  }
0x4c: {  	v7 =	vunpack.i.l.s16.s32 v11;
	[tilespmem:s17+$0x10] =	vst v3;
	v3 =	vpack.i.b32.b16 v6, v5;
	v9 =	vunpack.i.u.s16.s32 v2;
	v6 =	vld [tilespmem:s16+$0x50]  }
0x4d: {  	v5 =	vunpack.i.l.s16.s32 v2;
	v2 =	vld [tilespmem:s16+$0xFFFFFE60];
	[tilespmem:s17+$0xFFFFFFA0] =	vst v3;
	v3 =	vpack.i.b32.b16 v8, v10;
	v10 =	vunpack.i.u.s16.s32 v11  }
0x4e: {  	s21 =	simm.s32 $0x0;
	v11 =	vpack.i.b32.b16 v7, v5;
	v7 =	vunpack.i.u.s16.s32 v12;
	v8 =	vunpack.i.l.s16.s32 v12;
	[tilespmem:s17+$0x20] =	vst v3;
	v3 =	vld [tilespmem:s16+$0x60]  }
0x4f: {  	s22 =	sadd.s32 $0x80, s16;
	s20 =	smov.u32 s17;
	s19 =	smov.u32 s17;
	v5 =	vld [tilespmem:s16+$0xFFFFFE00];
	[tilespmem:s17+$0xFFFFFFB0] =	vst v11;
	v10 =	vpack.i.b32.b16 v10, v9;
	v9 =	vunpack.i.u.s16.s32 v13;
	v11 =	vunpack.i.l.s16.s32 v13  }
.LBB1_5:
0x50: {  	v12 =	vld [tilespmem:s22+$0xFFFFFE70];
	[tilespmem:s20+$0x30] =	vst v10;
	v8 =	vpack.i.b32.b16 v11, v8;
	v10 =	vunpack.i.u.s16.s32 v4;
	v4 =	vunpack.i.l.s16.s32 v4  }
0x51: {  	s21 =	sadd.s32 $0x2, s21;
	v7 =	vpack.i.b32.b16 v9, v7;
	v11 =	vld [tilespmem:s22+$0x70];
	[tilespmem:s20+$0xFFFFFFC0] =	vst v8;
	v8 =	vunpack.i.u.s16.s32 v6;
	v6 =	vunpack.i.l.s16.s32 v6  }
0x52: {  	p0 =	slt.u32 s21, $0x6;
	v9 =	vld [tilespmem:s22+$0x0];
	[tilespmem:s20+$0x40] =	vst v7;
	v4 =	vpack.i.b32.b16 v6, v4;
	v6 =	vunpack.i.u.s16.s32 v2;
	v2 =	vunpack.i.l.s16.s32 v2  }
0x53: {  	v7 =	vld [tilespmem:s22+$0xFFFFFE10];
	[tilespmem:s20+$0xFFFFFFD0] =	vst v4;
	v4 =	vpack.i.b32.b16 v8, v10;
	v8 =	vunpack.i.u.s16.s32 v3;
	v3 =	vunpack.i.l.s16.s32 v3  }
0x54: {  	v10 =	vld [tilespmem:s22+$0x10];
	v13 =	vunpack.i.u.s16.s32 v5;
	v5 =	vunpack.i.l.s16.s32 v5;
	[tilespmem:s20+$0x50] =	vst v4;
	v2 =	vpack.i.b32.b16 v3, v2  }
0x55: {  	v3 =	vld [tilespmem:s22+$0xFFFFFE20];
	v4 =	vunpack.i.l.s16.s32 v12;
	v1 =	vpack.i.b32.b16 v1, v5;
	v5 =	vpack.i.b32.b16 v0, v13;
	[tilespmem:s20+$0xFFFFFFE0] =	vst v2  }
0x56: {  	v12 =	vunpack.i.u.s16.s32 v12;
	v2 =	vld [tilespmem:s22+$0x20];
	v13 =	vunpack.i.u.s16.s32 v11;
	v11 =	vunpack.i.l.s16.s32 v11;
	[tilespmem:s20+$0xFFFFFF80] =	vst v1  }
0x57: {  	s20 =	sadd.s32 $0x100, s20;
	v0 =	vunpack.i.u.s16.s32 v9;
	v1 =	vunpack.i.l.s16.s32 v9;
	v9 =	vld [tilespmem:s22+$0xFFFFFE30];
	v12 =	vpack.i.b32.b16 v13, v12;
	[tilespmem:s19+$0x0] =	vst v5  }
0x58: {  	v6 =	vpack.i.b32.b16 v8, v6;
	v5 =	vunpack.i.u.s16.s32 v7;
	v7 =	vunpack.i.l.s16.s32 v7;
	v13 =	vld [tilespmem:s22+$0x30];
	[tilespmem:s20+$0x70] =	vst v12  }
0x59: {  	v4 =	vpack.i.b32.b16 v11, v4;
	v8 =	vunpack.i.u.s16.s32 v10;
	v10 =	vunpack.i.l.s16.s32 v10;
	v12 =	vld [tilespmem:s22+$0xFFFFFE40];
	[tilespmem:s19+$0x60] =	vst v6;
	s19 =	smov.u32 s20  }
0x5a: {  	v6 =	vpack.i.b32.b16 v10, v7;
	v7 =	vunpack.i.u.s16.s32 v3;
	v3 =	vunpack.i.l.s16.s32 v3;
	v11 =	vld [tilespmem:s22+$0x40];
	[tilespmem:s20+$0xFFFFFFF0] =	vst v4  }
.Ltmp4:
0x5b: {  	v5 =	vpack.i.b32.b16 v8, v5;
	[tilespmem:s20+$0xFFFFFF90] =	vst v6;
	v8 =	vunpack.i.u.s16.s32 v2;
	v2 =	vunpack.i.l.s16.s32 v2;
	v4 =	vld [tilespmem:s22+$0xFFFFFE50];
	(pc) =	sbr.rel @p0 .LBB1_5-.Ltmp4, $4  }
0x5c: {  	[tilespmem:s20+$0x10] =	vst v5;
	v2 =	vpack.i.b32.b16 v2, v3;
	v10 =	vunpack.i.u.s16.s32 v9;
	v3 =	vunpack.i.l.s16.s32 v9;
	v6 =	vld [tilespmem:s22+$0x50]  }
0x5d: {  	v5 =	vpack.i.b32.b16 v8, v7;
	[tilespmem:s20+$0xFFFFFFA0] =	vst v2;
	v9 =	vunpack.i.u.s16.s32 v13;
	v7 =	vunpack.i.l.s16.s32 v13;
	v2 =	vld [tilespmem:s22+$0xFFFFFE60]  }
0x5e: {  	[tilespmem:s20+$0x20] =	vst v5;
	v13 =	vpack.i.b32.b16 v7, v3;
	v7 =	vunpack.i.u.s16.s32 v12;
	v8 =	vunpack.i.l.s16.s32 v12;
	v3 =	vld [tilespmem:s22+$0x60]  }
0x5f: {  	v10 =	vpack.i.b32.b16 v9, v10;
	v5 =	vld [tilespmem:s22+$0xFFFFFE00];
	[tilespmem:s20+$0xFFFFFFB0] =	vst v13;
	v9 =	vunpack.i.u.s16.s32 v11;
	v11 =	vunpack.i.l.s16.s32 v11;
	s22 =	sadd.s32 $0x80, s22  }
0x60: {  	[tilespmem:s20+$0x30] =	vst v10;
	v8 =	vpack.i.b32.b16 v11, v8  }
0x61: {  	v51 =	vunpack.i.l.s16.s32 v4;
	v7 =	vpack.i.b32.b16 v9, v7;
	[tilespmem:s20+$0xFFFFFFC0] =	vst v8;
	v52 =	vunpack.i.l.s16.s32 v6  }
0x62: {  	v53 =	vunpack.i.u.s16.s32 v4;
	s18 =	sadd.s32 $0x1, s18;
	v54 =	vunpack.i.u.s16.s32 v6;
	[tilespmem:s20+$0x40] =	vst v7;
	v55 =	vpack.i.b32.b16 v52, v51  }
0x63: {  	p0 =	sne.s32 s18, s15;
	v56 =	vunpack.i.l.s16.s32 v2;
	v4 =	vpack.i.b32.b16 v54, v53;
	[tilespmem:s20+$0xFFFFFFD0] =	vst v55;
	v57 =	vunpack.i.l.s16.s32 v3  }
.Ltmp5:
0x64: {  	[tilespmem:s20+$0x50] =	vst v4;
	v58 =	vunpack.i.l.s16.s32 v5;
	v59 =	vpack.i.b32.b16 v57, v56;
	(pc) =	sbr.rel @p0 .LBB1_4-.Ltmp5, $4  }
.Ltmp6:
0x65: {  	v61 =	vunpack.i.u.s16.s32 v2;
	v62 =	vunpack.i.u.s16.s32 v3;
	v1 =	vpack.i.b32.b16 v1, v58;
	[tilespmem:s20+$0xFFFFFFE0] =	vst v59;
	(pc) =	sbr.rel @!p0 .LBB1_7-.Ltmp6, $4  }
0x66: {  	v60 =	vunpack.i.u.s16.s32 v5;
	v63 =	vpack.i.b32.b16 v62, v61;
	[tilespmem:s20+$0xFFFFFF80] =	vst v1  }
0x67: {  	v0 =	vpack.i.b32.b16 v0, v60;
	[tilespmem:s19+$0x60] =	vst v63  }
0x68: {  	s16 =	sadd.s32 $0x400, s16;
	s17 =	sadd.s32 $0x400, s17;
	[tilespmem:s19+$0x0] =	vst v0  }
0x69: {  	_ = 	snop  }
.LBB1_9:
0x6a: {  	_ =	sfence.sel $0x180000  }
0x6b: {  	s2 =	simm.s32 $0x1;
	[bflag:$0x0] =	sbarrier.arrive $0xFFFF  }
0x6c: {  	s31 =	simm.s32 $0x2;
	[sflag:s2] =	ssyncpa.u1 $0x1  }
0x6d: {  	[sflag:s31] =	ssyncpa.u1 $0x1  }
0x6e: {  	p0 =	sne.s32 s1, $0x0;
	_ =	strace $0x90000047  }
0x6f: {  	s0 =	sadd.s32 @!p0 $0x100000, s0;
	[bflag:$0x2] =	sbarrier.arrive $0xFFFF  }
0x70: {  	[sflag:s0] =	ssyncadd.tile.s32 @!p0 $0x1;
	_ =	shalt  }
.Lfunc_end1:
_tile_overlayer_lowered:
.L_overlay_start_2:
0x71: {  	(tag) =	ssettag $0x2  }
0x72: {  	s0 =	rddreg [dreg:$0x0];
	s2 =	stileid.u32  }
0x73: {  	s1 =	rddreg [dreg:$0x1];
	p0 =	sne.s32 s2, $0x0  }
0x74: {  	s3 =	rddreg [dreg:$0x2];
	[bflag:$0x3] =	sbarrier.arrive $0xFFFF;
	s2 =	simm.s32 @!p0 $0x1C01  }
0x75: {  	[timem:s3], [sflag:s2] =	dma.local @!p0 [hbm:s0], s1  }
0x76: {  	s0 =	simm.s32 @!p0 $0x1  }
0x77: {  	_ =	swait.ge @!p0 [sflag:s0], s1  }
0x78: {  	s1 =	ssub.s32 @!p0 $0x0, s1;
	[sflag:s0] =	ssyncset.done @!p0 $0x0  }
0x79: {  	[sflag:s0] =	ssyncadd.s32 @!p0 s1  }
0x7a: {  	[bflag:$0x3] =	sbarrier.arrive $0xFFFF  }
0x7b: {  	_ =	shalt  }

// kernel: sparse-core-data-format-call.cloned.1.call-start
scs
called_computation_lowered:
.L_overlay_start_0:
0x0: {  	s2 =	sld [smem:$0x3FD9]  }
0x1: {  	s3 =	sld [smem:$0x3FFE];
	_ =	sdelay $0x1  }
0x2: {  	s1 =	srdreg.scid  }
0x3: {  	s0 =	sand.u32 $0x1, s1  }
0x4: {  	s18 =	sshll.u32 s0, $0xA;
	s2 =	sadd.s32 s3, s2  }
0x5: {  	s2 =	sadd.s32 s2, s18  }
0x6: {  	[smem:$0x3FC6] =	sst s2  }
0x7: {  	_ = 	snop  }
0x8: {  	s2 =	sld [smem:$0x3FD0];
	(tm) =	ssettm $0x1  }
0x9: {  	s19 =	sld [smem:$0x3FFB];
	_ =	sdelay $0x3  }
0xa: {  	_ =	strace s19  }
0xb: {  	s3 =	sld [smem:$0x3FFC];
	_ =	sdelay $0x3  }
0xc: {  	_ =	strace s3  }
0xd: {  	s3 =	sld [smem:$0x3FFD];
	_ =	sdelay $0x3  }
0xe: {  	_ =	strace s3  }
0xf: {  	_ =	strace $0x8FFFFFFF  }
0x10: {  	s20 =	sld [smem:$0x3FDB];
	_ =	sdelay $0x1  }
0x11: {  	s4 =	simm.s32 $_scs_section_size  }
0x12: {  	s5 =	simm.s32 $_size__tile_overlayer_lowered;
	s6 =	simm.s32 $_tile_overlayer_lowered  }
0x13: {  	s23 =	simm.s32 $0x1BFF;
	s22 =	sshll.u32 s6, $0x1;
	s3 =	sadd.s32 s4, s20  }
0x14: {  	s7 =	simm.s32 $0x0;
	s21 =	sshll.u32 s5, $0x1;
	s5 =	sadd.s32 s22, s3  }
0x15: {  	[timem:s7], [sflag:s23] =	dma.local [hbm:s5], s21  }
0x16: {  	_ =	swait.ge [sflag:s23], s21  }
0x17: {  	s4 =	ssub.s32 $0x0, s21;
	[sflag:s23] =	ssyncset.done $0x0  }
0x18: {  	[sflag:s23] =	ssyncadd.s32 s4;
	_ =	sdelay $0x1  }
0x19: {  	s24 =	simm.s32 $0x1B8B  }
0x1a: {  	_ =	swait.ge [sflag:s24], $0x1  }
0x1b: {  	[sflag:s24] =	ssyncset.done $0x0  }
0x1c: {  	s26 =	simm.s32 $0x1B8E;
	s25 =	sld [smem:$0x3FFE];
	[sflag:s24] =	ssyncadd.s32 $0xFFFFFFFF  }
0x1d: {  	s27 =	simm.s32 $execute0_lowered;
	[smem:$0x3FD2] =	sst s26  }
0x1e: {  	s5 =	sshll.u32 s27, $0x1;
	_ =	strace $0x8000004C;
	[dreg:$0x1] =	wrdreg $0xFFFFFFFF  }
0x1f: {  	s28 =	simm.s32 $_size_execute0_lowered;
	s3 =	sadd.s32 s3, s5;
	[dreg:$0x0] =	wrdreg $0x0  }
0x20: {  	s5 =	sshll.u32 s28, $0x1;
	[dreg:$0x2] =	wrdreg s3  }
0x21: {  	[dreg:$0x3] =	wrdreg s5  }
0x22: {  	[dreg:$0x4] =	wrdreg $0xC0  }
0x23: {  	_ =	task [dreg:s7], $0x5FFFF  }
0x24: {  	[dreg:$0x1] =	wrdreg $0xFFFFFFFF  }
0x25: {  	[dreg:$0x0] =	wrdreg $0x60  }
0x26: {  	[dreg:$0x2] =	wrdreg s25  }
0x27: {  	[dreg:$0x3] =	wrdreg s2  }
0x28: {  	[dreg:$0x4] =	wrdreg $0x9  }
0x29: {  	_ =	task.clear_ibuf [dreg:s7], $0x5FFFF;
	_ =	strace $0x9000004C  }
0x2a: {  	s29 =	simm.s32 $0x9;
	_ =	strace $0x8000004E  }
0x2b: {  	_ =	swait.ge [sflag:s29], $0x1  }
0x2c: {  	[sflag:s29] =	ssyncadd.s32 $0xFFFFFFFF  }
0x2d: {  	_ =	strace $0x9000004E  }
0x2e: {  	_ =	sfence  }
0x2f: {  	s30 =	sld [smem:$0x0];
	_ =	sdelay $0x2  }
0x30: {  	s31 =	sshll.u32 s1, $0xD;
	s1 =	sshrl.u32 s1, $0x2  }
0x31: {  	s3 =	sand.u32 $0x4000, s31;
	s1 =	sadd.s32 s1, s30  }
0x32: {  	s0 =	sor.u32 s3, s0;
	s1 =	sshll.u32 s1, $0x11  }
0x33: {  	s0 =	sor.u32 s1, s0  }
0x34: {  	s0 =	sadd.s32 $0x8F2B, s0  }
0x35: {  	[sflag:s0] =	ssyncadd.remote.s32 $0x1  }
0x36: {  	_ =	sfence.sel $0xFFFF  }
0x37: {  	[dreg:$0x0] =	wrdreg $0xFFFFFFFF;
	(pc) =	sbr.abs _section_cstart, $3  }
0x38: {  	[dreg:$0x1] =	wrdreg $0xFFFFFFFF  }
0x39: {  	_ =	task.clear_ibuf [dreg:s7], $0x2FFFF;
	_ =	strace $0x9FFFFFFF  }
0x3a: {  	(tm) =	ssettm $0x7FFFFFFF  }
0x3b: {  	_ =	shalt  }
tec
execute0_lowered:
.L_overlay_start_1:
0x0: {  	(tag) =	ssettag $0x1  }
0x1: {  	s0 =	srdreg.scid  }
0x2: {  	s1 =	sshll.u32 s0, $0x4  }
0x3: {  	s0 =	stileid.u32;
	s1 =	sand.u32 $0x10, s1  }
0x4: {  	s1 =	sor.u32 s0, s1  }
0x5: {  	s6 =	rddreg [dreg:$0x0];
	s4 =	simm.s32 $0x1;
	s2 =	sshll.u32 s1, $0x7  }
0x6: {  	s7 =	simm.s32 $0x2;
	s12 =	simm.s32 $0x0;
	s1 =	ssub.s32 $0x4000, s2  }
0x7: {  	s8 =	simm.s32 $0x20000;
	s13 =	simm.s32 $0x0;
	s3 =	sand.u32 $0xF80, s1  }
0x8: {  	s9 =	simm.s32 $0x0;
	s5 =	sshrl.u32 s1, $0xC;
	p0 =	sne.s32 s3, $0x0  }
.Ltmp0:
0x9: {  	s1 =	rddreg [dreg:$0x2];
	s4 =	simm.s32 @!p0 $0x0;
	(pc) =	sbr.rel .LBB1_1-.Ltmp0, $4  }
0xa: {  	s11 =	simm.s32 $0x0;
	s3 =	rddreg [dreg:$0x1];
	s5 =	sadd.s32 s4, s5  }
0xb: {  	_ =	strace $0x8000004D;
	s4 =	simm.s32 $0x1;
	s5 =	smul.u32 $0x32, s5  }
0xc: {  	s6 =	sadd.s32 $0xE00, s6;
	s10 =	smov.u32 s2;
	[sflag:s4] =	ssyncpa.u1 $0x0  }
0xd: {  	p0 =	por $0x0, $0x0;
	[sflag:s7] =	ssyncpa.u1 $0x0;
	s7 =	sor.u32 $0x1, s5  }
.LBB1_4:
0xe: {  	s16 =	sshll.u32 s13, $0x3;
	s17 =	sand.u32 $0x78, s13  }
0xf: {  	s30 =	sand.u32 $0x1F800, s13;
	s12 =	sshll.u32 s12, $0x11;
	s16 =	sand.u32 $0x3C00, s16  }
0x10: {  	[tilespmem:s15+$0x810 ss:$0x81] =	vst.msk $0xffff, v2;
	s31 =	sand.u32 $0x7, s13;
	s16 =	sor.u32 s17, s16;
	s17 =	sadd.s32 s3, s30  }
0x11: {  	[tilespmem:s15+$0x1020 ss:$0x81] =	vst.msk $0xffff, v0;
	s13 =	sshll.u32 s31, $0x12;
	s12 =	sadd.s32 s12, s17;
	s16 =	sshrl.u32 s16, $0x3  }
0x12: {  	[tilespmem:s15+$0x0 ss:$0x81] =	vst.msk $0xffff, v1;
	s13 =	sor.u32 $0x400, s13;
	s12 =	sadd.s32 s16, s12  }
0x13: {  	[hbm4b:s12+s13] =	stream.strided.scatter [tilespmem:s14], [sflag:$0x2], $0x2000, s8, s13, $0x20;
	[tilespmem:$0x8080] =	vst v63  }
.LBB1_5:
0x14: {  	s14 =	sadd.s32 $0x1, s9  }
0x15: {  	s12 =	sadd.s32 $0x1000, s10;
	s16 =	smov.u32 s10;
	p2 =	sgt.s32 s14, $0x31  }
0x16: {  	s16 =	smov.u32 @p2 s12  }
0x17: {  	s14 =	simm.s32 @p2 $0x0;
	p2 =	sgt.s32 s16, $0x3FFF  }
0x18: {  	s16 =	smov.u32 @p2 s2;
	p2 =	sne.s32 s11, s7  }
.Ltmp1:
0x19: {  	p1 =	slt.u32 s11, $0x2;
	(pc) =	sbr.rel @!p2 .LBB1_6-.Ltmp1, $4  }
0x1a: {  	s15 =	simm.s32 @!p1 $0x2  }
0x1b: {  	s13 =	smov.u32 s10;
	p0 =	por !p0, !p0;
	_ =	swait.ge @!p1 [sflag:s15], $0x2000  }
0x1c: {  	s12 =	smov.u32 s9;
	[sflag:s15] =	ssyncset.done @!p1 $0x0;
	s9 =	smov.u32 s14  }
0x1d: {  	s11 =	sadd.s32 $0x1, s11;
	[sflag:s15] =	ssyncadd.s32 @!p1 $0xFFFFE000;
	s10 =	smov.u32 s16  }
.LBB1_1:
0x1e: {  	p1 =	sge.u32 s11, s5  }
0x1f: {  	s14 =	sand.u32 @!p1 $0x1FFFFFF, s9  }
0x20: {  	s15 =	smulhi.u32 @!p1 $0x4924925, s14;
	_ =	sdelay $0x1  }
0x21: {  	s15 =	smul.u32 @!p1 $0x38, s15  }
0x22: {  	s16 =	sxor.u32 @!p1 $0xFFFFFFFF, s11;
	s17 =	smul.u32 @!p1 $0x380, s10  }
0x23: {  	s31 =	sadd.s32 $0xFFFFFFFF, s11;
	s16 =	sshll.u32 @!p1 s16, $0xD;
	s14 =	ssub.s32 @!p1 s14, s15  }
0x24: {  	s15 =	sand.u32 @!p1 $0x2000, s16;
	s16 =	sadd.s32 @!p1 s6, s17;
	s14 =	sshll.u32 @!p1 s14, $0x4  }
0x25: {  	s17 =	simm.s32 @!p1 $0x1C00;
	s14 =	sadd.s32 @!p1 s14, s16;
	s16 =	simm.s32 @!p1 $0x40  }
0x26: {  	[tilespmem:s15], [sflag:$0x1] =	stream.strided.gather @!p1 [hbm4b:s14+s16], $0x2000, s17, s16, $0x38;
	[tilespmem:$0x8080] =	vst v63  }
0x27: {  	p1 =	sge.u32 s31, s5  }
.Ltmp2:
0x28: {  	_ = 	snop;
	(pc) =	sbr.rel @p1 .LBB1_5-.Ltmp2, $1  }
0x29: {  	_ =	sdelay $0x3  }
0x2a: {  	s14 =	simm.s32 $0x1  }
0x2b: {  	_ =	swait.ge [sflag:s4], $0x2000;
	s14 =	simm.s32 @!p0 $0x0  }
0x2c: {  	[sflag:s4] =	ssyncset.done $0x0;
	s15 =	sshll.u32 s14, $0xD  }
0x2d: {  	[sflag:s4] =	ssyncadd.s32 $0xFFFFE000;
	s18 =	sor.u32 $0x20, s15  }
0x2e: {  	s14 =	smul.u32 $0x8100, s14;
	v3 =	vld [tilespmem:s18+$0x10]  }
0x2f: {  	s30 =	sand.u32 $0x1, s11;
	v2 =	vld [tilespmem:s18+$0xFFFFFFF0]  }
0x30: {  	s15 =	smul.u32 $0x8100, s30;
	s14 =	sshrl.u32 s14, $0x2;
	v0 =	vld [tilespmem:s18+$0x0]  }
0x31: {  	v1 =	vld [tilespmem:s18+$0xFFFFFFE0];
	s16 =	sor.u32 $0x4000, s14  }
0x32: {  	s31 =	sshrl.u32 s15, $0x2;
	s15 =	sadd.s32 $0x0, s16  }
0x33: {  	s17 =	simm.s32 $0x4;
	s18 =	sadd.s32 $0x40, s18;
	s14 =	sor.u32 $0x4000, s31;
	[tilespmem:s15+$0x1830 ss:$0x81] =	vst.msk $0xffff, v3  }
.LBB1_3:
0x34: {  	v3 =	vld [tilespmem:s18+$0x10];
	p1 =	sne.s32 s17, $0x1FC;
	[tilespmem:s15+$0x810 ss:$0x81] =	vst.msk $0xffff, v2;
	s19 =	smov.u32 s17;
	s17 =	sadd.s32 $0x4, s17  }
.Ltmp3:
0x35: {  	v2 =	vld [tilespmem:s18+$0xFFFFFFF0];
	[tilespmem:s15+$0x1020 ss:$0x81] =	vst.msk $0xffff, v0;
	(pc) =	sbr.rel @p1 .LBB1_3-.Ltmp3, $4  }
0x36: {  	v0 =	vld [tilespmem:s18+$0x0];
	[tilespmem:s15+$0x0 ss:$0x81] =	vst.msk $0xffff, v1  }
0x37: {  	s15 =	sshra.s32 s19, $0x2;
	v1 =	vld [tilespmem:s18+$0xFFFFFFE0]  }
0x38: {  	s15 =	sadd.s32 s15, s16  }
0x39: {  	s18 =	sadd.s32 $0x40, s18;
	[tilespmem:s15+$0x1830 ss:$0x81] =	vst.msk $0xffff, v3  }
.Ltmp4:
0x3a: {  	_ = 	snop;
	(pc) =	sbr.rel .LBB1_4-.Ltmp4, $1  }
0x3b: {  	_ =	sdelay $0x3  }
.LBB1_6:
0x3c: {  	_ =	sfence.sel $0x180000  }
0x3d: {  	s2 =	simm.s32 $0x1;
	[bflag:$0x0] =	sbarrier.arrive $0xFFFF  }
0x3e: {  	s31 =	simm.s32 $0x2;
	[sflag:s2] =	ssyncpa.u1 $0x1  }
0x3f: {  	[sflag:s31] =	ssyncpa.u1 $0x1  }
0x40: {  	p0 =	sne.s32 s0, $0x0;
	_ =	strace $0x9000004D  }
0x41: {  	s0 =	sadd.s32 @!p0 $0x100000, s1;
	[bflag:$0x2] =	sbarrier.arrive $0xFFFF  }
0x42: {  	[sflag:s0] =	ssyncadd.tile.s32 @!p0 $0x1;
	_ =	shalt  }
.Lfunc_end1:
_tile_overlayer_lowered:
.L_overlay_start_2:
0x43: {  	(tag) =	ssettag $0x2  }
0x44: {  	s0 =	rddreg [dreg:$0x0];
	s2 =	stileid.u32  }
0x45: {  	s1 =	rddreg [dreg:$0x1];
	p0 =	sne.s32 s2, $0x0  }
0x46: {  	s3 =	rddreg [dreg:$0x2];
	[bflag:$0x3] =	sbarrier.arrive $0xFFFF;
	s2 =	simm.s32 @!p0 $0x1C01  }
0x47: {  	[timem:s3], [sflag:s2] =	dma.local @!p0 [hbm:s0], s1  }
0x48: {  	s0 =	simm.s32 @!p0 $0x1  }
0x49: {  	_ =	swait.ge @!p0 [sflag:s0], s1  }
0x4a: {  	s1 =	ssub.s32 @!p0 $0x0, s1;
	[sflag:s0] =	ssyncset.done @!p0 $0x0  }
0x4b: {  	[sflag:s0] =	ssyncadd.s32 @!p0 s1  }
0x4c: {  	[bflag:$0x3] =	sbarrier.arrive $0xFFFF  }
0x4d: {  	_ =	shalt  }

</sc_bundles>
